<compile_context>
chip_gen: v7x
topology: tpu7x:2x2x1
jax: 0.10.2.dev20260603
libtpu: 0.0.44.dev20260713+nightly
codegen_flags: <defaults>
</compile_context>

<pallas_src>
import functools

import jax
import jax.numpy as jnp
from jax import lax
from jax.experimental import pallas as pl
from jax.experimental.pallas import tpu as pltpu
from jax.experimental.pallas import tpu_sc as plsc

N = 10000
E = 320000
D_IN = 128
D1 = 80
D2 = 40
D2P = 48

NC = 2
NS = 16
NW = NC * NS
EPW = E // NW
CH = 40
NCHUNK = EPW // CH
NBUF = 10
PD = 5
NG = NCHUNK // NBUF
NPAD = 10240
RPT = NPAD // NS

_MESH = dict(core_axis_name="c", subcore_axis_name="s",
             num_cores=NC, num_subcores=NS)



_DCH = 80
_DNCH = EPW // _DCH
_DRING = 5


@functools.cache
def _get_sc_degrees():
    return functools.partial(
        pl.kernel,
        out_type=jax.ShapeDtypeStruct((NC, 2, NPAD), jnp.float32),
        mesh=plsc.VectorSubcoreMesh(**_MESH),
        scratch_types=(
            [pltpu.VMEM((_DCH,), jnp.float32)]
            + [pltpu.VMEM((_DCH,), jnp.int32)] * (2 * _DRING)
            + [pltpu.SemaphoreType.DMA] * (2 * _DRING + 2)
            + [pltpu.VMEM_SHARED((NPAD,), jnp.float32)] * 2
        ),
    )(_sc_degrees_body)


def _sc_degrees_body(src_hbm, dst_hbm, zdeg_hbm, out_hbm, *scratch):
    ones_v = scratch[0]
    sb = scratch[1:1 + _DRING]
    db = scratch[1 + _DRING:1 + 2 * _DRING]
    fs = scratch[1 + 2 * _DRING:1 + 3 * _DRING]
    fd = scratch[1 + 3 * _DRING:1 + 4 * _DRING]
    so, si = scratch[1 + 4 * _DRING], scratch[2 + 4 * _DRING]
    acc_out, acc_in = scratch[3 + 4 * _DRING], scratch[4 + 4 * _DRING]
    c = lax.axis_index("c")
    s = lax.axis_index("s")
    wid = c * jnp.int32(NS) + s
    one = jnp.ones((16,), jnp.float32)
    for j in range(_DCH // 16):
        ones_v[pl.ds(j * 16, 16)] = one
    zoff = s * jnp.int32(RPT)
    pltpu.sync_copy(zdeg_hbm.at[pl.ds(zoff, RPT)],
                    acc_out.at[pl.ds(zoff, RPT)])
    pltpu.sync_copy(zdeg_hbm.at[pl.ds(zoff, RPT)],
                    acc_in.at[pl.ds(zoff, RPT)])
    plsc.subcore_barrier()
    base = wid * jnp.int32(EPW)

    def fetch(chunk, b):
        off = base + chunk * jnp.int32(_DCH)
        pltpu.async_copy(src_hbm.at[pl.ds(off, _DCH)], sb[b], fs[b])
        pltpu.async_copy(dst_hbm.at[pl.ds(off, _DCH)], db[b], fd[b])

    for b in range(_DRING):
        fetch(jnp.int32(b), b)

    def group(g, carry):
        for b in range(_DRING):
            i = g * jnp.int32(_DRING) + jnp.int32(b)
            off = base + i * jnp.int32(_DCH)
            pltpu.make_async_copy(src_hbm.at[pl.ds(off, _DCH)], sb[b],
                                  fs[b]).wait()
            pltpu.make_async_copy(dst_hbm.at[pl.ds(off, _DCH)], db[b],
                                  fd[b]).wait()
            pltpu.sync_copy(ones_v, acc_out.at[sb[b]], add=True)
            pltpu.sync_copy(ones_v, acc_in.at[db[b]], add=True)
            j = i + jnp.int32(_DRING)

            @pl.when(j < jnp.int32(_DNCH))
            def _():
                fetch(j, b)
        return carry

    lax.fori_loop(jnp.int32(0), jnp.int32(_DNCH // _DRING), group,
                  jnp.int32(0))
    plsc.subcore_barrier()
    pltpu.sync_copy(acc_out.at[pl.ds(zoff, RPT)],
                    out_hbm.at[c, jnp.int32(0), pl.ds(zoff, RPT)])
    pltpu.sync_copy(acc_in.at[pl.ds(zoff, RPT)],
                    out_hbm.at[c, jnp.int32(1), pl.ds(zoff, RPT)])


@functools.cache
def _make_sc_aggregate(d):

    @functools.partial(
        pl.kernel,
        out_type=jax.ShapeDtypeStruct((NC, NPAD, d), jnp.float32),
        mesh=plsc.VectorSubcoreMesh(**_MESH),
        scratch_types=(
            [pltpu.VMEM((NCHUNK, CH), jnp.int32)]
            + [pltpu.VMEM((CH, d), jnp.float32)] * NBUF
            + [pltpu.VMEM((CH,), jnp.int32)] * NBUF
            + [pltpu.SemaphoreType.DMA] * (2 * NBUF)
            + [pltpu.VMEM_SHARED((NPAD, d), jnp.float32)]
        ),
        compiler_params=pltpu.CompilerParams(use_tc_tiling_on_sc=False),
    )
    def agg(v_hbm, src_hbm, dst_hbm, zeros_hbm, out_hbm, *scratch):
        sidx = scratch[0]
        rows = scratch[1:1 + NBUF]
        didxb = scratch[1 + NBUF:1 + 2 * NBUF]
        gsem = scratch[1 + 2 * NBUF:1 + 3 * NBUF]
        dsem = scratch[1 + 3 * NBUF:1 + 4 * NBUF]
        acc = scratch[1 + 4 * NBUF]
        c = lax.axis_index("c")
        s = lax.axis_index("s")
        wid = c * jnp.int32(NS) + s
        zoff = s * jnp.int32(RPT)
        pltpu.sync_copy(src_hbm.at[wid], sidx)
        pltpu.sync_copy(zeros_hbm.at[pl.ds(zoff, RPT)],
                        acc.at[pl.ds(zoff, RPT)])
        plsc.subcore_barrier()

        def wait_fetch(b, chunk):
            pltpu.make_async_copy(v_hbm.at[sidx.at[chunk]], rows[b],
                                  gsem[b]).wait()
            pltpu.make_async_copy(dst_hbm.at[wid, chunk], didxb[b],
                                  dsem[b]).wait()

        def fetch(chunk, b):
            pltpu.async_copy(v_hbm.at[sidx.at[chunk]], rows[b], gsem[b])
            pltpu.async_copy(dst_hbm.at[wid, chunk], didxb[b], dsem[b])

        for b in range(PD):
            fetch(jnp.int32(b), b)

        def group(g, carry):
            for b in range(NBUF):
                i = g * jnp.int32(NBUF) + jnp.int32(b)
                j = i + jnp.int32(PD)
                bj = (b + PD) % NBUF
                wait_fetch(b, i)
                if b < PD:
                    fetch(j, bj)
                else:
                    @pl.when(g < jnp.int32(NG - 1))
                    def _():
                        fetch(j, bj)
                pltpu.sync_copy(rows[b], acc.at[didxb[b]], add=True)
            return carry

        lax.fori_loop(jnp.int32(0), jnp.int32(NG), group, jnp.int32(0))
        plsc.subcore_barrier()
        pltpu.sync_copy(acc.at[pl.ds(zoff, RPT)],
                        out_hbm.at[c, pl.ds(zoff, RPT)])

    return agg



def _tc_mm1_body(x_ref, w1_ref, o_ref):
    o_ref[...] = jnp.dot(x_ref[...], w1_ref[...],
                         preferred_element_type=jnp.float32)


def _tc_scale_body(degp_ref, u1_ref, v1_ref, rsqi_ref, rsqo_ref):
    dp = degp_ref[...]
    deg_out = dp[0, 0, :N] + dp[1, 0, :N]
    deg_in = dp[0, 1, :N] + dp[1, 1, :N]
    rsq_out = lax.rsqrt(jnp.maximum(deg_out, 1.0))[:, None]
    rsq_in = lax.rsqrt(jnp.maximum(deg_in, 1.0))[:, None]
    v1_ref[...] = u1_ref[...] * rsq_out
    rsqi_ref[...] = rsq_in
    rsqo_ref[...] = rsq_out


def _tc_layer2_body(aggp_ref, rsqi_ref, rsqo_ref, b1_ref, w2p_ref, v2_ref):
    a = aggp_ref[0, :N, :] + aggp_ref[1, :N, :]
    h1 = jnp.maximum(a * rsqi_ref[...] + b1_ref[...][None, :], 0.0)
    v2_ref[...] = jnp.dot(h1 * rsqo_ref[...], w2p_ref[...],
                          preferred_element_type=jnp.float32)


def _tc_head_body(aggp_ref, rsqi_ref, b2_ref, wa_ref, wm1_ref, bm1_ref,
                  wm2_ref, bm2_ref, wm3_ref, bm3_ref, o_ref):
    a = aggp_ref[0, :N, :D2] + aggp_ref[1, :N, :D2]
    h2 = jnp.maximum(a * rsqi_ref[...] + b2_ref[...][None, :], 0.0)
    m = jnp.mean(h2, axis=0, keepdims=True)
    tg = jnp.tanh(jnp.dot(m, wa_ref[...],
                          preferred_element_type=jnp.float32))
    scores = jax.nn.sigmoid(jnp.sum(h2 * tg, axis=1, keepdims=True))
    rep = jnp.sum(h2 * scores, axis=0, keepdims=True)
    z = jnp.maximum(jnp.dot(rep, wm1_ref[...],
                            preferred_element_type=jnp.float32)
                    + bm1_ref[...][None, :], 0.0)
    z = jnp.maximum(jnp.dot(z, wm2_ref[...],
                            preferred_element_type=jnp.float32)
                    + bm2_ref[...][None, :], 0.0)
    o_ref[...] = (jnp.dot(z, wm3_ref[...],
                          preferred_element_type=jnp.float32)
                  + bm3_ref[...][None, :])


def _tc_call(body, out_shape, *args):
    return pl.pallas_call(body, out_shape=out_shape)(*args)



def kernel(x, edge_index, W1, b1, W2, b2, Wa, Wm1, bm1, Wm2, bm2, Wm3, bm3):
    srcf = edge_index[0].astype(jnp.int32)
    dstf = edge_index[1].astype(jnp.int32)
    src = srcf.reshape(NW, NCHUNK, CH)
    dst = dstf.reshape(NW, NCHUNK, CH)
    zdeg = jnp.zeros((NPAD,), jnp.float32)
    z1 = jnp.zeros((NPAD, D1), jnp.float32)
    z2 = jnp.zeros((NPAD, D2P), jnp.float32)
    W2p = jnp.pad(W2, ((0, 0), (0, D2P - D2)))

    degp = _get_sc_degrees()(srcf, dstf, zdeg)
    u1 = _tc_call(_tc_mm1_body,
                  jax.ShapeDtypeStruct((N, D1), jnp.float32), x, W1)
    v1, rsq_in, rsq_out = _tc_call(
        _tc_scale_body,
        (jax.ShapeDtypeStruct((N, D1), jnp.float32),
         jax.ShapeDtypeStruct((N, 1), jnp.float32),
         jax.ShapeDtypeStruct((N, 1), jnp.float32)),
        degp, u1)
    agg1p = _make_sc_aggregate(D1)(v1, src, dst, z1)
    v2 = _tc_call(_tc_layer2_body,
                  jax.ShapeDtypeStruct((N, D2P), jnp.float32),
                  agg1p, rsq_in, rsq_out, b1, W2p)
    agg2p = _make_sc_aggregate(D2P)(v2, src, dst, z2)
    out = _tc_call(_tc_head_body,
                   jax.ShapeDtypeStruct((1, 1), jnp.float32),
                   agg2p, rsq_in, b2, Wa, Wm1, bm1, Wm2, bm2, Wm3, bm3)
    return out

# --- scband reference (transcript-rebuilt; emitter-appended) ---
"""Pipeline reference for scband-gcn-72653666779673 (READ-ONLY COPY).

The authoritative reference and input builder live on the scoring server;
editing this copy changes nothing except your own understanding.
"""

import jax, jax.numpy as jnp
import numpy as np
jax.config.update("jax_enable_x64", True)

N = 10000
E = 320000
D_IN = 128

def _glorot(key, shape):
    limit = float(np.sqrt(6.0 / (shape[0] + shape[1])))
    return jax.random.uniform(key, shape, dtype=jnp.float32, minval=-limit, maxval=limit)

def setup_inputs(seed: int = 0):
    key = jax.random.key(seed)
    ks = jax.random.split(key, 16)
    x = jax.random.normal(ks[0], (N, D_IN), dtype=jnp.float32)
    edge_index = jax.random.randint(ks[1], (2, E), 0, N, dtype=jnp.int64)
    return {
        "x": x,
        "edge_index": edge_index,
        "W1": _glorot(ks[2], (D_IN, 80)),
        "b1": jnp.zeros((80,), jnp.float32),
        "W2": _glorot(ks[3], (80, 40)),
        "b2": jnp.zeros((40,), jnp.float32),
        "Wa": _glorot(ks[4], (40, 40)),
        "Wm1": _glorot(ks[5], (40, 30)),
        "bm1": jnp.zeros((30,), jnp.float32),
        "Wm2": _glorot(ks[6], (30, 10)),
        "bm2": jnp.zeros((10,), jnp.float32),
        "Wm3": _glorot(ks[7], (10, 1)),
        "bm3": jnp.zeros((1,), jnp.float32),
    }

def _graph_conv(x, src, dst, W, b):
    # DGL GraphConv with norm='both': h = D_in^{-1/2} A D_out^{-1/2} X W + b, degrees clamped to >= 1
    n = x.shape[0]
    ones = jnp.ones((src.shape[0],), jnp.float32)
    deg_out = jnp.clip(jax.ops.segment_sum(ones, src, num_segments=n), 1.0, None)
    deg_in = jnp.clip(jax.ops.segment_sum(ones, dst, num_segments=n), 1.0, None)
    h = x * (deg_out ** -0.5)[:, None]
    h = h @ W
    agg = jax.ops.segment_sum(h[src], dst, num_segments=n)
    return agg * (deg_in ** -0.5)[:, None] + b

def _attention(h, Wa):
    global_context = jnp.mean(h @ Wa, axis=0)
    transformed_global = jnp.tanh(global_context)
    sigmoid_scores = jax.nn.sigmoid(h @ transformed_global[:, None])
    representation = h.T @ sigmoid_scores
    return representation

def reference(x, edge_index, W1, b1, W2, b2, Wa, Wm1, bm1, Wm2, bm2, Wm3, bm3):
    src = edge_index[0]
    dst = edge_index[1]
    h = jax.nn.relu(_graph_conv(x, src, dst, W1, b1))
    h = jax.nn.relu(_graph_conv(h, src, dst, W2, b2))
    h = _attention(h, Wa)
    h = h.reshape(1, 40)
    h = jax.nn.relu(h @ Wm1 + bm1)
    h = jax.nn.relu(h @ Wm2 + bm2)
    h = h @ Wm3 + bm3
    return h

if __name__ == "__main__":
    import jax
    _d = setup_inputs()
    print(jax.jit(kernel)(*tuple(_d.values())))

</pallas_src>

<mosaic_0001>
#map = affine_map<(d0, d1) -> (0, 0)>
#map1 = affine_map<(d0, d1) -> (0, 0, 0)>
module attributes {stable_mosaic.version = 14 : i64} {
  func.func @agg(%arg0: i32, %arg1: i32, %arg2: memref<10000x48xf32, #tpu.memory_space<hbm>>, %arg3: memref<32x250x40xi32, #tpu.memory_space<hbm>>, %arg4: memref<32x250x40xi32, #tpu.memory_space<hbm>>, %arg5: memref<10240x48xf32, #tpu.memory_space<hbm>>, %arg6: memref<2x10240x48xf32, #tpu.memory_space<hbm>>, %arg7: memref<250x40xi32, #tpu.memory_space<vmem>>, %arg8: memref<40x48xf32, #tpu.memory_space<vmem>>, %arg9: memref<40x48xf32, #tpu.memory_space<vmem>>, %arg10: memref<40x48xf32, #tpu.memory_space<vmem>>, %arg11: memref<40x48xf32, #tpu.memory_space<vmem>>, %arg12: memref<40x48xf32, #tpu.memory_space<vmem>>, %arg13: memref<40x48xf32, #tpu.memory_space<vmem>>, %arg14: memref<40x48xf32, #tpu.memory_space<vmem>>, %arg15: memref<40x48xf32, #tpu.memory_space<vmem>>, %arg16: memref<40x48xf32, #tpu.memory_space<vmem>>, %arg17: memref<40x48xf32, #tpu.memory_space<vmem>>, %arg18: memref<40xi32, #tpu.memory_space<vmem>>, %arg19: memref<40xi32, #tpu.memory_space<vmem>>, %arg20: memref<40xi32, #tpu.memory_space<vmem>>, %arg21: memref<40xi32, #tpu.memory_space<vmem>>, %arg22: memref<40xi32, #tpu.memory_space<vmem>>, %arg23: memref<40xi32, #tpu.memory_space<vmem>>, %arg24: memref<40xi32, #tpu.memory_space<vmem>>, %arg25: memref<40xi32, #tpu.memory_space<vmem>>, %arg26: memref<40xi32, #tpu.memory_space<vmem>>, %arg27: memref<40xi32, #tpu.memory_space<vmem>>, %arg28: memref<!tpu.dma_semaphore, #tpu.memory_space<semaphore_mem>>, %arg29: memref<!tpu.dma_semaphore, #tpu.memory_space<semaphore_mem>>, %arg30: memref<!tpu.dma_semaphore, #tpu.memory_space<semaphore_mem>>, %arg31: memref<!tpu.dma_semaphore, #tpu.memory_space<semaphore_mem>>, %arg32: memref<!tpu.dma_semaphore, #tpu.memory_space<semaphore_mem>>, %arg33: memref<!tpu.dma_semaphore, #tpu.memory_space<semaphore_mem>>, %arg34: memref<!tpu.dma_semaphore, #tpu.memory_space<semaphore_mem>>, %arg35: memref<!tpu.dma_semaphore, #tpu.memory_space<semaphore_mem>>, %arg36: memref<!tpu.dma_semaphore, #tpu.memory_space<semaphore_mem>>, %arg37: memref<!tpu.dma_semaphore, #tpu.memory_space<semaphore_mem>>, %arg38: memref<!tpu.dma_semaphore, #tpu.memory_space<semaphore_mem>>, %arg39: memref<!tpu.dma_semaphore, #tpu.memory_space<semaphore_mem>>, %arg40: memref<!tpu.dma_semaphore, #tpu.memory_space<semaphore_mem>>, %arg41: memref<!tpu.dma_semaphore, #tpu.memory_space<semaphore_mem>>, %arg42: memref<!tpu.dma_semaphore, #tpu.memory_space<semaphore_mem>>, %arg43: memref<!tpu.dma_semaphore, #tpu.memory_space<semaphore_mem>>, %arg44: memref<!tpu.dma_semaphore, #tpu.memory_space<semaphore_mem>>, %arg45: memref<!tpu.dma_semaphore, #tpu.memory_space<semaphore_mem>>, %arg46: memref<!tpu.dma_semaphore, #tpu.memory_space<semaphore_mem>>, %arg47: memref<!tpu.dma_semaphore, #tpu.memory_space<semaphore_mem>>, %arg48: memref<10240x48xf32, #tpu.memory_space<vmem_shared>>) attributes {dimension_semantics = [#tpu.dimension_semantics<core_parallel>, #tpu.dimension_semantics<subcore_parallel>], iteration_bounds = array<i64: 2, 16>, scalar_prefetch = 0 : i64, scratch_operands = 42 : i64, tpu.core_type = #tpu.core_type<sc_vector_subcore>, window_params = [{transform_indices = #map}, {transform_indices = #map1}, {transform_indices = #map1}, {transform_indices = #map}, {transform_indices = #map1}]} {
    %mul3A = arith.constant 16 : i32
    %mul3A_0 = arith.muli %arg0, %mul3A : i32
    %add3A = arith.addi %mul3A_0, %arg1 : i32
    %mul3A_1 = arith.constant 640 : i32
    %mul3A_2 = arith.muli %arg1, %mul3A_1 : i32
    "tpu.region"() ({
      %run_scoped3A = tpu.sem_alloc : memref<!tpu.dma_semaphore, #tpu.memory_space<semaphore_mem>>
      %dma_start3A_83 = arith.constant 0 : i32
      %dma_start3A_84 = arith.constant 0 : i32
      %dma_start3A_85 = tpu.memref_slice %arg3[%add3A, %dma_start3A_83, %dma_start3A_84] : memref<32x250x40xi32, #tpu.memory_space<hbm>> -> memref<1x250x40xi32, #tpu.memory_space<hbm>>
      %dma_start3A_86 = tpu.memref_squeeze %dma_start3A_85 : memref<1x250x40xi32, #tpu.memory_space<hbm>> -> memref<250x40xi32, #tpu.memory_space<hbm>>
      %dma_start3A_87 = arith.constant 0 : i32
      %dma_start3A_88 = arith.constant 0 : i32
      %dma_start3A_89 = tpu.memref_slice %arg3[%add3A, %dma_start3A_87, %dma_start3A_88] : memref<32x250x40xi32, #tpu.memory_space<hbm>> -> memref<1x250x40xi32, #tpu.memory_space<hbm>>
      %dma_start3A_90 = tpu.memref_squeeze %dma_start3A_89 : memref<1x250x40xi32, #tpu.memory_space<hbm>> -> memref<250x40xi32, #tpu.memory_space<hbm>>
      tpu.enqueue_dma source(%dma_start3A_90 : memref<250x40xi32, #tpu.memory_space<hbm>>) target(%arg7 : memref<250x40xi32, #tpu.memory_space<vmem>>) target_semaphore(%run_scoped3A : memref<!tpu.dma_semaphore, #tpu.memory_space<semaphore_mem>>)
      %dma_wait3A = arith.constant 0 : i32
      %dma_wait3A_91 = arith.constant 0 : i32
      %dma_wait3A_92 = tpu.memref_slice %arg3[%add3A, %dma_wait3A, %dma_wait3A_91] : memref<32x250x40xi32, #tpu.memory_space<hbm>> -> memref<1x250x40xi32, #tpu.memory_space<hbm>>
      %dma_wait3A_93 = tpu.memref_squeeze %dma_wait3A_92 : memref<1x250x40xi32, #tpu.memory_space<hbm>> -> memref<250x40xi32, #tpu.memory_space<hbm>>
      %dma_wait3A_94 = arith.constant 0 : i32
      %dma_wait3A_95 = arith.constant 0 : i32
      %dma_wait3A_96 = tpu.memref_slice %arg3[%add3A, %dma_wait3A_94, %dma_wait3A_95] : memref<32x250x40xi32, #tpu.memory_space<hbm>> -> memref<1x250x40xi32, #tpu.memory_space<hbm>>
      %dma_wait3A_97 = tpu.memref_squeeze %dma_wait3A_96 : memref<1x250x40xi32, #tpu.memory_space<hbm>> -> memref<250x40xi32, #tpu.memory_space<hbm>>
      tpu.wait_dma2 semaphore(%run_scoped3A : memref<!tpu.dma_semaphore, #tpu.memory_space<semaphore_mem>>) src(%dma_wait3A_97 : memref<250x40xi32, #tpu.memory_space<hbm>>) dst(%arg7 : memref<250x40xi32, #tpu.memory_space<vmem>>)
      tpu.yield
    }) : () -> ()
    "tpu.region"() ({
      %run_scoped3A = tpu.sem_alloc : memref<!tpu.dma_semaphore, #tpu.memory_space<semaphore_mem>>
      %dma_start3A_83 = arith.constant 0 : i32
      %dma_start3A_84 = tpu.memref_slice %arg48[%mul3A_2, %dma_start3A_83] : memref<10240x48xf32, #tpu.memory_space<vmem_shared>> -> memref<640x48xf32, #tpu.memory_space<vmem_shared>>
      %dma_start3A_85 = arith.constant 0 : i32
      %dma_start3A_86 = tpu.memref_slice %arg5[%mul3A_2, %dma_start3A_85] : memref<10240x48xf32, #tpu.memory_space<hbm>> -> memref<640x48xf32, #tpu.memory_space<hbm>>
      tpu.enqueue_dma source(%dma_start3A_86 : memref<640x48xf32, #tpu.memory_space<hbm>>) target(%dma_start3A_84 : memref<640x48xf32, #tpu.memory_space<vmem_shared>>) target_semaphore(%run_scoped3A : memref<!tpu.dma_semaphore, #tpu.memory_space<semaphore_mem>>)
      %dma_wait3A = arith.constant 0 : i32
      %dma_wait3A_87 = tpu.memref_slice %arg48[%mul3A_2, %dma_wait3A] : memref<10240x48xf32, #tpu.memory_space<vmem_shared>> -> memref<640x48xf32, #tpu.memory_space<vmem_shared>>
      %dma_wait3A_88 = arith.constant 0 : i32
      %dma_wait3A_89 = tpu.memref_slice %arg5[%mul3A_2, %dma_wait3A_88] : memref<10240x48xf32, #tpu.memory_space<hbm>> -> memref<640x48xf32, #tpu.memory_space<hbm>>
      tpu.wait_dma2 semaphore(%run_scoped3A : memref<!tpu.dma_semaphore, #tpu.memory_space<semaphore_mem>>) src(%dma_wait3A_89 : memref<640x48xf32, #tpu.memory_space<hbm>>) dst(%dma_wait3A_87 : memref<640x48xf32, #tpu.memory_space<vmem_shared>>)
      tpu.yield
    }) : () -> ()
    %barrier3A = arith.constant 0 : index
    tpu.barrier barrier_id(%barrier3A)
    %dma_start3A = arith.constant 0 : i32
    %dma_start3A_3 = arith.constant 0 : i32
    %dma_start3A_4 = tpu.memref_slice %arg7[%dma_start3A, %dma_start3A_3] : memref<250x40xi32, #tpu.memory_space<vmem>> -> memref<1x40xi32, #tpu.memory_space<vmem>>
    %dma_start3A_5 = tpu.memref_squeeze %dma_start3A_4 : memref<1x40xi32, #tpu.memory_space<vmem>> -> memref<40xi32, #tpu.memory_space<vmem>>
    %dma_start3A_6 = arith.constant 0 : i32
    %dma_start3A_7 = arith.constant 0 : i32
    %dma_start3A_8 = tpu.memref_slice %arg2[%dma_start3A_6, %dma_start3A_7] : memref<10000x48xf32, #tpu.memory_space<hbm>> -> memref<10000x48xf32, #tpu.memory_space<hbm>>
    tpu.enqueue_indirect_dma source(%dma_start3A_8 : memref<10000x48xf32, #tpu.memory_space<hbm>>) target(%arg8 : memref<40x48xf32, #tpu.memory_space<vmem>>) offsets(%dma_start3A_5 : memref<40xi32, #tpu.memory_space<vmem>>) semaphore(%arg28 : memref<!tpu.dma_semaphore, #tpu.memory_space<semaphore_mem>>)
    %dma_start3A_9 = arith.constant 0 : i32
    %dma_start3A_10 = arith.constant 0 : i32
    %dma_start3A_11 = tpu.memref_slice %arg4[%add3A, %dma_start3A_9, %dma_start3A_10] : memref<32x250x40xi32, #tpu.memory_space<hbm>> -> memref<1x1x40xi32, #tpu.memory_space<hbm>>
    %dma_start3A_12 = tpu.memref_squeeze %dma_start3A_11 : memref<1x1x40xi32, #tpu.memory_space<hbm>> -> memref<40xi32, #tpu.memory_space<hbm>>
    %dma_start3A_13 = arith.constant 0 : i32
    %dma_start3A_14 = tpu.memref_slice %arg4[%add3A, %dma_start3A_9, %dma_start3A_13] : memref<32x250x40xi32, #tpu.memory_space<hbm>> -> memref<1x1x40xi32, #tpu.memory_space<hbm>>
    %dma_start3A_15 = tpu.memref_squeeze %dma_start3A_14 : memref<1x1x40xi32, #tpu.memory_space<hbm>> -> memref<40xi32, #tpu.memory_space<hbm>>
    tpu.enqueue_dma source(%dma_start3A_15 : memref<40xi32, #tpu.memory_space<hbm>>) target(%arg18 : memref<40xi32, #tpu.memory_space<vmem>>) target_semaphore(%arg38 : memref<!tpu.dma_semaphore, #tpu.memory_space<semaphore_mem>>)
    %dma_start3A_16 = arith.constant 1 : i32
    %dma_start3A_17 = arith.constant 0 : i32
    %dma_start3A_18 = tpu.memref_slice %arg7[%dma_start3A_16, %dma_start3A_17] : memref<250x40xi32, #tpu.memory_space<vmem>> -> memref<1x40xi32, #tpu.memory_space<vmem>>
    %dma_start3A_19 = tpu.memref_squeeze %dma_start3A_18 : memref<1x40xi32, #tpu.memory_space<vmem>> -> memref<40xi32, #tpu.memory_space<vmem>>
    %dma_start3A_20 = arith.constant 0 : i32
    %dma_start3A_21 = arith.constant 0 : i32
    %dma_start3A_22 = tpu.memref_slice %arg2[%dma_start3A_20, %dma_start3A_21] : memref<10000x48xf32, #tpu.memory_space<hbm>> -> memref<10000x48xf32, #tpu.memory_space<hbm>>
    tpu.enqueue_indirect_dma source(%dma_start3A_22 : memref<10000x48xf32, #tpu.memory_space<hbm>>) target(%arg9 : memref<40x48xf32, #tpu.memory_space<vmem>>) offsets(%dma_start3A_19 : memref<40xi32, #tpu.memory_space<vmem>>) semaphore(%arg29 : memref<!tpu.dma_semaphore, #tpu.memory_space<semaphore_mem>>)
    %dma_start3A_23 = arith.constant 1 : i32
    %dma_start3A_24 = arith.constant 0 : i32
    %dma_start3A_25 = tpu.memref_slice %arg4[%add3A, %dma_start3A_23, %dma_start3A_24] : memref<32x250x40xi32, #tpu.memory_space<hbm>> -> memref<1x1x40xi32, #tpu.memory_space<hbm>>
    %dma_start3A_26 = tpu.memref_squeeze %dma_start3A_25 : memref<1x1x40xi32, #tpu.memory_space<hbm>> -> memref<40xi32, #tpu.memory_space<hbm>>
    %dma_start3A_27 = arith.constant 0 : i32
    %dma_start3A_28 = tpu.memref_slice %arg4[%add3A, %dma_start3A_23, %dma_start3A_27] : memref<32x250x40xi32, #tpu.memory_space<hbm>> -> memref<1x1x40xi32, #tpu.memory_space<hbm>>
    %dma_start3A_29 = tpu.memref_squeeze %dma_start3A_28 : memref<1x1x40xi32, #tpu.memory_space<hbm>> -> memref<40xi32, #tpu.memory_space<hbm>>
    tpu.enqueue_dma source(%dma_start3A_29 : memref<40xi32, #tpu.memory_space<hbm>>) target(%arg19 : memref<40xi32, #tpu.memory_space<vmem>>) target_semaphore(%arg39 : memref<!tpu.dma_semaphore, #tpu.memory_space<semaphore_mem>>)
    %dma_start3A_30 = arith.constant 2 : i32
    %dma_start3A_31 = arith.constant 0 : i32
    %dma_start3A_32 = tpu.memref_slice %arg7[%dma_start3A_30, %dma_start3A_31] : memref<250x40xi32, #tpu.memory_space<vmem>> -> memref<1x40xi32, #tpu.memory_space<vmem>>
    %dma_start3A_33 = tpu.memref_squeeze %dma_start3A_32 : memref<1x40xi32, #tpu.memory_space<vmem>> -> memref<40xi32, #tpu.memory_space<vmem>>
    %dma_start3A_34 = arith.constant 0 : i32
    %dma_start3A_35 = arith.constant 0 : i32
    %dma_start3A_36 = tpu.memref_slice %arg2[%dma_start3A_34, %dma_start3A_35] : memref<10000x48xf32, #tpu.memory_space<hbm>> -> memref<10000x48xf32, #tpu.memory_space<hbm>>
    tpu.enqueue_indirect_dma source(%dma_start3A_36 : memref<10000x48xf32, #tpu.memory_space<hbm>>) target(%arg10 : memref<40x48xf32, #tpu.memory_space<vmem>>) offsets(%dma_start3A_33 : memref<40xi32, #tpu.memory_space<vmem>>) semaphore(%arg30 : memref<!tpu.dma_semaphore, #tpu.memory_space<semaphore_mem>>)
    %dma_start3A_37 = arith.constant 2 : i32
    %dma_start3A_38 = arith.constant 0 : i32
    %dma_start3A_39 = tpu.memref_slice %arg4[%add3A, %dma_start3A_37, %dma_start3A_38] : memref<32x250x40xi32, #tpu.memory_space<hbm>> -> memref<1x1x40xi32, #tpu.memory_space<hbm>>
    %dma_start3A_40 = tpu.memref_squeeze %dma_start3A_39 : memref<1x1x40xi32, #tpu.memory_space<hbm>> -> memref<40xi32, #tpu.memory_space<hbm>>
    %dma_start3A_41 = arith.constant 0 : i32
    %dma_start3A_42 = tpu.memref_slice %arg4[%add3A, %dma_start3A_37, %dma_start3A_41] : memref<32x250x40xi32, #tpu.memory_space<hbm>> -> memref<1x1x40xi32, #tpu.memory_space<hbm>>
    %dma_start3A_43 = tpu.memref_squeeze %dma_start3A_42 : memref<1x1x40xi32, #tpu.memory_space<hbm>> -> memref<40xi32, #tpu.memory_space<hbm>>
    tpu.enqueue_dma source(%dma_start3A_43 : memref<40xi32, #tpu.memory_space<hbm>>) target(%arg20 : memref<40xi32, #tpu.memory_space<vmem>>) target_semaphore(%arg40 : memref<!tpu.dma_semaphore, #tpu.memory_space<semaphore_mem>>)
    %dma_start3A_44 = arith.constant 3 : i32
    %dma_start3A_45 = arith.constant 0 : i32
    %dma_start3A_46 = tpu.memref_slice %arg7[%dma_start3A_44, %dma_start3A_45] : memref<250x40xi32, #tpu.memory_space<vmem>> -> memref<1x40xi32, #tpu.memory_space<vmem>>
    %dma_start3A_47 = tpu.memref_squeeze %dma_start3A_46 : memref<1x40xi32, #tpu.memory_space<vmem>> -> memref<40xi32, #tpu.memory_space<vmem>>
    %dma_start3A_48 = arith.constant 0 : i32
    %dma_start3A_49 = arith.constant 0 : i32
    %dma_start3A_50 = tpu.memref_slice %arg2[%dma_start3A_48, %dma_start3A_49] : memref<10000x48xf32, #tpu.memory_space<hbm>> -> memref<10000x48xf32, #tpu.memory_space<hbm>>
    tpu.enqueue_indirect_dma source(%dma_start3A_50 : memref<10000x48xf32, #tpu.memory_space<hbm>>) target(%arg11 : memref<40x48xf32, #tpu.memory_space<vmem>>) offsets(%dma_start3A_47 : memref<40xi32, #tpu.memory_space<vmem>>) semaphore(%arg31 : memref<!tpu.dma_semaphore, #tpu.memory_space<semaphore_mem>>)
    %dma_start3A_51 = arith.constant 3 : i32
    %dma_start3A_52 = arith.constant 0 : i32
    %dma_start3A_53 = tpu.memref_slice %arg4[%add3A, %dma_start3A_51, %dma_start3A_52] : memref<32x250x40xi32, #tpu.memory_space<hbm>> -> memref<1x1x40xi32, #tpu.memory_space<hbm>>
    %dma_start3A_54 = tpu.memref_squeeze %dma_start3A_53 : memref<1x1x40xi32, #tpu.memory_space<hbm>> -> memref<40xi32, #tpu.memory_space<hbm>>
    %dma_start3A_55 = arith.constant 0 : i32
    %dma_start3A_56 = tpu.memref_slice %arg4[%add3A, %dma_start3A_51, %dma_start3A_55] : memref<32x250x40xi32, #tpu.memory_space<hbm>> -> memref<1x1x40xi32, #tpu.memory_space<hbm>>
    %dma_start3A_57 = tpu.memref_squeeze %dma_start3A_56 : memref<1x1x40xi32, #tpu.memory_space<hbm>> -> memref<40xi32, #tpu.memory_space<hbm>>
    tpu.enqueue_dma source(%dma_start3A_57 : memref<40xi32, #tpu.memory_space<hbm>>) target(%arg21 : memref<40xi32, #tpu.memory_space<vmem>>) target_semaphore(%arg41 : memref<!tpu.dma_semaphore, #tpu.memory_space<semaphore_mem>>)
    %dma_start3A_58 = arith.constant 4 : i32
    %dma_start3A_59 = arith.constant 0 : i32
    %dma_start3A_60 = tpu.memref_slice %arg7[%dma_start3A_58, %dma_start3A_59] : memref<250x40xi32, #tpu.memory_space<vmem>> -> memref<1x40xi32, #tpu.memory_space<vmem>>
    %dma_start3A_61 = tpu.memref_squeeze %dma_start3A_60 : memref<1x40xi32, #tpu.memory_space<vmem>> -> memref<40xi32, #tpu.memory_space<vmem>>
    %dma_start3A_62 = arith.constant 0 : i32
    %dma_start3A_63 = arith.constant 0 : i32
    %dma_start3A_64 = tpu.memref_slice %arg2[%dma_start3A_62, %dma_start3A_63] : memref<10000x48xf32, #tpu.memory_space<hbm>> -> memref<10000x48xf32, #tpu.memory_space<hbm>>
    tpu.enqueue_indirect_dma source(%dma_start3A_64 : memref<10000x48xf32, #tpu.memory_space<hbm>>) target(%arg12 : memref<40x48xf32, #tpu.memory_space<vmem>>) offsets(%dma_start3A_61 : memref<40xi32, #tpu.memory_space<vmem>>) semaphore(%arg32 : memref<!tpu.dma_semaphore, #tpu.memory_space<semaphore_mem>>)
    %dma_start3A_65 = arith.constant 4 : i32
    %dma_start3A_66 = arith.constant 0 : i32
    %dma_start3A_67 = tpu.memref_slice %arg4[%add3A, %dma_start3A_65, %dma_start3A_66] : memref<32x250x40xi32, #tpu.memory_space<hbm>> -> memref<1x1x40xi32, #tpu.memory_space<hbm>>
    %dma_start3A_68 = tpu.memref_squeeze %dma_start3A_67 : memref<1x1x40xi32, #tpu.memory_space<hbm>> -> memref<40xi32, #tpu.memory_space<hbm>>
    %dma_start3A_69 = arith.constant 0 : i32
    %dma_start3A_70 = tpu.memref_slice %arg4[%add3A, %dma_start3A_65, %dma_start3A_69] : memref<32x250x40xi32, #tpu.memory_space<hbm>> -> memref<1x1x40xi32, #tpu.memory_space<hbm>>
    %dma_start3A_71 = tpu.memref_squeeze %dma_start3A_70 : memref<1x1x40xi32, #tpu.memory_space<hbm>> -> memref<40xi32, #tpu.memory_space<hbm>>
    tpu.enqueue_dma source(%dma_start3A_71 : memref<40xi32, #tpu.memory_space<hbm>>) target(%arg22 : memref<40xi32, #tpu.memory_space<vmem>>) target_semaphore(%arg42 : memref<!tpu.dma_semaphore, #tpu.memory_space<semaphore_mem>>)
    %while3A = arith.constant 0 : i32
    %while3A_72 = arith.constant 0 : i32
    %while3A_73 = arith.constant 25 : i32
    %while3A_74 = arith.subi %while3A_73, %while3A_72 : i32
    %while3A_75 = arith.addi %while3A_72, %while3A_74 : i32
    %while3A_76 = arith.constant 1 : i32
    %while3A_77 = arith.divsi %while3A_74, %while3A_76 : i32
    %while3A_78 = arith.muli %while3A_77, %while3A_76 : i32
    %while3A_79 = arith.addi %while3A_72, %while3A_78 : i32
    %while3A_80 = arith.constant 1 : i32
    scf.for %while3A_83 = %while3A_72 to %while3A_79 step %while3A_80  : i32 {
      %mul3A_84 = arith.constant 10 : i32
      %mul3A_85 = arith.muli %while3A_83, %mul3A_84 : i32
      %add3A_86 = arith.constant 0 : i32
      %add3A_87 = arith.addi %mul3A_85, %add3A_86 : i32
      %add3A_88 = arith.constant 5 : i32
      %add3A_89 = arith.addi %add3A_87, %add3A_88 : i32
      %dma_wait3A = arith.constant 0 : i32
      %dma_wait3A_90 = tpu.memref_slice %arg7[%add3A_87, %dma_wait3A] : memref<250x40xi32, #tpu.memory_space<vmem>> -> memref<1x40xi32, #tpu.memory_space<vmem>>
      %dma_wait3A_91 = tpu.memref_squeeze %dma_wait3A_90 : memref<1x40xi32, #tpu.memory_space<vmem>> -> memref<40xi32, #tpu.memory_space<vmem>>
      %dma_wait3A_92 = arith.constant 0 : i32
      %dma_wait3A_93 = arith.constant 0 : i32
      %dma_wait3A_94 = tpu.memref_slice %arg2[%dma_wait3A_92, %dma_wait3A_93] : memref<10000x48xf32, #tpu.memory_space<hbm>> -> memref<10000x48xf32, #tpu.memory_space<hbm>>
      tpu.wait_indirect_dma semaphore(%arg28 : memref<!tpu.dma_semaphore, #tpu.memory_space<semaphore_mem>>) src(%dma_wait3A_94 : memref<10000x48xf32, #tpu.memory_space<hbm>>) dst(%arg8 : memref<40x48xf32, #tpu.memory_space<vmem>>)
      %dma_wait3A_95 = arith.constant 0 : i32
      %dma_wait3A_96 = tpu.memref_slice %arg4[%add3A, %add3A_87, %dma_wait3A_95] : memref<32x250x40xi32, #tpu.memory_space<hbm>> -> memref<1x1x40xi32, #tpu.memory_space<hbm>>
      %dma_wait3A_97 = tpu.memref_squeeze %dma_wait3A_96 : memref<1x1x40xi32, #tpu.memory_space<hbm>> -> memref<40xi32, #tpu.memory_space<hbm>>
      %dma_wait3A_98 = arith.constant 0 : i32
      %dma_wait3A_99 = tpu.memref_slice %arg4[%add3A, %add3A_87, %dma_wait3A_98] : memref<32x250x40xi32, #tpu.memory_space<hbm>> -> memref<1x1x40xi32, #tpu.memory_space<hbm>>
      %dma_wait3A_100 = tpu.memref_squeeze %dma_wait3A_99 : memref<1x1x40xi32, #tpu.memory_space<hbm>> -> memref<40xi32, #tpu.memory_space<hbm>>
      tpu.wait_dma2 semaphore(%arg38 : memref<!tpu.dma_semaphore, #tpu.memory_space<semaphore_mem>>) src(%dma_wait3A_100 : memref<40xi32, #tpu.memory_space<hbm>>) dst(%arg18 : memref<40xi32, #tpu.memory_space<vmem>>)
      %dma_start3A_101 = arith.constant 0 : i32
      %dma_start3A_102 = tpu.memref_slice %arg7[%add3A_89, %dma_start3A_101] : memref<250x40xi32, #tpu.memory_space<vmem>> -> memref<1x40xi32, #tpu.memory_space<vmem>>
      %dma_start3A_103 = tpu.memref_squeeze %dma_start3A_102 : memref<1x40xi32, #tpu.memory_space<vmem>> -> memref<40xi32, #tpu.memory_space<vmem>>
      %dma_start3A_104 = arith.constant 0 : i32
      %dma_start3A_105 = arith.constant 0 : i32
      %dma_start3A_106 = tpu.memref_slice %arg2[%dma_start3A_104, %dma_start3A_105] : memref<10000x48xf32, #tpu.memory_space<hbm>> -> memref<10000x48xf32, #tpu.memory_space<hbm>>
      tpu.enqueue_indirect_dma source(%dma_start3A_106 : memref<10000x48xf32, #tpu.memory_space<hbm>>) target(%arg13 : memref<40x48xf32, #tpu.memory_space<vmem>>) offsets(%dma_start3A_103 : memref<40xi32, #tpu.memory_space<vmem>>) semaphore(%arg33 : memref<!tpu.dma_semaphore, #tpu.memory_space<semaphore_mem>>)
      %dma_start3A_107 = arith.constant 0 : i32
      %dma_start3A_108 = tpu.memref_slice %arg4[%add3A, %add3A_89, %dma_start3A_107] : memref<32x250x40xi32, #tpu.memory_space<hbm>> -> memref<1x1x40xi32, #tpu.memory_space<hbm>>
      %dma_start3A_109 = tpu.memref_squeeze %dma_start3A_108 : memref<1x1x40xi32, #tpu.memory_space<hbm>> -> memref<40xi32, #tpu.memory_space<hbm>>
      %dma_start3A_110 = arith.constant 0 : i32
      %dma_start3A_111 = tpu.memref_slice %arg4[%add3A, %add3A_89, %dma_start3A_110] : memref<32x250x40xi32, #tpu.memory_space<hbm>> -> memref<1x1x40xi32, #tpu.memory_space<hbm>>
      %dma_start3A_112 = tpu.memref_squeeze %dma_start3A_111 : memref<1x1x40xi32, #tpu.memory_space<hbm>> -> memref<40xi32, #tpu.memory_space<hbm>>
      tpu.enqueue_dma source(%dma_start3A_112 : memref<40xi32, #tpu.memory_space<hbm>>) target(%arg23 : memref<40xi32, #tpu.memory_space<vmem>>) target_semaphore(%arg43 : memref<!tpu.dma_semaphore, #tpu.memory_space<semaphore_mem>>)
      "tpu.region"() ({
        %run_scoped3A = tpu.sem_alloc : memref<!tpu.dma_semaphore, #tpu.memory_space<semaphore_mem>>
        %dma_start3A_345 = arith.constant 0 : i32
        %dma_start3A_346 = arith.constant 0 : i32
        %dma_start3A_347 = tpu.memref_slice %arg48[%dma_start3A_345, %dma_start3A_346] : memref<10240x48xf32, #tpu.memory_space<vmem_shared>> -> memref<10240x48xf32, #tpu.memory_space<vmem_shared>>
        tpu.enqueue_indirect_dma source(%arg8 : memref<40x48xf32, #tpu.memory_space<vmem>>) target(%dma_start3A_347 : memref<10240x48xf32, #tpu.memory_space<vmem_shared>>) offsets(%arg18 : memref<40xi32, #tpu.memory_space<vmem>>) semaphore(%run_scoped3A : memref<!tpu.dma_semaphore, #tpu.memory_space<semaphore_mem>>) {add = true}
        %dma_wait3A_348 = arith.constant 0 : i32
        %dma_wait3A_349 = arith.constant 0 : i32
        %dma_wait3A_350 = tpu.memref_slice %arg48[%dma_wait3A_348, %dma_wait3A_349] : memref<10240x48xf32, #tpu.memory_space<vmem_shared>> -> memref<10240x48xf32, #tpu.memory_space<vmem_shared>>
        tpu.wait_indirect_dma semaphore(%run_scoped3A : memref<!tpu.dma_semaphore, #tpu.memory_space<semaphore_mem>>) src(%arg8 : memref<40x48xf32, #tpu.memory_space<vmem>>) dst(%dma_wait3A_350 : memref<10240x48xf32, #tpu.memory_space<vmem_shared>>)
        tpu.yield
      }) : () -> ()
      %mul3A_113 = arith.constant 10 : i32
      %mul3A_114 = arith.muli %while3A_83, %mul3A_113 : i32
      %add3A_115 = arith.constant 1 : i32
      %add3A_116 = arith.addi %mul3A_114, %add3A_115 : i32
      %add3A_117 = arith.constant 5 : i32
      %add3A_118 = arith.addi %add3A_116, %add3A_117 : i32
      %dma_wait3A_119 = arith.constant 0 : i32
      %dma_wait3A_120 = tpu.memref_slice %arg7[%add3A_116, %dma_wait3A_119] : memref<250x40xi32, #tpu.memory_space<vmem>> -> memref<1x40xi32, #tpu.memory_space<vmem>>
      %dma_wait3A_121 = tpu.memref_squeeze %dma_wait3A_120 : memref<1x40xi32, #tpu.memory_space<vmem>> -> memref<40xi32, #tpu.memory_space<vmem>>
      %dma_wait3A_122 = arith.constant 0 : i32
      %dma_wait3A_123 = arith.constant 0 : i32
      %dma_wait3A_124 = tpu.memref_slice %arg2[%dma_wait3A_122, %dma_wait3A_123] : memref<10000x48xf32, #tpu.memory_space<hbm>> -> memref<10000x48xf32, #tpu.memory_space<hbm>>
      tpu.wait_indirect_dma semaphore(%arg29 : memref<!tpu.dma_semaphore, #tpu.memory_space<semaphore_mem>>) src(%dma_wait3A_124 : memref<10000x48xf32, #tpu.memory_space<hbm>>) dst(%arg9 : memref<40x48xf32, #tpu.memory_space<vmem>>)
      %dma_wait3A_125 = arith.constant 0 : i32
      %dma_wait3A_126 = tpu.memref_slice %arg4[%add3A, %add3A_116, %dma_wait3A_125] : memref<32x250x40xi32, #tpu.memory_space<hbm>> -> memref<1x1x40xi32, #tpu.memory_space<hbm>>
      %dma_wait3A_127 = tpu.memref_squeeze %dma_wait3A_126 : memref<1x1x40xi32, #tpu.memory_space<hbm>> -> memref<40xi32, #tpu.memory_space<hbm>>
      %dma_wait3A_128 = arith.constant 0 : i32
      %dma_wait3A_129 = tpu.memref_slice %arg4[%add3A, %add3A_116, %dma_wait3A_128] : memref<32x250x40xi32, #tpu.memory_space<hbm>> -> memref<1x1x40xi32, #tpu.memory_space<hbm>>
      %dma_wait3A_130 = tpu.memref_squeeze %dma_wait3A_129 : memref<1x1x40xi32, #tpu.memory_space<hbm>> -> memref<40xi32, #tpu.memory_space<hbm>>
      tpu.wait_dma2 semaphore(%arg39 : memref<!tpu.dma_semaphore, #tpu.memory_space<semaphore_mem>>) src(%dma_wait3A_130 : memref<40xi32, #tpu.memory_space<hbm>>) dst(%arg19 : memref<40xi32, #tpu.memory_space<vmem>>)
      %dma_start3A_131 = arith.constant 0 : i32
      %dma_start3A_132 = tpu.memref_slice %arg7[%add3A_118, %dma_start3A_131] : memref<250x40xi32, #tpu.memory_space<vmem>> -> memref<1x40xi32, #tpu.memory_space<vmem>>
      %dma_start3A_133 = tpu.memref_squeeze %dma_start3A_132 : memref<1x40xi32, #tpu.memory_space<vmem>> -> memref<40xi32, #tpu.memory_space<vmem>>
      %dma_start3A_134 = arith.constant 0 : i32
      %dma_start3A_135 = arith.constant 0 : i32
      %dma_start3A_136 = tpu.memref_slice %arg2[%dma_start3A_134, %dma_start3A_135] : memref<10000x48xf32, #tpu.memory_space<hbm>> -> memref<10000x48xf32, #tpu.memory_space<hbm>>
      tpu.enqueue_indirect_dma source(%dma_start3A_136 : memref<10000x48xf32, #tpu.memory_space<hbm>>) target(%arg14 : memref<40x48xf32, #tpu.memory_space<vmem>>) offsets(%dma_start3A_133 : memref<40xi32, #tpu.memory_space<vmem>>) semaphore(%arg34 : memref<!tpu.dma_semaphore, #tpu.memory_space<semaphore_mem>>)
      %dma_start3A_137 = arith.constant 0 : i32
      %dma_start3A_138 = tpu.memref_slice %arg4[%add3A, %add3A_118, %dma_start3A_137] : memref<32x250x40xi32, #tpu.memory_space<hbm>> -> memref<1x1x40xi32, #tpu.memory_space<hbm>>
      %dma_start3A_139 = tpu.memref_squeeze %dma_start3A_138 : memref<1x1x40xi32, #tpu.memory_space<hbm>> -> memref<40xi32, #tpu.memory_space<hbm>>
      %dma_start3A_140 = arith.constant 0 : i32
      %dma_start3A_141 = tpu.memref_slice %arg4[%add3A, %add3A_118, %dma_start3A_140] : memref<32x250x40xi32, #tpu.memory_space<hbm>> -> memref<1x1x40xi32, #tpu.memory_space<hbm>>
      %dma_start3A_142 = tpu.memref_squeeze %dma_start3A_141 : memref<1x1x40xi32, #tpu.memory_space<hbm>> -> memref<40xi32, #tpu.memory_space<hbm>>
      tpu.enqueue_dma source(%dma_start3A_142 : memref<40xi32, #tpu.memory_space<hbm>>) target(%arg24 : memref<40xi32, #tpu.memory_space<vmem>>) target_semaphore(%arg44 : memref<!tpu.dma_semaphore, #tpu.memory_space<semaphore_mem>>)
      "tpu.region"() ({
        %run_scoped3A = tpu.sem_alloc : memref<!tpu.dma_semaphore, #tpu.memory_space<semaphore_mem>>
        %dma_start3A_345 = arith.constant 0 : i32
        %dma_start3A_346 = arith.constant 0 : i32
        %dma_start3A_347 = tpu.memref_slice %arg48[%dma_start3A_345, %dma_start3A_346] : memref<10240x48xf32, #tpu.memory_space<vmem_shared>> -> memref<10240x48xf32, #tpu.memory_space<vmem_shared>>
        tpu.enqueue_indirect_dma source(%arg9 : memref<40x48xf32, #tpu.memory_space<vmem>>) target(%dma_start3A_347 : memref<10240x48xf32, #tpu.memory_space<vmem_shared>>) offsets(%arg19 : memref<40xi32, #tpu.memory_space<vmem>>) semaphore(%run_scoped3A : memref<!tpu.dma_semaphore, #tpu.memory_space<semaphore_mem>>) {add = true}
        %dma_wait3A_348 = arith.constant 0 : i32
        %dma_wait3A_349 = arith.constant 0 : i32
        %dma_wait3A_350 = tpu.memref_slice %arg48[%dma_wait3A_348, %dma_wait3A_349] : memref<10240x48xf32, #tpu.memory_space<vmem_shared>> -> memref<10240x48xf32, #tpu.memory_space<vmem_shared>>
        tpu.wait_indirect_dma semaphore(%run_scoped3A : memref<!tpu.dma_semaphore, #tpu.memory_space<semaphore_mem>>) src(%arg9 : memref<40x48xf32, #tpu.memory_space<vmem>>) dst(%dma_wait3A_350 : memref<10240x48xf32, #tpu.memory_space<vmem_shared>>)
        tpu.yield
      }) : () -> ()
      %mul3A_143 = arith.constant 10 : i32
      %mul3A_144 = arith.muli %while3A_83, %mul3A_143 : i32
      %add3A_145 = arith.constant 2 : i32
      %add3A_146 = arith.addi %mul3A_144, %add3A_145 : i32
      %add3A_147 = arith.constant 5 : i32
      %add3A_148 = arith.addi %add3A_146, %add3A_147 : i32
      %dma_wait3A_149 = arith.constant 0 : i32
      %dma_wait3A_150 = tpu.memref_slice %arg7[%add3A_146, %dma_wait3A_149] : memref<250x40xi32, #tpu.memory_space<vmem>> -> memref<1x40xi32, #tpu.memory_space<vmem>>
      %dma_wait3A_151 = tpu.memref_squeeze %dma_wait3A_150 : memref<1x40xi32, #tpu.memory_space<vmem>> -> memref<40xi32, #tpu.memory_space<vmem>>
      %dma_wait3A_152 = arith.constant 0 : i32
      %dma_wait3A_153 = arith.constant 0 : i32
      %dma_wait3A_154 = tpu.memref_slice %arg2[%dma_wait3A_152, %dma_wait3A_153] : memref<10000x48xf32, #tpu.memory_space<hbm>> -> memref<10000x48xf32, #tpu.memory_space<hbm>>
      tpu.wait_indirect_dma semaphore(%arg30 : memref<!tpu.dma_semaphore, #tpu.memory_space<semaphore_mem>>) src(%dma_wait3A_154 : memref<10000x48xf32, #tpu.memory_space<hbm>>) dst(%arg10 : memref<40x48xf32, #tpu.memory_space<vmem>>)
      %dma_wait3A_155 = arith.constant 0 : i32
      %dma_wait3A_156 = tpu.memref_slice %arg4[%add3A, %add3A_146, %dma_wait3A_155] : memref<32x250x40xi32, #tpu.memory_space<hbm>> -> memref<1x1x40xi32, #tpu.memory_space<hbm>>
      %dma_wait3A_157 = tpu.memref_squeeze %dma_wait3A_156 : memref<1x1x40xi32, #tpu.memory_space<hbm>> -> memref<40xi32, #tpu.memory_space<hbm>>
      %dma_wait3A_158 = arith.constant 0 : i32
      %dma_wait3A_159 = tpu.memref_slice %arg4[%add3A, %add3A_146, %dma_wait3A_158] : memref<32x250x40xi32, #tpu.memory_space<hbm>> -> memref<1x1x40xi32, #tpu.memory_space<hbm>>
      %dma_wait3A_160 = tpu.memref_squeeze %dma_wait3A_159 : memref<1x1x40xi32, #tpu.memory_space<hbm>> -> memref<40xi32, #tpu.memory_space<hbm>>
      tpu.wait_dma2 semaphore(%arg40 : memref<!tpu.dma_semaphore, #tpu.memory_space<semaphore_mem>>) src(%dma_wait3A_160 : memref<40xi32, #tpu.memory_space<hbm>>) dst(%arg20 : memref<40xi32, #tpu.memory_space<vmem>>)
      %dma_start3A_161 = arith.constant 0 : i32
      %dma_start3A_162 = tpu.memref_slice %arg7[%add3A_148, %dma_start3A_161] : memref<250x40xi32, #tpu.memory_space<vmem>> -> memref<1x40xi32, #tpu.memory_space<vmem>>
      %dma_start3A_163 = tpu.memref_squeeze %dma_start3A_162 : memref<1x40xi32, #tpu.memory_space<vmem>> -> memref<40xi32, #tpu.memory_space<vmem>>
      %dma_start3A_164 = arith.constant 0 : i32
      %dma_start3A_165 = arith.constant 0 : i32
      %dma_start3A_166 = tpu.memref_slice %arg2[%dma_start3A_164, %dma_start3A_165] : memref<10000x48xf32, #tpu.memory_space<hbm>> -> memref<10000x48xf32, #tpu.memory_space<hbm>>
      tpu.enqueue_indirect_dma source(%dma_start3A_166 : memref<10000x48xf32, #tpu.memory_space<hbm>>) target(%arg15 : memref<40x48xf32, #tpu.memory_space<vmem>>) offsets(%dma_start3A_163 : memref<40xi32, #tpu.memory_space<vmem>>) semaphore(%arg35 : memref<!tpu.dma_semaphore, #tpu.memory_space<semaphore_mem>>)
      %dma_start3A_167 = arith.constant 0 : i32
      %dma_start3A_168 = tpu.memref_slice %arg4[%add3A, %add3A_148, %dma_start3A_167] : memref<32x250x40xi32, #tpu.memory_space<hbm>> -> memref<1x1x40xi32, #tpu.memory_space<hbm>>
      %dma_start3A_169 = tpu.memref_squeeze %dma_start3A_168 : memref<1x1x40xi32, #tpu.memory_space<hbm>> -> memref<40xi32, #tpu.memory_space<hbm>>
      %dma_start3A_170 = arith.constant 0 : i32
      %dma_start3A_171 = tpu.memref_slice %arg4[%add3A, %add3A_148, %dma_start3A_170] : memref<32x250x40xi32, #tpu.memory_space<hbm>> -> memref<1x1x40xi32, #tpu.memory_space<hbm>>
      %dma_start3A_172 = tpu.memref_squeeze %dma_start3A_171 : memref<1x1x40xi32, #tpu.memory_space<hbm>> -> memref<40xi32, #tpu.memory_space<hbm>>
      tpu.enqueue_dma source(%dma_start3A_172 : memref<40xi32, #tpu.memory_space<hbm>>) target(%arg25 : memref<40xi32, #tpu.memory_space<vmem>>) target_semaphore(%arg45 : memref<!tpu.dma_semaphore, #tpu.memory_space<semaphore_mem>>)
      "tpu.region"() ({
        %run_scoped3A = tpu.sem_alloc : memref<!tpu.dma_semaphore, #tpu.memory_space<semaphore_mem>>
        %dma_start3A_345 = arith.constant 0 : i32
        %dma_start3A_346 = arith.constant 0 : i32
        %dma_start3A_347 = tpu.memref_slice %arg48[%dma_start3A_345, %dma_start3A_346] : memref<10240x48xf32, #tpu.memory_space<vmem_shared>> -> memref<10240x48xf32, #tpu.memory_space<vmem_shared>>
        tpu.enqueue_indirect_dma source(%arg10 : memref<40x48xf32, #tpu.memory_space<vmem>>) target(%dma_start3A_347 : memref<10240x48xf32, #tpu.memory_space<vmem_shared>>) offsets(%arg20 : memref<40xi32, #tpu.memory_space<vmem>>) semaphore(%run_scoped3A : memref<!tpu.dma_semaphore, #tpu.memory_space<semaphore_mem>>) {add = true}
        %dma_wait3A_348 = arith.constant 0 : i32
        %dma_wait3A_349 = arith.constant 0 : i32
        %dma_wait3A_350 = tpu.memref_slice %arg48[%dma_wait3A_348, %dma_wait3A_349] : memref<10240x48xf32, #tpu.memory_space<vmem_shared>> -> memref<10240x48xf32, #tpu.memory_space<vmem_shared>>
        tpu.wait_indirect_dma semaphore(%run_scoped3A : memref<!tpu.dma_semaphore, #tpu.memory_space<semaphore_mem>>) src(%arg10 : memref<40x48xf32, #tpu.memory_space<vmem>>) dst(%dma_wait3A_350 : memref<10240x48xf32, #tpu.memory_space<vmem_shared>>)
        tpu.yield
      }) : () -> ()
      %mul3A_173 = arith.constant 10 : i32
      %mul3A_174 = arith.muli %while3A_83, %mul3A_173 : i32
      %add3A_175 = arith.constant 3 : i32
      %add3A_176 = arith.addi %mul3A_174, %add3A_175 : i32
      %add3A_177 = arith.constant 5 : i32
      %add3A_178 = arith.addi %add3A_176, %add3A_177 : i32
      %dma_wait3A_179 = arith.constant 0 : i32
      %dma_wait3A_180 = tpu.memref_slice %arg7[%add3A_176, %dma_wait3A_179] : memref<250x40xi32, #tpu.memory_space<vmem>> -> memref<1x40xi32, #tpu.memory_space<vmem>>
      %dma_wait3A_181 = tpu.memref_squeeze %dma_wait3A_180 : memref<1x40xi32, #tpu.memory_space<vmem>> -> memref<40xi32, #tpu.memory_space<vmem>>
      %dma_wait3A_182 = arith.constant 0 : i32
      %dma_wait3A_183 = arith.constant 0 : i32
      %dma_wait3A_184 = tpu.memref_slice %arg2[%dma_wait3A_182, %dma_wait3A_183] : memref<10000x48xf32, #tpu.memory_space<hbm>> -> memref<10000x48xf32, #tpu.memory_space<hbm>>
      tpu.wait_indirect_dma semaphore(%arg31 : memref<!tpu.dma_semaphore, #tpu.memory_space<semaphore_mem>>) src(%dma_wait3A_184 : memref<10000x48xf32, #tpu.memory_space<hbm>>) dst(%arg11 : memref<40x48xf32, #tpu.memory_space<vmem>>)
      %dma_wait3A_185 = arith.constant 0 : i32
      %dma_wait3A_186 = tpu.memref_slice %arg4[%add3A, %add3A_176, %dma_wait3A_185] : memref<32x250x40xi32, #tpu.memory_space<hbm>> -> memref<1x1x40xi32, #tpu.memory_space<hbm>>
      %dma_wait3A_187 = tpu.memref_squeeze %dma_wait3A_186 : memref<1x1x40xi32, #tpu.memory_space<hbm>> -> memref<40xi32, #tpu.memory_space<hbm>>
      %dma_wait3A_188 = arith.constant 0 : i32
      %dma_wait3A_189 = tpu.memref_slice %arg4[%add3A, %add3A_176, %dma_wait3A_188] : memref<32x250x40xi32, #tpu.memory_space<hbm>> -> memref<1x1x40xi32, #tpu.memory_space<hbm>>
      %dma_wait3A_190 = tpu.memref_squeeze %dma_wait3A_189 : memref<1x1x40xi32, #tpu.memory_space<hbm>> -> memref<40xi32, #tpu.memory_space<hbm>>
      tpu.wait_dma2 semaphore(%arg41 : memref<!tpu.dma_semaphore, #tpu.memory_space<semaphore_mem>>) src(%dma_wait3A_190 : memref<40xi32, #tpu.memory_space<hbm>>) dst(%arg21 : memref<40xi32, #tpu.memory_space<vmem>>)
      %dma_start3A_191 = arith.constant 0 : i32
      %dma_start3A_192 = tpu.memref_slice %arg7[%add3A_178, %dma_start3A_191] : memref<250x40xi32, #tpu.memory_space<vmem>> -> memref<1x40xi32, #tpu.memory_space<vmem>>
      %dma_start3A_193 = tpu.memref_squeeze %dma_start3A_192 : memref<1x40xi32, #tpu.memory_space<vmem>> -> memref<40xi32, #tpu.memory_space<vmem>>
      %dma_start3A_194 = arith.constant 0 : i32
      %dma_start3A_195 = arith.constant 0 : i32
      %dma_start3A_196 = tpu.memref_slice %arg2[%dma_start3A_194, %dma_start3A_195] : memref<10000x48xf32, #tpu.memory_space<hbm>> -> memref<10000x48xf32, #tpu.memory_space<hbm>>
      tpu.enqueue_indirect_dma source(%dma_start3A_196 : memref<10000x48xf32, #tpu.memory_space<hbm>>) target(%arg16 : memref<40x48xf32, #tpu.memory_space<vmem>>) offsets(%dma_start3A_193 : memref<40xi32, #tpu.memory_space<vmem>>) semaphore(%arg36 : memref<!tpu.dma_semaphore, #tpu.memory_space<semaphore_mem>>)
      %dma_start3A_197 = arith.constant 0 : i32
      %dma_start3A_198 = tpu.memref_slice %arg4[%add3A, %add3A_178, %dma_start3A_197] : memref<32x250x40xi32, #tpu.memory_space<hbm>> -> memref<1x1x40xi32, #tpu.memory_space<hbm>>
      %dma_start3A_199 = tpu.memref_squeeze %dma_start3A_198 : memref<1x1x40xi32, #tpu.memory_space<hbm>> -> memref<40xi32, #tpu.memory_space<hbm>>
      %dma_start3A_200 = arith.constant 0 : i32
      %dma_start3A_201 = tpu.memref_slice %arg4[%add3A, %add3A_178, %dma_start3A_200] : memref<32x250x40xi32, #tpu.memory_space<hbm>> -> memref<1x1x40xi32, #tpu.memory_space<hbm>>
      %dma_start3A_202 = tpu.memref_squeeze %dma_start3A_201 : memref<1x1x40xi32, #tpu.memory_space<hbm>> -> memref<40xi32, #tpu.memory_space<hbm>>
      tpu.enqueue_dma source(%dma_start3A_202 : memref<40xi32, #tpu.memory_space<hbm>>) target(%arg26 : memref<40xi32, #tpu.memory_space<vmem>>) target_semaphore(%arg46 : memref<!tpu.dma_semaphore, #tpu.memory_space<semaphore_mem>>)
      "tpu.region"() ({
        %run_scoped3A = tpu.sem_alloc : memref<!tpu.dma_semaphore, #tpu.memory_space<semaphore_mem>>
        %dma_start3A_345 = arith.constant 0 : i32
        %dma_start3A_346 = arith.constant 0 : i32
        %dma_start3A_347 = tpu.memref_slice %arg48[%dma_start3A_345, %dma_start3A_346] : memref<10240x48xf32, #tpu.memory_space<vmem_shared>> -> memref<10240x48xf32, #tpu.memory_space<vmem_shared>>
        tpu.enqueue_indirect_dma source(%arg11 : memref<40x48xf32, #tpu.memory_space<vmem>>) target(%dma_start3A_347 : memref<10240x48xf32, #tpu.memory_space<vmem_shared>>) offsets(%arg21 : memref<40xi32, #tpu.memory_space<vmem>>) semaphore(%run_scoped3A : memref<!tpu.dma_semaphore, #tpu.memory_space<semaphore_mem>>) {add = true}
        %dma_wait3A_348 = arith.constant 0 : i32
        %dma_wait3A_349 = arith.constant 0 : i32
        %dma_wait3A_350 = tpu.memref_slice %arg48[%dma_wait3A_348, %dma_wait3A_349] : memref<10240x48xf32, #tpu.memory_space<vmem_shared>> -> memref<10240x48xf32, #tpu.memory_space<vmem_shared>>
        tpu.wait_indirect_dma semaphore(%run_scoped3A : memref<!tpu.dma_semaphore, #tpu.memory_space<semaphore_mem>>) src(%arg11 : memref<40x48xf32, #tpu.memory_space<vmem>>) dst(%dma_wait3A_350 : memref<10240x48xf32, #tpu.memory_space<vmem_shared>>)
        tpu.yield
      }) : () -> ()
      %mul3A_203 = arith.constant 10 : i32
      %mul3A_204 = arith.muli %while3A_83, %mul3A_203 : i32
      %add3A_205 = arith.constant 4 : i32
      %add3A_206 = arith.addi %mul3A_204, %add3A_205 : i32
      %add3A_207 = arith.constant 5 : i32
      %add3A_208 = arith.addi %add3A_206, %add3A_207 : i32
      %dma_wait3A_209 = arith.constant 0 : i32
      %dma_wait3A_210 = tpu.memref_slice %arg7[%add3A_206, %dma_wait3A_209] : memref<250x40xi32, #tpu.memory_space<vmem>> -> memref<1x40xi32, #tpu.memory_space<vmem>>
      %dma_wait3A_211 = tpu.memref_squeeze %dma_wait3A_210 : memref<1x40xi32, #tpu.memory_space<vmem>> -> memref<40xi32, #tpu.memory_space<vmem>>
      %dma_wait3A_212 = arith.constant 0 : i32
      %dma_wait3A_213 = arith.constant 0 : i32
      %dma_wait3A_214 = tpu.memref_slice %arg2[%dma_wait3A_212, %dma_wait3A_213] : memref<10000x48xf32, #tpu.memory_space<hbm>> -> memref<10000x48xf32, #tpu.memory_space<hbm>>
      tpu.wait_indirect_dma semaphore(%arg32 : memref<!tpu.dma_semaphore, #tpu.memory_space<semaphore_mem>>) src(%dma_wait3A_214 : memref<10000x48xf32, #tpu.memory_space<hbm>>) dst(%arg12 : memref<40x48xf32, #tpu.memory_space<vmem>>)
      %dma_wait3A_215 = arith.constant 0 : i32
      %dma_wait3A_216 = tpu.memref_slice %arg4[%add3A, %add3A_206, %dma_wait3A_215] : memref<32x250x40xi32, #tpu.memory_space<hbm>> -> memref<1x1x40xi32, #tpu.memory_space<hbm>>
      %dma_wait3A_217 = tpu.memref_squeeze %dma_wait3A_216 : memref<1x1x40xi32, #tpu.memory_space<hbm>> -> memref<40xi32, #tpu.memory_space<hbm>>
      %dma_wait3A_218 = arith.constant 0 : i32
      %dma_wait3A_219 = tpu.memref_slice %arg4[%add3A, %add3A_206, %dma_wait3A_218] : memref<32x250x40xi32, #tpu.memory_space<hbm>> -> memref<1x1x40xi32, #tpu.memory_space<hbm>>
      %dma_wait3A_220 = tpu.memref_squeeze %dma_wait3A_219 : memref<1x1x40xi32, #tpu.memory_space<hbm>> -> memref<40xi32, #tpu.memory_space<hbm>>
      tpu.wait_dma2 semaphore(%arg42 : memref<!tpu.dma_semaphore, #tpu.memory_space<semaphore_mem>>) src(%dma_wait3A_220 : memref<40xi32, #tpu.memory_space<hbm>>) dst(%arg22 : memref<40xi32, #tpu.memory_space<vmem>>)
      %dma_start3A_221 = arith.constant 0 : i32
      %dma_start3A_222 = tpu.memref_slice %arg7[%add3A_208, %dma_start3A_221] : memref<250x40xi32, #tpu.memory_space<vmem>> -> memref<1x40xi32, #tpu.memory_space<vmem>>
      %dma_start3A_223 = tpu.memref_squeeze %dma_start3A_222 : memref<1x40xi32, #tpu.memory_space<vmem>> -> memref<40xi32, #tpu.memory_space<vmem>>
      %dma_start3A_224 = arith.constant 0 : i32
      %dma_start3A_225 = arith.constant 0 : i32
      %dma_start3A_226 = tpu.memref_slice %arg2[%dma_start3A_224, %dma_start3A_225] : memref<10000x48xf32, #tpu.memory_space<hbm>> -> memref<10000x48xf32, #tpu.memory_space<hbm>>
      tpu.enqueue_indirect_dma source(%dma_start3A_226 : memref<10000x48xf32, #tpu.memory_space<hbm>>) target(%arg17 : memref<40x48xf32, #tpu.memory_space<vmem>>) offsets(%dma_start3A_223 : memref<40xi32, #tpu.memory_space<vmem>>) semaphore(%arg37 : memref<!tpu.dma_semaphore, #tpu.memory_space<semaphore_mem>>)
      %dma_start3A_227 = arith.constant 0 : i32
      %dma_start3A_228 = tpu.memref_slice %arg4[%add3A, %add3A_208, %dma_start3A_227] : memref<32x250x40xi32, #tpu.memory_space<hbm>> -> memref<1x1x40xi32, #tpu.memory_space<hbm>>
      %dma_start3A_229 = tpu.memref_squeeze %dma_start3A_228 : memref<1x1x40xi32, #tpu.memory_space<hbm>> -> memref<40xi32, #tpu.memory_space<hbm>>
      %dma_start3A_230 = arith.constant 0 : i32
      %dma_start3A_231 = tpu.memref_slice %arg4[%add3A, %add3A_208, %dma_start3A_230] : memref<32x250x40xi32, #tpu.memory_space<hbm>> -> memref<1x1x40xi32, #tpu.memory_space<hbm>>
      %dma_start3A_232 = tpu.memref_squeeze %dma_start3A_231 : memref<1x1x40xi32, #tpu.memory_space<hbm>> -> memref<40xi32, #tpu.memory_space<hbm>>
      tpu.enqueue_dma source(%dma_start3A_232 : memref<40xi32, #tpu.memory_space<hbm>>) target(%arg27 : memref<40xi32, #tpu.memory_space<vmem>>) target_semaphore(%arg47 : memref<!tpu.dma_semaphore, #tpu.memory_space<semaphore_mem>>)
      "tpu.region"() ({
        %run_scoped3A = tpu.sem_alloc : memref<!tpu.dma_semaphore, #tpu.memory_space<semaphore_mem>>
        %dma_start3A_345 = arith.constant 0 : i32
        %dma_start3A_346 = arith.constant 0 : i32
        %dma_start3A_347 = tpu.memref_slice %arg48[%dma_start3A_345, %dma_start3A_346] : memref<10240x48xf32, #tpu.memory_space<vmem_shared>> -> memref<10240x48xf32, #tpu.memory_space<vmem_shared>>
        tpu.enqueue_indirect_dma source(%arg12 : memref<40x48xf32, #tpu.memory_space<vmem>>) target(%dma_start3A_347 : memref<10240x48xf32, #tpu.memory_space<vmem_shared>>) offsets(%arg22 : memref<40xi32, #tpu.memory_space<vmem>>) semaphore(%run_scoped3A : memref<!tpu.dma_semaphore, #tpu.memory_space<semaphore_mem>>) {add = true}
        %dma_wait3A_348 = arith.constant 0 : i32
        %dma_wait3A_349 = arith.constant 0 : i32
        %dma_wait3A_350 = tpu.memref_slice %arg48[%dma_wait3A_348, %dma_wait3A_349] : memref<10240x48xf32, #tpu.memory_space<vmem_shared>> -> memref<10240x48xf32, #tpu.memory_space<vmem_shared>>
        tpu.wait_indirect_dma semaphore(%run_scoped3A : memref<!tpu.dma_semaphore, #tpu.memory_space<semaphore_mem>>) src(%arg12 : memref<40x48xf32, #tpu.memory_space<vmem>>) dst(%dma_wait3A_350 : memref<10240x48xf32, #tpu.memory_space<vmem_shared>>)
        tpu.yield
      }) : () -> ()
      %mul3A_233 = arith.constant 10 : i32
      %mul3A_234 = arith.muli %while3A_83, %mul3A_233 : i32
      %add3A_235 = arith.constant 5 : i32
      %add3A_236 = arith.addi %mul3A_234, %add3A_235 : i32
      %add3A_237 = arith.constant 5 : i32
      %add3A_238 = arith.addi %add3A_236, %add3A_237 : i32
      %dma_wait3A_239 = arith.constant 0 : i32
      %dma_wait3A_240 = tpu.memref_slice %arg7[%add3A_236, %dma_wait3A_239] : memref<250x40xi32, #tpu.memory_space<vmem>> -> memref<1x40xi32, #tpu.memory_space<vmem>>
      %dma_wait3A_241 = tpu.memref_squeeze %dma_wait3A_240 : memref<1x40xi32, #tpu.memory_space<vmem>> -> memref<40xi32, #tpu.memory_space<vmem>>
      %dma_wait3A_242 = arith.constant 0 : i32
      %dma_wait3A_243 = arith.constant 0 : i32
      %dma_wait3A_244 = tpu.memref_slice %arg2[%dma_wait3A_242, %dma_wait3A_243] : memref<10000x48xf32, #tpu.memory_space<hbm>> -> memref<10000x48xf32, #tpu.memory_space<hbm>>
      tpu.wait_indirect_dma semaphore(%arg33 : memref<!tpu.dma_semaphore, #tpu.memory_space<semaphore_mem>>) src(%dma_wait3A_244 : memref<10000x48xf32, #tpu.memory_space<hbm>>) dst(%arg13 : memref<40x48xf32, #tpu.memory_space<vmem>>)
      %dma_wait3A_245 = arith.constant 0 : i32
      %dma_wait3A_246 = tpu.memref_slice %arg4[%add3A, %add3A_236, %dma_wait3A_245] : memref<32x250x40xi32, #tpu.memory_space<hbm>> -> memref<1x1x40xi32, #tpu.memory_space<hbm>>
      %dma_wait3A_247 = tpu.memref_squeeze %dma_wait3A_246 : memref<1x1x40xi32, #tpu.memory_space<hbm>> -> memref<40xi32, #tpu.memory_space<hbm>>
      %dma_wait3A_248 = arith.constant 0 : i32
      %dma_wait3A_249 = tpu.memref_slice %arg4[%add3A, %add3A_236, %dma_wait3A_248] : memref<32x250x40xi32, #tpu.memory_space<hbm>> -> memref<1x1x40xi32, #tpu.memory_space<hbm>>
      %dma_wait3A_250 = tpu.memref_squeeze %dma_wait3A_249 : memref<1x1x40xi32, #tpu.memory_space<hbm>> -> memref<40xi32, #tpu.memory_space<hbm>>
      tpu.wait_dma2 semaphore(%arg43 : memref<!tpu.dma_semaphore, #tpu.memory_space<semaphore_mem>>) src(%dma_wait3A_250 : memref<40xi32, #tpu.memory_space<hbm>>) dst(%arg23 : memref<40xi32, #tpu.memory_space<vmem>>)
      %lt3A = arith.constant 24 : i32
      %lt3A_251 = arith.cmpi slt, %while3A_83, %lt3A : i32
      %convert_element_type3A = arith.extui %lt3A_251 : i1 to i32
      %cond3A = arith.constant 0 : i32
      %cond3A_252 = arith.cmpi ne, %convert_element_type3A, %cond3A : i32
      scf.if %cond3A_252 {
        %dma_start3A_345 = arith.constant 0 : i32
        %dma_start3A_346 = tpu.memref_slice %arg7[%add3A_238, %dma_start3A_345] : memref<250x40xi32, #tpu.memory_space<vmem>> -> memref<1x40xi32, #tpu.memory_space<vmem>>
        %dma_start3A_347 = tpu.memref_squeeze %dma_start3A_346 : memref<1x40xi32, #tpu.memory_space<vmem>> -> memref<40xi32, #tpu.memory_space<vmem>>
        %dma_start3A_348 = arith.constant 0 : i32
        %dma_start3A_349 = arith.constant 0 : i32
        %dma_start3A_350 = tpu.memref_slice %arg2[%dma_start3A_348, %dma_start3A_349] : memref<10000x48xf32, #tpu.memory_space<hbm>> -> memref<10000x48xf32, #tpu.memory_space<hbm>>
        tpu.enqueue_indirect_dma source(%dma_start3A_350 : memref<10000x48xf32, #tpu.memory_space<hbm>>) target(%arg8 : memref<40x48xf32, #tpu.memory_space<vmem>>) offsets(%dma_start3A_347 : memref<40xi32, #tpu.memory_space<vmem>>) semaphore(%arg28 : memref<!tpu.dma_semaphore, #tpu.memory_space<semaphore_mem>>)
        %dma_start3A_351 = arith.constant 0 : i32
        %dma_start3A_352 = tpu.memref_slice %arg4[%add3A, %add3A_238, %dma_start3A_351] : memref<32x250x40xi32, #tpu.memory_space<hbm>> -> memref<1x1x40xi32, #tpu.memory_space<hbm>>
        %dma_start3A_353 = tpu.memref_squeeze %dma_start3A_352 : memref<1x1x40xi32, #tpu.memory_space<hbm>> -> memref<40xi32, #tpu.memory_space<hbm>>
        %dma_start3A_354 = arith.constant 0 : i32
        %dma_start3A_355 = tpu.memref_slice %arg4[%add3A, %add3A_238, %dma_start3A_354] : memref<32x250x40xi32, #tpu.memory_space<hbm>> -> memref<1x1x40xi32, #tpu.memory_space<hbm>>
        %dma_start3A_356 = tpu.memref_squeeze %dma_start3A_355 : memref<1x1x40xi32, #tpu.memory_space<hbm>> -> memref<40xi32, #tpu.memory_space<hbm>>
        tpu.enqueue_dma source(%dma_start3A_356 : memref<40xi32, #tpu.memory_space<hbm>>) target(%arg18 : memref<40xi32, #tpu.memory_space<vmem>>) target_semaphore(%arg38 : memref<!tpu.dma_semaphore, #tpu.memory_space<semaphore_mem>>)
      } else {
      }
      "tpu.region"() ({
        %run_scoped3A = tpu.sem_alloc : memref<!tpu.dma_semaphore, #tpu.memory_space<semaphore_mem>>
        %dma_start3A_345 = arith.constant 0 : i32
        %dma_start3A_346 = arith.constant 0 : i32
        %dma_start3A_347 = tpu.memref_slice %arg48[%dma_start3A_345, %dma_start3A_346] : memref<10240x48xf32, #tpu.memory_space<vmem_shared>> -> memref<10240x48xf32, #tpu.memory_space<vmem_shared>>
        tpu.enqueue_indirect_dma source(%arg13 : memref<40x48xf32, #tpu.memory_space<vmem>>) target(%dma_start3A_347 : memref<10240x48xf32, #tpu.memory_space<vmem_shared>>) offsets(%arg23 : memref<40xi32, #tpu.memory_space<vmem>>) semaphore(%run_scoped3A : memref<!tpu.dma_semaphore, #tpu.memory_space<semaphore_mem>>) {add = true}
        %dma_wait3A_348 = arith.constant 0 : i32
        %dma_wait3A_349 = arith.constant 0 : i32
        %dma_wait3A_350 = tpu.memref_slice %arg48[%dma_wait3A_348, %dma_wait3A_349] : memref<10240x48xf32, #tpu.memory_space<vmem_shared>> -> memref<10240x48xf32, #tpu.memory_space<vmem_shared>>
        tpu.wait_indirect_dma semaphore(%run_scoped3A : memref<!tpu.dma_semaphore, #tpu.memory_space<semaphore_mem>>) src(%arg13 : memref<40x48xf32, #tpu.memory_space<vmem>>) dst(%dma_wait3A_350 : memref<10240x48xf32, #tpu.memory_space<vmem_shared>>)
        tpu.yield
      }) : () -> ()
      %mul3A_253 = arith.constant 10 : i32
      %mul3A_254 = arith.muli %while3A_83, %mul3A_253 : i32
      %add3A_255 = arith.constant 6 : i32
      %add3A_256 = arith.addi %mul3A_254, %add3A_255 : i32
      %add3A_257 = arith.constant 5 : i32
      %add3A_258 = arith.addi %add3A_256, %add3A_257 : i32
      %dma_wait3A_259 = arith.constant 0 : i32
      %dma_wait3A_260 = tpu.memref_slice %arg7[%add3A_256, %dma_wait3A_259] : memref<250x40xi32, #tpu.memory_space<vmem>> -> memref<1x40xi32, #tpu.memory_space<vmem>>
      %dma_wait3A_261 = tpu.memref_squeeze %dma_wait3A_260 : memref<1x40xi32, #tpu.memory_space<vmem>> -> memref<40xi32, #tpu.memory_space<vmem>>
      %dma_wait3A_262 = arith.constant 0 : i32
      %dma_wait3A_263 = arith.constant 0 : i32
      %dma_wait3A_264 = tpu.memref_slice %arg2[%dma_wait3A_262, %dma_wait3A_263] : memref<10000x48xf32, #tpu.memory_space<hbm>> -> memref<10000x48xf32, #tpu.memory_space<hbm>>
      tpu.wait_indirect_dma semaphore(%arg34 : memref<!tpu.dma_semaphore, #tpu.memory_space<semaphore_mem>>) src(%dma_wait3A_264 : memref<10000x48xf32, #tpu.memory_space<hbm>>) dst(%arg14 : memref<40x48xf32, #tpu.memory_space<vmem>>)
      %dma_wait3A_265 = arith.constant 0 : i32
      %dma_wait3A_266 = tpu.memref_slice %arg4[%add3A, %add3A_256, %dma_wait3A_265] : memref<32x250x40xi32, #tpu.memory_space<hbm>> -> memref<1x1x40xi32, #tpu.memory_space<hbm>>
      %dma_wait3A_267 = tpu.memref_squeeze %dma_wait3A_266 : memref<1x1x40xi32, #tpu.memory_space<hbm>> -> memref<40xi32, #tpu.memory_space<hbm>>
      %dma_wait3A_268 = arith.constant 0 : i32
      %dma_wait3A_269 = tpu.memref_slice %arg4[%add3A, %add3A_256, %dma_wait3A_268] : memref<32x250x40xi32, #tpu.memory_space<hbm>> -> memref<1x1x40xi32, #tpu.memory_space<hbm>>
      %dma_wait3A_270 = tpu.memref_squeeze %dma_wait3A_269 : memref<1x1x40xi32, #tpu.memory_space<hbm>> -> memref<40xi32, #tpu.memory_space<hbm>>
      tpu.wait_dma2 semaphore(%arg44 : memref<!tpu.dma_semaphore, #tpu.memory_space<semaphore_mem>>) src(%dma_wait3A_270 : memref<40xi32, #tpu.memory_space<hbm>>) dst(%arg24 : memref<40xi32, #tpu.memory_space<vmem>>)
      %lt3A_271 = arith.constant 24 : i32
      %lt3A_272 = arith.cmpi slt, %while3A_83, %lt3A_271 : i32
      %convert_element_type3A_273 = arith.extui %lt3A_272 : i1 to i32
      %cond3A_274 = arith.constant 0 : i32
      %cond3A_275 = arith.cmpi ne, %convert_element_type3A_273, %cond3A_274 : i32
      scf.if %cond3A_275 {
        %dma_start3A_345 = arith.constant 0 : i32
        %dma_start3A_346 = tpu.memref_slice %arg7[%add3A_258, %dma_start3A_345] : memref<250x40xi32, #tpu.memory_space<vmem>> -> memref<1x40xi32, #tpu.memory_space<vmem>>
        %dma_start3A_347 = tpu.memref_squeeze %dma_start3A_346 : memref<1x40xi32, #tpu.memory_space<vmem>> -> memref<40xi32, #tpu.memory_space<vmem>>
        %dma_start3A_348 = arith.constant 0 : i32
        %dma_start3A_349 = arith.constant 0 : i32
        %dma_start3A_350 = tpu.memref_slice %arg2[%dma_start3A_348, %dma_start3A_349] : memref<10000x48xf32, #tpu.memory_space<hbm>> -> memref<10000x48xf32, #tpu.memory_space<hbm>>
        tpu.enqueue_indirect_dma source(%dma_start3A_350 : memref<10000x48xf32, #tpu.memory_space<hbm>>) target(%arg9 : memref<40x48xf32, #tpu.memory_space<vmem>>) offsets(%dma_start3A_347 : memref<40xi32, #tpu.memory_space<vmem>>) semaphore(%arg29 : memref<!tpu.dma_semaphore, #tpu.memory_space<semaphore_mem>>)
        %dma_start3A_351 = arith.constant 0 : i32
        %dma_start3A_352 = tpu.memref_slice %arg4[%add3A, %add3A_258, %dma_start3A_351] : memref<32x250x40xi32, #tpu.memory_space<hbm>> -> memref<1x1x40xi32, #tpu.memory_space<hbm>>
        %dma_start3A_353 = tpu.memref_squeeze %dma_start3A_352 : memref<1x1x40xi32, #tpu.memory_space<hbm>> -> memref<40xi32, #tpu.memory_space<hbm>>
        %dma_start3A_354 = arith.constant 0 : i32
        %dma_start3A_355 = tpu.memref_slice %arg4[%add3A, %add3A_258, %dma_start3A_354] : memref<32x250x40xi32, #tpu.memory_space<hbm>> -> memref<1x1x40xi32, #tpu.memory_space<hbm>>
        %dma_start3A_356 = tpu.memref_squeeze %dma_start3A_355 : memref<1x1x40xi32, #tpu.memory_space<hbm>> -> memref<40xi32, #tpu.memory_space<hbm>>
        tpu.enqueue_dma source(%dma_start3A_356 : memref<40xi32, #tpu.memory_space<hbm>>) target(%arg19 : memref<40xi32, #tpu.memory_space<vmem>>) target_semaphore(%arg39 : memref<!tpu.dma_semaphore, #tpu.memory_space<semaphore_mem>>)
      } else {
      }
      "tpu.region"() ({
        %run_scoped3A = tpu.sem_alloc : memref<!tpu.dma_semaphore, #tpu.memory_space<semaphore_mem>>
        %dma_start3A_345 = arith.constant 0 : i32
        %dma_start3A_346 = arith.constant 0 : i32
        %dma_start3A_347 = tpu.memref_slice %arg48[%dma_start3A_345, %dma_start3A_346] : memref<10240x48xf32, #tpu.memory_space<vmem_shared>> -> memref<10240x48xf32, #tpu.memory_space<vmem_shared>>
        tpu.enqueue_indirect_dma source(%arg14 : memref<40x48xf32, #tpu.memory_space<vmem>>) target(%dma_start3A_347 : memref<10240x48xf32, #tpu.memory_space<vmem_shared>>) offsets(%arg24 : memref<40xi32, #tpu.memory_space<vmem>>) semaphore(%run_scoped3A : memref<!tpu.dma_semaphore, #tpu.memory_space<semaphore_mem>>) {add = true}
        %dma_wait3A_348 = arith.constant 0 : i32
        %dma_wait3A_349 = arith.constant 0 : i32
        %dma_wait3A_350 = tpu.memref_slice %arg48[%dma_wait3A_348, %dma_wait3A_349] : memref<10240x48xf32, #tpu.memory_space<vmem_shared>> -> memref<10240x48xf32, #tpu.memory_space<vmem_shared>>
        tpu.wait_indirect_dma semaphore(%run_scoped3A : memref<!tpu.dma_semaphore, #tpu.memory_space<semaphore_mem>>) src(%arg14 : memref<40x48xf32, #tpu.memory_space<vmem>>) dst(%dma_wait3A_350 : memref<10240x48xf32, #tpu.memory_space<vmem_shared>>)
        tpu.yield
      }) : () -> ()
      %mul3A_276 = arith.constant 10 : i32
      %mul3A_277 = arith.muli %while3A_83, %mul3A_276 : i32
      %add3A_278 = arith.constant 7 : i32
      %add3A_279 = arith.addi %mul3A_277, %add3A_278 : i32
      %add3A_280 = arith.constant 5 : i32
      %add3A_281 = arith.addi %add3A_279, %add3A_280 : i32
      %dma_wait3A_282 = arith.constant 0 : i32
      %dma_wait3A_283 = tpu.memref_slice %arg7[%add3A_279, %dma_wait3A_282] : memref<250x40xi32, #tpu.memory_space<vmem>> -> memref<1x40xi32, #tpu.memory_space<vmem>>
      %dma_wait3A_284 = tpu.memref_squeeze %dma_wait3A_283 : memref<1x40xi32, #tpu.memory_space<vmem>> -> memref<40xi32, #tpu.memory_space<vmem>>
      %dma_wait3A_285 = arith.constant 0 : i32
      %dma_wait3A_286 = arith.constant 0 : i32
      %dma_wait3A_287 = tpu.memref_slice %arg2[%dma_wait3A_285, %dma_wait3A_286] : memref<10000x48xf32, #tpu.memory_space<hbm>> -> memref<10000x48xf32, #tpu.memory_space<hbm>>
      tpu.wait_indirect_dma semaphore(%arg35 : memref<!tpu.dma_semaphore, #tpu.memory_space<semaphore_mem>>) src(%dma_wait3A_287 : memref<10000x48xf32, #tpu.memory_space<hbm>>) dst(%arg15 : memref<40x48xf32, #tpu.memory_space<vmem>>)
      %dma_wait3A_288 = arith.constant 0 : i32
      %dma_wait3A_289 = tpu.memref_slice %arg4[%add3A, %add3A_279, %dma_wait3A_288] : memref<32x250x40xi32, #tpu.memory_space<hbm>> -> memref<1x1x40xi32, #tpu.memory_space<hbm>>
      %dma_wait3A_290 = tpu.memref_squeeze %dma_wait3A_289 : memref<1x1x40xi32, #tpu.memory_space<hbm>> -> memref<40xi32, #tpu.memory_space<hbm>>
      %dma_wait3A_291 = arith.constant 0 : i32
      %dma_wait3A_292 = tpu.memref_slice %arg4[%add3A, %add3A_279, %dma_wait3A_291] : memref<32x250x40xi32, #tpu.memory_space<hbm>> -> memref<1x1x40xi32, #tpu.memory_space<hbm>>
      %dma_wait3A_293 = tpu.memref_squeeze %dma_wait3A_292 : memref<1x1x40xi32, #tpu.memory_space<hbm>> -> memref<40xi32, #tpu.memory_space<hbm>>
      tpu.wait_dma2 semaphore(%arg45 : memref<!tpu.dma_semaphore, #tpu.memory_space<semaphore_mem>>) src(%dma_wait3A_293 : memref<40xi32, #tpu.memory_space<hbm>>) dst(%arg25 : memref<40xi32, #tpu.memory_space<vmem>>)
      %lt3A_294 = arith.constant 24 : i32
      %lt3A_295 = arith.cmpi slt, %while3A_83, %lt3A_294 : i32
      %convert_element_type3A_296 = arith.extui %lt3A_295 : i1 to i32
      %cond3A_297 = arith.constant 0 : i32
      %cond3A_298 = arith.cmpi ne, %convert_element_type3A_296, %cond3A_297 : i32
      scf.if %cond3A_298 {
        %dma_start3A_345 = arith.constant 0 : i32
        %dma_start3A_346 = tpu.memref_slice %arg7[%add3A_281, %dma_start3A_345] : memref<250x40xi32, #tpu.memory_space<vmem>> -> memref<1x40xi32, #tpu.memory_space<vmem>>
        %dma_start3A_347 = tpu.memref_squeeze %dma_start3A_346 : memref<1x40xi32, #tpu.memory_space<vmem>> -> memref<40xi32, #tpu.memory_space<vmem>>
        %dma_start3A_348 = arith.constant 0 : i32
        %dma_start3A_349 = arith.constant 0 : i32
        %dma_start3A_350 = tpu.memref_slice %arg2[%dma_start3A_348, %dma_start3A_349] : memref<10000x48xf32, #tpu.memory_space<hbm>> -> memref<10000x48xf32, #tpu.memory_space<hbm>>
        tpu.enqueue_indirect_dma source(%dma_start3A_350 : memref<10000x48xf32, #tpu.memory_space<hbm>>) target(%arg10 : memref<40x48xf32, #tpu.memory_space<vmem>>) offsets(%dma_start3A_347 : memref<40xi32, #tpu.memory_space<vmem>>) semaphore(%arg30 : memref<!tpu.dma_semaphore, #tpu.memory_space<semaphore_mem>>)
        %dma_start3A_351 = arith.constant 0 : i32
        %dma_start3A_352 = tpu.memref_slice %arg4[%add3A, %add3A_281, %dma_start3A_351] : memref<32x250x40xi32, #tpu.memory_space<hbm>> -> memref<1x1x40xi32, #tpu.memory_space<hbm>>
        %dma_start3A_353 = tpu.memref_squeeze %dma_start3A_352 : memref<1x1x40xi32, #tpu.memory_space<hbm>> -> memref<40xi32, #tpu.memory_space<hbm>>
        %dma_start3A_354 = arith.constant 0 : i32
        %dma_start3A_355 = tpu.memref_slice %arg4[%add3A, %add3A_281, %dma_start3A_354] : memref<32x250x40xi32, #tpu.memory_space<hbm>> -> memref<1x1x40xi32, #tpu.memory_space<hbm>>
        %dma_start3A_356 = tpu.memref_squeeze %dma_start3A_355 : memref<1x1x40xi32, #tpu.memory_space<hbm>> -> memref<40xi32, #tpu.memory_space<hbm>>
        tpu.enqueue_dma source(%dma_start3A_356 : memref<40xi32, #tpu.memory_space<hbm>>) target(%arg20 : memref<40xi32, #tpu.memory_space<vmem>>) target_semaphore(%arg40 : memref<!tpu.dma_semaphore, #tpu.memory_space<semaphore_mem>>)
      } else {
      }
      "tpu.region"() ({
        %run_scoped3A = tpu.sem_alloc : memref<!tpu.dma_semaphore, #tpu.memory_space<semaphore_mem>>
        %dma_start3A_345 = arith.constant 0 : i32
        %dma_start3A_346 = arith.constant 0 : i32
        %dma_start3A_347 = tpu.memref_slice %arg48[%dma_start3A_345, %dma_start3A_346] : memref<10240x48xf32, #tpu.memory_space<vmem_shared>> -> memref<10240x48xf32, #tpu.memory_space<vmem_shared>>
        tpu.enqueue_indirect_dma source(%arg15 : memref<40x48xf32, #tpu.memory_space<vmem>>) target(%dma_start3A_347 : memref<10240x48xf32, #tpu.memory_space<vmem_shared>>) offsets(%arg25 : memref<40xi32, #tpu.memory_space<vmem>>) semaphore(%run_scoped3A : memref<!tpu.dma_semaphore, #tpu.memory_space<semaphore_mem>>) {add = true}
        %dma_wait3A_348 = arith.constant 0 : i32
        %dma_wait3A_349 = arith.constant 0 : i32
        %dma_wait3A_350 = tpu.memref_slice %arg48[%dma_wait3A_348, %dma_wait3A_349] : memref<10240x48xf32, #tpu.memory_space<vmem_shared>> -> memref<10240x48xf32, #tpu.memory_space<vmem_shared>>
        tpu.wait_indirect_dma semaphore(%run_scoped3A : memref<!tpu.dma_semaphore, #tpu.memory_space<semaphore_mem>>) src(%arg15 : memref<40x48xf32, #tpu.memory_space<vmem>>) dst(%dma_wait3A_350 : memref<10240x48xf32, #tpu.memory_space<vmem_shared>>)
        tpu.yield
      }) : () -> ()
      %mul3A_299 = arith.constant 10 : i32
      %mul3A_300 = arith.muli %while3A_83, %mul3A_299 : i32
      %add3A_301 = arith.constant 8 : i32
      %add3A_302 = arith.addi %mul3A_300, %add3A_301 : i32
      %add3A_303 = arith.constant 5 : i32
      %add3A_304 = arith.addi %add3A_302, %add3A_303 : i32
      %dma_wait3A_305 = arith.constant 0 : i32
      %dma_wait3A_306 = tpu.memref_slice %arg7[%add3A_302, %dma_wait3A_305] : memref<250x40xi32, #tpu.memory_space<vmem>> -> memref<1x40xi32, #tpu.memory_space<vmem>>
      %dma_wait3A_307 = tpu.memref_squeeze %dma_wait3A_306 : memref<1x40xi32, #tpu.memory_space<vmem>> -> memref<40xi32, #tpu.memory_space<vmem>>
      %dma_wait3A_308 = arith.constant 0 : i32
      %dma_wait3A_309 = arith.constant 0 : i32
      %dma_wait3A_310 = tpu.memref_slice %arg2[%dma_wait3A_308, %dma_wait3A_309] : memref<10000x48xf32, #tpu.memory_space<hbm>> -> memref<10000x48xf32, #tpu.memory_space<hbm>>
      tpu.wait_indirect_dma semaphore(%arg36 : memref<!tpu.dma_semaphore, #tpu.memory_space<semaphore_mem>>) src(%dma_wait3A_310 : memref<10000x48xf32, #tpu.memory_space<hbm>>) dst(%arg16 : memref<40x48xf32, #tpu.memory_space<vmem>>)
      %dma_wait3A_311 = arith.constant 0 : i32
      %dma_wait3A_312 = tpu.memref_slice %arg4[%add3A, %add3A_302, %dma_wait3A_311] : memref<32x250x40xi32, #tpu.memory_space<hbm>> -> memref<1x1x40xi32, #tpu.memory_space<hbm>>
      %dma_wait3A_313 = tpu.memref_squeeze %dma_wait3A_312 : memref<1x1x40xi32, #tpu.memory_space<hbm>> -> memref<40xi32, #tpu.memory_space<hbm>>
      %dma_wait3A_314 = arith.constant 0 : i32
      %dma_wait3A_315 = tpu.memref_slice %arg4[%add3A, %add3A_302, %dma_wait3A_314] : memref<32x250x40xi32, #tpu.memory_space<hbm>> -> memref<1x1x40xi32, #tpu.memory_space<hbm>>
      %dma_wait3A_316 = tpu.memref_squeeze %dma_wait3A_315 : memref<1x1x40xi32, #tpu.memory_space<hbm>> -> memref<40xi32, #tpu.memory_space<hbm>>
      tpu.wait_dma2 semaphore(%arg46 : memref<!tpu.dma_semaphore, #tpu.memory_space<semaphore_mem>>) src(%dma_wait3A_316 : memref<40xi32, #tpu.memory_space<hbm>>) dst(%arg26 : memref<40xi32, #tpu.memory_space<vmem>>)
      %lt3A_317 = arith.constant 24 : i32
      %lt3A_318 = arith.cmpi slt, %while3A_83, %lt3A_317 : i32
      %convert_element_type3A_319 = arith.extui %lt3A_318 : i1 to i32
      %cond3A_320 = arith.constant 0 : i32
      %cond3A_321 = arith.cmpi ne, %convert_element_type3A_319, %cond3A_320 : i32
      scf.if %cond3A_321 {
        %dma_start3A_345 = arith.constant 0 : i32
        %dma_start3A_346 = tpu.memref_slice %arg7[%add3A_304, %dma_start3A_345] : memref<250x40xi32, #tpu.memory_space<vmem>> -> memref<1x40xi32, #tpu.memory_space<vmem>>
        %dma_start3A_347 = tpu.memref_squeeze %dma_start3A_346 : memref<1x40xi32, #tpu.memory_space<vmem>> -> memref<40xi32, #tpu.memory_space<vmem>>
        %dma_start3A_348 = arith.constant 0 : i32
        %dma_start3A_349 = arith.constant 0 : i32
        %dma_start3A_350 = tpu.memref_slice %arg2[%dma_start3A_348, %dma_start3A_349] : memref<10000x48xf32, #tpu.memory_space<hbm>> -> memref<10000x48xf32, #tpu.memory_space<hbm>>
        tpu.enqueue_indirect_dma source(%dma_start3A_350 : memref<10000x48xf32, #tpu.memory_space<hbm>>) target(%arg11 : memref<40x48xf32, #tpu.memory_space<vmem>>) offsets(%dma_start3A_347 : memref<40xi32, #tpu.memory_space<vmem>>) semaphore(%arg31 : memref<!tpu.dma_semaphore, #tpu.memory_space<semaphore_mem>>)
        %dma_start3A_351 = arith.constant 0 : i32
        %dma_start3A_352 = tpu.memref_slice %arg4[%add3A, %add3A_304, %dma_start3A_351] : memref<32x250x40xi32, #tpu.memory_space<hbm>> -> memref<1x1x40xi32, #tpu.memory_space<hbm>>
        %dma_start3A_353 = tpu.memref_squeeze %dma_start3A_352 : memref<1x1x40xi32, #tpu.memory_space<hbm>> -> memref<40xi32, #tpu.memory_space<hbm>>
        %dma_start3A_354 = arith.constant 0 : i32
        %dma_start3A_355 = tpu.memref_slice %arg4[%add3A, %add3A_304, %dma_start3A_354] : memref<32x250x40xi32, #tpu.memory_space<hbm>> -> memref<1x1x40xi32, #tpu.memory_space<hbm>>
        %dma_start3A_356 = tpu.memref_squeeze %dma_start3A_355 : memref<1x1x40xi32, #tpu.memory_space<hbm>> -> memref<40xi32, #tpu.memory_space<hbm>>
        tpu.enqueue_dma source(%dma_start3A_356 : memref<40xi32, #tpu.memory_space<hbm>>) target(%arg21 : memref<40xi32, #tpu.memory_space<vmem>>) target_semaphore(%arg41 : memref<!tpu.dma_semaphore, #tpu.memory_space<semaphore_mem>>)
      } else {
      }
      "tpu.region"() ({
        %run_scoped3A = tpu.sem_alloc : memref<!tpu.dma_semaphore, #tpu.memory_space<semaphore_mem>>
        %dma_start3A_345 = arith.constant 0 : i32
        %dma_start3A_346 = arith.constant 0 : i32
        %dma_start3A_347 = tpu.memref_slice %arg48[%dma_start3A_345, %dma_start3A_346] : memref<10240x48xf32, #tpu.memory_space<vmem_shared>> -> memref<10240x48xf32, #tpu.memory_space<vmem_shared>>
        tpu.enqueue_indirect_dma source(%arg16 : memref<40x48xf32, #tpu.memory_space<vmem>>) target(%dma_start3A_347 : memref<10240x48xf32, #tpu.memory_space<vmem_shared>>) offsets(%arg26 : memref<40xi32, #tpu.memory_space<vmem>>) semaphore(%run_scoped3A : memref<!tpu.dma_semaphore, #tpu.memory_space<semaphore_mem>>) {add = true}
        %dma_wait3A_348 = arith.constant 0 : i32
        %dma_wait3A_349 = arith.constant 0 : i32
        %dma_wait3A_350 = tpu.memref_slice %arg48[%dma_wait3A_348, %dma_wait3A_349] : memref<10240x48xf32, #tpu.memory_space<vmem_shared>> -> memref<10240x48xf32, #tpu.memory_space<vmem_shared>>
        tpu.wait_indirect_dma semaphore(%run_scoped3A : memref<!tpu.dma_semaphore, #tpu.memory_space<semaphore_mem>>) src(%arg16 : memref<40x48xf32, #tpu.memory_space<vmem>>) dst(%dma_wait3A_350 : memref<10240x48xf32, #tpu.memory_space<vmem_shared>>)
        tpu.yield
      }) : () -> ()
      %mul3A_322 = arith.constant 10 : i32
      %mul3A_323 = arith.muli %while3A_83, %mul3A_322 : i32
      %add3A_324 = arith.constant 9 : i32
      %add3A_325 = arith.addi %mul3A_323, %add3A_324 : i32
      %add3A_326 = arith.constant 5 : i32
      %add3A_327 = arith.addi %add3A_325, %add3A_326 : i32
      %dma_wait3A_328 = arith.constant 0 : i32
      %dma_wait3A_329 = tpu.memref_slice %arg7[%add3A_325, %dma_wait3A_328] : memref<250x40xi32, #tpu.memory_space<vmem>> -> memref<1x40xi32, #tpu.memory_space<vmem>>
      %dma_wait3A_330 = tpu.memref_squeeze %dma_wait3A_329 : memref<1x40xi32, #tpu.memory_space<vmem>> -> memref<40xi32, #tpu.memory_space<vmem>>
      %dma_wait3A_331 = arith.constant 0 : i32
      %dma_wait3A_332 = arith.constant 0 : i32
      %dma_wait3A_333 = tpu.memref_slice %arg2[%dma_wait3A_331, %dma_wait3A_332] : memref<10000x48xf32, #tpu.memory_space<hbm>> -> memref<10000x48xf32, #tpu.memory_space<hbm>>
      tpu.wait_indirect_dma semaphore(%arg37 : memref<!tpu.dma_semaphore, #tpu.memory_space<semaphore_mem>>) src(%dma_wait3A_333 : memref<10000x48xf32, #tpu.memory_space<hbm>>) dst(%arg17 : memref<40x48xf32, #tpu.memory_space<vmem>>)
      %dma_wait3A_334 = arith.constant 0 : i32
      %dma_wait3A_335 = tpu.memref_slice %arg4[%add3A, %add3A_325, %dma_wait3A_334] : memref<32x250x40xi32, #tpu.memory_space<hbm>> -> memref<1x1x40xi32, #tpu.memory_space<hbm>>
      %dma_wait3A_336 = tpu.memref_squeeze %dma_wait3A_335 : memref<1x1x40xi32, #tpu.memory_space<hbm>> -> memref<40xi32, #tpu.memory_space<hbm>>
      %dma_wait3A_337 = arith.constant 0 : i32
      %dma_wait3A_338 = tpu.memref_slice %arg4[%add3A, %add3A_325, %dma_wait3A_337] : memref<32x250x40xi32, #tpu.memory_space<hbm>> -> memref<1x1x40xi32, #tpu.memory_space<hbm>>
      %dma_wait3A_339 = tpu.memref_squeeze %dma_wait3A_338 : memref<1x1x40xi32, #tpu.memory_space<hbm>> -> memref<40xi32, #tpu.memory_space<hbm>>
      tpu.wait_dma2 semaphore(%arg47 : memref<!tpu.dma_semaphore, #tpu.memory_space<semaphore_mem>>) src(%dma_wait3A_339 : memref<40xi32, #tpu.memory_space<hbm>>) dst(%arg27 : memref<40xi32, #tpu.memory_space<vmem>>)
      %lt3A_340 = arith.constant 24 : i32
      %lt3A_341 = arith.cmpi slt, %while3A_83, %lt3A_340 : i32
      %convert_element_type3A_342 = arith.extui %lt3A_341 : i1 to i32
      %cond3A_343 = arith.constant 0 : i32
      %cond3A_344 = arith.cmpi ne, %convert_element_type3A_342, %cond3A_343 : i32
      scf.if %cond3A_344 {
        %dma_start3A_345 = arith.constant 0 : i32
        %dma_start3A_346 = tpu.memref_slice %arg7[%add3A_327, %dma_start3A_345] : memref<250x40xi32, #tpu.memory_space<vmem>> -> memref<1x40xi32, #tpu.memory_space<vmem>>
        %dma_start3A_347 = tpu.memref_squeeze %dma_start3A_346 : memref<1x40xi32, #tpu.memory_space<vmem>> -> memref<40xi32, #tpu.memory_space<vmem>>
        %dma_start3A_348 = arith.constant 0 : i32
        %dma_start3A_349 = arith.constant 0 : i32
        %dma_start3A_350 = tpu.memref_slice %arg2[%dma_start3A_348, %dma_start3A_349] : memref<10000x48xf32, #tpu.memory_space<hbm>> -> memref<10000x48xf32, #tpu.memory_space<hbm>>
        tpu.enqueue_indirect_dma source(%dma_start3A_350 : memref<10000x48xf32, #tpu.memory_space<hbm>>) target(%arg12 : memref<40x48xf32, #tpu.memory_space<vmem>>) offsets(%dma_start3A_347 : memref<40xi32, #tpu.memory_space<vmem>>) semaphore(%arg32 : memref<!tpu.dma_semaphore, #tpu.memory_space<semaphore_mem>>)
        %dma_start3A_351 = arith.constant 0 : i32
        %dma_start3A_352 = tpu.memref_slice %arg4[%add3A, %add3A_327, %dma_start3A_351] : memref<32x250x40xi32, #tpu.memory_space<hbm>> -> memref<1x1x40xi32, #tpu.memory_space<hbm>>
        %dma_start3A_353 = tpu.memref_squeeze %dma_start3A_352 : memref<1x1x40xi32, #tpu.memory_space<hbm>> -> memref<40xi32, #tpu.memory_space<hbm>>
        %dma_start3A_354 = arith.constant 0 : i32
        %dma_start3A_355 = tpu.memref_slice %arg4[%add3A, %add3A_327, %dma_start3A_354] : memref<32x250x40xi32, #tpu.memory_space<hbm>> -> memref<1x1x40xi32, #tpu.memory_space<hbm>>
        %dma_start3A_356 = tpu.memref_squeeze %dma_start3A_355 : memref<1x1x40xi32, #tpu.memory_space<hbm>> -> memref<40xi32, #tpu.memory_space<hbm>>
        tpu.enqueue_dma source(%dma_start3A_356 : memref<40xi32, #tpu.memory_space<hbm>>) target(%arg22 : memref<40xi32, #tpu.memory_space<vmem>>) target_semaphore(%arg42 : memref<!tpu.dma_semaphore, #tpu.memory_space<semaphore_mem>>)
      } else {
      }
      "tpu.region"() ({
        %run_scoped3A = tpu.sem_alloc : memref<!tpu.dma_semaphore, #tpu.memory_space<semaphore_mem>>
        %dma_start3A_345 = arith.constant 0 : i32
        %dma_start3A_346 = arith.constant 0 : i32
        %dma_start3A_347 = tpu.memref_slice %arg48[%dma_start3A_345, %dma_start3A_346] : memref<10240x48xf32, #tpu.memory_space<vmem_shared>> -> memref<10240x48xf32, #tpu.memory_space<vmem_shared>>
        tpu.enqueue_indirect_dma source(%arg17 : memref<40x48xf32, #tpu.memory_space<vmem>>) target(%dma_start3A_347 : memref<10240x48xf32, #tpu.memory_space<vmem_shared>>) offsets(%arg27 : memref<40xi32, #tpu.memory_space<vmem>>) semaphore(%run_scoped3A : memref<!tpu.dma_semaphore, #tpu.memory_space<semaphore_mem>>) {add = true}
        %dma_wait3A_348 = arith.constant 0 : i32
        %dma_wait3A_349 = arith.constant 0 : i32
        %dma_wait3A_350 = tpu.memref_slice %arg48[%dma_wait3A_348, %dma_wait3A_349] : memref<10240x48xf32, #tpu.memory_space<vmem_shared>> -> memref<10240x48xf32, #tpu.memory_space<vmem_shared>>
        tpu.wait_indirect_dma semaphore(%run_scoped3A : memref<!tpu.dma_semaphore, #tpu.memory_space<semaphore_mem>>) src(%arg17 : memref<40x48xf32, #tpu.memory_space<vmem>>) dst(%dma_wait3A_350 : memref<10240x48xf32, #tpu.memory_space<vmem_shared>>)
        tpu.yield
      }) : () -> ()
    }
    %while3A_81 = arith.constant 1 : i32
    scf.for %while3A_83 = %while3A_79 to %while3A_75 step %while3A_81  : i32 {
      %mul3A_84 = arith.constant 10 : i32
      %mul3A_85 = arith.muli %while3A_83, %mul3A_84 : i32
      %add3A_86 = arith.constant 0 : i32
      %add3A_87 = arith.addi %mul3A_85, %add3A_86 : i32
      %add3A_88 = arith.constant 5 : i32
      %add3A_89 = arith.addi %add3A_87, %add3A_88 : i32
      %dma_wait3A = arith.constant 0 : i32
      %dma_wait3A_90 = tpu.memref_slice %arg7[%add3A_87, %dma_wait3A] : memref<250x40xi32, #tpu.memory_space<vmem>> -> memref<1x40xi32, #tpu.memory_space<vmem>>
      %dma_wait3A_91 = tpu.memref_squeeze %dma_wait3A_90 : memref<1x40xi32, #tpu.memory_space<vmem>> -> memref<40xi32, #tpu.memory_space<vmem>>
      %dma_wait3A_92 = arith.constant 0 : i32
      %dma_wait3A_93 = arith.constant 0 : i32
      %dma_wait3A_94 = tpu.memref_slice %arg2[%dma_wait3A_92, %dma_wait3A_93] : memref<10000x48xf32, #tpu.memory_space<hbm>> -> memref<10000x48xf32, #tpu.memory_space<hbm>>
      tpu.wait_indirect_dma semaphore(%arg28 : memref<!tpu.dma_semaphore, #tpu.memory_space<semaphore_mem>>) src(%dma_wait3A_94 : memref<10000x48xf32, #tpu.memory_space<hbm>>) dst(%arg8 : memref<40x48xf32, #tpu.memory_space<vmem>>)
      %dma_wait3A_95 = arith.constant 0 : i32
      %dma_wait3A_96 = tpu.memref_slice %arg4[%add3A, %add3A_87, %dma_wait3A_95] : memref<32x250x40xi32, #tpu.memory_space<hbm>> -> memref<1x1x40xi32, #tpu.memory_space<hbm>>
      %dma_wait3A_97 = tpu.memref_squeeze %dma_wait3A_96 : memref<1x1x40xi32, #tpu.memory_space<hbm>> -> memref<40xi32, #tpu.memory_space<hbm>>
      %dma_wait3A_98 = arith.constant 0 : i32
      %dma_wait3A_99 = tpu.memref_slice %arg4[%add3A, %add3A_87, %dma_wait3A_98] : memref<32x250x40xi32, #tpu.memory_space<hbm>> -> memref<1x1x40xi32, #tpu.memory_space<hbm>>
      %dma_wait3A_100 = tpu.memref_squeeze %dma_wait3A_99 : memref<1x1x40xi32, #tpu.memory_space<hbm>> -> memref<40xi32, #tpu.memory_space<hbm>>
      tpu.wait_dma2 semaphore(%arg38 : memref<!tpu.dma_semaphore, #tpu.memory_space<semaphore_mem>>) src(%dma_wait3A_100 : memref<40xi32, #tpu.memory_space<hbm>>) dst(%arg18 : memref<40xi32, #tpu.memory_space<vmem>>)
      %dma_start3A_101 = arith.constant 0 : i32
      %dma_start3A_102 = tpu.memref_slice %arg7[%add3A_89, %dma_start3A_101] : memref<250x40xi32, #tpu.memory_space<vmem>> -> memref<1x40xi32, #tpu.memory_space<vmem>>
      %dma_start3A_103 = tpu.memref_squeeze %dma_start3A_102 : memref<1x40xi32, #tpu.memory_space<vmem>> -> memref<40xi32, #tpu.memory_space<vmem>>
      %dma_start3A_104 = arith.constant 0 : i32
      %dma_start3A_105 = arith.constant 0 : i32
      %dma_start3A_106 = tpu.memref_slice %arg2[%dma_start3A_104, %dma_start3A_105] : memref<10000x48xf32, #tpu.memory_space<hbm>> -> memref<10000x48xf32, #tpu.memory_space<hbm>>
      tpu.enqueue_indirect_dma source(%dma_start3A_106 : memref<10000x48xf32, #tpu.memory_space<hbm>>) target(%arg13 : memref<40x48xf32, #tpu.memory_space<vmem>>) offsets(%dma_start3A_103 : memref<40xi32, #tpu.memory_space<vmem>>) semaphore(%arg33 : memref<!tpu.dma_semaphore, #tpu.memory_space<semaphore_mem>>)
      %dma_start3A_107 = arith.constant 0 : i32
      %dma_start3A_108 = tpu.memref_slice %arg4[%add3A, %add3A_89, %dma_start3A_107] : memref<32x250x40xi32, #tpu.memory_space<hbm>> -> memref<1x1x40xi32, #tpu.memory_space<hbm>>
      %dma_start3A_109 = tpu.memref_squeeze %dma_start3A_108 : memref<1x1x40xi32, #tpu.memory_space<hbm>> -> memref<40xi32, #tpu.memory_space<hbm>>
      %dma_start3A_110 = arith.constant 0 : i32
      %dma_start3A_111 = tpu.memref_slice %arg4[%add3A, %add3A_89, %dma_start3A_110] : memref<32x250x40xi32, #tpu.memory_space<hbm>> -> memref<1x1x40xi32, #tpu.memory_space<hbm>>
      %dma_start3A_112 = tpu.memref_squeeze %dma_start3A_111 : memref<1x1x40xi32, #tpu.memory_space<hbm>> -> memref<40xi32, #tpu.memory_space<hbm>>
      tpu.enqueue_dma source(%dma_start3A_112 : memref<40xi32, #tpu.memory_space<hbm>>) target(%arg23 : memref<40xi32, #tpu.memory_space<vmem>>) target_semaphore(%arg43 : memref<!tpu.dma_semaphore, #tpu.memory_space<semaphore_mem>>)
      "tpu.region"() ({
        %run_scoped3A = tpu.sem_alloc : memref<!tpu.dma_semaphore, #tpu.memory_space<semaphore_mem>>
        %dma_start3A_345 = arith.constant 0 : i32
        %dma_start3A_346 = arith.constant 0 : i32
        %dma_start3A_347 = tpu.memref_slice %arg48[%dma_start3A_345, %dma_start3A_346] : memref<10240x48xf32, #tpu.memory_space<vmem_shared>> -> memref<10240x48xf32, #tpu.memory_space<vmem_shared>>
        tpu.enqueue_indirect_dma source(%arg8 : memref<40x48xf32, #tpu.memory_space<vmem>>) target(%dma_start3A_347 : memref<10240x48xf32, #tpu.memory_space<vmem_shared>>) offsets(%arg18 : memref<40xi32, #tpu.memory_space<vmem>>) semaphore(%run_scoped3A : memref<!tpu.dma_semaphore, #tpu.memory_space<semaphore_mem>>) {add = true}
        %dma_wait3A_348 = arith.constant 0 : i32
        %dma_wait3A_349 = arith.constant 0 : i32
        %dma_wait3A_350 = tpu.memref_slice %arg48[%dma_wait3A_348, %dma_wait3A_349] : memref<10240x48xf32, #tpu.memory_space<vmem_shared>> -> memref<10240x48xf32, #tpu.memory_space<vmem_shared>>
        tpu.wait_indirect_dma semaphore(%run_scoped3A : memref<!tpu.dma_semaphore, #tpu.memory_space<semaphore_mem>>) src(%arg8 : memref<40x48xf32, #tpu.memory_space<vmem>>) dst(%dma_wait3A_350 : memref<10240x48xf32, #tpu.memory_space<vmem_shared>>)
        tpu.yield
      }) : () -> ()
      %mul3A_113 = arith.constant 10 : i32
      %mul3A_114 = arith.muli %while3A_83, %mul3A_113 : i32
      %add3A_115 = arith.constant 1 : i32
      %add3A_116 = arith.addi %mul3A_114, %add3A_115 : i32
      %add3A_117 = arith.constant 5 : i32
      %add3A_118 = arith.addi %add3A_116, %add3A_117 : i32
      %dma_wait3A_119 = arith.constant 0 : i32
      %dma_wait3A_120 = tpu.memref_slice %arg7[%add3A_116, %dma_wait3A_119] : memref<250x40xi32, #tpu.memory_space<vmem>> -> memref<1x40xi32, #tpu.memory_space<vmem>>
      %dma_wait3A_121 = tpu.memref_squeeze %dma_wait3A_120 : memref<1x40xi32, #tpu.memory_space<vmem>> -> memref<40xi32, #tpu.memory_space<vmem>>
      %dma_wait3A_122 = arith.constant 0 : i32
      %dma_wait3A_123 = arith.constant 0 : i32
      %dma_wait3A_124 = tpu.memref_slice %arg2[%dma_wait3A_122, %dma_wait3A_123] : memref<10000x48xf32, #tpu.memory_space<hbm>> -> memref<10000x48xf32, #tpu.memory_space<hbm>>
      tpu.wait_indirect_dma semaphore(%arg29 : memref<!tpu.dma_semaphore, #tpu.memory_space<semaphore_mem>>) src(%dma_wait3A_124 : memref<10000x48xf32, #tpu.memory_space<hbm>>) dst(%arg9 : memref<40x48xf32, #tpu.memory_space<vmem>>)
      %dma_wait3A_125 = arith.constant 0 : i32
      %dma_wait3A_126 = tpu.memref_slice %arg4[%add3A, %add3A_116, %dma_wait3A_125] : memref<32x250x40xi32, #tpu.memory_space<hbm>> -> memref<1x1x40xi32, #tpu.memory_space<hbm>>
      %dma_wait3A_127 = tpu.memref_squeeze %dma_wait3A_126 : memref<1x1x40xi32, #tpu.memory_space<hbm>> -> memref<40xi32, #tpu.memory_space<hbm>>
      %dma_wait3A_128 = arith.constant 0 : i32
      %dma_wait3A_129 = tpu.memref_slice %arg4[%add3A, %add3A_116, %dma_wait3A_128] : memref<32x250x40xi32, #tpu.memory_space<hbm>> -> memref<1x1x40xi32, #tpu.memory_space<hbm>>
      %dma_wait3A_130 = tpu.memref_squeeze %dma_wait3A_129 : memref<1x1x40xi32, #tpu.memory_space<hbm>> -> memref<40xi32, #tpu.memory_space<hbm>>
      tpu.wait_dma2 semaphore(%arg39 : memref<!tpu.dma_semaphore, #tpu.memory_space<semaphore_mem>>) src(%dma_wait3A_130 : memref<40xi32, #tpu.memory_space<hbm>>) dst(%arg19 : memref<40xi32, #tpu.memory_space<vmem>>)
      %dma_start3A_131 = arith.constant 0 : i32
      %dma_start3A_132 = tpu.memref_slice %arg7[%add3A_118, %dma_start3A_131] : memref<250x40xi32, #tpu.memory_space<vmem>> -> memref<1x40xi32, #tpu.memory_space<vmem>>
      %dma_start3A_133 = tpu.memref_squeeze %dma_start3A_132 : memref<1x40xi32, #tpu.memory_space<vmem>> -> memref<40xi32, #tpu.memory_space<vmem>>
      %dma_start3A_134 = arith.constant 0 : i32
      %dma_start3A_135 = arith.constant 0 : i32
      %dma_start3A_136 = tpu.memref_slice %arg2[%dma_start3A_134, %dma_start3A_135] : memref<10000x48xf32, #tpu.memory_space<hbm>> -> memref<10000x48xf32, #tpu.memory_space<hbm>>
      tpu.enqueue_indirect_dma source(%dma_start3A_136 : memref<10000x48xf32, #tpu.memory_space<hbm>>) target(%arg14 : memref<40x48xf32, #tpu.memory_space<vmem>>) offsets(%dma_start3A_133 : memref<40xi32, #tpu.memory_space<vmem>>) semaphore(%arg34 : memref<!tpu.dma_semaphore, #tpu.memory_space<semaphore_mem>>)
      %dma_start3A_137 = arith.constant 0 : i32
      %dma_start3A_138 = tpu.memref_slice %arg4[%add3A, %add3A_118, %dma_start3A_137] : memref<32x250x40xi32, #tpu.memory_space<hbm>> -> memref<1x1x40xi32, #tpu.memory_space<hbm>>
      %dma_start3A_139 = tpu.memref_squeeze %dma_start3A_138 : memref<1x1x40xi32, #tpu.memory_space<hbm>> -> memref<40xi32, #tpu.memory_space<hbm>>
      %dma_start3A_140 = arith.constant 0 : i32
      %dma_start3A_141 = tpu.memref_slice %arg4[%add3A, %add3A_118, %dma_start3A_140] : memref<32x250x40xi32, #tpu.memory_space<hbm>> -> memref<1x1x40xi32, #tpu.memory_space<hbm>>
      %dma_start3A_142 = tpu.memref_squeeze %dma_start3A_141 : memref<1x1x40xi32, #tpu.memory_space<hbm>> -> memref<40xi32, #tpu.memory_space<hbm>>
      tpu.enqueue_dma source(%dma_start3A_142 : memref<40xi32, #tpu.memory_space<hbm>>) target(%arg24 : memref<40xi32, #tpu.memory_space<vmem>>) target_semaphore(%arg44 : memref<!tpu.dma_semaphore, #tpu.memory_space<semaphore_mem>>)
      "tpu.region"() ({
        %run_scoped3A = tpu.sem_alloc : memref<!tpu.dma_semaphore, #tpu.memory_space<semaphore_mem>>
        %dma_start3A_345 = arith.constant 0 : i32
        %dma_start3A_346 = arith.constant 0 : i32
        %dma_start3A_347 = tpu.memref_slice %arg48[%dma_start3A_345, %dma_start3A_346] : memref<10240x48xf32, #tpu.memory_space<vmem_shared>> -> memref<10240x48xf32, #tpu.memory_space<vmem_shared>>
        tpu.enqueue_indirect_dma source(%arg9 : memref<40x48xf32, #tpu.memory_space<vmem>>) target(%dma_start3A_347 : memref<10240x48xf32, #tpu.memory_space<vmem_shared>>) offsets(%arg19 : memref<40xi32, #tpu.memory_space<vmem>>) semaphore(%run_scoped3A : memref<!tpu.dma_semaphore, #tpu.memory_space<semaphore_mem>>) {add = true}
        %dma_wait3A_348 = arith.constant 0 : i32
        %dma_wait3A_349 = arith.constant 0 : i32
        %dma_wait3A_350 = tpu.memref_slice %arg48[%dma_wait3A_348, %dma_wait3A_349] : memref<10240x48xf32, #tpu.memory_space<vmem_shared>> -> memref<10240x48xf32, #tpu.memory_space<vmem_shared>>
        tpu.wait_indirect_dma semaphore(%run_scoped3A : memref<!tpu.dma_semaphore, #tpu.memory_space<semaphore_mem>>) src(%arg9 : memref<40x48xf32, #tpu.memory_space<vmem>>) dst(%dma_wait3A_350 : memref<10240x48xf32, #tpu.memory_space<vmem_shared>>)
        tpu.yield
      }) : () -> ()
      %mul3A_143 = arith.constant 10 : i32
      %mul3A_144 = arith.muli %while3A_83, %mul3A_143 : i32
      %add3A_145 = arith.constant 2 : i32
      %add3A_146 = arith.addi %mul3A_144, %add3A_145 : i32
      %add3A_147 = arith.constant 5 : i32
      %add3A_148 = arith.addi %add3A_146, %add3A_147 : i32
      %dma_wait3A_149 = arith.constant 0 : i32
      %dma_wait3A_150 = tpu.memref_slice %arg7[%add3A_146, %dma_wait3A_149] : memref<250x40xi32, #tpu.memory_space<vmem>> -> memref<1x40xi32, #tpu.memory_space<vmem>>
      %dma_wait3A_151 = tpu.memref_squeeze %dma_wait3A_150 : memref<1x40xi32, #tpu.memory_space<vmem>> -> memref<40xi32, #tpu.memory_space<vmem>>
      %dma_wait3A_152 = arith.constant 0 : i32
      %dma_wait3A_153 = arith.constant 0 : i32
      %dma_wait3A_154 = tpu.memref_slice %arg2[%dma_wait3A_152, %dma_wait3A_153] : memref<10000x48xf32, #tpu.memory_space<hbm>> -> memref<10000x48xf32, #tpu.memory_space<hbm>>
      tpu.wait_indirect_dma semaphore(%arg30 : memref<!tpu.dma_semaphore, #tpu.memory_space<semaphore_mem>>) src(%dma_wait3A_154 : memref<10000x48xf32, #tpu.memory_space<hbm>>) dst(%arg10 : memref<40x48xf32, #tpu.memory_space<vmem>>)
      %dma_wait3A_155 = arith.constant 0 : i32
      %dma_wait3A_156 = tpu.memref_slice %arg4[%add3A, %add3A_146, %dma_wait3A_155] : memref<32x250x40xi32, #tpu.memory_space<hbm>> -> memref<1x1x40xi32, #tpu.memory_space<hbm>>
      %dma_wait3A_157 = tpu.memref_squeeze %dma_wait3A_156 : memref<1x1x40xi32, #tpu.memory_space<hbm>> -> memref<40xi32, #tpu.memory_space<hbm>>
      %dma_wait3A_158 = arith.constant 0 : i32
      %dma_wait3A_159 = tpu.memref_slice %arg4[%add3A, %add3A_146, %dma_wait3A_158] : memref<32x250x40xi32, #tpu.memory_space<hbm>> -> memref<1x1x40xi32, #tpu.memory_space<hbm>>
      %dma_wait3A_160 = tpu.memref_squeeze %dma_wait3A_159 : memref<1x1x40xi32, #tpu.memory_space<hbm>> -> memref<40xi32, #tpu.memory_space<hbm>>
      tpu.wait_dma2 semaphore(%arg40 : memref<!tpu.dma_semaphore, #tpu.memory_space<semaphore_mem>>) src(%dma_wait3A_160 : memref<40xi32, #tpu.memory_space<hbm>>) dst(%arg20 : memref<40xi32, #tpu.memory_space<vmem>>)
      %dma_start3A_161 = arith.constant 0 : i32
      %dma_start3A_162 = tpu.memref_slice %arg7[%add3A_148, %dma_start3A_161] : memref<250x40xi32, #tpu.memory_space<vmem>> -> memref<1x40xi32, #tpu.memory_space<vmem>>
      %dma_start3A_163 = tpu.memref_squeeze %dma_start3A_162 : memref<1x40xi32, #tpu.memory_space<vmem>> -> memref<40xi32, #tpu.memory_space<vmem>>
      %dma_start3A_164 = arith.constant 0 : i32
      %dma_start3A_165 = arith.constant 0 : i32
      %dma_start3A_166 = tpu.memref_slice %arg2[%dma_start3A_164, %dma_start3A_165] : memref<10000x48xf32, #tpu.memory_space<hbm>> -> memref<10000x48xf32, #tpu.memory_space<hbm>>
      tpu.enqueue_indirect_dma source(%dma_start3A_166 : memref<10000x48xf32, #tpu.memory_space<hbm>>) target(%arg15 : memref<40x48xf32, #tpu.memory_space<vmem>>) offsets(%dma_start3A_163 : memref<40xi32, #tpu.memory_space<vmem>>) semaphore(%arg35 : memref<!tpu.dma_semaphore, #tpu.memory_space<semaphore_mem>>)
      %dma_start3A_167 = arith.constant 0 : i32
      %dma_start3A_168 = tpu.memref_slice %arg4[%add3A, %add3A_148, %dma_start3A_167] : memref<32x250x40xi32, #tpu.memory_space<hbm>> -> memref<1x1x40xi32, #tpu.memory_space<hbm>>
      %dma_start3A_169 = tpu.memref_squeeze %dma_start3A_168 : memref<1x1x40xi32, #tpu.memory_space<hbm>> -> memref<40xi32, #tpu.memory_space<hbm>>
      %dma_start3A_170 = arith.constant 0 : i32
      %dma_start3A_171 = tpu.memref_slice %arg4[%add3A, %add3A_148, %dma_start3A_170] : memref<32x250x40xi32, #tpu.memory_space<hbm>> -> memref<1x1x40xi32, #tpu.memory_space<hbm>>
      %dma_start3A_172 = tpu.memref_squeeze %dma_start3A_171 : memref<1x1x40xi32, #tpu.memory_space<hbm>> -> memref<40xi32, #tpu.memory_space<hbm>>
      tpu.enqueue_dma source(%dma_start3A_172 : memref<40xi32, #tpu.memory_space<hbm>>) target(%arg25 : memref<40xi32, #tpu.memory_space<vmem>>) target_semaphore(%arg45 : memref<!tpu.dma_semaphore, #tpu.memory_space<semaphore_mem>>)
      "tpu.region"() ({
        %run_scoped3A = tpu.sem_alloc : memref<!tpu.dma_semaphore, #tpu.memory_space<semaphore_mem>>
        %dma_start3A_345 = arith.constant 0 : i32
        %dma_start3A_346 = arith.constant 0 : i32
        %dma_start3A_347 = tpu.memref_slice %arg48[%dma_start3A_345, %dma_start3A_346] : memref<10240x48xf32, #tpu.memory_space<vmem_shared>> -> memref<10240x48xf32, #tpu.memory_space<vmem_shared>>
        tpu.enqueue_indirect_dma source(%arg10 : memref<40x48xf32, #tpu.memory_space<vmem>>) target(%dma_start3A_347 : memref<10240x48xf32, #tpu.memory_space<vmem_shared>>) offsets(%arg20 : memref<40xi32, #tpu.memory_space<vmem>>) semaphore(%run_scoped3A : memref<!tpu.dma_semaphore, #tpu.memory_space<semaphore_mem>>) {add = true}
        %dma_wait3A_348 = arith.constant 0 : i32
        %dma_wait3A_349 = arith.constant 0 : i32
        %dma_wait3A_350 = tpu.memref_slice %arg48[%dma_wait3A_348, %dma_wait3A_349] : memref<10240x48xf32, #tpu.memory_space<vmem_shared>> -> memref<10240x48xf32, #tpu.memory_space<vmem_shared>>
        tpu.wait_indirect_dma semaphore(%run_scoped3A : memref<!tpu.dma_semaphore, #tpu.memory_space<semaphore_mem>>) src(%arg10 : memref<40x48xf32, #tpu.memory_space<vmem>>) dst(%dma_wait3A_350 : memref<10240x48xf32, #tpu.memory_space<vmem_shared>>)
        tpu.yield
      }) : () -> ()
      %mul3A_173 = arith.constant 10 : i32
      %mul3A_174 = arith.muli %while3A_83, %mul3A_173 : i32
      %add3A_175 = arith.constant 3 : i32
      %add3A_176 = arith.addi %mul3A_174, %add3A_175 : i32
      %add3A_177 = arith.constant 5 : i32
      %add3A_178 = arith.addi %add3A_176, %add3A_177 : i32
      %dma_wait3A_179 = arith.constant 0 : i32
      %dma_wait3A_180 = tpu.memref_slice %arg7[%add3A_176, %dma_wait3A_179] : memref<250x40xi32, #tpu.memory_space<vmem>> -> memref<1x40xi32, #tpu.memory_space<vmem>>
      %dma_wait3A_181 = tpu.memref_squeeze %dma_wait3A_180 : memref<1x40xi32, #tpu.memory_space<vmem>> -> memref<40xi32, #tpu.memory_space<vmem>>
      %dma_wait3A_182 = arith.constant 0 : i32
      %dma_wait3A_183 = arith.constant 0 : i32
      %dma_wait3A_184 = tpu.memref_slice %arg2[%dma_wait3A_182, %dma_wait3A_183] : memref<10000x48xf32, #tpu.memory_space<hbm>> -> memref<10000x48xf32, #tpu.memory_space<hbm>>
      tpu.wait_indirect_dma semaphore(%arg31 : memref<!tpu.dma_semaphore, #tpu.memory_space<semaphore_mem>>) src(%dma_wait3A_184 : memref<10000x48xf32, #tpu.memory_space<hbm>>) dst(%arg11 : memref<40x48xf32, #tpu.memory_space<vmem>>)
      %dma_wait3A_185 = arith.constant 0 : i32
      %dma_wait3A_186 = tpu.memref_slice %arg4[%add3A, %add3A_176, %dma_wait3A_185] : memref<32x250x40xi32, #tpu.memory_space<hbm>> -> memref<1x1x40xi32, #tpu.memory_space<hbm>>
      %dma_wait3A_187 = tpu.memref_squeeze %dma_wait3A_186 : memref<1x1x40xi32, #tpu.memory_space<hbm>> -> memref<40xi32, #tpu.memory_space<hbm>>
      %dma_wait3A_188 = arith.constant 0 : i32
      %dma_wait3A_189 = tpu.memref_slice %arg4[%add3A, %add3A_176, %dma_wait3A_188] : memref<32x250x40xi32, #tpu.memory_space<hbm>> -> memref<1x1x40xi32, #tpu.memory_space<hbm>>
      %dma_wait3A_190 = tpu.memref_squeeze %dma_wait3A_189 : memref<1x1x40xi32, #tpu.memory_space<hbm>> -> memref<40xi32, #tpu.memory_space<hbm>>
      tpu.wait_dma2 semaphore(%arg41 : memref<!tpu.dma_semaphore, #tpu.memory_space<semaphore_mem>>) src(%dma_wait3A_190 : memref<40xi32, #tpu.memory_space<hbm>>) dst(%arg21 : memref<40xi32, #tpu.memory_space<vmem>>)
      %dma_start3A_191 = arith.constant 0 : i32
      %dma_start3A_192 = tpu.memref_slice %arg7[%add3A_178, %dma_start3A_191] : memref<250x40xi32, #tpu.memory_space<vmem>> -> memref<1x40xi32, #tpu.memory_space<vmem>>
      %dma_start3A_193 = tpu.memref_squeeze %dma_start3A_192 : memref<1x40xi32, #tpu.memory_space<vmem>> -> memref<40xi32, #tpu.memory_space<vmem>>
      %dma_start3A_194 = arith.constant 0 : i32
      %dma_start3A_195 = arith.constant 0 : i32
      %dma_start3A_196 = tpu.memref_slice %arg2[%dma_start3A_194, %dma_start3A_195] : memref<10000x48xf32, #tpu.memory_space<hbm>> -> memref<10000x48xf32, #tpu.memory_space<hbm>>
      tpu.enqueue_indirect_dma source(%dma_start3A_196 : memref<10000x48xf32, #tpu.memory_space<hbm>>) target(%arg16 : memref<40x48xf32, #tpu.memory_space<vmem>>) offsets(%dma_start3A_193 : memref<40xi32, #tpu.memory_space<vmem>>) semaphore(%arg36 : memref<!tpu.dma_semaphore, #tpu.memory_space<semaphore_mem>>)
      %dma_start3A_197 = arith.constant 0 : i32
      %dma_start3A_198 = tpu.memref_slice %arg4[%add3A, %add3A_178, %dma_start3A_197] : memref<32x250x40xi32, #tpu.memory_space<hbm>> -> memref<1x1x40xi32, #tpu.memory_space<hbm>>
      %dma_start3A_199 = tpu.memref_squeeze %dma_start3A_198 : memref<1x1x40xi32, #tpu.memory_space<hbm>> -> memref<40xi32, #tpu.memory_space<hbm>>
      %dma_start3A_200 = arith.constant 0 : i32
      %dma_start3A_201 = tpu.memref_slice %arg4[%add3A, %add3A_178, %dma_start3A_200] : memref<32x250x40xi32, #tpu.memory_space<hbm>> -> memref<1x1x40xi32, #tpu.memory_space<hbm>>
      %dma_start3A_202 = tpu.memref_squeeze %dma_start3A_201 : memref<1x1x40xi32, #tpu.memory_space<hbm>> -> memref<40xi32, #tpu.memory_space<hbm>>
      tpu.enqueue_dma source(%dma_start3A_202 : memref<40xi32, #tpu.memory_space<hbm>>) target(%arg26 : memref<40xi32, #tpu.memory_space<vmem>>) target_semaphore(%arg46 : memref<!tpu.dma_semaphore, #tpu.memory_space<semaphore_mem>>)
      "tpu.region"() ({
        %run_scoped3A = tpu.sem_alloc : memref<!tpu.dma_semaphore, #tpu.memory_space<semaphore_mem>>
        %dma_start3A_345 = arith.constant 0 : i32
        %dma_start3A_346 = arith.constant 0 : i32
        %dma_start3A_347 = tpu.memref_slice %arg48[%dma_start3A_345, %dma_start3A_346] : memref<10240x48xf32, #tpu.memory_space<vmem_shared>> -> memref<10240x48xf32, #tpu.memory_space<vmem_shared>>
        tpu.enqueue_indirect_dma source(%arg11 : memref<40x48xf32, #tpu.memory_space<vmem>>) target(%dma_start3A_347 : memref<10240x48xf32, #tpu.memory_space<vmem_shared>>) offsets(%arg21 : memref<40xi32, #tpu.memory_space<vmem>>) semaphore(%run_scoped3A : memref<!tpu.dma_semaphore, #tpu.memory_space<semaphore_mem>>) {add = true}
        %dma_wait3A_348 = arith.constant 0 : i32
        %dma_wait3A_349 = arith.constant 0 : i32
        %dma_wait3A_350 = tpu.memref_slice %arg48[%dma_wait3A_348, %dma_wait3A_349] : memref<10240x48xf32, #tpu.memory_space<vmem_shared>> -> memref<10240x48xf32, #tpu.memory_space<vmem_shared>>
        tpu.wait_indirect_dma semaphore(%run_scoped3A : memref<!tpu.dma_semaphore, #tpu.memory_space<semaphore_mem>>) src(%arg11 : memref<40x48xf32, #tpu.memory_space<vmem>>) dst(%dma_wait3A_350 : memref<10240x48xf32, #tpu.memory_space<vmem_shared>>)
        tpu.yield
      }) : () -> ()
      %mul3A_203 = arith.constant 10 : i32
      %mul3A_204 = arith.muli %while3A_83, %mul3A_203 : i32
      %add3A_205 = arith.constant 4 : i32
      %add3A_206 = arith.addi %mul3A_204, %add3A_205 : i32
      %add3A_207 = arith.constant 5 : i32
      %add3A_208 = arith.addi %add3A_206, %add3A_207 : i32
      %dma_wait3A_209 = arith.constant 0 : i32
      %dma_wait3A_210 = tpu.memref_slice %arg7[%add3A_206, %dma_wait3A_209] : memref<250x40xi32, #tpu.memory_space<vmem>> -> memref<1x40xi32, #tpu.memory_space<vmem>>
      %dma_wait3A_211 = tpu.memref_squeeze %dma_wait3A_210 : memref<1x40xi32, #tpu.memory_space<vmem>> -> memref<40xi32, #tpu.memory_space<vmem>>
      %dma_wait3A_212 = arith.constant 0 : i32
      %dma_wait3A_213 = arith.constant 0 : i32
      %dma_wait3A_214 = tpu.memref_slice %arg2[%dma_wait3A_212, %dma_wait3A_213] : memref<10000x48xf32, #tpu.memory_space<hbm>> -> memref<10000x48xf32, #tpu.memory_space<hbm>>
      tpu.wait_indirect_dma semaphore(%arg32 : memref<!tpu.dma_semaphore, #tpu.memory_space<semaphore_mem>>) src(%dma_wait3A_214 : memref<10000x48xf32, #tpu.memory_space<hbm>>) dst(%arg12 : memref<40x48xf32, #tpu.memory_space<vmem>>)
      %dma_wait3A_215 = arith.constant 0 : i32
      %dma_wait3A_216 = tpu.memref_slice %arg4[%add3A, %add3A_206, %dma_wait3A_215] : memref<32x250x40xi32, #tpu.memory_space<hbm>> -> memref<1x1x40xi32, #tpu.memory_space<hbm>>
      %dma_wait3A_217 = tpu.memref_squeeze %dma_wait3A_216 : memref<1x1x40xi32, #tpu.memory_space<hbm>> -> memref<40xi32, #tpu.memory_space<hbm>>
      %dma_wait3A_218 = arith.constant 0 : i32
      %dma_wait3A_219 = tpu.memref_slice %arg4[%add3A, %add3A_206, %dma_wait3A_218] : memref<32x250x40xi32, #tpu.memory_space<hbm>> -> memref<1x1x40xi32, #tpu.memory_space<hbm>>
      %dma_wait3A_220 = tpu.memref_squeeze %dma_wait3A_219 : memref<1x1x40xi32, #tpu.memory_space<hbm>> -> memref<40xi32, #tpu.memory_space<hbm>>
      tpu.wait_dma2 semaphore(%arg42 : memref<!tpu.dma_semaphore, #tpu.memory_space<semaphore_mem>>) src(%dma_wait3A_220 : memref<40xi32, #tpu.memory_space<hbm>>) dst(%arg22 : memref<40xi32, #tpu.memory_space<vmem>>)
      %dma_start3A_221 = arith.constant 0 : i32
      %dma_start3A_222 = tpu.memref_slice %arg7[%add3A_208, %dma_start3A_221] : memref<250x40xi32, #tpu.memory_space<vmem>> -> memref<1x40xi32, #tpu.memory_space<vmem>>
      %dma_start3A_223 = tpu.memref_squeeze %dma_start3A_222 : memref<1x40xi32, #tpu.memory_space<vmem>> -> memref<40xi32, #tpu.memory_space<vmem>>
      %dma_start3A_224 = arith.constant 0 : i32
      %dma_start3A_225 = arith.constant 0 : i32
      %dma_start3A_226 = tpu.memref_slice %arg2[%dma_start3A_224, %dma_start3A_225] : memref<10000x48xf32, #tpu.memory_space<hbm>> -> memref<10000x48xf32, #tpu.memory_space<hbm>>
      tpu.enqueue_indirect_dma source(%dma_start3A_226 : memref<10000x48xf32, #tpu.memory_space<hbm>>) target(%arg17 : memref<40x48xf32, #tpu.memory_space<vmem>>) offsets(%dma_start3A_223 : memref<40xi32, #tpu.memory_space<vmem>>) semaphore(%arg37 : memref<!tpu.dma_semaphore, #tpu.memory_space<semaphore_mem>>)
      %dma_start3A_227 = arith.constant 0 : i32
      %dma_start3A_228 = tpu.memref_slice %arg4[%add3A, %add3A_208, %dma_start3A_227] : memref<32x250x40xi32, #tpu.memory_space<hbm>> -> memref<1x1x40xi32, #tpu.memory_space<hbm>>
      %dma_start3A_229 = tpu.memref_squeeze %dma_start3A_228 : memref<1x1x40xi32, #tpu.memory_space<hbm>> -> memref<40xi32, #tpu.memory_space<hbm>>
      %dma_start3A_230 = arith.constant 0 : i32
      %dma_start3A_231 = tpu.memref_slice %arg4[%add3A, %add3A_208, %dma_start3A_230] : memref<32x250x40xi32, #tpu.memory_space<hbm>> -> memref<1x1x40xi32, #tpu.memory_space<hbm>>
      %dma_start3A_232 = tpu.memref_squeeze %dma_start3A_231 : memref<1x1x40xi32, #tpu.memory_space<hbm>> -> memref<40xi32, #tpu.memory_space<hbm>>
      tpu.enqueue_dma source(%dma_start3A_232 : memref<40xi32, #tpu.memory_space<hbm>>) target(%arg27 : memref<40xi32, #tpu.memory_space<vmem>>) target_semaphore(%arg47 : memref<!tpu.dma_semaphore, #tpu.memory_space<semaphore_mem>>)
      "tpu.region"() ({
        %run_scoped3A = tpu.sem_alloc : memref<!tpu.dma_semaphore, #tpu.memory_space<semaphore_mem>>
        %dma_start3A_345 = arith.constant 0 : i32
        %dma_start3A_346 = arith.constant 0 : i32
        %dma_start3A_347 = tpu.memref_slice %arg48[%dma_start3A_345, %dma_start3A_346] : memref<10240x48xf32, #tpu.memory_space<vmem_shared>> -> memref<10240x48xf32, #tpu.memory_space<vmem_shared>>
        tpu.enqueue_indirect_dma source(%arg12 : memref<40x48xf32, #tpu.memory_space<vmem>>) target(%dma_start3A_347 : memref<10240x48xf32, #tpu.memory_space<vmem_shared>>) offsets(%arg22 : memref<40xi32, #tpu.memory_space<vmem>>) semaphore(%run_scoped3A : memref<!tpu.dma_semaphore, #tpu.memory_space<semaphore_mem>>) {add = true}
        %dma_wait3A_348 = arith.constant 0 : i32
        %dma_wait3A_349 = arith.constant 0 : i32
        %dma_wait3A_350 = tpu.memref_slice %arg48[%dma_wait3A_348, %dma_wait3A_349] : memref<10240x48xf32, #tpu.memory_space<vmem_shared>> -> memref<10240x48xf32, #tpu.memory_space<vmem_shared>>
        tpu.wait_indirect_dma semaphore(%run_scoped3A : memref<!tpu.dma_semaphore, #tpu.memory_space<semaphore_mem>>) src(%arg12 : memref<40x48xf32, #tpu.memory_space<vmem>>) dst(%dma_wait3A_350 : memref<10240x48xf32, #tpu.memory_space<vmem_shared>>)
        tpu.yield
      }) : () -> ()
      %mul3A_233 = arith.constant 10 : i32
      %mul3A_234 = arith.muli %while3A_83, %mul3A_233 : i32
      %add3A_235 = arith.constant 5 : i32
      %add3A_236 = arith.addi %mul3A_234, %add3A_235 : i32
      %add3A_237 = arith.constant 5 : i32
      %add3A_238 = arith.addi %add3A_236, %add3A_237 : i32
      %dma_wait3A_239 = arith.constant 0 : i32
      %dma_wait3A_240 = tpu.memref_slice %arg7[%add3A_236, %dma_wait3A_239] : memref<250x40xi32, #tpu.memory_space<vmem>> -> memref<1x40xi32, #tpu.memory_space<vmem>>
      %dma_wait3A_241 = tpu.memref_squeeze %dma_wait3A_240 : memref<1x40xi32, #tpu.memory_space<vmem>> -> memref<40xi32, #tpu.memory_space<vmem>>
      %dma_wait3A_242 = arith.constant 0 : i32
      %dma_wait3A_243 = arith.constant 0 : i32
      %dma_wait3A_244 = tpu.memref_slice %arg2[%dma_wait3A_242, %dma_wait3A_243] : memref<10000x48xf32, #tpu.memory_space<hbm>> -> memref<10000x48xf32, #tpu.memory_space<hbm>>
      tpu.wait_indirect_dma semaphore(%arg33 : memref<!tpu.dma_semaphore, #tpu.memory_space<semaphore_mem>>) src(%dma_wait3A_244 : memref<10000x48xf32, #tpu.memory_space<hbm>>) dst(%arg13 : memref<40x48xf32, #tpu.memory_space<vmem>>)
      %dma_wait3A_245 = arith.constant 0 : i32
      %dma_wait3A_246 = tpu.memref_slice %arg4[%add3A, %add3A_236, %dma_wait3A_245] : memref<32x250x40xi32, #tpu.memory_space<hbm>> -> memref<1x1x40xi32, #tpu.memory_space<hbm>>
      %dma_wait3A_247 = tpu.memref_squeeze %dma_wait3A_246 : memref<1x1x40xi32, #tpu.memory_space<hbm>> -> memref<40xi32, #tpu.memory_space<hbm>>
      %dma_wait3A_248 = arith.constant 0 : i32
      %dma_wait3A_249 = tpu.memref_slice %arg4[%add3A, %add3A_236, %dma_wait3A_248] : memref<32x250x40xi32, #tpu.memory_space<hbm>> -> memref<1x1x40xi32, #tpu.memory_space<hbm>>
      %dma_wait3A_250 = tpu.memref_squeeze %dma_wait3A_249 : memref<1x1x40xi32, #tpu.memory_space<hbm>> -> memref<40xi32, #tpu.memory_space<hbm>>
      tpu.wait_dma2 semaphore(%arg43 : memref<!tpu.dma_semaphore, #tpu.memory_space<semaphore_mem>>) src(%dma_wait3A_250 : memref<40xi32, #tpu.memory_space<hbm>>) dst(%arg23 : memref<40xi32, #tpu.memory_space<vmem>>)
      %lt3A = arith.constant 24 : i32
      %lt3A_251 = arith.cmpi slt, %while3A_83, %lt3A : i32
      %convert_element_type3A = arith.extui %lt3A_251 : i1 to i32
      %cond3A = arith.constant 0 : i32
      %cond3A_252 = arith.cmpi ne, %convert_element_type3A, %cond3A : i32
      scf.if %cond3A_252 {
        %dma_start3A_345 = arith.constant 0 : i32
        %dma_start3A_346 = tpu.memref_slice %arg7[%add3A_238, %dma_start3A_345] : memref<250x40xi32, #tpu.memory_space<vmem>> -> memref<1x40xi32, #tpu.memory_space<vmem>>
        %dma_start3A_347 = tpu.memref_squeeze %dma_start3A_346 : memref<1x40xi32, #tpu.memory_space<vmem>> -> memref<40xi32, #tpu.memory_space<vmem>>
        %dma_start3A_348 = arith.constant 0 : i32
        %dma_start3A_349 = arith.constant 0 : i32
        %dma_start3A_350 = tpu.memref_slice %arg2[%dma_start3A_348, %dma_start3A_349] : memref<10000x48xf32, #tpu.memory_space<hbm>> -> memref<10000x48xf32, #tpu.memory_space<hbm>>
        tpu.enqueue_indirect_dma source(%dma_start3A_350 : memref<10000x48xf32, #tpu.memory_space<hbm>>) target(%arg8 : memref<40x48xf32, #tpu.memory_space<vmem>>) offsets(%dma_start3A_347 : memref<40xi32, #tpu.memory_space<vmem>>) semaphore(%arg28 : memref<!tpu.dma_semaphore, #tpu.memory_space<semaphore_mem>>)
        %dma_start3A_351 = arith.constant 0 : i32
        %dma_start3A_352 = tpu.memref_slice %arg4[%add3A, %add3A_238, %dma_start3A_351] : memref<32x250x40xi32, #tpu.memory_space<hbm>> -> memref<1x1x40xi32, #tpu.memory_space<hbm>>
        %dma_start3A_353 = tpu.memref_squeeze %dma_start3A_352 : memref<1x1x40xi32, #tpu.memory_space<hbm>> -> memref<40xi32, #tpu.memory_space<hbm>>
        %dma_start3A_354 = arith.constant 0 : i32
        %dma_start3A_355 = tpu.memref_slice %arg4[%add3A, %add3A_238, %dma_start3A_354] : memref<32x250x40xi32, #tpu.memory_space<hbm>> -> memref<1x1x40xi32, #tpu.memory_space<hbm>>
        %dma_start3A_356 = tpu.memref_squeeze %dma_start3A_355 : memref<1x1x40xi32, #tpu.memory_space<hbm>> -> memref<40xi32, #tpu.memory_space<hbm>>
        tpu.enqueue_dma source(%dma_start3A_356 : memref<40xi32, #tpu.memory_space<hbm>>) target(%arg18 : memref<40xi32, #tpu.memory_space<vmem>>) target_semaphore(%arg38 : memref<!tpu.dma_semaphore, #tpu.memory_space<semaphore_mem>>)
      } else {
      }
      "tpu.region"() ({
        %run_scoped3A = tpu.sem_alloc : memref<!tpu.dma_semaphore, #tpu.memory_space<semaphore_mem>>
        %dma_start3A_345 = arith.constant 0 : i32
        %dma_start3A_346 = arith.constant 0 : i32
        %dma_start3A_347 = tpu.memref_slice %arg48[%dma_start3A_345, %dma_start3A_346] : memref<10240x48xf32, #tpu.memory_space<vmem_shared>> -> memref<10240x48xf32, #tpu.memory_space<vmem_shared>>
        tpu.enqueue_indirect_dma source(%arg13 : memref<40x48xf32, #tpu.memory_space<vmem>>) target(%dma_start3A_347 : memref<10240x48xf32, #tpu.memory_space<vmem_shared>>) offsets(%arg23 : memref<40xi32, #tpu.memory_space<vmem>>) semaphore(%run_scoped3A : memref<!tpu.dma_semaphore, #tpu.memory_space<semaphore_mem>>) {add = true}
        %dma_wait3A_348 = arith.constant 0 : i32
        %dma_wait3A_349 = arith.constant 0 : i32
        %dma_wait3A_350 = tpu.memref_slice %arg48[%dma_wait3A_348, %dma_wait3A_349] : memref<10240x48xf32, #tpu.memory_space<vmem_shared>> -> memref<10240x48xf32, #tpu.memory_space<vmem_shared>>
        tpu.wait_indirect_dma semaphore(%run_scoped3A : memref<!tpu.dma_semaphore, #tpu.memory_space<semaphore_mem>>) src(%arg13 : memref<40x48xf32, #tpu.memory_space<vmem>>) dst(%dma_wait3A_350 : memref<10240x48xf32, #tpu.memory_space<vmem_shared>>)
        tpu.yield
      }) : () -> ()
      %mul3A_253 = arith.constant 10 : i32
      %mul3A_254 = arith.muli %while3A_83, %mul3A_253 : i32
      %add3A_255 = arith.constant 6 : i32
      %add3A_256 = arith.addi %mul3A_254, %add3A_255 : i32
      %add3A_257 = arith.constant 5 : i32
      %add3A_258 = arith.addi %add3A_256, %add3A_257 : i32
      %dma_wait3A_259 = arith.constant 0 : i32
      %dma_wait3A_260 = tpu.memref_slice %arg7[%add3A_256, %dma_wait3A_259] : memref<250x40xi32, #tpu.memory_space<vmem>> -> memref<1x40xi32, #tpu.memory_space<vmem>>
      %dma_wait3A_261 = tpu.memref_squeeze %dma_wait3A_260 : memref<1x40xi32, #tpu.memory_space<vmem>> -> memref<40xi32, #tpu.memory_space<vmem>>
      %dma_wait3A_262 = arith.constant 0 : i32
      %dma_wait3A_263 = arith.constant 0 : i32
      %dma_wait3A_264 = tpu.memref_slice %arg2[%dma_wait3A_262, %dma_wait3A_263] : memref<10000x48xf32, #tpu.memory_space<hbm>> -> memref<10000x48xf32, #tpu.memory_space<hbm>>
      tpu.wait_indirect_dma semaphore(%arg34 : memref<!tpu.dma_semaphore, #tpu.memory_space<semaphore_mem>>) src(%dma_wait3A_264 : memref<10000x48xf32, #tpu.memory_space<hbm>>) dst(%arg14 : memref<40x48xf32, #tpu.memory_space<vmem>>)
      %dma_wait3A_265 = arith.constant 0 : i32
      %dma_wait3A_266 = tpu.memref_slice %arg4[%add3A, %add3A_256, %dma_wait3A_265] : memref<32x250x40xi32, #tpu.memory_space<hbm>> -> memref<1x1x40xi32, #tpu.memory_space<hbm>>
      %dma_wait3A_267 = tpu.memref_squeeze %dma_wait3A_266 : memref<1x1x40xi32, #tpu.memory_space<hbm>> -> memref<40xi32, #tpu.memory_space<hbm>>
      %dma_wait3A_268 = arith.constant 0 : i32
      %dma_wait3A_269 = tpu.memref_slice %arg4[%add3A, %add3A_256, %dma_wait3A_268] : memref<32x250x40xi32, #tpu.memory_space<hbm>> -> memref<1x1x40xi32, #tpu.memory_space<hbm>>
      %dma_wait3A_270 = tpu.memref_squeeze %dma_wait3A_269 : memref<1x1x40xi32, #tpu.memory_space<hbm>> -> memref<40xi32, #tpu.memory_space<hbm>>
      tpu.wait_dma2 semaphore(%arg44 : memref<!tpu.dma_semaphore, #tpu.memory_space<semaphore_mem>>) src(%dma_wait3A_270 : memref<40xi32, #tpu.memory_space<hbm>>) dst(%arg24 : memref<40xi32, #tpu.memory_space<vmem>>)
      %lt3A_271 = arith.constant 24 : i32
      %lt3A_272 = arith.cmpi slt, %while3A_83, %lt3A_271 : i32
      %convert_element_type3A_273 = arith.extui %lt3A_272 : i1 to i32
      %cond3A_274 = arith.constant 0 : i32
      %cond3A_275 = arith.cmpi ne, %convert_element_type3A_273, %cond3A_274 : i32
      scf.if %cond3A_275 {
        %dma_start3A_345 = arith.constant 0 : i32
        %dma_start3A_346 = tpu.memref_slice %arg7[%add3A_258, %dma_start3A_345] : memref<250x40xi32, #tpu.memory_space<vmem>> -> memref<1x40xi32, #tpu.memory_space<vmem>>
        %dma_start3A_347 = tpu.memref_squeeze %dma_start3A_346 : memref<1x40xi32, #tpu.memory_space<vmem>> -> memref<40xi32, #tpu.memory_space<vmem>>
        %dma_start3A_348 = arith.constant 0 : i32
        %dma_start3A_349 = arith.constant 0 : i32
        %dma_start3A_350 = tpu.memref_slice %arg2[%dma_start3A_348, %dma_start3A_349] : memref<10000x48xf32, #tpu.memory_space<hbm>> -> memref<10000x48xf32, #tpu.memory_space<hbm>>
        tpu.enqueue_indirect_dma source(%dma_start3A_350 : memref<10000x48xf32, #tpu.memory_space<hbm>>) target(%arg9 : memref<40x48xf32, #tpu.memory_space<vmem>>) offsets(%dma_start3A_347 : memref<40xi32, #tpu.memory_space<vmem>>) semaphore(%arg29 : memref<!tpu.dma_semaphore, #tpu.memory_space<semaphore_mem>>)
        %dma_start3A_351 = arith.constant 0 : i32
        %dma_start3A_352 = tpu.memref_slice %arg4[%add3A, %add3A_258, %dma_start3A_351] : memref<32x250x40xi32, #tpu.memory_space<hbm>> -> memref<1x1x40xi32, #tpu.memory_space<hbm>>
        %dma_start3A_353 = tpu.memref_squeeze %dma_start3A_352 : memref<1x1x40xi32, #tpu.memory_space<hbm>> -> memref<40xi32, #tpu.memory_space<hbm>>
        %dma_start3A_354 = arith.constant 0 : i32
        %dma_start3A_355 = tpu.memref_slice %arg4[%add3A, %add3A_258, %dma_start3A_354] : memref<32x250x40xi32, #tpu.memory_space<hbm>> -> memref<1x1x40xi32, #tpu.memory_space<hbm>>
        %dma_start3A_356 = tpu.memref_squeeze %dma_start3A_355 : memref<1x1x40xi32, #tpu.memory_space<hbm>> -> memref<40xi32, #tpu.memory_space<hbm>>
        tpu.enqueue_dma source(%dma_start3A_356 : memref<40xi32, #tpu.memory_space<hbm>>) target(%arg19 : memref<40xi32, #tpu.memory_space<vmem>>) target_semaphore(%arg39 : memref<!tpu.dma_semaphore, #tpu.memory_space<semaphore_mem>>)
      } else {
      }
      "tpu.region"() ({
        %run_scoped3A = tpu.sem_alloc : memref<!tpu.dma_semaphore, #tpu.memory_space<semaphore_mem>>
        %dma_start3A_345 = arith.constant 0 : i32
        %dma_start3A_346 = arith.constant 0 : i32
        %dma_start3A_347 = tpu.memref_slice %arg48[%dma_start3A_345, %dma_start3A_346] : memref<10240x48xf32, #tpu.memory_space<vmem_shared>> -> memref<10240x48xf32, #tpu.memory_space<vmem_shared>>
        tpu.enqueue_indirect_dma source(%arg14 : memref<40x48xf32, #tpu.memory_space<vmem>>) target(%dma_start3A_347 : memref<10240x48xf32, #tpu.memory_space<vmem_shared>>) offsets(%arg24 : memref<40xi32, #tpu.memory_space<vmem>>) semaphore(%run_scoped3A : memref<!tpu.dma_semaphore, #tpu.memory_space<semaphore_mem>>) {add = true}
        %dma_wait3A_348 = arith.constant 0 : i32
        %dma_wait3A_349 = arith.constant 0 : i32
        %dma_wait3A_350 = tpu.memref_slice %arg48[%dma_wait3A_348, %dma_wait3A_349] : memref<10240x48xf32, #tpu.memory_space<vmem_shared>> -> memref<10240x48xf32, #tpu.memory_space<vmem_shared>>
        tpu.wait_indirect_dma semaphore(%run_scoped3A : memref<!tpu.dma_semaphore, #tpu.memory_space<semaphore_mem>>) src(%arg14 : memref<40x48xf32, #tpu.memory_space<vmem>>) dst(%dma_wait3A_350 : memref<10240x48xf32, #tpu.memory_space<vmem_shared>>)
        tpu.yield
      }) : () -> ()
      %mul3A_276 = arith.constant 10 : i32
      %mul3A_277 = arith.muli %while3A_83, %mul3A_276 : i32
      %add3A_278 = arith.constant 7 : i32
      %add3A_279 = arith.addi %mul3A_277, %add3A_278 : i32
      %add3A_280 = arith.constant 5 : i32
      %add3A_281 = arith.addi %add3A_279, %add3A_280 : i32
      %dma_wait3A_282 = arith.constant 0 : i32
      %dma_wait3A_283 = tpu.memref_slice %arg7[%add3A_279, %dma_wait3A_282] : memref<250x40xi32, #tpu.memory_space<vmem>> -> memref<1x40xi32, #tpu.memory_space<vmem>>
      %dma_wait3A_284 = tpu.memref_squeeze %dma_wait3A_283 : memref<1x40xi32, #tpu.memory_space<vmem>> -> memref<40xi32, #tpu.memory_space<vmem>>
      %dma_wait3A_285 = arith.constant 0 : i32
      %dma_wait3A_286 = arith.constant 0 : i32
      %dma_wait3A_287 = tpu.memref_slice %arg2[%dma_wait3A_285, %dma_wait3A_286] : memref<10000x48xf32, #tpu.memory_space<hbm>> -> memref<10000x48xf32, #tpu.memory_space<hbm>>
      tpu.wait_indirect_dma semaphore(%arg35 : memref<!tpu.dma_semaphore, #tpu.memory_space<semaphore_mem>>) src(%dma_wait3A_287 : memref<10000x48xf32, #tpu.memory_space<hbm>>) dst(%arg15 : memref<40x48xf32, #tpu.memory_space<vmem>>)
      %dma_wait3A_288 = arith.constant 0 : i32
      %dma_wait3A_289 = tpu.memref_slice %arg4[%add3A, %add3A_279, %dma_wait3A_288] : memref<32x250x40xi32, #tpu.memory_space<hbm>> -> memref<1x1x40xi32, #tpu.memory_space<hbm>>
      %dma_wait3A_290 = tpu.memref_squeeze %dma_wait3A_289 : memref<1x1x40xi32, #tpu.memory_space<hbm>> -> memref<40xi32, #tpu.memory_space<hbm>>
      %dma_wait3A_291 = arith.constant 0 : i32
      %dma_wait3A_292 = tpu.memref_slice %arg4[%add3A, %add3A_279, %dma_wait3A_291] : memref<32x250x40xi32, #tpu.memory_space<hbm>> -> memref<1x1x40xi32, #tpu.memory_space<hbm>>
      %dma_wait3A_293 = tpu.memref_squeeze %dma_wait3A_292 : memref<1x1x40xi32, #tpu.memory_space<hbm>> -> memref<40xi32, #tpu.memory_space<hbm>>
      tpu.wait_dma2 semaphore(%arg45 : memref<!tpu.dma_semaphore, #tpu.memory_space<semaphore_mem>>) src(%dma_wait3A_293 : memref<40xi32, #tpu.memory_space<hbm>>) dst(%arg25 : memref<40xi32, #tpu.memory_space<vmem>>)
      %lt3A_294 = arith.constant 24 : i32
      %lt3A_295 = arith.cmpi slt, %while3A_83, %lt3A_294 : i32
      %convert_element_type3A_296 = arith.extui %lt3A_295 : i1 to i32
      %cond3A_297 = arith.constant 0 : i32
      %cond3A_298 = arith.cmpi ne, %convert_element_type3A_296, %cond3A_297 : i32
      scf.if %cond3A_298 {
        %dma_start3A_345 = arith.constant 0 : i32
        %dma_start3A_346 = tpu.memref_slice %arg7[%add3A_281, %dma_start3A_345] : memref<250x40xi32, #tpu.memory_space<vmem>> -> memref<1x40xi32, #tpu.memory_space<vmem>>
        %dma_start3A_347 = tpu.memref_squeeze %dma_start3A_346 : memref<1x40xi32, #tpu.memory_space<vmem>> -> memref<40xi32, #tpu.memory_space<vmem>>
        %dma_start3A_348 = arith.constant 0 : i32
        %dma_start3A_349 = arith.constant 0 : i32
        %dma_start3A_350 = tpu.memref_slice %arg2[%dma_start3A_348, %dma_start3A_349] : memref<10000x48xf32, #tpu.memory_space<hbm>> -> memref<10000x48xf32, #tpu.memory_space<hbm>>
        tpu.enqueue_indirect_dma source(%dma_start3A_350 : memref<10000x48xf32, #tpu.memory_space<hbm>>) target(%arg10 : memref<40x48xf32, #tpu.memory_space<vmem>>) offsets(%dma_start3A_347 : memref<40xi32, #tpu.memory_space<vmem>>) semaphore(%arg30 : memref<!tpu.dma_semaphore, #tpu.memory_space<semaphore_mem>>)
        %dma_start3A_351 = arith.constant 0 : i32
        %dma_start3A_352 = tpu.memref_slice %arg4[%add3A, %add3A_281, %dma_start3A_351] : memref<32x250x40xi32, #tpu.memory_space<hbm>> -> memref<1x1x40xi32, #tpu.memory_space<hbm>>
        %dma_start3A_353 = tpu.memref_squeeze %dma_start3A_352 : memref<1x1x40xi32, #tpu.memory_space<hbm>> -> memref<40xi32, #tpu.memory_space<hbm>>
        %dma_start3A_354 = arith.constant 0 : i32
        %dma_start3A_355 = tpu.memref_slice %arg4[%add3A, %add3A_281, %dma_start3A_354] : memref<32x250x40xi32, #tpu.memory_space<hbm>> -> memref<1x1x40xi32, #tpu.memory_space<hbm>>
        %dma_start3A_356 = tpu.memref_squeeze %dma_start3A_355 : memref<1x1x40xi32, #tpu.memory_space<hbm>> -> memref<40xi32, #tpu.memory_space<hbm>>
        tpu.enqueue_dma source(%dma_start3A_356 : memref<40xi32, #tpu.memory_space<hbm>>) target(%arg20 : memref<40xi32, #tpu.memory_space<vmem>>) target_semaphore(%arg40 : memref<!tpu.dma_semaphore, #tpu.memory_space<semaphore_mem>>)
      } else {
      }
      "tpu.region"() ({
        %run_scoped3A = tpu.sem_alloc : memref<!tpu.dma_semaphore, #tpu.memory_space<semaphore_mem>>
        %dma_start3A_345 = arith.constant 0 : i32
        %dma_start3A_346 = arith.constant 0 : i32
        %dma_start3A_347 = tpu.memref_slice %arg48[%dma_start3A_345, %dma_start3A_346] : memref<10240x48xf32, #tpu.memory_space<vmem_shared>> -> memref<10240x48xf32, #tpu.memory_space<vmem_shared>>
        tpu.enqueue_indirect_dma source(%arg15 : memref<40x48xf32, #tpu.memory_space<vmem>>) target(%dma_start3A_347 : memref<10240x48xf32, #tpu.memory_space<vmem_shared>>) offsets(%arg25 : memref<40xi32, #tpu.memory_space<vmem>>) semaphore(%run_scoped3A : memref<!tpu.dma_semaphore, #tpu.memory_space<semaphore_mem>>) {add = true}
        %dma_wait3A_348 = arith.constant 0 : i32
        %dma_wait3A_349 = arith.constant 0 : i32
        %dma_wait3A_350 = tpu.memref_slice %arg48[%dma_wait3A_348, %dma_wait3A_349] : memref<10240x48xf32, #tpu.memory_space<vmem_shared>> -> memref<10240x48xf32, #tpu.memory_space<vmem_shared>>
        tpu.wait_indirect_dma semaphore(%run_scoped3A : memref<!tpu.dma_semaphore, #tpu.memory_space<semaphore_mem>>) src(%arg15 : memref<40x48xf32, #tpu.memory_space<vmem>>) dst(%dma_wait3A_350 : memref<10240x48xf32, #tpu.memory_space<vmem_shared>>)
        tpu.yield
      }) : () -> ()
      %mul3A_299 = arith.constant 10 : i32
      %mul3A_300 = arith.muli %while3A_83, %mul3A_299 : i32
      %add3A_301 = arith.constant 8 : i32
      %add3A_302 = arith.addi %mul3A_300, %add3A_301 : i32
      %add3A_303 = arith.constant 5 : i32
      %add3A_304 = arith.addi %add3A_302, %add3A_303 : i32
      %dma_wait3A_305 = arith.constant 0 : i32
      %dma_wait3A_306 = tpu.memref_slice %arg7[%add3A_302, %dma_wait3A_305] : memref<250x40xi32, #tpu.memory_space<vmem>> -> memref<1x40xi32, #tpu.memory_space<vmem>>
      %dma_wait3A_307 = tpu.memref_squeeze %dma_wait3A_306 : memref<1x40xi32, #tpu.memory_space<vmem>> -> memref<40xi32, #tpu.memory_space<vmem>>
      %dma_wait3A_308 = arith.constant 0 : i32
      %dma_wait3A_309 = arith.constant 0 : i32
      %dma_wait3A_310 = tpu.memref_slice %arg2[%dma_wait3A_308, %dma_wait3A_309] : memref<10000x48xf32, #tpu.memory_space<hbm>> -> memref<10000x48xf32, #tpu.memory_space<hbm>>
      tpu.wait_indirect_dma semaphore(%arg36 : memref<!tpu.dma_semaphore, #tpu.memory_space<semaphore_mem>>) src(%dma_wait3A_310 : memref<10000x48xf32, #tpu.memory_space<hbm>>) dst(%arg16 : memref<40x48xf32, #tpu.memory_space<vmem>>)
      %dma_wait3A_311 = arith.constant 0 : i32
      %dma_wait3A_312 = tpu.memref_slice %arg4[%add3A, %add3A_302, %dma_wait3A_311] : memref<32x250x40xi32, #tpu.memory_space<hbm>> -> memref<1x1x40xi32, #tpu.memory_space<hbm>>
      %dma_wait3A_313 = tpu.memref_squeeze %dma_wait3A_312 : memref<1x1x40xi32, #tpu.memory_space<hbm>> -> memref<40xi32, #tpu.memory_space<hbm>>
      %dma_wait3A_314 = arith.constant 0 : i32
      %dma_wait3A_315 = tpu.memref_slice %arg4[%add3A, %add3A_302, %dma_wait3A_314] : memref<32x250x40xi32, #tpu.memory_space<hbm>> -> memref<1x1x40xi32, #tpu.memory_space<hbm>>
      %dma_wait3A_316 = tpu.memref_squeeze %dma_wait3A_315 : memref<1x1x40xi32, #tpu.memory_space<hbm>> -> memref<40xi32, #tpu.memory_space<hbm>>
      tpu.wait_dma2 semaphore(%arg46 : memref<!tpu.dma_semaphore, #tpu.memory_space<semaphore_mem>>) src(%dma_wait3A_316 : memref<40xi32, #tpu.memory_space<hbm>>) dst(%arg26 : memref<40xi32, #tpu.memory_space<vmem>>)
      %lt3A_317 = arith.constant 24 : i32
      %lt3A_318 = arith.cmpi slt, %while3A_83, %lt3A_317 : i32
      %convert_element_type3A_319 = arith.extui %lt3A_318 : i1 to i32
      %cond3A_320 = arith.constant 0 : i32
      %cond3A_321 = arith.cmpi ne, %convert_element_type3A_319, %cond3A_320 : i32
      scf.if %cond3A_321 {
        %dma_start3A_345 = arith.constant 0 : i32
        %dma_start3A_346 = tpu.memref_slice %arg7[%add3A_304, %dma_start3A_345] : memref<250x40xi32, #tpu.memory_space<vmem>> -> memref<1x40xi32, #tpu.memory_space<vmem>>
        %dma_start3A_347 = tpu.memref_squeeze %dma_start3A_346 : memref<1x40xi32, #tpu.memory_space<vmem>> -> memref<40xi32, #tpu.memory_space<vmem>>
        %dma_start3A_348 = arith.constant 0 : i32
        %dma_start3A_349 = arith.constant 0 : i32
        %dma_start3A_350 = tpu.memref_slice %arg2[%dma_start3A_348, %dma_start3A_349] : memref<10000x48xf32, #tpu.memory_space<hbm>> -> memref<10000x48xf32, #tpu.memory_space<hbm>>
        tpu.enqueue_indirect_dma source(%dma_start3A_350 : memref<10000x48xf32, #tpu.memory_space<hbm>>) target(%arg11 : memref<40x48xf32, #tpu.memory_space<vmem>>) offsets(%dma_start3A_347 : memref<40xi32, #tpu.memory_space<vmem>>) semaphore(%arg31 : memref<!tpu.dma_semaphore, #tpu.memory_space<semaphore_mem>>)
        %dma_start3A_351 = arith.constant 0 : i32
        %dma_start3A_352 = tpu.memref_slice %arg4[%add3A, %add3A_304, %dma_start3A_351] : memref<32x250x40xi32, #tpu.memory_space<hbm>> -> memref<1x1x40xi32, #tpu.memory_space<hbm>>
        %dma_start3A_353 = tpu.memref_squeeze %dma_start3A_352 : memref<1x1x40xi32, #tpu.memory_space<hbm>> -> memref<40xi32, #tpu.memory_space<hbm>>
        %dma_start3A_354 = arith.constant 0 : i32
        %dma_start3A_355 = tpu.memref_slice %arg4[%add3A, %add3A_304, %dma_start3A_354] : memref<32x250x40xi32, #tpu.memory_space<hbm>> -> memref<1x1x40xi32, #tpu.memory_space<hbm>>
        %dma_start3A_356 = tpu.memref_squeeze %dma_start3A_355 : memref<1x1x40xi32, #tpu.memory_space<hbm>> -> memref<40xi32, #tpu.memory_space<hbm>>
        tpu.enqueue_dma source(%dma_start3A_356 : memref<40xi32, #tpu.memory_space<hbm>>) target(%arg21 : memref<40xi32, #tpu.memory_space<vmem>>) target_semaphore(%arg41 : memref<!tpu.dma_semaphore, #tpu.memory_space<semaphore_mem>>)
      } else {
      }
      "tpu.region"() ({
        %run_scoped3A = tpu.sem_alloc : memref<!tpu.dma_semaphore, #tpu.memory_space<semaphore_mem>>
        %dma_start3A_345 = arith.constant 0 : i32
        %dma_start3A_346 = arith.constant 0 : i32
        %dma_start3A_347 = tpu.memref_slice %arg48[%dma_start3A_345, %dma_start3A_346] : memref<10240x48xf32, #tpu.memory_space<vmem_shared>> -> memref<10240x48xf32, #tpu.memory_space<vmem_shared>>
        tpu.enqueue_indirect_dma source(%arg16 : memref<40x48xf32, #tpu.memory_space<vmem>>) target(%dma_start3A_347 : memref<10240x48xf32, #tpu.memory_space<vmem_shared>>) offsets(%arg26 : memref<40xi32, #tpu.memory_space<vmem>>) semaphore(%run_scoped3A : memref<!tpu.dma_semaphore, #tpu.memory_space<semaphore_mem>>) {add = true}
        %dma_wait3A_348 = arith.constant 0 : i32
        %dma_wait3A_349 = arith.constant 0 : i32
        %dma_wait3A_350 = tpu.memref_slice %arg48[%dma_wait3A_348, %dma_wait3A_349] : memref<10240x48xf32, #tpu.memory_space<vmem_shared>> -> memref<10240x48xf32, #tpu.memory_space<vmem_shared>>
        tpu.wait_indirect_dma semaphore(%run_scoped3A : memref<!tpu.dma_semaphore, #tpu.memory_space<semaphore_mem>>) src(%arg16 : memref<40x48xf32, #tpu.memory_space<vmem>>) dst(%dma_wait3A_350 : memref<10240x48xf32, #tpu.memory_space<vmem_shared>>)
        tpu.yield
      }) : () -> ()
      %mul3A_322 = arith.constant 10 : i32
      %mul3A_323 = arith.muli %while3A_83, %mul3A_322 : i32
      %add3A_324 = arith.constant 9 : i32
      %add3A_325 = arith.addi %mul3A_323, %add3A_324 : i32
      %add3A_326 = arith.constant 5 : i32
      %add3A_327 = arith.addi %add3A_325, %add3A_326 : i32
      %dma_wait3A_328 = arith.constant 0 : i32
      %dma_wait3A_329 = tpu.memref_slice %arg7[%add3A_325, %dma_wait3A_328] : memref<250x40xi32, #tpu.memory_space<vmem>> -> memref<1x40xi32, #tpu.memory_space<vmem>>
      %dma_wait3A_330 = tpu.memref_squeeze %dma_wait3A_329 : memref<1x40xi32, #tpu.memory_space<vmem>> -> memref<40xi32, #tpu.memory_space<vmem>>
      %dma_wait3A_331 = arith.constant 0 : i32
      %dma_wait3A_332 = arith.constant 0 : i32
      %dma_wait3A_333 = tpu.memref_slice %arg2[%dma_wait3A_331, %dma_wait3A_332] : memref<10000x48xf32, #tpu.memory_space<hbm>> -> memref<10000x48xf32, #tpu.memory_space<hbm>>
      tpu.wait_indirect_dma semaphore(%arg37 : memref<!tpu.dma_semaphore, #tpu.memory_space<semaphore_mem>>) src(%dma_wait3A_333 : memref<10000x48xf32, #tpu.memory_space<hbm>>) dst(%arg17 : memref<40x48xf32, #tpu.memory_space<vmem>>)
      %dma_wait3A_334 = arith.constant 0 : i32
      %dma_wait3A_335 = tpu.memref_slice %arg4[%add3A, %add3A_325, %dma_wait3A_334] : memref<32x250x40xi32, #tpu.memory_space<hbm>> -> memref<1x1x40xi32, #tpu.memory_space<hbm>>
      %dma_wait3A_336 = tpu.memref_squeeze %dma_wait3A_335 : memref<1x1x40xi32, #tpu.memory_space<hbm>> -> memref<40xi32, #tpu.memory_space<hbm>>
      %dma_wait3A_337 = arith.constant 0 : i32
      %dma_wait3A_338 = tpu.memref_slice %arg4[%add3A, %add3A_325, %dma_wait3A_337] : memref<32x250x40xi32, #tpu.memory_space<hbm>> -> memref<1x1x40xi32, #tpu.memory_space<hbm>>
      %dma_wait3A_339 = tpu.memref_squeeze %dma_wait3A_338 : memref<1x1x40xi32, #tpu.memory_space<hbm>> -> memref<40xi32, #tpu.memory_space<hbm>>
      tpu.wait_dma2 semaphore(%arg47 : memref<!tpu.dma_semaphore, #tpu.memory_space<semaphore_mem>>) src(%dma_wait3A_339 : memref<40xi32, #tpu.memory_space<hbm>>) dst(%arg27 : memref<40xi32, #tpu.memory_space<vmem>>)
      %lt3A_340 = arith.constant 24 : i32
      %lt3A_341 = arith.cmpi slt, %while3A_83, %lt3A_340 : i32
      %convert_element_type3A_342 = arith.extui %lt3A_341 : i1 to i32
      %cond3A_343 = arith.constant 0 : i32
      %cond3A_344 = arith.cmpi ne, %convert_element_type3A_342, %cond3A_343 : i32
      scf.if %cond3A_344 {
        %dma_start3A_345 = arith.constant 0 : i32
        %dma_start3A_346 = tpu.memref_slice %arg7[%add3A_327, %dma_start3A_345] : memref<250x40xi32, #tpu.memory_space<vmem>> -> memref<1x40xi32, #tpu.memory_space<vmem>>
        %dma_start3A_347 = tpu.memref_squeeze %dma_start3A_346 : memref<1x40xi32, #tpu.memory_space<vmem>> -> memref<40xi32, #tpu.memory_space<vmem>>
        %dma_start3A_348 = arith.constant 0 : i32
        %dma_start3A_349 = arith.constant 0 : i32
        %dma_start3A_350 = tpu.memref_slice %arg2[%dma_start3A_348, %dma_start3A_349] : memref<10000x48xf32, #tpu.memory_space<hbm>> -> memref<10000x48xf32, #tpu.memory_space<hbm>>
        tpu.enqueue_indirect_dma source(%dma_start3A_350 : memref<10000x48xf32, #tpu.memory_space<hbm>>) target(%arg12 : memref<40x48xf32, #tpu.memory_space<vmem>>) offsets(%dma_start3A_347 : memref<40xi32, #tpu.memory_space<vmem>>) semaphore(%arg32 : memref<!tpu.dma_semaphore, #tpu.memory_space<semaphore_mem>>)
        %dma_start3A_351 = arith.constant 0 : i32
        %dma_start3A_352 = tpu.memref_slice %arg4[%add3A, %add3A_327, %dma_start3A_351] : memref<32x250x40xi32, #tpu.memory_space<hbm>> -> memref<1x1x40xi32, #tpu.memory_space<hbm>>
        %dma_start3A_353 = tpu.memref_squeeze %dma_start3A_352 : memref<1x1x40xi32, #tpu.memory_space<hbm>> -> memref<40xi32, #tpu.memory_space<hbm>>
        %dma_start3A_354 = arith.constant 0 : i32
        %dma_start3A_355 = tpu.memref_slice %arg4[%add3A, %add3A_327, %dma_start3A_354] : memref<32x250x40xi32, #tpu.memory_space<hbm>> -> memref<1x1x40xi32, #tpu.memory_space<hbm>>
        %dma_start3A_356 = tpu.memref_squeeze %dma_start3A_355 : memref<1x1x40xi32, #tpu.memory_space<hbm>> -> memref<40xi32, #tpu.memory_space<hbm>>
        tpu.enqueue_dma source(%dma_start3A_356 : memref<40xi32, #tpu.memory_space<hbm>>) target(%arg22 : memref<40xi32, #tpu.memory_space<vmem>>) target_semaphore(%arg42 : memref<!tpu.dma_semaphore, #tpu.memory_space<semaphore_mem>>)
      } else {
      }
      "tpu.region"() ({
        %run_scoped3A = tpu.sem_alloc : memref<!tpu.dma_semaphore, #tpu.memory_space<semaphore_mem>>
        %dma_start3A_345 = arith.constant 0 : i32
        %dma_start3A_346 = arith.constant 0 : i32
        %dma_start3A_347 = tpu.memref_slice %arg48[%dma_start3A_345, %dma_start3A_346] : memref<10240x48xf32, #tpu.memory_space<vmem_shared>> -> memref<10240x48xf32, #tpu.memory_space<vmem_shared>>
        tpu.enqueue_indirect_dma source(%arg17 : memref<40x48xf32, #tpu.memory_space<vmem>>) target(%dma_start3A_347 : memref<10240x48xf32, #tpu.memory_space<vmem_shared>>) offsets(%arg27 : memref<40xi32, #tpu.memory_space<vmem>>) semaphore(%run_scoped3A : memref<!tpu.dma_semaphore, #tpu.memory_space<semaphore_mem>>) {add = true}
        %dma_wait3A_348 = arith.constant 0 : i32
        %dma_wait3A_349 = arith.constant 0 : i32
        %dma_wait3A_350 = tpu.memref_slice %arg48[%dma_wait3A_348, %dma_wait3A_349] : memref<10240x48xf32, #tpu.memory_space<vmem_shared>> -> memref<10240x48xf32, #tpu.memory_space<vmem_shared>>
        tpu.wait_indirect_dma semaphore(%run_scoped3A : memref<!tpu.dma_semaphore, #tpu.memory_space<semaphore_mem>>) src(%arg17 : memref<40x48xf32, #tpu.memory_space<vmem>>) dst(%dma_wait3A_350 : memref<10240x48xf32, #tpu.memory_space<vmem_shared>>)
        tpu.yield
      }) : () -> ()
    }
    %barrier3A_82 = arith.constant 0 : index
    tpu.barrier barrier_id(%barrier3A_82)
    "tpu.region"() ({
      %run_scoped3A = tpu.sem_alloc : memref<!tpu.dma_semaphore, #tpu.memory_space<semaphore_mem>>
      %dma_start3A_83 = arith.constant 0 : i32
      %dma_start3A_84 = tpu.memref_slice %arg6[%arg0, %mul3A_2, %dma_start3A_83] : memref<2x10240x48xf32, #tpu.memory_space<hbm>> -> memref<1x640x48xf32, #tpu.memory_space<hbm>>
      %dma_start3A_85 = tpu.memref_squeeze %dma_start3A_84 : memref<1x640x48xf32, #tpu.memory_space<hbm>> -> memref<640x48xf32, #tpu.memory_space<hbm>>
      %dma_start3A_86 = arith.constant 0 : i32
      %dma_start3A_87 = tpu.memref_slice %arg48[%mul3A_2, %dma_start3A_86] : memref<10240x48xf32, #tpu.memory_space<vmem_shared>> -> memref<640x48xf32, #tpu.memory_space<vmem_shared>>
      tpu.enqueue_dma source(%dma_start3A_87 : memref<640x48xf32, #tpu.memory_space<vmem_shared>>) target(%dma_start3A_85 : memref<640x48xf32, #tpu.memory_space<hbm>>) target_semaphore(%run_scoped3A : memref<!tpu.dma_semaphore, #tpu.memory_space<semaphore_mem>>)
      %dma_wait3A = arith.constant 0 : i32
      %dma_wait3A_88 = tpu.memref_slice %arg6[%arg0, %mul3A_2, %dma_wait3A] : memref<2x10240x48xf32, #tpu.memory_space<hbm>> -> memref<1x640x48xf32, #tpu.memory_space<hbm>>
      %dma_wait3A_89 = tpu.memref_squeeze %dma_wait3A_88 : memref<1x640x48xf32, #tpu.memory_space<hbm>> -> memref<640x48xf32, #tpu.memory_space<hbm>>
      %dma_wait3A_90 = arith.constant 0 : i32
      %dma_wait3A_91 = tpu.memref_slice %arg48[%mul3A_2, %dma_wait3A_90] : memref<10240x48xf32, #tpu.memory_space<vmem_shared>> -> memref<640x48xf32, #tpu.memory_space<vmem_shared>>
      tpu.wait_dma2 semaphore(%run_scoped3A : memref<!tpu.dma_semaphore, #tpu.memory_space<semaphore_mem>>) src(%dma_wait3A_91 : memref<640x48xf32, #tpu.memory_space<vmem_shared>>) dst(%dma_wait3A_89 : memref<640x48xf32, #tpu.memory_space<hbm>>)
      tpu.yield
    }) : () -> ()
    return
  }
}

#map = affine_map<(d0, d1) -> (0)>
#map1 = affine_map<(d0, d1) -> (0, 0, 0)>
module attributes {stable_mosaic.version = 14 : i64} {
  func.func @_sc_degrees_body(%arg0: i32, %arg1: i32, %arg2: memref<320000xi32, #tpu.memory_space<hbm>>, %arg3: memref<320000xi32, #tpu.memory_space<hbm>>, %arg4: memref<10240xf32, #tpu.memory_space<hbm>>, %arg5: memref<2x2x10240xf32, #tpu.memory_space<hbm>>, %arg6: memref<80xf32, #tpu.memory_space<vmem>>, %arg7: memref<80xi32, #tpu.memory_space<vmem>>, %arg8: memref<80xi32, #tpu.memory_space<vmem>>, %arg9: memref<80xi32, #tpu.memory_space<vmem>>, %arg10: memref<80xi32, #tpu.memory_space<vmem>>, %arg11: memref<80xi32, #tpu.memory_space<vmem>>, %arg12: memref<80xi32, #tpu.memory_space<vmem>>, %arg13: memref<80xi32, #tpu.memory_space<vmem>>, %arg14: memref<80xi32, #tpu.memory_space<vmem>>, %arg15: memref<80xi32, #tpu.memory_space<vmem>>, %arg16: memref<80xi32, #tpu.memory_space<vmem>>, %arg17: memref<!tpu.dma_semaphore, #tpu.memory_space<semaphore_mem>>, %arg18: memref<!tpu.dma_semaphore, #tpu.memory_space<semaphore_mem>>, %arg19: memref<!tpu.dma_semaphore, #tpu.memory_space<semaphore_mem>>, %arg20: memref<!tpu.dma_semaphore, #tpu.memory_space<semaphore_mem>>, %arg21: memref<!tpu.dma_semaphore, #tpu.memory_space<semaphore_mem>>, %arg22: memref<!tpu.dma_semaphore, #tpu.memory_space<semaphore_mem>>, %arg23: memref<!tpu.dma_semaphore, #tpu.memory_space<semaphore_mem>>, %arg24: memref<!tpu.dma_semaphore, #tpu.memory_space<semaphore_mem>>, %arg25: memref<!tpu.dma_semaphore, #tpu.memory_space<semaphore_mem>>, %arg26: memref<!tpu.dma_semaphore, #tpu.memory_space<semaphore_mem>>, %arg27: memref<!tpu.dma_semaphore, #tpu.memory_space<semaphore_mem>>, %arg28: memref<!tpu.dma_semaphore, #tpu.memory_space<semaphore_mem>>, %arg29: memref<10240xf32, #tpu.memory_space<vmem_shared>>, %arg30: memref<10240xf32, #tpu.memory_space<vmem_shared>>) attributes {dimension_semantics = [#tpu.dimension_semantics<core_parallel>, #tpu.dimension_semantics<subcore_parallel>], iteration_bounds = array<i64: 2, 16>, scalar_prefetch = 0 : i64, scratch_operands = 25 : i64, tpu.core_type = #tpu.core_type<sc_vector_subcore>, window_params = [{transform_indices = #map}, {transform_indices = #map}, {transform_indices = #map}, {transform_indices = #map1}]} {
    %mul3A = arith.constant 16 : i32
    %mul3A_0 = arith.muli %arg0, %mul3A : i32
    %add3A = arith.addi %mul3A_0, %arg1 : i32
    %broadcast_in_dim3A = arith.constant 1.000000e+00 : f32
    %broadcast_in_dim3A_1 = vector.broadcast %broadcast_in_dim3A : f32 to vector<16xf32>
    %swap3A = arith.constant 0 : index
    %swap3A_2 = tpu.vector_load %arg6[%swap3A] {strides = array<i32>} : memref<80xf32, #tpu.memory_space<vmem>>, vector<16xf32>,
    %swap3A_3 = vector.shape_cast %swap3A_2 : vector<16xf32> to vector<16xf32>
    %swap3A_4 = vector.shape_cast %broadcast_in_dim3A_1 : vector<16xf32> to vector<16xf32>
    tpu.vector_store %arg6[%swap3A], %swap3A_4 {strides = array<i32>} : memref<80xf32, #tpu.memory_space<vmem>>, vector<16xf32>,
    %swap3A_5 = arith.constant 16 : index
    %swap3A_6 = tpu.vector_load %arg6[%swap3A_5] {strides = array<i32>} : memref<80xf32, #tpu.memory_space<vmem>>, vector<16xf32>,
    %swap3A_7 = vector.shape_cast %swap3A_6 : vector<16xf32> to vector<16xf32>
    %swap3A_8 = vector.shape_cast %broadcast_in_dim3A_1 : vector<16xf32> to vector<16xf32>
    tpu.vector_store %arg6[%swap3A_5], %swap3A_8 {strides = array<i32>} : memref<80xf32, #tpu.memory_space<vmem>>, vector<16xf32>,
    %swap3A_9 = arith.constant 32 : index
    %swap3A_10 = tpu.vector_load %arg6[%swap3A_9] {strides = array<i32>} : memref<80xf32, #tpu.memory_space<vmem>>, vector<16xf32>,
    %swap3A_11 = vector.shape_cast %swap3A_10 : vector<16xf32> to vector<16xf32>
    %swap3A_12 = vector.shape_cast %broadcast_in_dim3A_1 : vector<16xf32> to vector<16xf32>
    tpu.vector_store %arg6[%swap3A_9], %swap3A_12 {strides = array<i32>} : memref<80xf32, #tpu.memory_space<vmem>>, vector<16xf32>,
    %swap3A_13 = arith.constant 48 : index
    %swap3A_14 = tpu.vector_load %arg6[%swap3A_13] {strides = array<i32>} : memref<80xf32, #tpu.memory_space<vmem>>, vector<16xf32>,
    %swap3A_15 = vector.shape_cast %swap3A_14 : vector<16xf32> to vector<16xf32>
    %swap3A_16 = vector.shape_cast %broadcast_in_dim3A_1 : vector<16xf32> to vector<16xf32>
    tpu.vector_store %arg6[%swap3A_13], %swap3A_16 {strides = array<i32>} : memref<80xf32, #tpu.memory_space<vmem>>, vector<16xf32>,
    %swap3A_17 = arith.constant 64 : index
    %swap3A_18 = tpu.vector_load %arg6[%swap3A_17] {strides = array<i32>} : memref<80xf32, #tpu.memory_space<vmem>>, vector<16xf32>,
    %swap3A_19 = vector.shape_cast %swap3A_18 : vector<16xf32> to vector<16xf32>
    %swap3A_20 = vector.shape_cast %broadcast_in_dim3A_1 : vector<16xf32> to vector<16xf32>
    tpu.vector_store %arg6[%swap3A_17], %swap3A_20 {strides = array<i32>} : memref<80xf32, #tpu.memory_space<vmem>>, vector<16xf32>,
    %mul3A_21 = arith.constant 640 : i32
    %mul3A_22 = arith.muli %arg1, %mul3A_21 : i32
    "tpu.region"() ({
      %run_scoped3A_76 = tpu.sem_alloc : memref<!tpu.dma_semaphore, #tpu.memory_space<semaphore_mem>>
      %dma_start3A_77 = tpu.memref_slice %arg29[%mul3A_22] : memref<10240xf32, #tpu.memory_space<vmem_shared>> -> memref<640xf32, #tpu.memory_space<vmem_shared>>
      %dma_start3A_78 = tpu.memref_slice %arg4[%mul3A_22] : memref<10240xf32, #tpu.memory_space<hbm>> -> memref<640xf32, #tpu.memory_space<hbm>>
      tpu.enqueue_dma source(%dma_start3A_78 : memref<640xf32, #tpu.memory_space<hbm>>) target(%dma_start3A_77 : memref<640xf32, #tpu.memory_space<vmem_shared>>) target_semaphore(%run_scoped3A_76 : memref<!tpu.dma_semaphore, #tpu.memory_space<semaphore_mem>>)
      %dma_wait3A = tpu.memref_slice %arg29[%mul3A_22] : memref<10240xf32, #tpu.memory_space<vmem_shared>> -> memref<640xf32, #tpu.memory_space<vmem_shared>>
      %dma_wait3A_79 = tpu.memref_slice %arg4[%mul3A_22] : memref<10240xf32, #tpu.memory_space<hbm>> -> memref<640xf32, #tpu.memory_space<hbm>>
      tpu.wait_dma2 semaphore(%run_scoped3A_76 : memref<!tpu.dma_semaphore, #tpu.memory_space<semaphore_mem>>) src(%dma_wait3A_79 : memref<640xf32, #tpu.memory_space<hbm>>) dst(%dma_wait3A : memref<640xf32, #tpu.memory_space<vmem_shared>>)
      tpu.yield
    }) : () -> ()
    "tpu.region"() ({
      %run_scoped3A_76 = tpu.sem_alloc : memref<!tpu.dma_semaphore, #tpu.memory_space<semaphore_mem>>
      %dma_start3A_77 = tpu.memref_slice %arg30[%mul3A_22] : memref<10240xf32, #tpu.memory_space<vmem_shared>> -> memref<640xf32, #tpu.memory_space<vmem_shared>>
      %dma_start3A_78 = tpu.memref_slice %arg4[%mul3A_22] : memref<10240xf32, #tpu.memory_space<hbm>> -> memref<640xf32, #tpu.memory_space<hbm>>
      tpu.enqueue_dma source(%dma_start3A_78 : memref<640xf32, #tpu.memory_space<hbm>>) target(%dma_start3A_77 : memref<640xf32, #tpu.memory_space<vmem_shared>>) target_semaphore(%run_scoped3A_76 : memref<!tpu.dma_semaphore, #tpu.memory_space<semaphore_mem>>)
      %dma_wait3A = tpu.memref_slice %arg30[%mul3A_22] : memref<10240xf32, #tpu.memory_space<vmem_shared>> -> memref<640xf32, #tpu.memory_space<vmem_shared>>
      %dma_wait3A_79 = tpu.memref_slice %arg4[%mul3A_22] : memref<10240xf32, #tpu.memory_space<hbm>> -> memref<640xf32, #tpu.memory_space<hbm>>
      tpu.wait_dma2 semaphore(%run_scoped3A_76 : memref<!tpu.dma_semaphore, #tpu.memory_space<semaphore_mem>>) src(%dma_wait3A_79 : memref<640xf32, #tpu.memory_space<hbm>>) dst(%dma_wait3A : memref<640xf32, #tpu.memory_space<vmem_shared>>)
      tpu.yield
    }) : () -> ()
    %barrier3A = arith.constant 0 : index
    tpu.barrier barrier_id(%barrier3A)
    %mul3A_23 = arith.constant 10000 : i32
    %mul3A_24 = arith.muli %add3A, %mul3A_23 : i32
    %mul3A_25 = arith.constant 0 : i32
    %mul3A_26 = arith.constant 80 : i32
    %mul3A_27 = arith.muli %mul3A_25, %mul3A_26 : i32
    %add3A_28 = arith.addi %mul3A_24, %mul3A_27 : i32
    %dma_start3A = tpu.memref_slice %arg2[%add3A_28] : memref<320000xi32, #tpu.memory_space<hbm>> -> memref<80xi32, #tpu.memory_space<hbm>>
    %dma_start3A_29 = tpu.memref_slice %arg2[%add3A_28] : memref<320000xi32, #tpu.memory_space<hbm>> -> memref<80xi32, #tpu.memory_space<hbm>>
    tpu.enqueue_dma source(%dma_start3A_29 : memref<80xi32, #tpu.memory_space<hbm>>) target(%arg7 : memref<80xi32, #tpu.memory_space<vmem>>) target_semaphore(%arg17 : memref<!tpu.dma_semaphore, #tpu.memory_space<semaphore_mem>>)
    %dma_start3A_30 = tpu.memref_slice %arg3[%add3A_28] : memref<320000xi32, #tpu.memory_space<hbm>> -> memref<80xi32, #tpu.memory_space<hbm>>
    %dma_start3A_31 = tpu.memref_slice %arg3[%add3A_28] : memref<320000xi32, #tpu.memory_space<hbm>> -> memref<80xi32, #tpu.memory_space<hbm>>
    tpu.enqueue_dma source(%dma_start3A_31 : memref<80xi32, #tpu.memory_space<hbm>>) target(%arg12 : memref<80xi32, #tpu.memory_space<vmem>>) target_semaphore(%arg22 : memref<!tpu.dma_semaphore, #tpu.memory_space<semaphore_mem>>)
    %mul3A_32 = arith.constant 1 : i32
    %mul3A_33 = arith.constant 80 : i32
    %mul3A_34 = arith.muli %mul3A_32, %mul3A_33 : i32
    %add3A_35 = arith.addi %mul3A_24, %mul3A_34 : i32
    %dma_start3A_36 = tpu.memref_slice %arg2[%add3A_35] : memref<320000xi32, #tpu.memory_space<hbm>> -> memref<80xi32, #tpu.memory_space<hbm>>
    %dma_start3A_37 = tpu.memref_slice %arg2[%add3A_35] : memref<320000xi32, #tpu.memory_space<hbm>> -> memref<80xi32, #tpu.memory_space<hbm>>
    tpu.enqueue_dma source(%dma_start3A_37 : memref<80xi32, #tpu.memory_space<hbm>>) target(%arg8 : memref<80xi32, #tpu.memory_space<vmem>>) target_semaphore(%arg18 : memref<!tpu.dma_semaphore, #tpu.memory_space<semaphore_mem>>)
    %dma_start3A_38 = tpu.memref_slice %arg3[%add3A_35] : memref<320000xi32, #tpu.memory_space<hbm>> -> memref<80xi32, #tpu.memory_space<hbm>>
    %dma_start3A_39 = tpu.memref_slice %arg3[%add3A_35] : memref<320000xi32, #tpu.memory_space<hbm>> -> memref<80xi32, #tpu.memory_space<hbm>>
    tpu.enqueue_dma source(%dma_start3A_39 : memref<80xi32, #tpu.memory_space<hbm>>) target(%arg13 : memref<80xi32, #tpu.memory_space<vmem>>) target_semaphore(%arg23 : memref<!tpu.dma_semaphore, #tpu.memory_space<semaphore_mem>>)
    %mul3A_40 = arith.constant 2 : i32
    %mul3A_41 = arith.constant 80 : i32
    %mul3A_42 = arith.muli %mul3A_40, %mul3A_41 : i32
    %add3A_43 = arith.addi %mul3A_24, %mul3A_42 : i32
    %dma_start3A_44 = tpu.memref_slice %arg2[%add3A_43] : memref<320000xi32, #tpu.memory_space<hbm>> -> memref<80xi32, #tpu.memory_space<hbm>>
    %dma_start3A_45 = tpu.memref_slice %arg2[%add3A_43] : memref<320000xi32, #tpu.memory_space<hbm>> -> memref<80xi32, #tpu.memory_space<hbm>>
    tpu.enqueue_dma source(%dma_start3A_45 : memref<80xi32, #tpu.memory_space<hbm>>) target(%arg9 : memref<80xi32, #tpu.memory_space<vmem>>) target_semaphore(%arg19 : memref<!tpu.dma_semaphore, #tpu.memory_space<semaphore_mem>>)
    %dma_start3A_46 = tpu.memref_slice %arg3[%add3A_43] : memref<320000xi32, #tpu.memory_space<hbm>> -> memref<80xi32, #tpu.memory_space<hbm>>
    %dma_start3A_47 = tpu.memref_slice %arg3[%add3A_43] : memref<320000xi32, #tpu.memory_space<hbm>> -> memref<80xi32, #tpu.memory_space<hbm>>
    tpu.enqueue_dma source(%dma_start3A_47 : memref<80xi32, #tpu.memory_space<hbm>>) target(%arg14 : memref<80xi32, #tpu.memory_space<vmem>>) target_semaphore(%arg24 : memref<!tpu.dma_semaphore, #tpu.memory_space<semaphore_mem>>)
    %mul3A_48 = arith.constant 3 : i32
    %mul3A_49 = arith.constant 80 : i32
    %mul3A_50 = arith.muli %mul3A_48, %mul3A_49 : i32
    %add3A_51 = arith.addi %mul3A_24, %mul3A_50 : i32
    %dma_start3A_52 = tpu.memref_slice %arg2[%add3A_51] : memref<320000xi32, #tpu.memory_space<hbm>> -> memref<80xi32, #tpu.memory_space<hbm>>
    %dma_start3A_53 = tpu.memref_slice %arg2[%add3A_51] : memref<320000xi32, #tpu.memory_space<hbm>> -> memref<80xi32, #tpu.memory_space<hbm>>
    tpu.enqueue_dma source(%dma_start3A_53 : memref<80xi32, #tpu.memory_space<hbm>>) target(%arg10 : memref<80xi32, #tpu.memory_space<vmem>>) target_semaphore(%arg20 : memref<!tpu.dma_semaphore, #tpu.memory_space<semaphore_mem>>)
    %dma_start3A_54 = tpu.memref_slice %arg3[%add3A_51] : memref<320000xi32, #tpu.memory_space<hbm>> -> memref<80xi32, #tpu.memory_space<hbm>>
    %dma_start3A_55 = tpu.memref_slice %arg3[%add3A_51] : memref<320000xi32, #tpu.memory_space<hbm>> -> memref<80xi32, #tpu.memory_space<hbm>>
    tpu.enqueue_dma source(%dma_start3A_55 : memref<80xi32, #tpu.memory_space<hbm>>) target(%arg15 : memref<80xi32, #tpu.memory_space<vmem>>) target_semaphore(%arg25 : memref<!tpu.dma_semaphore, #tpu.memory_space<semaphore_mem>>)
    %mul3A_56 = arith.constant 4 : i32
    %mul3A_57 = arith.constant 80 : i32
    %mul3A_58 = arith.muli %mul3A_56, %mul3A_57 : i32
    %add3A_59 = arith.addi %mul3A_24, %mul3A_58 : i32
    %dma_start3A_60 = tpu.memref_slice %arg2[%add3A_59] : memref<320000xi32, #tpu.memory_space<hbm>> -> memref<80xi32, #tpu.memory_space<hbm>>
    %dma_start3A_61 = tpu.memref_slice %arg2[%add3A_59] : memref<320000xi32, #tpu.memory_space<hbm>> -> memref<80xi32, #tpu.memory_space<hbm>>
    tpu.enqueue_dma source(%dma_start3A_61 : memref<80xi32, #tpu.memory_space<hbm>>) target(%arg11 : memref<80xi32, #tpu.memory_space<vmem>>) target_semaphore(%arg21 : memref<!tpu.dma_semaphore, #tpu.memory_space<semaphore_mem>>)
    %dma_start3A_62 = tpu.memref_slice %arg3[%add3A_59] : memref<320000xi32, #tpu.memory_space<hbm>> -> memref<80xi32, #tpu.memory_space<hbm>>
    %dma_start3A_63 = tpu.memref_slice %arg3[%add3A_59] : memref<320000xi32, #tpu.memory_space<hbm>> -> memref<80xi32, #tpu.memory_space<hbm>>
    tpu.enqueue_dma source(%dma_start3A_63 : memref<80xi32, #tpu.memory_space<hbm>>) target(%arg16 : memref<80xi32, #tpu.memory_space<vmem>>) target_semaphore(%arg26 : memref<!tpu.dma_semaphore, #tpu.memory_space<semaphore_mem>>)
    %while3A = arith.constant 0 : i32
    %while3A_64 = arith.constant 0 : i32
    %while3A_65 = arith.constant 25 : i32
    %while3A_66 = arith.subi %while3A_65, %while3A_64 : i32
    %while3A_67 = arith.addi %while3A_64, %while3A_66 : i32
    %while3A_68 = arith.constant 1 : i32
    %while3A_69 = arith.divsi %while3A_66, %while3A_68 : i32
    %while3A_70 = arith.muli %while3A_69, %while3A_68 : i32
    %while3A_71 = arith.addi %while3A_64, %while3A_70 : i32
    %while3A_72 = arith.constant 1 : i32
    scf.for %while3A_76 = %while3A_64 to %while3A_71 step %while3A_72  : i32 {
      %mul3A_77 = arith.constant 5 : i32
      %mul3A_78 = arith.muli %while3A_76, %mul3A_77 : i32
      %add3A_79 = arith.constant 0 : i32
      %add3A_80 = arith.addi %mul3A_78, %add3A_79 : i32
      %mul3A_81 = arith.constant 80 : i32
      %mul3A_82 = arith.muli %add3A_80, %mul3A_81 : i32
      %add3A_83 = arith.addi %mul3A_24, %mul3A_82 : i32
      %dma_wait3A = tpu.memref_slice %arg2[%add3A_83] : memref<320000xi32, #tpu.memory_space<hbm>> -> memref<80xi32, #tpu.memory_space<hbm>>
      %dma_wait3A_84 = tpu.memref_slice %arg2[%add3A_83] : memref<320000xi32, #tpu.memory_space<hbm>> -> memref<80xi32, #tpu.memory_space<hbm>>
      tpu.wait_dma2 semaphore(%arg17 : memref<!tpu.dma_semaphore, #tpu.memory_space<semaphore_mem>>) src(%dma_wait3A_84 : memref<80xi32, #tpu.memory_space<hbm>>) dst(%arg7 : memref<80xi32, #tpu.memory_space<vmem>>)
      %dma_wait3A_85 = tpu.memref_slice %arg3[%add3A_83] : memref<320000xi32, #tpu.memory_space<hbm>> -> memref<80xi32, #tpu.memory_space<hbm>>
      %dma_wait3A_86 = tpu.memref_slice %arg3[%add3A_83] : memref<320000xi32, #tpu.memory_space<hbm>> -> memref<80xi32, #tpu.memory_space<hbm>>
      tpu.wait_dma2 semaphore(%arg22 : memref<!tpu.dma_semaphore, #tpu.memory_space<semaphore_mem>>) src(%dma_wait3A_86 : memref<80xi32, #tpu.memory_space<hbm>>) dst(%arg12 : memref<80xi32, #tpu.memory_space<vmem>>)
      "tpu.region"() ({
        %run_scoped3A_163 = tpu.sem_alloc : memref<!tpu.dma_semaphore, #tpu.memory_space<semaphore_mem>>
        %dma_start3A_164 = arith.constant 0 : i32
        %dma_start3A_165 = tpu.memref_slice %arg29[%dma_start3A_164] : memref<10240xf32, #tpu.memory_space<vmem_shared>> -> memref<10240xf32, #tpu.memory_space<vmem_shared>>
        tpu.enqueue_indirect_dma source(%arg6 : memref<80xf32, #tpu.memory_space<vmem>>) target(%dma_start3A_165 : memref<10240xf32, #tpu.memory_space<vmem_shared>>) offsets(%arg7 : memref<80xi32, #tpu.memory_space<vmem>>) semaphore(%run_scoped3A_163 : memref<!tpu.dma_semaphore, #tpu.memory_space<semaphore_mem>>) {add = true}
        %dma_wait3A_166 = arith.constant 0 : i32
        %dma_wait3A_167 = tpu.memref_slice %arg29[%dma_wait3A_166] : memref<10240xf32, #tpu.memory_space<vmem_shared>> -> memref<10240xf32, #tpu.memory_space<vmem_shared>>
        tpu.wait_indirect_dma semaphore(%run_scoped3A_163 : memref<!tpu.dma_semaphore, #tpu.memory_space<semaphore_mem>>) src(%arg6 : memref<80xf32, #tpu.memory_space<vmem>>) dst(%dma_wait3A_167 : memref<10240xf32, #tpu.memory_space<vmem_shared>>)
        tpu.yield
      }) : () -> ()
      "tpu.region"() ({
        %run_scoped3A_163 = tpu.sem_alloc : memref<!tpu.dma_semaphore, #tpu.memory_space<semaphore_mem>>
        %dma_start3A_164 = arith.constant 0 : i32
        %dma_start3A_165 = tpu.memref_slice %arg30[%dma_start3A_164] : memref<10240xf32, #tpu.memory_space<vmem_shared>> -> memref<10240xf32, #tpu.memory_space<vmem_shared>>
        tpu.enqueue_indirect_dma source(%arg6 : memref<80xf32, #tpu.memory_space<vmem>>) target(%dma_start3A_165 : memref<10240xf32, #tpu.memory_space<vmem_shared>>) offsets(%arg12 : memref<80xi32, #tpu.memory_space<vmem>>) semaphore(%run_scoped3A_163 : memref<!tpu.dma_semaphore, #tpu.memory_space<semaphore_mem>>) {add = true}
        %dma_wait3A_166 = arith.constant 0 : i32
        %dma_wait3A_167 = tpu.memref_slice %arg30[%dma_wait3A_166] : memref<10240xf32, #tpu.memory_space<vmem_shared>> -> memref<10240xf32, #tpu.memory_space<vmem_shared>>
        tpu.wait_indirect_dma semaphore(%run_scoped3A_163 : memref<!tpu.dma_semaphore, #tpu.memory_space<semaphore_mem>>) src(%arg6 : memref<80xf32, #tpu.memory_space<vmem>>) dst(%dma_wait3A_167 : memref<10240xf32, #tpu.memory_space<vmem_shared>>)
        tpu.yield
      }) : () -> ()
      %add3A_87 = arith.constant 5 : i32
      %add3A_88 = arith.addi %add3A_80, %add3A_87 : i32
      %lt3A = arith.constant 125 : i32
      %lt3A_89 = arith.cmpi slt, %add3A_88, %lt3A : i32
      %convert_element_type3A = arith.extui %lt3A_89 : i1 to i32
      %cond3A = arith.constant 0 : i32
      %cond3A_90 = arith.cmpi ne, %convert_element_type3A, %cond3A : i32
      scf.if %cond3A_90 {
        %mul3A_163 = arith.constant 80 : i32
        %mul3A_164 = arith.muli %add3A_88, %mul3A_163 : i32
        %add3A_165 = arith.addi %mul3A_24, %mul3A_164 : i32
        %dma_start3A_166 = tpu.memref_slice %arg2[%add3A_165] : memref<320000xi32, #tpu.memory_space<hbm>> -> memref<80xi32, #tpu.memory_space<hbm>>
        %dma_start3A_167 = tpu.memref_slice %arg2[%add3A_165] : memref<320000xi32, #tpu.memory_space<hbm>> -> memref<80xi32, #tpu.memory_space<hbm>>
        tpu.enqueue_dma source(%dma_start3A_167 : memref<80xi32, #tpu.memory_space<hbm>>) target(%arg7 : memref<80xi32, #tpu.memory_space<vmem>>) target_semaphore(%arg17 : memref<!tpu.dma_semaphore, #tpu.memory_space<semaphore_mem>>)
        %dma_start3A_168 = tpu.memref_slice %arg3[%add3A_165] : memref<320000xi32, #tpu.memory_space<hbm>> -> memref<80xi32, #tpu.memory_space<hbm>>
        %dma_start3A_169 = tpu.memref_slice %arg3[%add3A_165] : memref<320000xi32, #tpu.memory_space<hbm>> -> memref<80xi32, #tpu.memory_space<hbm>>
        tpu.enqueue_dma source(%dma_start3A_169 : memref<80xi32, #tpu.memory_space<hbm>>) target(%arg12 : memref<80xi32, #tpu.memory_space<vmem>>) target_semaphore(%arg22 : memref<!tpu.dma_semaphore, #tpu.memory_space<semaphore_mem>>)
      } else {
      }
      %mul3A_91 = arith.constant 5 : i32
      %mul3A_92 = arith.muli %while3A_76, %mul3A_91 : i32
      %add3A_93 = arith.constant 1 : i32
      %add3A_94 = arith.addi %mul3A_92, %add3A_93 : i32
      %mul3A_95 = arith.constant 80 : i32
      %mul3A_96 = arith.muli %add3A_94, %mul3A_95 : i32
      %add3A_97 = arith.addi %mul3A_24, %mul3A_96 : i32
      %dma_wait3A_98 = tpu.memref_slice %arg2[%add3A_97] : memref<320000xi32, #tpu.memory_space<hbm>> -> memref<80xi32, #tpu.memory_space<hbm>>
      %dma_wait3A_99 = tpu.memref_slice %arg2[%add3A_97] : memref<320000xi32, #tpu.memory_space<hbm>> -> memref<80xi32, #tpu.memory_space<hbm>>
      tpu.wait_dma2 semaphore(%arg18 : memref<!tpu.dma_semaphore, #tpu.memory_space<semaphore_mem>>) src(%dma_wait3A_99 : memref<80xi32, #tpu.memory_space<hbm>>) dst(%arg8 : memref<80xi32, #tpu.memory_space<vmem>>)
      %dma_wait3A_100 = tpu.memref_slice %arg3[%add3A_97] : memref<320000xi32, #tpu.memory_space<hbm>> -> memref<80xi32, #tpu.memory_space<hbm>>
      %dma_wait3A_101 = tpu.memref_slice %arg3[%add3A_97] : memref<320000xi32, #tpu.memory_space<hbm>> -> memref<80xi32, #tpu.memory_space<hbm>>
      tpu.wait_dma2 semaphore(%arg23 : memref<!tpu.dma_semaphore, #tpu.memory_space<semaphore_mem>>) src(%dma_wait3A_101 : memref<80xi32, #tpu.memory_space<hbm>>) dst(%arg13 : memref<80xi32, #tpu.memory_space<vmem>>)
      "tpu.region"() ({
        %run_scoped3A_163 = tpu.sem_alloc : memref<!tpu.dma_semaphore, #tpu.memory_space<semaphore_mem>>
        %dma_start3A_164 = arith.constant 0 : i32
        %dma_start3A_165 = tpu.memref_slice %arg29[%dma_start3A_164] : memref<10240xf32, #tpu.memory_space<vmem_shared>> -> memref<10240xf32, #tpu.memory_space<vmem_shared>>
        tpu.enqueue_indirect_dma source(%arg6 : memref<80xf32, #tpu.memory_space<vmem>>) target(%dma_start3A_165 : memref<10240xf32, #tpu.memory_space<vmem_shared>>) offsets(%arg8 : memref<80xi32, #tpu.memory_space<vmem>>) semaphore(%run_scoped3A_163 : memref<!tpu.dma_semaphore, #tpu.memory_space<semaphore_mem>>) {add = true}
        %dma_wait3A_166 = arith.constant 0 : i32
        %dma_wait3A_167 = tpu.memref_slice %arg29[%dma_wait3A_166] : memref<10240xf32, #tpu.memory_space<vmem_shared>> -> memref<10240xf32, #tpu.memory_space<vmem_shared>>
        tpu.wait_indirect_dma semaphore(%run_scoped3A_163 : memref<!tpu.dma_semaphore, #tpu.memory_space<semaphore_mem>>) src(%arg6 : memref<80xf32, #tpu.memory_space<vmem>>) dst(%dma_wait3A_167 : memref<10240xf32, #tpu.memory_space<vmem_shared>>)
        tpu.yield
      }) : () -> ()
      "tpu.region"() ({
        %run_scoped3A_163 = tpu.sem_alloc : memref<!tpu.dma_semaphore, #tpu.memory_space<semaphore_mem>>
        %dma_start3A_164 = arith.constant 0 : i32
        %dma_start3A_165 = tpu.memref_slice %arg30[%dma_start3A_164] : memref<10240xf32, #tpu.memory_space<vmem_shared>> -> memref<10240xf32, #tpu.memory_space<vmem_shared>>
        tpu.enqueue_indirect_dma source(%arg6 : memref<80xf32, #tpu.memory_space<vmem>>) target(%dma_start3A_165 : memref<10240xf32, #tpu.memory_space<vmem_shared>>) offsets(%arg13 : memref<80xi32, #tpu.memory_space<vmem>>) semaphore(%run_scoped3A_163 : memref<!tpu.dma_semaphore, #tpu.memory_space<semaphore_mem>>) {add = true}
        %dma_wait3A_166 = arith.constant 0 : i32
        %dma_wait3A_167 = tpu.memref_slice %arg30[%dma_wait3A_166] : memref<10240xf32, #tpu.memory_space<vmem_shared>> -> memref<10240xf32, #tpu.memory_space<vmem_shared>>
        tpu.wait_indirect_dma semaphore(%run_scoped3A_163 : memref<!tpu.dma_semaphore, #tpu.memory_space<semaphore_mem>>) src(%arg6 : memref<80xf32, #tpu.memory_space<vmem>>) dst(%dma_wait3A_167 : memref<10240xf32, #tpu.memory_space<vmem_shared>>)
        tpu.yield
      }) : () -> ()
      %add3A_102 = arith.constant 5 : i32
      %add3A_103 = arith.addi %add3A_94, %add3A_102 : i32
      %lt3A_104 = arith.constant 125 : i32
      %lt3A_105 = arith.cmpi slt, %add3A_103, %lt3A_104 : i32
      %convert_element_type3A_106 = arith.extui %lt3A_105 : i1 to i32
      %cond3A_107 = arith.constant 0 : i32
      %cond3A_108 = arith.cmpi ne, %convert_element_type3A_106, %cond3A_107 : i32
      scf.if %cond3A_108 {
        %mul3A_163 = arith.constant 80 : i32
        %mul3A_164 = arith.muli %add3A_103, %mul3A_163 : i32
        %add3A_165 = arith.addi %mul3A_24, %mul3A_164 : i32
        %dma_start3A_166 = tpu.memref_slice %arg2[%add3A_165] : memref<320000xi32, #tpu.memory_space<hbm>> -> memref<80xi32, #tpu.memory_space<hbm>>
        %dma_start3A_167 = tpu.memref_slice %arg2[%add3A_165] : memref<320000xi32, #tpu.memory_space<hbm>> -> memref<80xi32, #tpu.memory_space<hbm>>
        tpu.enqueue_dma source(%dma_start3A_167 : memref<80xi32, #tpu.memory_space<hbm>>) target(%arg8 : memref<80xi32, #tpu.memory_space<vmem>>) target_semaphore(%arg18 : memref<!tpu.dma_semaphore, #tpu.memory_space<semaphore_mem>>)
        %dma_start3A_168 = tpu.memref_slice %arg3[%add3A_165] : memref<320000xi32, #tpu.memory_space<hbm>> -> memref<80xi32, #tpu.memory_space<hbm>>
        %dma_start3A_169 = tpu.memref_slice %arg3[%add3A_165] : memref<320000xi32, #tpu.memory_space<hbm>> -> memref<80xi32, #tpu.memory_space<hbm>>
        tpu.enqueue_dma source(%dma_start3A_169 : memref<80xi32, #tpu.memory_space<hbm>>) target(%arg13 : memref<80xi32, #tpu.memory_space<vmem>>) target_semaphore(%arg23 : memref<!tpu.dma_semaphore, #tpu.memory_space<semaphore_mem>>)
      } else {
      }
      %mul3A_109 = arith.constant 5 : i32
      %mul3A_110 = arith.muli %while3A_76, %mul3A_109 : i32
      %add3A_111 = arith.constant 2 : i32
      %add3A_112 = arith.addi %mul3A_110, %add3A_111 : i32
      %mul3A_113 = arith.constant 80 : i32
      %mul3A_114 = arith.muli %add3A_112, %mul3A_113 : i32
      %add3A_115 = arith.addi %mul3A_24, %mul3A_114 : i32
      %dma_wait3A_116 = tpu.memref_slice %arg2[%add3A_115] : memref<320000xi32, #tpu.memory_space<hbm>> -> memref<80xi32, #tpu.memory_space<hbm>>
      %dma_wait3A_117 = tpu.memref_slice %arg2[%add3A_115] : memref<320000xi32, #tpu.memory_space<hbm>> -> memref<80xi32, #tpu.memory_space<hbm>>
      tpu.wait_dma2 semaphore(%arg19 : memref<!tpu.dma_semaphore, #tpu.memory_space<semaphore_mem>>) src(%dma_wait3A_117 : memref<80xi32, #tpu.memory_space<hbm>>) dst(%arg9 : memref<80xi32, #tpu.memory_space<vmem>>)
      %dma_wait3A_118 = tpu.memref_slice %arg3[%add3A_115] : memref<320000xi32, #tpu.memory_space<hbm>> -> memref<80xi32, #tpu.memory_space<hbm>>
      %dma_wait3A_119 = tpu.memref_slice %arg3[%add3A_115] : memref<320000xi32, #tpu.memory_space<hbm>> -> memref<80xi32, #tpu.memory_space<hbm>>
      tpu.wait_dma2 semaphore(%arg24 : memref<!tpu.dma_semaphore, #tpu.memory_space<semaphore_mem>>) src(%dma_wait3A_119 : memref<80xi32, #tpu.memory_space<hbm>>) dst(%arg14 : memref<80xi32, #tpu.memory_space<vmem>>)
      "tpu.region"() ({
        %run_scoped3A_163 = tpu.sem_alloc : memref<!tpu.dma_semaphore, #tpu.memory_space<semaphore_mem>>
        %dma_start3A_164 = arith.constant 0 : i32
        %dma_start3A_165 = tpu.memref_slice %arg29[%dma_start3A_164] : memref<10240xf32, #tpu.memory_space<vmem_shared>> -> memref<10240xf32, #tpu.memory_space<vmem_shared>>
        tpu.enqueue_indirect_dma source(%arg6 : memref<80xf32, #tpu.memory_space<vmem>>) target(%dma_start3A_165 : memref<10240xf32, #tpu.memory_space<vmem_shared>>) offsets(%arg9 : memref<80xi32, #tpu.memory_space<vmem>>) semaphore(%run_scoped3A_163 : memref<!tpu.dma_semaphore, #tpu.memory_space<semaphore_mem>>) {add = true}
        %dma_wait3A_166 = arith.constant 0 : i32
        %dma_wait3A_167 = tpu.memref_slice %arg29[%dma_wait3A_166] : memref<10240xf32, #tpu.memory_space<vmem_shared>> -> memref<10240xf32, #tpu.memory_space<vmem_shared>>
        tpu.wait_indirect_dma semaphore(%run_scoped3A_163 : memref<!tpu.dma_semaphore, #tpu.memory_space<semaphore_mem>>) src(%arg6 : memref<80xf32, #tpu.memory_space<vmem>>) dst(%dma_wait3A_167 : memref<10240xf32, #tpu.memory_space<vmem_shared>>)
        tpu.yield
      }) : () -> ()
      "tpu.region"() ({
        %run_scoped3A_163 = tpu.sem_alloc : memref<!tpu.dma_semaphore, #tpu.memory_space<semaphore_mem>>
        %dma_start3A_164 = arith.constant 0 : i32
        %dma_start3A_165 = tpu.memref_slice %arg30[%dma_start3A_164] : memref<10240xf32, #tpu.memory_space<vmem_shared>> -> memref<10240xf32, #tpu.memory_space<vmem_shared>>
        tpu.enqueue_indirect_dma source(%arg6 : memref<80xf32, #tpu.memory_space<vmem>>) target(%dma_start3A_165 : memref<10240xf32, #tpu.memory_space<vmem_shared>>) offsets(%arg14 : memref<80xi32, #tpu.memory_space<vmem>>) semaphore(%run_scoped3A_163 : memref<!tpu.dma_semaphore, #tpu.memory_space<semaphore_mem>>) {add = true}
        %dma_wait3A_166 = arith.constant 0 : i32
        %dma_wait3A_167 = tpu.memref_slice %arg30[%dma_wait3A_166] : memref<10240xf32, #tpu.memory_space<vmem_shared>> -> memref<10240xf32, #tpu.memory_space<vmem_shared>>
        tpu.wait_indirect_dma semaphore(%run_scoped3A_163 : memref<!tpu.dma_semaphore, #tpu.memory_space<semaphore_mem>>) src(%arg6 : memref<80xf32, #tpu.memory_space<vmem>>) dst(%dma_wait3A_167 : memref<10240xf32, #tpu.memory_space<vmem_shared>>)
        tpu.yield
      }) : () -> ()
      %add3A_120 = arith.constant 5 : i32
      %add3A_121 = arith.addi %add3A_112, %add3A_120 : i32
      %lt3A_122 = arith.constant 125 : i32
      %lt3A_123 = arith.cmpi slt, %add3A_121, %lt3A_122 : i32
      %convert_element_type3A_124 = arith.extui %lt3A_123 : i1 to i32
      %cond3A_125 = arith.constant 0 : i32
      %cond3A_126 = arith.cmpi ne, %convert_element_type3A_124, %cond3A_125 : i32
      scf.if %cond3A_126 {
        %mul3A_163 = arith.constant 80 : i32
        %mul3A_164 = arith.muli %add3A_121, %mul3A_163 : i32
        %add3A_165 = arith.addi %mul3A_24, %mul3A_164 : i32
        %dma_start3A_166 = tpu.memref_slice %arg2[%add3A_165] : memref<320000xi32, #tpu.memory_space<hbm>> -> memref<80xi32, #tpu.memory_space<hbm>>
        %dma_start3A_167 = tpu.memref_slice %arg2[%add3A_165] : memref<320000xi32, #tpu.memory_space<hbm>> -> memref<80xi32, #tpu.memory_space<hbm>>
        tpu.enqueue_dma source(%dma_start3A_167 : memref<80xi32, #tpu.memory_space<hbm>>) target(%arg9 : memref<80xi32, #tpu.memory_space<vmem>>) target_semaphore(%arg19 : memref<!tpu.dma_semaphore, #tpu.memory_space<semaphore_mem>>)
        %dma_start3A_168 = tpu.memref_slice %arg3[%add3A_165] : memref<320000xi32, #tpu.memory_space<hbm>> -> memref<80xi32, #tpu.memory_space<hbm>>
        %dma_start3A_169 = tpu.memref_slice %arg3[%add3A_165] : memref<320000xi32, #tpu.memory_space<hbm>> -> memref<80xi32, #tpu.memory_space<hbm>>
        tpu.enqueue_dma source(%dma_start3A_169 : memref<80xi32, #tpu.memory_space<hbm>>) target(%arg14 : memref<80xi32, #tpu.memory_space<vmem>>) target_semaphore(%arg24 : memref<!tpu.dma_semaphore, #tpu.memory_space<semaphore_mem>>)
      } else {
      }
      %mul3A_127 = arith.constant 5 : i32
      %mul3A_128 = arith.muli %while3A_76, %mul3A_127 : i32
      %add3A_129 = arith.constant 3 : i32
      %add3A_130 = arith.addi %mul3A_128, %add3A_129 : i32
      %mul3A_131 = arith.constant 80 : i32
      %mul3A_132 = arith.muli %add3A_130, %mul3A_131 : i32
      %add3A_133 = arith.addi %mul3A_24, %mul3A_132 : i32
      %dma_wait3A_134 = tpu.memref_slice %arg2[%add3A_133] : memref<320000xi32, #tpu.memory_space<hbm>> -> memref<80xi32, #tpu.memory_space<hbm>>
      %dma_wait3A_135 = tpu.memref_slice %arg2[%add3A_133] : memref<320000xi32, #tpu.memory_space<hbm>> -> memref<80xi32, #tpu.memory_space<hbm>>
      tpu.wait_dma2 semaphore(%arg20 : memref<!tpu.dma_semaphore, #tpu.memory_space<semaphore_mem>>) src(%dma_wait3A_135 : memref<80xi32, #tpu.memory_space<hbm>>) dst(%arg10 : memref<80xi32, #tpu.memory_space<vmem>>)
      %dma_wait3A_136 = tpu.memref_slice %arg3[%add3A_133] : memref<320000xi32, #tpu.memory_space<hbm>> -> memref<80xi32, #tpu.memory_space<hbm>>
      %dma_wait3A_137 = tpu.memref_slice %arg3[%add3A_133] : memref<320000xi32, #tpu.memory_space<hbm>> -> memref<80xi32, #tpu.memory_space<hbm>>
      tpu.wait_dma2 semaphore(%arg25 : memref<!tpu.dma_semaphore, #tpu.memory_space<semaphore_mem>>) src(%dma_wait3A_137 : memref<80xi32, #tpu.memory_space<hbm>>) dst(%arg15 : memref<80xi32, #tpu.memory_space<vmem>>)
      "tpu.region"() ({
        %run_scoped3A_163 = tpu.sem_alloc : memref<!tpu.dma_semaphore, #tpu.memory_space<semaphore_mem>>
        %dma_start3A_164 = arith.constant 0 : i32
        %dma_start3A_165 = tpu.memref_slice %arg29[%dma_start3A_164] : memref<10240xf32, #tpu.memory_space<vmem_shared>> -> memref<10240xf32, #tpu.memory_space<vmem_shared>>
        tpu.enqueue_indirect_dma source(%arg6 : memref<80xf32, #tpu.memory_space<vmem>>) target(%dma_start3A_165 : memref<10240xf32, #tpu.memory_space<vmem_shared>>) offsets(%arg10 : memref<80xi32, #tpu.memory_space<vmem>>) semaphore(%run_scoped3A_163 : memref<!tpu.dma_semaphore, #tpu.memory_space<semaphore_mem>>) {add = true}
        %dma_wait3A_166 = arith.constant 0 : i32
        %dma_wait3A_167 = tpu.memref_slice %arg29[%dma_wait3A_166] : memref<10240xf32, #tpu.memory_space<vmem_shared>> -> memref<10240xf32, #tpu.memory_space<vmem_shared>>
        tpu.wait_indirect_dma semaphore(%run_scoped3A_163 : memref<!tpu.dma_semaphore, #tpu.memory_space<semaphore_mem>>) src(%arg6 : memref<80xf32, #tpu.memory_space<vmem>>) dst(%dma_wait3A_167 : memref<10240xf32, #tpu.memory_space<vmem_shared>>)
        tpu.yield
      }) : () -> ()
      "tpu.region"() ({
        %run_scoped3A_163 = tpu.sem_alloc : memref<!tpu.dma_semaphore, #tpu.memory_space<semaphore_mem>>
        %dma_start3A_164 = arith.constant 0 : i32
        %dma_start3A_165 = tpu.memref_slice %arg30[%dma_start3A_164] : memref<10240xf32, #tpu.memory_space<vmem_shared>> -> memref<10240xf32, #tpu.memory_space<vmem_shared>>
        tpu.enqueue_indirect_dma source(%arg6 : memref<80xf32, #tpu.memory_space<vmem>>) target(%dma_start3A_165 : memref<10240xf32, #tpu.memory_space<vmem_shared>>) offsets(%arg15 : memref<80xi32, #tpu.memory_space<vmem>>) semaphore(%run_scoped3A_163 : memref<!tpu.dma_semaphore, #tpu.memory_space<semaphore_mem>>) {add = true}
        %dma_wait3A_166 = arith.constant 0 : i32
        %dma_wait3A_167 = tpu.memref_slice %arg30[%dma_wait3A_166] : memref<10240xf32, #tpu.memory_space<vmem_shared>> -> memref<10240xf32, #tpu.memory_space<vmem_shared>>
        tpu.wait_indirect_dma semaphore(%run_scoped3A_163 : memref<!tpu.dma_semaphore, #tpu.memory_space<semaphore_mem>>) src(%arg6 : memref<80xf32, #tpu.memory_space<vmem>>) dst(%dma_wait3A_167 : memref<10240xf32, #tpu.memory_space<vmem_shared>>)
        tpu.yield
      }) : () -> ()
      %add3A_138 = arith.constant 5 : i32
      %add3A_139 = arith.addi %add3A_130, %add3A_138 : i32
      %lt3A_140 = arith.constant 125 : i32
      %lt3A_141 = arith.cmpi slt, %add3A_139, %lt3A_140 : i32
      %convert_element_type3A_142 = arith.extui %lt3A_141 : i1 to i32
      %cond3A_143 = arith.constant 0 : i32
      %cond3A_144 = arith.cmpi ne, %convert_element_type3A_142, %cond3A_143 : i32
      scf.if %cond3A_144 {
        %mul3A_163 = arith.constant 80 : i32
        %mul3A_164 = arith.muli %add3A_139, %mul3A_163 : i32
        %add3A_165 = arith.addi %mul3A_24, %mul3A_164 : i32
        %dma_start3A_166 = tpu.memref_slice %arg2[%add3A_165] : memref<320000xi32, #tpu.memory_space<hbm>> -> memref<80xi32, #tpu.memory_space<hbm>>
        %dma_start3A_167 = tpu.memref_slice %arg2[%add3A_165] : memref<320000xi32, #tpu.memory_space<hbm>> -> memref<80xi32, #tpu.memory_space<hbm>>
        tpu.enqueue_dma source(%dma_start3A_167 : memref<80xi32, #tpu.memory_space<hbm>>) target(%arg10 : memref<80xi32, #tpu.memory_space<vmem>>) target_semaphore(%arg20 : memref<!tpu.dma_semaphore, #tpu.memory_space<semaphore_mem>>)
        %dma_start3A_168 = tpu.memref_slice %arg3[%add3A_165] : memref<320000xi32, #tpu.memory_space<hbm>> -> memref<80xi32, #tpu.memory_space<hbm>>
        %dma_start3A_169 = tpu.memref_slice %arg3[%add3A_165] : memref<320000xi32, #tpu.memory_space<hbm>> -> memref<80xi32, #tpu.memory_space<hbm>>
        tpu.enqueue_dma source(%dma_start3A_169 : memref<80xi32, #tpu.memory_space<hbm>>) target(%arg15 : memref<80xi32, #tpu.memory_space<vmem>>) target_semaphore(%arg25 : memref<!tpu.dma_semaphore, #tpu.memory_space<semaphore_mem>>)
      } else {
      }
      %mul3A_145 = arith.constant 5 : i32
      %mul3A_146 = arith.muli %while3A_76, %mul3A_145 : i32
      %add3A_147 = arith.constant 4 : i32
      %add3A_148 = arith.addi %mul3A_146, %add3A_147 : i32
      %mul3A_149 = arith.constant 80 : i32
      %mul3A_150 = arith.muli %add3A_148, %mul3A_149 : i32
      %add3A_151 = arith.addi %mul3A_24, %mul3A_150 : i32
      %dma_wait3A_152 = tpu.memref_slice %arg2[%add3A_151] : memref<320000xi32, #tpu.memory_space<hbm>> -> memref<80xi32, #tpu.memory_space<hbm>>
      %dma_wait3A_153 = tpu.memref_slice %arg2[%add3A_151] : memref<320000xi32, #tpu.memory_space<hbm>> -> memref<80xi32, #tpu.memory_space<hbm>>
      tpu.wait_dma2 semaphore(%arg21 : memref<!tpu.dma_semaphore, #tpu.memory_space<semaphore_mem>>) src(%dma_wait3A_153 : memref<80xi32, #tpu.memory_space<hbm>>) dst(%arg11 : memref<80xi32, #tpu.memory_space<vmem>>)
      %dma_wait3A_154 = tpu.memref_slice %arg3[%add3A_151] : memref<320000xi32, #tpu.memory_space<hbm>> -> memref<80xi32, #tpu.memory_space<hbm>>
      %dma_wait3A_155 = tpu.memref_slice %arg3[%add3A_151] : memref<320000xi32, #tpu.memory_space<hbm>> -> memref<80xi32, #tpu.memory_space<hbm>>
      tpu.wait_dma2 semaphore(%arg26 : memref<!tpu.dma_semaphore, #tpu.memory_space<semaphore_mem>>) src(%dma_wait3A_155 : memref<80xi32, #tpu.memory_space<hbm>>) dst(%arg16 : memref<80xi32, #tpu.memory_space<vmem>>)
      "tpu.region"() ({
        %run_scoped3A_163 = tpu.sem_alloc : memref<!tpu.dma_semaphore, #tpu.memory_space<semaphore_mem>>
        %dma_start3A_164 = arith.constant 0 : i32
        %dma_start3A_165 = tpu.memref_slice %arg29[%dma_start3A_164] : memref<10240xf32, #tpu.memory_space<vmem_shared>> -> memref<10240xf32, #tpu.memory_space<vmem_shared>>
        tpu.enqueue_indirect_dma source(%arg6 : memref<80xf32, #tpu.memory_space<vmem>>) target(%dma_start3A_165 : memref<10240xf32, #tpu.memory_space<vmem_shared>>) offsets(%arg11 : memref<80xi32, #tpu.memory_space<vmem>>) semaphore(%run_scoped3A_163 : memref<!tpu.dma_semaphore, #tpu.memory_space<semaphore_mem>>) {add = true}
        %dma_wait3A_166 = arith.constant 0 : i32
        %dma_wait3A_167 = tpu.memref_slice %arg29[%dma_wait3A_166] : memref<10240xf32, #tpu.memory_space<vmem_shared>> -> memref<10240xf32, #tpu.memory_space<vmem_shared>>
        tpu.wait_indirect_dma semaphore(%run_scoped3A_163 : memref<!tpu.dma_semaphore, #tpu.memory_space<semaphore_mem>>) src(%arg6 : memref<80xf32, #tpu.memory_space<vmem>>) dst(%dma_wait3A_167 : memref<10240xf32, #tpu.memory_space<vmem_shared>>)
        tpu.yield
      }) : () -> ()
      "tpu.region"() ({
        %run_scoped3A_163 = tpu.sem_alloc : memref<!tpu.dma_semaphore, #tpu.memory_space<semaphore_mem>>
        %dma_start3A_164 = arith.constant 0 : i32
        %dma_start3A_165 = tpu.memref_slice %arg30[%dma_start3A_164] : memref<10240xf32, #tpu.memory_space<vmem_shared>> -> memref<10240xf32, #tpu.memory_space<vmem_shared>>
        tpu.enqueue_indirect_dma source(%arg6 : memref<80xf32, #tpu.memory_space<vmem>>) target(%dma_start3A_165 : memref<10240xf32, #tpu.memory_space<vmem_shared>>) offsets(%arg16 : memref<80xi32, #tpu.memory_space<vmem>>) semaphore(%run_scoped3A_163 : memref<!tpu.dma_semaphore, #tpu.memory_space<semaphore_mem>>) {add = true}
        %dma_wait3A_166 = arith.constant 0 : i32
        %dma_wait3A_167 = tpu.memref_slice %arg30[%dma_wait3A_166] : memref<10240xf32, #tpu.memory_space<vmem_shared>> -> memref<10240xf32, #tpu.memory_space<vmem_shared>>
        tpu.wait_indirect_dma semaphore(%run_scoped3A_163 : memref<!tpu.dma_semaphore, #tpu.memory_space<semaphore_mem>>) src(%arg6 : memref<80xf32, #tpu.memory_space<vmem>>) dst(%dma_wait3A_167 : memref<10240xf32, #tpu.memory_space<vmem_shared>>)
        tpu.yield
      }) : () -> ()
      %add3A_156 = arith.constant 5 : i32
      %add3A_157 = arith.addi %add3A_148, %add3A_156 : i32
      %lt3A_158 = arith.constant 125 : i32
      %lt3A_159 = arith.cmpi slt, %add3A_157, %lt3A_158 : i32
      %convert_element_type3A_160 = arith.extui %lt3A_159 : i1 to i32
      %cond3A_161 = arith.constant 0 : i32
      %cond3A_162 = arith.cmpi ne, %convert_element_type3A_160, %cond3A_161 : i32
      scf.if %cond3A_162 {
        %mul3A_163 = arith.constant 80 : i32
        %mul3A_164 = arith.muli %add3A_157, %mul3A_163 : i32
        %add3A_165 = arith.addi %mul3A_24, %mul3A_164 : i32
        %dma_start3A_166 = tpu.memref_slice %arg2[%add3A_165] : memref<320000xi32, #tpu.memory_space<hbm>> -> memref<80xi32, #tpu.memory_space<hbm>>
        %dma_start3A_167 = tpu.memref_slice %arg2[%add3A_165] : memref<320000xi32, #tpu.memory_space<hbm>> -> memref<80xi32, #tpu.memory_space<hbm>>
        tpu.enqueue_dma source(%dma_start3A_167 : memref<80xi32, #tpu.memory_space<hbm>>) target(%arg11 : memref<80xi32, #tpu.memory_space<vmem>>) target_semaphore(%arg21 : memref<!tpu.dma_semaphore, #tpu.memory_space<semaphore_mem>>)
        %dma_start3A_168 = tpu.memref_slice %arg3[%add3A_165] : memref<320000xi32, #tpu.memory_space<hbm>> -> memref<80xi32, #tpu.memory_space<hbm>>
        %dma_start3A_169 = tpu.memref_slice %arg3[%add3A_165] : memref<320000xi32, #tpu.memory_space<hbm>> -> memref<80xi32, #tpu.memory_space<hbm>>
        tpu.enqueue_dma source(%dma_start3A_169 : memref<80xi32, #tpu.memory_space<hbm>>) target(%arg16 : memref<80xi32, #tpu.memory_space<vmem>>) target_semaphore(%arg26 : memref<!tpu.dma_semaphore, #tpu.memory_space<semaphore_mem>>)
      } else {
      }
    }
    %while3A_73 = arith.constant 1 : i32
    scf.for %while3A_76 = %while3A_71 to %while3A_67 step %while3A_73  : i32 {
      %mul3A_77 = arith.constant 5 : i32
      %mul3A_78 = arith.muli %while3A_76, %mul3A_77 : i32
      %add3A_79 = arith.constant 0 : i32
      %add3A_80 = arith.addi %mul3A_78, %add3A_79 : i32
      %mul3A_81 = arith.constant 80 : i32
      %mul3A_82 = arith.muli %add3A_80, %mul3A_81 : i32
      %add3A_83 = arith.addi %mul3A_24, %mul3A_82 : i32
      %dma_wait3A = tpu.memref_slice %arg2[%add3A_83] : memref<320000xi32, #tpu.memory_space<hbm>> -> memref<80xi32, #tpu.memory_space<hbm>>
      %dma_wait3A_84 = tpu.memref_slice %arg2[%add3A_83] : memref<320000xi32, #tpu.memory_space<hbm>> -> memref<80xi32, #tpu.memory_space<hbm>>
      tpu.wait_dma2 semaphore(%arg17 : memref<!tpu.dma_semaphore, #tpu.memory_space<semaphore_mem>>) src(%dma_wait3A_84 : memref<80xi32, #tpu.memory_space<hbm>>) dst(%arg7 : memref<80xi32, #tpu.memory_space<vmem>>)
      %dma_wait3A_85 = tpu.memref_slice %arg3[%add3A_83] : memref<320000xi32, #tpu.memory_space<hbm>> -> memref<80xi32, #tpu.memory_space<hbm>>
      %dma_wait3A_86 = tpu.memref_slice %arg3[%add3A_83] : memref<320000xi32, #tpu.memory_space<hbm>> -> memref<80xi32, #tpu.memory_space<hbm>>
      tpu.wait_dma2 semaphore(%arg22 : memref<!tpu.dma_semaphore, #tpu.memory_space<semaphore_mem>>) src(%dma_wait3A_86 : memref<80xi32, #tpu.memory_space<hbm>>) dst(%arg12 : memref<80xi32, #tpu.memory_space<vmem>>)
      "tpu.region"() ({
        %run_scoped3A_163 = tpu.sem_alloc : memref<!tpu.dma_semaphore, #tpu.memory_space<semaphore_mem>>
        %dma_start3A_164 = arith.constant 0 : i32
        %dma_start3A_165 = tpu.memref_slice %arg29[%dma_start3A_164] : memref<10240xf32, #tpu.memory_space<vmem_shared>> -> memref<10240xf32, #tpu.memory_space<vmem_shared>>
        tpu.enqueue_indirect_dma source(%arg6 : memref<80xf32, #tpu.memory_space<vmem>>) target(%dma_start3A_165 : memref<10240xf32, #tpu.memory_space<vmem_shared>>) offsets(%arg7 : memref<80xi32, #tpu.memory_space<vmem>>) semaphore(%run_scoped3A_163 : memref<!tpu.dma_semaphore, #tpu.memory_space<semaphore_mem>>) {add = true}
        %dma_wait3A_166 = arith.constant 0 : i32
        %dma_wait3A_167 = tpu.memref_slice %arg29[%dma_wait3A_166] : memref<10240xf32, #tpu.memory_space<vmem_shared>> -> memref<10240xf32, #tpu.memory_space<vmem_shared>>
        tpu.wait_indirect_dma semaphore(%run_scoped3A_163 : memref<!tpu.dma_semaphore, #tpu.memory_space<semaphore_mem>>) src(%arg6 : memref<80xf32, #tpu.memory_space<vmem>>) dst(%dma_wait3A_167 : memref<10240xf32, #tpu.memory_space<vmem_shared>>)
        tpu.yield
      }) : () -> ()
      "tpu.region"() ({
        %run_scoped3A_163 = tpu.sem_alloc : memref<!tpu.dma_semaphore, #tpu.memory_space<semaphore_mem>>
        %dma_start3A_164 = arith.constant 0 : i32
        %dma_start3A_165 = tpu.memref_slice %arg30[%dma_start3A_164] : memref<10240xf32, #tpu.memory_space<vmem_shared>> -> memref<10240xf32, #tpu.memory_space<vmem_shared>>
        tpu.enqueue_indirect_dma source(%arg6 : memref<80xf32, #tpu.memory_space<vmem>>) target(%dma_start3A_165 : memref<10240xf32, #tpu.memory_space<vmem_shared>>) offsets(%arg12 : memref<80xi32, #tpu.memory_space<vmem>>) semaphore(%run_scoped3A_163 : memref<!tpu.dma_semaphore, #tpu.memory_space<semaphore_mem>>) {add = true}
        %dma_wait3A_166 = arith.constant 0 : i32
        %dma_wait3A_167 = tpu.memref_slice %arg30[%dma_wait3A_166] : memref<10240xf32, #tpu.memory_space<vmem_shared>> -> memref<10240xf32, #tpu.memory_space<vmem_shared>>
        tpu.wait_indirect_dma semaphore(%run_scoped3A_163 : memref<!tpu.dma_semaphore, #tpu.memory_space<semaphore_mem>>) src(%arg6 : memref<80xf32, #tpu.memory_space<vmem>>) dst(%dma_wait3A_167 : memref<10240xf32, #tpu.memory_space<vmem_shared>>)
        tpu.yield
      }) : () -> ()
      %add3A_87 = arith.constant 5 : i32
      %add3A_88 = arith.addi %add3A_80, %add3A_87 : i32
      %lt3A = arith.constant 125 : i32
      %lt3A_89 = arith.cmpi slt, %add3A_88, %lt3A : i32
      %convert_element_type3A = arith.extui %lt3A_89 : i1 to i32
      %cond3A = arith.constant 0 : i32
      %cond3A_90 = arith.cmpi ne, %convert_element_type3A, %cond3A : i32
      scf.if %cond3A_90 {
        %mul3A_163 = arith.constant 80 : i32
        %mul3A_164 = arith.muli %add3A_88, %mul3A_163 : i32
        %add3A_165 = arith.addi %mul3A_24, %mul3A_164 : i32
        %dma_start3A_166 = tpu.memref_slice %arg2[%add3A_165] : memref<320000xi32, #tpu.memory_space<hbm>> -> memref<80xi32, #tpu.memory_space<hbm>>
        %dma_start3A_167 = tpu.memref_slice %arg2[%add3A_165] : memref<320000xi32, #tpu.memory_space<hbm>> -> memref<80xi32, #tpu.memory_space<hbm>>
        tpu.enqueue_dma source(%dma_start3A_167 : memref<80xi32, #tpu.memory_space<hbm>>) target(%arg7 : memref<80xi32, #tpu.memory_space<vmem>>) target_semaphore(%arg17 : memref<!tpu.dma_semaphore, #tpu.memory_space<semaphore_mem>>)
        %dma_start3A_168 = tpu.memref_slice %arg3[%add3A_165] : memref<320000xi32, #tpu.memory_space<hbm>> -> memref<80xi32, #tpu.memory_space<hbm>>
        %dma_start3A_169 = tpu.memref_slice %arg3[%add3A_165] : memref<320000xi32, #tpu.memory_space<hbm>> -> memref<80xi32, #tpu.memory_space<hbm>>
        tpu.enqueue_dma source(%dma_start3A_169 : memref<80xi32, #tpu.memory_space<hbm>>) target(%arg12 : memref<80xi32, #tpu.memory_space<vmem>>) target_semaphore(%arg22 : memref<!tpu.dma_semaphore, #tpu.memory_space<semaphore_mem>>)
      } else {
      }
      %mul3A_91 = arith.constant 5 : i32
      %mul3A_92 = arith.muli %while3A_76, %mul3A_91 : i32
      %add3A_93 = arith.constant 1 : i32
      %add3A_94 = arith.addi %mul3A_92, %add3A_93 : i32
      %mul3A_95 = arith.constant 80 : i32
      %mul3A_96 = arith.muli %add3A_94, %mul3A_95 : i32
      %add3A_97 = arith.addi %mul3A_24, %mul3A_96 : i32
      %dma_wait3A_98 = tpu.memref_slice %arg2[%add3A_97] : memref<320000xi32, #tpu.memory_space<hbm>> -> memref<80xi32, #tpu.memory_space<hbm>>
      %dma_wait3A_99 = tpu.memref_slice %arg2[%add3A_97] : memref<320000xi32, #tpu.memory_space<hbm>> -> memref<80xi32, #tpu.memory_space<hbm>>
      tpu.wait_dma2 semaphore(%arg18 : memref<!tpu.dma_semaphore, #tpu.memory_space<semaphore_mem>>) src(%dma_wait3A_99 : memref<80xi32, #tpu.memory_space<hbm>>) dst(%arg8 : memref<80xi32, #tpu.memory_space<vmem>>)
      %dma_wait3A_100 = tpu.memref_slice %arg3[%add3A_97] : memref<320000xi32, #tpu.memory_space<hbm>> -> memref<80xi32, #tpu.memory_space<hbm>>
      %dma_wait3A_101 = tpu.memref_slice %arg3[%add3A_97] : memref<320000xi32, #tpu.memory_space<hbm>> -> memref<80xi32, #tpu.memory_space<hbm>>
      tpu.wait_dma2 semaphore(%arg23 : memref<!tpu.dma_semaphore, #tpu.memory_space<semaphore_mem>>) src(%dma_wait3A_101 : memref<80xi32, #tpu.memory_space<hbm>>) dst(%arg13 : memref<80xi32, #tpu.memory_space<vmem>>)
      "tpu.region"() ({
        %run_scoped3A_163 = tpu.sem_alloc : memref<!tpu.dma_semaphore, #tpu.memory_space<semaphore_mem>>
        %dma_start3A_164 = arith.constant 0 : i32
        %dma_start3A_165 = tpu.memref_slice %arg29[%dma_start3A_164] : memref<10240xf32, #tpu.memory_space<vmem_shared>> -> memref<10240xf32, #tpu.memory_space<vmem_shared>>
        tpu.enqueue_indirect_dma source(%arg6 : memref<80xf32, #tpu.memory_space<vmem>>) target(%dma_start3A_165 : memref<10240xf32, #tpu.memory_space<vmem_shared>>) offsets(%arg8 : memref<80xi32, #tpu.memory_space<vmem>>) semaphore(%run_scoped3A_163 : memref<!tpu.dma_semaphore, #tpu.memory_space<semaphore_mem>>) {add = true}
        %dma_wait3A_166 = arith.constant 0 : i32
        %dma_wait3A_167 = tpu.memref_slice %arg29[%dma_wait3A_166] : memref<10240xf32, #tpu.memory_space<vmem_shared>> -> memref<10240xf32, #tpu.memory_space<vmem_shared>>
        tpu.wait_indirect_dma semaphore(%run_scoped3A_163 : memref<!tpu.dma_semaphore, #tpu.memory_space<semaphore_mem>>) src(%arg6 : memref<80xf32, #tpu.memory_space<vmem>>) dst(%dma_wait3A_167 : memref<10240xf32, #tpu.memory_space<vmem_shared>>)
        tpu.yield
      }) : () -> ()
      "tpu.region"() ({
        %run_scoped3A_163 = tpu.sem_alloc : memref<!tpu.dma_semaphore, #tpu.memory_space<semaphore_mem>>
        %dma_start3A_164 = arith.constant 0 : i32
        %dma_start3A_165 = tpu.memref_slice %arg30[%dma_start3A_164] : memref<10240xf32, #tpu.memory_space<vmem_shared>> -> memref<10240xf32, #tpu.memory_space<vmem_shared>>
        tpu.enqueue_indirect_dma source(%arg6 : memref<80xf32, #tpu.memory_space<vmem>>) target(%dma_start3A_165 : memref<10240xf32, #tpu.memory_space<vmem_shared>>) offsets(%arg13 : memref<80xi32, #tpu.memory_space<vmem>>) semaphore(%run_scoped3A_163 : memref<!tpu.dma_semaphore, #tpu.memory_space<semaphore_mem>>) {add = true}
        %dma_wait3A_166 = arith.constant 0 : i32
        %dma_wait3A_167 = tpu.memref_slice %arg30[%dma_wait3A_166] : memref<10240xf32, #tpu.memory_space<vmem_shared>> -> memref<10240xf32, #tpu.memory_space<vmem_shared>>
        tpu.wait_indirect_dma semaphore(%run_scoped3A_163 : memref<!tpu.dma_semaphore, #tpu.memory_space<semaphore_mem>>) src(%arg6 : memref<80xf32, #tpu.memory_space<vmem>>) dst(%dma_wait3A_167 : memref<10240xf32, #tpu.memory_space<vmem_shared>>)
        tpu.yield
      }) : () -> ()
      %add3A_102 = arith.constant 5 : i32
      %add3A_103 = arith.addi %add3A_94, %add3A_102 : i32
      %lt3A_104 = arith.constant 125 : i32
      %lt3A_105 = arith.cmpi slt, %add3A_103, %lt3A_104 : i32
      %convert_element_type3A_106 = arith.extui %lt3A_105 : i1 to i32
      %cond3A_107 = arith.constant 0 : i32
      %cond3A_108 = arith.cmpi ne, %convert_element_type3A_106, %cond3A_107 : i32
      scf.if %cond3A_108 {
        %mul3A_163 = arith.constant 80 : i32
        %mul3A_164 = arith.muli %add3A_103, %mul3A_163 : i32
        %add3A_165 = arith.addi %mul3A_24, %mul3A_164 : i32
        %dma_start3A_166 = tpu.memref_slice %arg2[%add3A_165] : memref<320000xi32, #tpu.memory_space<hbm>> -> memref<80xi32, #tpu.memory_space<hbm>>
        %dma_start3A_167 = tpu.memref_slice %arg2[%add3A_165] : memref<320000xi32, #tpu.memory_space<hbm>> -> memref<80xi32, #tpu.memory_space<hbm>>
        tpu.enqueue_dma source(%dma_start3A_167 : memref<80xi32, #tpu.memory_space<hbm>>) target(%arg8 : memref<80xi32, #tpu.memory_space<vmem>>) target_semaphore(%arg18 : memref<!tpu.dma_semaphore, #tpu.memory_space<semaphore_mem>>)
        %dma_start3A_168 = tpu.memref_slice %arg3[%add3A_165] : memref<320000xi32, #tpu.memory_space<hbm>> -> memref<80xi32, #tpu.memory_space<hbm>>
        %dma_start3A_169 = tpu.memref_slice %arg3[%add3A_165] : memref<320000xi32, #tpu.memory_space<hbm>> -> memref<80xi32, #tpu.memory_space<hbm>>
        tpu.enqueue_dma source(%dma_start3A_169 : memref<80xi32, #tpu.memory_space<hbm>>) target(%arg13 : memref<80xi32, #tpu.memory_space<vmem>>) target_semaphore(%arg23 : memref<!tpu.dma_semaphore, #tpu.memory_space<semaphore_mem>>)
      } else {
      }
      %mul3A_109 = arith.constant 5 : i32
      %mul3A_110 = arith.muli %while3A_76, %mul3A_109 : i32
      %add3A_111 = arith.constant 2 : i32
      %add3A_112 = arith.addi %mul3A_110, %add3A_111 : i32
      %mul3A_113 = arith.constant 80 : i32
      %mul3A_114 = arith.muli %add3A_112, %mul3A_113 : i32
      %add3A_115 = arith.addi %mul3A_24, %mul3A_114 : i32
      %dma_wait3A_116 = tpu.memref_slice %arg2[%add3A_115] : memref<320000xi32, #tpu.memory_space<hbm>> -> memref<80xi32, #tpu.memory_space<hbm>>
      %dma_wait3A_117 = tpu.memref_slice %arg2[%add3A_115] : memref<320000xi32, #tpu.memory_space<hbm>> -> memref<80xi32, #tpu.memory_space<hbm>>
      tpu.wait_dma2 semaphore(%arg19 : memref<!tpu.dma_semaphore, #tpu.memory_space<semaphore_mem>>) src(%dma_wait3A_117 : memref<80xi32, #tpu.memory_space<hbm>>) dst(%arg9 : memref<80xi32, #tpu.memory_space<vmem>>)
      %dma_wait3A_118 = tpu.memref_slice %arg3[%add3A_115] : memref<320000xi32, #tpu.memory_space<hbm>> -> memref<80xi32, #tpu.memory_space<hbm>>
      %dma_wait3A_119 = tpu.memref_slice %arg3[%add3A_115] : memref<320000xi32, #tpu.memory_space<hbm>> -> memref<80xi32, #tpu.memory_space<hbm>>
      tpu.wait_dma2 semaphore(%arg24 : memref<!tpu.dma_semaphore, #tpu.memory_space<semaphore_mem>>) src(%dma_wait3A_119 : memref<80xi32, #tpu.memory_space<hbm>>) dst(%arg14 : memref<80xi32, #tpu.memory_space<vmem>>)
      "tpu.region"() ({
        %run_scoped3A_163 = tpu.sem_alloc : memref<!tpu.dma_semaphore, #tpu.memory_space<semaphore_mem>>
        %dma_start3A_164 = arith.constant 0 : i32
        %dma_start3A_165 = tpu.memref_slice %arg29[%dma_start3A_164] : memref<10240xf32, #tpu.memory_space<vmem_shared>> -> memref<10240xf32, #tpu.memory_space<vmem_shared>>
        tpu.enqueue_indirect_dma source(%arg6 : memref<80xf32, #tpu.memory_space<vmem>>) target(%dma_start3A_165 : memref<10240xf32, #tpu.memory_space<vmem_shared>>) offsets(%arg9 : memref<80xi32, #tpu.memory_space<vmem>>) semaphore(%run_scoped3A_163 : memref<!tpu.dma_semaphore, #tpu.memory_space<semaphore_mem>>) {add = true}
        %dma_wait3A_166 = arith.constant 0 : i32
        %dma_wait3A_167 = tpu.memref_slice %arg29[%dma_wait3A_166] : memref<10240xf32, #tpu.memory_space<vmem_shared>> -> memref<10240xf32, #tpu.memory_space<vmem_shared>>
        tpu.wait_indirect_dma semaphore(%run_scoped3A_163 : memref<!tpu.dma_semaphore, #tpu.memory_space<semaphore_mem>>) src(%arg6 : memref<80xf32, #tpu.memory_space<vmem>>) dst(%dma_wait3A_167 : memref<10240xf32, #tpu.memory_space<vmem_shared>>)
        tpu.yield
      }) : () -> ()
      "tpu.region"() ({
        %run_scoped3A_163 = tpu.sem_alloc : memref<!tpu.dma_semaphore, #tpu.memory_space<semaphore_mem>>
        %dma_start3A_164 = arith.constant 0 : i32
        %dma_start3A_165 = tpu.memref_slice %arg30[%dma_start3A_164] : memref<10240xf32, #tpu.memory_space<vmem_shared>> -> memref<10240xf32, #tpu.memory_space<vmem_shared>>
        tpu.enqueue_indirect_dma source(%arg6 : memref<80xf32, #tpu.memory_space<vmem>>) target(%dma_start3A_165 : memref<10240xf32, #tpu.memory_space<vmem_shared>>) offsets(%arg14 : memref<80xi32, #tpu.memory_space<vmem>>) semaphore(%run_scoped3A_163 : memref<!tpu.dma_semaphore, #tpu.memory_space<semaphore_mem>>) {add = true}
        %dma_wait3A_166 = arith.constant 0 : i32
        %dma_wait3A_167 = tpu.memref_slice %arg30[%dma_wait3A_166] : memref<10240xf32, #tpu.memory_space<vmem_shared>> -> memref<10240xf32, #tpu.memory_space<vmem_shared>>
        tpu.wait_indirect_dma semaphore(%run_scoped3A_163 : memref<!tpu.dma_semaphore, #tpu.memory_space<semaphore_mem>>) src(%arg6 : memref<80xf32, #tpu.memory_space<vmem>>) dst(%dma_wait3A_167 : memref<10240xf32, #tpu.memory_space<vmem_shared>>)
        tpu.yield
      }) : () -> ()
      %add3A_120 = arith.constant 5 : i32
      %add3A_121 = arith.addi %add3A_112, %add3A_120 : i32
      %lt3A_122 = arith.constant 125 : i32
      %lt3A_123 = arith.cmpi slt, %add3A_121, %lt3A_122 : i32
      %convert_element_type3A_124 = arith.extui %lt3A_123 : i1 to i32
      %cond3A_125 = arith.constant 0 : i32
      %cond3A_126 = arith.cmpi ne, %convert_element_type3A_124, %cond3A_125 : i32
      scf.if %cond3A_126 {
        %mul3A_163 = arith.constant 80 : i32
        %mul3A_164 = arith.muli %add3A_121, %mul3A_163 : i32
        %add3A_165 = arith.addi %mul3A_24, %mul3A_164 : i32
        %dma_start3A_166 = tpu.memref_slice %arg2[%add3A_165] : memref<320000xi32, #tpu.memory_space<hbm>> -> memref<80xi32, #tpu.memory_space<hbm>>
        %dma_start3A_167 = tpu.memref_slice %arg2[%add3A_165] : memref<320000xi32, #tpu.memory_space<hbm>> -> memref<80xi32, #tpu.memory_space<hbm>>
        tpu.enqueue_dma source(%dma_start3A_167 : memref<80xi32, #tpu.memory_space<hbm>>) target(%arg9 : memref<80xi32, #tpu.memory_space<vmem>>) target_semaphore(%arg19 : memref<!tpu.dma_semaphore, #tpu.memory_space<semaphore_mem>>)
        %dma_start3A_168 = tpu.memref_slice %arg3[%add3A_165] : memref<320000xi32, #tpu.memory_space<hbm>> -> memref<80xi32, #tpu.memory_space<hbm>>
        %dma_start3A_169 = tpu.memref_slice %arg3[%add3A_165] : memref<320000xi32, #tpu.memory_space<hbm>> -> memref<80xi32, #tpu.memory_space<hbm>>
        tpu.enqueue_dma source(%dma_start3A_169 : memref<80xi32, #tpu.memory_space<hbm>>) target(%arg14 : memref<80xi32, #tpu.memory_space<vmem>>) target_semaphore(%arg24 : memref<!tpu.dma_semaphore, #tpu.memory_space<semaphore_mem>>)
      } else {
      }
      %mul3A_127 = arith.constant 5 : i32
      %mul3A_128 = arith.muli %while3A_76, %mul3A_127 : i32
      %add3A_129 = arith.constant 3 : i32
      %add3A_130 = arith.addi %mul3A_128, %add3A_129 : i32
      %mul3A_131 = arith.constant 80 : i32
      %mul3A_132 = arith.muli %add3A_130, %mul3A_131 : i32
      %add3A_133 = arith.addi %mul3A_24, %mul3A_132 : i32
      %dma_wait3A_134 = tpu.memref_slice %arg2[%add3A_133] : memref<320000xi32, #tpu.memory_space<hbm>> -> memref<80xi32, #tpu.memory_space<hbm>>
      %dma_wait3A_135 = tpu.memref_slice %arg2[%add3A_133] : memref<320000xi32, #tpu.memory_space<hbm>> -> memref<80xi32, #tpu.memory_space<hbm>>
      tpu.wait_dma2 semaphore(%arg20 : memref<!tpu.dma_semaphore, #tpu.memory_space<semaphore_mem>>) src(%dma_wait3A_135 : memref<80xi32, #tpu.memory_space<hbm>>) dst(%arg10 : memref<80xi32, #tpu.memory_space<vmem>>)
      %dma_wait3A_136 = tpu.memref_slice %arg3[%add3A_133] : memref<320000xi32, #tpu.memory_space<hbm>> -> memref<80xi32, #tpu.memory_space<hbm>>
      %dma_wait3A_137 = tpu.memref_slice %arg3[%add3A_133] : memref<320000xi32, #tpu.memory_space<hbm>> -> memref<80xi32, #tpu.memory_space<hbm>>
      tpu.wait_dma2 semaphore(%arg25 : memref<!tpu.dma_semaphore, #tpu.memory_space<semaphore_mem>>) src(%dma_wait3A_137 : memref<80xi32, #tpu.memory_space<hbm>>) dst(%arg15 : memref<80xi32, #tpu.memory_space<vmem>>)
      "tpu.region"() ({
        %run_scoped3A_163 = tpu.sem_alloc : memref<!tpu.dma_semaphore, #tpu.memory_space<semaphore_mem>>
        %dma_start3A_164 = arith.constant 0 : i32
        %dma_start3A_165 = tpu.memref_slice %arg29[%dma_start3A_164] : memref<10240xf32, #tpu.memory_space<vmem_shared>> -> memref<10240xf32, #tpu.memory_space<vmem_shared>>
        tpu.enqueue_indirect_dma source(%arg6 : memref<80xf32, #tpu.memory_space<vmem>>) target(%dma_start3A_165 : memref<10240xf32, #tpu.memory_space<vmem_shared>>) offsets(%arg10 : memref<80xi32, #tpu.memory_space<vmem>>) semaphore(%run_scoped3A_163 : memref<!tpu.dma_semaphore, #tpu.memory_space<semaphore_mem>>) {add = true}
        %dma_wait3A_166 = arith.constant 0 : i32
        %dma_wait3A_167 = tpu.memref_slice %arg29[%dma_wait3A_166] : memref<10240xf32, #tpu.memory_space<vmem_shared>> -> memref<10240xf32, #tpu.memory_space<vmem_shared>>
        tpu.wait_indirect_dma semaphore(%run_scoped3A_163 : memref<!tpu.dma_semaphore, #tpu.memory_space<semaphore_mem>>) src(%arg6 : memref<80xf32, #tpu.memory_space<vmem>>) dst(%dma_wait3A_167 : memref<10240xf32, #tpu.memory_space<vmem_shared>>)
        tpu.yield
      }) : () -> ()
      "tpu.region"() ({
        %run_scoped3A_163 = tpu.sem_alloc : memref<!tpu.dma_semaphore, #tpu.memory_space<semaphore_mem>>
        %dma_start3A_164 = arith.constant 0 : i32
        %dma_start3A_165 = tpu.memref_slice %arg30[%dma_start3A_164] : memref<10240xf32, #tpu.memory_space<vmem_shared>> -> memref<10240xf32, #tpu.memory_space<vmem_shared>>
        tpu.enqueue_indirect_dma source(%arg6 : memref<80xf32, #tpu.memory_space<vmem>>) target(%dma_start3A_165 : memref<10240xf32, #tpu.memory_space<vmem_shared>>) offsets(%arg15 : memref<80xi32, #tpu.memory_space<vmem>>) semaphore(%run_scoped3A_163 : memref<!tpu.dma_semaphore, #tpu.memory_space<semaphore_mem>>) {add = true}
        %dma_wait3A_166 = arith.constant 0 : i32
        %dma_wait3A_167 = tpu.memref_slice %arg30[%dma_wait3A_166] : memref<10240xf32, #tpu.memory_space<vmem_shared>> -> memref<10240xf32, #tpu.memory_space<vmem_shared>>
        tpu.wait_indirect_dma semaphore(%run_scoped3A_163 : memref<!tpu.dma_semaphore, #tpu.memory_space<semaphore_mem>>) src(%arg6 : memref<80xf32, #tpu.memory_space<vmem>>) dst(%dma_wait3A_167 : memref<10240xf32, #tpu.memory_space<vmem_shared>>)
        tpu.yield
      }) : () -> ()
      %add3A_138 = arith.constant 5 : i32
      %add3A_139 = arith.addi %add3A_130, %add3A_138 : i32
      %lt3A_140 = arith.constant 125 : i32
      %lt3A_141 = arith.cmpi slt, %add3A_139, %lt3A_140 : i32
      %convert_element_type3A_142 = arith.extui %lt3A_141 : i1 to i32
      %cond3A_143 = arith.constant 0 : i32
      %cond3A_144 = arith.cmpi ne, %convert_element_type3A_142, %cond3A_143 : i32
      scf.if %cond3A_144 {
        %mul3A_163 = arith.constant 80 : i32
        %mul3A_164 = arith.muli %add3A_139, %mul3A_163 : i32
        %add3A_165 = arith.addi %mul3A_24, %mul3A_164 : i32
        %dma_start3A_166 = tpu.memref_slice %arg2[%add3A_165] : memref<320000xi32, #tpu.memory_space<hbm>> -> memref<80xi32, #tpu.memory_space<hbm>>
        %dma_start3A_167 = tpu.memref_slice %arg2[%add3A_165] : memref<320000xi32, #tpu.memory_space<hbm>> -> memref<80xi32, #tpu.memory_space<hbm>>
        tpu.enqueue_dma source(%dma_start3A_167 : memref<80xi32, #tpu.memory_space<hbm>>) target(%arg10 : memref<80xi32, #tpu.memory_space<vmem>>) target_semaphore(%arg20 : memref<!tpu.dma_semaphore, #tpu.memory_space<semaphore_mem>>)
        %dma_start3A_168 = tpu.memref_slice %arg3[%add3A_165] : memref<320000xi32, #tpu.memory_space<hbm>> -> memref<80xi32, #tpu.memory_space<hbm>>
        %dma_start3A_169 = tpu.memref_slice %arg3[%add3A_165] : memref<320000xi32, #tpu.memory_space<hbm>> -> memref<80xi32, #tpu.memory_space<hbm>>
        tpu.enqueue_dma source(%dma_start3A_169 : memref<80xi32, #tpu.memory_space<hbm>>) target(%arg15 : memref<80xi32, #tpu.memory_space<vmem>>) target_semaphore(%arg25 : memref<!tpu.dma_semaphore, #tpu.memory_space<semaphore_mem>>)
      } else {
      }
      %mul3A_145 = arith.constant 5 : i32
      %mul3A_146 = arith.muli %while3A_76, %mul3A_145 : i32
      %add3A_147 = arith.constant 4 : i32
      %add3A_148 = arith.addi %mul3A_146, %add3A_147 : i32
      %mul3A_149 = arith.constant 80 : i32
      %mul3A_150 = arith.muli %add3A_148, %mul3A_149 : i32
      %add3A_151 = arith.addi %mul3A_24, %mul3A_150 : i32
      %dma_wait3A_152 = tpu.memref_slice %arg2[%add3A_151] : memref<320000xi32, #tpu.memory_space<hbm>> -> memref<80xi32, #tpu.memory_space<hbm>>
      %dma_wait3A_153 = tpu.memref_slice %arg2[%add3A_151] : memref<320000xi32, #tpu.memory_space<hbm>> -> memref<80xi32, #tpu.memory_space<hbm>>
      tpu.wait_dma2 semaphore(%arg21 : memref<!tpu.dma_semaphore, #tpu.memory_space<semaphore_mem>>) src(%dma_wait3A_153 : memref<80xi32, #tpu.memory_space<hbm>>) dst(%arg11 : memref<80xi32, #tpu.memory_space<vmem>>)
      %dma_wait3A_154 = tpu.memref_slice %arg3[%add3A_151] : memref<320000xi32, #tpu.memory_space<hbm>> -> memref<80xi32, #tpu.memory_space<hbm>>
      %dma_wait3A_155 = tpu.memref_slice %arg3[%add3A_151] : memref<320000xi32, #tpu.memory_space<hbm>> -> memref<80xi32, #tpu.memory_space<hbm>>
      tpu.wait_dma2 semaphore(%arg26 : memref<!tpu.dma_semaphore, #tpu.memory_space<semaphore_mem>>) src(%dma_wait3A_155 : memref<80xi32, #tpu.memory_space<hbm>>) dst(%arg16 : memref<80xi32, #tpu.memory_space<vmem>>)
      "tpu.region"() ({
        %run_scoped3A_163 = tpu.sem_alloc : memref<!tpu.dma_semaphore, #tpu.memory_space<semaphore_mem>>
        %dma_start3A_164 = arith.constant 0 : i32
        %dma_start3A_165 = tpu.memref_slice %arg29[%dma_start3A_164] : memref<10240xf32, #tpu.memory_space<vmem_shared>> -> memref<10240xf32, #tpu.memory_space<vmem_shared>>
        tpu.enqueue_indirect_dma source(%arg6 : memref<80xf32, #tpu.memory_space<vmem>>) target(%dma_start3A_165 : memref<10240xf32, #tpu.memory_space<vmem_shared>>) offsets(%arg11 : memref<80xi32, #tpu.memory_space<vmem>>) semaphore(%run_scoped3A_163 : memref<!tpu.dma_semaphore, #tpu.memory_space<semaphore_mem>>) {add = true}
        %dma_wait3A_166 = arith.constant 0 : i32
        %dma_wait3A_167 = tpu.memref_slice %arg29[%dma_wait3A_166] : memref<10240xf32, #tpu.memory_space<vmem_shared>> -> memref<10240xf32, #tpu.memory_space<vmem_shared>>
        tpu.wait_indirect_dma semaphore(%run_scoped3A_163 : memref<!tpu.dma_semaphore, #tpu.memory_space<semaphore_mem>>) src(%arg6 : memref<80xf32, #tpu.memory_space<vmem>>) dst(%dma_wait3A_167 : memref<10240xf32, #tpu.memory_space<vmem_shared>>)
        tpu.yield
      }) : () -> ()
      "tpu.region"() ({
        %run_scoped3A_163 = tpu.sem_alloc : memref<!tpu.dma_semaphore, #tpu.memory_space<semaphore_mem>>
        %dma_start3A_164 = arith.constant 0 : i32
        %dma_start3A_165 = tpu.memref_slice %arg30[%dma_start3A_164] : memref<10240xf32, #tpu.memory_space<vmem_shared>> -> memref<10240xf32, #tpu.memory_space<vmem_shared>>
        tpu.enqueue_indirect_dma source(%arg6 : memref<80xf32, #tpu.memory_space<vmem>>) target(%dma_start3A_165 : memref<10240xf32, #tpu.memory_space<vmem_shared>>) offsets(%arg16 : memref<80xi32, #tpu.memory_space<vmem>>) semaphore(%run_scoped3A_163 : memref<!tpu.dma_semaphore, #tpu.memory_space<semaphore_mem>>) {add = true}
        %dma_wait3A_166 = arith.constant 0 : i32
        %dma_wait3A_167 = tpu.memref_slice %arg30[%dma_wait3A_166] : memref<10240xf32, #tpu.memory_space<vmem_shared>> -> memref<10240xf32, #tpu.memory_space<vmem_shared>>
        tpu.wait_indirect_dma semaphore(%run_scoped3A_163 : memref<!tpu.dma_semaphore, #tpu.memory_space<semaphore_mem>>) src(%arg6 : memref<80xf32, #tpu.memory_space<vmem>>) dst(%dma_wait3A_167 : memref<10240xf32, #tpu.memory_space<vmem_shared>>)
        tpu.yield
      }) : () -> ()
      %add3A_156 = arith.constant 5 : i32
      %add3A_157 = arith.addi %add3A_148, %add3A_156 : i32
      %lt3A_158 = arith.constant 125 : i32
      %lt3A_159 = arith.cmpi slt, %add3A_157, %lt3A_158 : i32
      %convert_element_type3A_160 = arith.extui %lt3A_159 : i1 to i32
      %cond3A_161 = arith.constant 0 : i32
      %cond3A_162 = arith.cmpi ne, %convert_element_type3A_160, %cond3A_161 : i32
      scf.if %cond3A_162 {
        %mul3A_163 = arith.constant 80 : i32
        %mul3A_164 = arith.muli %add3A_157, %mul3A_163 : i32
        %add3A_165 = arith.addi %mul3A_24, %mul3A_164 : i32
        %dma_start3A_166 = tpu.memref_slice %arg2[%add3A_165] : memref<320000xi32, #tpu.memory_space<hbm>> -> memref<80xi32, #tpu.memory_space<hbm>>
        %dma_start3A_167 = tpu.memref_slice %arg2[%add3A_165] : memref<320000xi32, #tpu.memory_space<hbm>> -> memref<80xi32, #tpu.memory_space<hbm>>
        tpu.enqueue_dma source(%dma_start3A_167 : memref<80xi32, #tpu.memory_space<hbm>>) target(%arg11 : memref<80xi32, #tpu.memory_space<vmem>>) target_semaphore(%arg21 : memref<!tpu.dma_semaphore, #tpu.memory_space<semaphore_mem>>)
        %dma_start3A_168 = tpu.memref_slice %arg3[%add3A_165] : memref<320000xi32, #tpu.memory_space<hbm>> -> memref<80xi32, #tpu.memory_space<hbm>>
        %dma_start3A_169 = tpu.memref_slice %arg3[%add3A_165] : memref<320000xi32, #tpu.memory_space<hbm>> -> memref<80xi32, #tpu.memory_space<hbm>>
        tpu.enqueue_dma source(%dma_start3A_169 : memref<80xi32, #tpu.memory_space<hbm>>) target(%arg16 : memref<80xi32, #tpu.memory_space<vmem>>) target_semaphore(%arg26 : memref<!tpu.dma_semaphore, #tpu.memory_space<semaphore_mem>>)
      } else {
      }
    }
    %barrier3A_74 = arith.constant 0 : index
    tpu.barrier barrier_id(%barrier3A_74)
    %run_scoped3A = arith.constant 0 : i32
    "tpu.region"() ({
      %run_scoped3A_76 = tpu.sem_alloc : memref<!tpu.dma_semaphore, #tpu.memory_space<semaphore_mem>>
      %dma_start3A_77 = tpu.memref_slice %arg5[%arg0, %run_scoped3A, %mul3A_22] : memref<2x2x10240xf32, #tpu.memory_space<hbm>> -> memref<1x1x640xf32, #tpu.memory_space<hbm>>
      %dma_start3A_78 = tpu.memref_squeeze %dma_start3A_77 : memref<1x1x640xf32, #tpu.memory_space<hbm>> -> memref<640xf32, #tpu.memory_space<hbm>>
      %dma_start3A_79 = tpu.memref_slice %arg29[%mul3A_22] : memref<10240xf32, #tpu.memory_space<vmem_shared>> -> memref<640xf32, #tpu.memory_space<vmem_shared>>
      tpu.enqueue_dma source(%dma_start3A_79 : memref<640xf32, #tpu.memory_space<vmem_shared>>) target(%dma_start3A_78 : memref<640xf32, #tpu.memory_space<hbm>>) target_semaphore(%run_scoped3A_76 : memref<!tpu.dma_semaphore, #tpu.memory_space<semaphore_mem>>)
      %dma_wait3A = tpu.memref_slice %arg5[%arg0, %run_scoped3A, %mul3A_22] : memref<2x2x10240xf32, #tpu.memory_space<hbm>> -> memref<1x1x640xf32, #tpu.memory_space<hbm>>
      %dma_wait3A_80 = tpu.memref_squeeze %dma_wait3A : memref<1x1x640xf32, #tpu.memory_space<hbm>> -> memref<640xf32, #tpu.memory_space<hbm>>
      %dma_wait3A_81 = tpu.memref_slice %arg29[%mul3A_22] : memref<10240xf32, #tpu.memory_space<vmem_shared>> -> memref<640xf32, #tpu.memory_space<vmem_shared>>
      tpu.wait_dma2 semaphore(%run_scoped3A_76 : memref<!tpu.dma_semaphore, #tpu.memory_space<semaphore_mem>>) src(%dma_wait3A_81 : memref<640xf32, #tpu.memory_space<vmem_shared>>) dst(%dma_wait3A_80 : memref<640xf32, #tpu.memory_space<hbm>>)
      tpu.yield
    }) : () -> ()
    %run_scoped3A_75 = arith.constant 1 : i32
    "tpu.region"() ({
      %run_scoped3A_76 = tpu.sem_alloc : memref<!tpu.dma_semaphore, #tpu.memory_space<semaphore_mem>>
      %dma_start3A_77 = tpu.memref_slice %arg5[%arg0, %run_scoped3A_75, %mul3A_22] : memref<2x2x10240xf32, #tpu.memory_space<hbm>> -> memref<1x1x640xf32, #tpu.memory_space<hbm>>
      %dma_start3A_78 = tpu.memref_squeeze %dma_start3A_77 : memref<1x1x640xf32, #tpu.memory_space<hbm>> -> memref<640xf32, #tpu.memory_space<hbm>>
      %dma_start3A_79 = tpu.memref_slice %arg30[%mul3A_22] : memref<10240xf32, #tpu.memory_space<vmem_shared>> -> memref<640xf32, #tpu.memory_space<vmem_shared>>
      tpu.enqueue_dma source(%dma_start3A_79 : memref<640xf32, #tpu.memory_space<vmem_shared>>) target(%dma_start3A_78 : memref<640xf32, #tpu.memory_space<hbm>>) target_semaphore(%run_scoped3A_76 : memref<!tpu.dma_semaphore, #tpu.memory_space<semaphore_mem>>)
      %dma_wait3A = tpu.memref_slice %arg5[%arg0, %run_scoped3A_75, %mul3A_22] : memref<2x2x10240xf32, #tpu.memory_space<hbm>> -> memref<1x1x640xf32, #tpu.memory_space<hbm>>
      %dma_wait3A_80 = tpu.memref_squeeze %dma_wait3A : memref<1x1x640xf32, #tpu.memory_space<hbm>> -> memref<640xf32, #tpu.memory_space<hbm>>
      %dma_wait3A_81 = tpu.memref_slice %arg30[%mul3A_22] : memref<10240xf32, #tpu.memory_space<vmem_shared>> -> memref<640xf32, #tpu.memory_space<vmem_shared>>
      tpu.wait_dma2 semaphore(%run_scoped3A_76 : memref<!tpu.dma_semaphore, #tpu.memory_space<semaphore_mem>>) src(%dma_wait3A_81 : memref<640xf32, #tpu.memory_space<vmem_shared>>) dst(%dma_wait3A_80 : memref<640xf32, #tpu.memory_space<hbm>>)
      tpu.yield
    }) : () -> ()
    return
  }
}

#map = affine_map<(d0, d1) -> (0, 0)>
#map1 = affine_map<(d0, d1) -> (0, 0, 0)>
module attributes {stable_mosaic.version = 14 : i64} {
  func.func @agg(%arg0: i32, %arg1: i32, %arg2: memref<10000x80xf32, #tpu.memory_space<hbm>>, %arg3: memref<32x250x40xi32, #tpu.memory_space<hbm>>, %arg4: memref<32x250x40xi32, #tpu.memory_space<hbm>>, %arg5: memref<10240x80xf32, #tpu.memory_space<hbm>>, %arg6: memref<2x10240x80xf32, #tpu.memory_space<hbm>>, %arg7: memref<250x40xi32, #tpu.memory_space<vmem>>, %arg8: memref<40x80xf32, #tpu.memory_space<vmem>>, %arg9: memref<40x80xf32, #tpu.memory_space<vmem>>, %arg10: memref<40x80xf32, #tpu.memory_space<vmem>>, %arg11: memref<40x80xf32, #tpu.memory_space<vmem>>, %arg12: memref<40x80xf32, #tpu.memory_space<vmem>>, %arg13: memref<40x80xf32, #tpu.memory_space<vmem>>, %arg14: memref<40x80xf32, #tpu.memory_space<vmem>>, %arg15: memref<40x80xf32, #tpu.memory_space<vmem>>, %arg16: memref<40x80xf32, #tpu.memory_space<vmem>>, %arg17: memref<40x80xf32, #tpu.memory_space<vmem>>, %arg18: memref<40xi32, #tpu.memory_space<vmem>>, %arg19: memref<40xi32, #tpu.memory_space<vmem>>, %arg20: memref<40xi32, #tpu.memory_space<vmem>>, %arg21: memref<40xi32, #tpu.memory_space<vmem>>, %arg22: memref<40xi32, #tpu.memory_space<vmem>>, %arg23: memref<40xi32, #tpu.memory_space<vmem>>, %arg24: memref<40xi32, #tpu.memory_space<vmem>>, %arg25: memref<40xi32, #tpu.memory_space<vmem>>, %arg26: memref<40xi32, #tpu.memory_space<vmem>>, %arg27: memref<40xi32, #tpu.memory_space<vmem>>, %arg28: memref<!tpu.dma_semaphore, #tpu.memory_space<semaphore_mem>>, %arg29: memref<!tpu.dma_semaphore, #tpu.memory_space<semaphore_mem>>, %arg30: memref<!tpu.dma_semaphore, #tpu.memory_space<semaphore_mem>>, %arg31: memref<!tpu.dma_semaphore, #tpu.memory_space<semaphore_mem>>, %arg32: memref<!tpu.dma_semaphore, #tpu.memory_space<semaphore_mem>>, %arg33: memref<!tpu.dma_semaphore, #tpu.memory_space<semaphore_mem>>, %arg34: memref<!tpu.dma_semaphore, #tpu.memory_space<semaphore_mem>>, %arg35: memref<!tpu.dma_semaphore, #tpu.memory_space<semaphore_mem>>, %arg36: memref<!tpu.dma_semaphore, #tpu.memory_space<semaphore_mem>>, %arg37: memref<!tpu.dma_semaphore, #tpu.memory_space<semaphore_mem>>, %arg38: memref<!tpu.dma_semaphore, #tpu.memory_space<semaphore_mem>>, %arg39: memref<!tpu.dma_semaphore, #tpu.memory_space<semaphore_mem>>, %arg40: memref<!tpu.dma_semaphore, #tpu.memory_space<semaphore_mem>>, %arg41: memref<!tpu.dma_semaphore, #tpu.memory_space<semaphore_mem>>, %arg42: memref<!tpu.dma_semaphore, #tpu.memory_space<semaphore_mem>>, %arg43: memref<!tpu.dma_semaphore, #tpu.memory_space<semaphore_mem>>, %arg44: memref<!tpu.dma_semaphore, #tpu.memory_space<semaphore_mem>>, %arg45: memref<!tpu.dma_semaphore, #tpu.memory_space<semaphore_mem>>, %arg46: memref<!tpu.dma_semaphore, #tpu.memory_space<semaphore_mem>>, %arg47: memref<!tpu.dma_semaphore, #tpu.memory_space<semaphore_mem>>, %arg48: memref<10240x80xf32, #tpu.memory_space<vmem_shared>>) attributes {dimension_semantics = [#tpu.dimension_semantics<core_parallel>, #tpu.dimension_semantics<subcore_parallel>], iteration_bounds = array<i64: 2, 16>, scalar_prefetch = 0 : i64, scratch_operands = 42 : i64, tpu.core_type = #tpu.core_type<sc_vector_subcore>, window_params = [{transform_indices = #map}, {transform_indices = #map1}, {transform_indices = #map1}, {transform_indices = #map}, {transform_indices = #map1}]} {
    %mul3A = arith.constant 16 : i32
    %mul3A_0 = arith.muli %arg0, %mul3A : i32
    %add3A = arith.addi %mul3A_0, %arg1 : i32
    %mul3A_1 = arith.constant 640 : i32
    %mul3A_2 = arith.muli %arg1, %mul3A_1 : i32
    "tpu.region"() ({
      %run_scoped3A = tpu.sem_alloc : memref<!tpu.dma_semaphore, #tpu.memory_space<semaphore_mem>>
      %dma_start3A_83 = arith.constant 0 : i32
      %dma_start3A_84 = arith.constant 0 : i32
      %dma_start3A_85 = tpu.memref_slice %arg3[%add3A, %dma_start3A_83, %dma_start3A_84] : memref<32x250x40xi32, #tpu.memory_space<hbm>> -> memref<1x250x40xi32, #tpu.memory_space<hbm>>
      %dma_start3A_86 = tpu.memref_squeeze %dma_start3A_85 : memref<1x250x40xi32, #tpu.memory_space<hbm>> -> memref<250x40xi32, #tpu.memory_space<hbm>>
      %dma_start3A_87 = arith.constant 0 : i32
      %dma_start3A_88 = arith.constant 0 : i32
      %dma_start3A_89 = tpu.memref_slice %arg3[%add3A, %dma_start3A_87, %dma_start3A_88] : memref<32x250x40xi32, #tpu.memory_space<hbm>> -> memref<1x250x40xi32, #tpu.memory_space<hbm>>
      %dma_start3A_90 = tpu.memref_squeeze %dma_start3A_89 : memref<1x250x40xi32, #tpu.memory_space<hbm>> -> memref<250x40xi32, #tpu.memory_space<hbm>>
      tpu.enqueue_dma source(%dma_start3A_90 : memref<250x40xi32, #tpu.memory_space<hbm>>) target(%arg7 : memref<250x40xi32, #tpu.memory_space<vmem>>) target_semaphore(%run_scoped3A : memref<!tpu.dma_semaphore, #tpu.memory_space<semaphore_mem>>)
      %dma_wait3A = arith.constant 0 : i32
      %dma_wait3A_91 = arith.constant 0 : i32
      %dma_wait3A_92 = tpu.memref_slice %arg3[%add3A, %dma_wait3A, %dma_wait3A_91] : memref<32x250x40xi32, #tpu.memory_space<hbm>> -> memref<1x250x40xi32, #tpu.memory_space<hbm>>
      %dma_wait3A_93 = tpu.memref_squeeze %dma_wait3A_92 : memref<1x250x40xi32, #tpu.memory_space<hbm>> -> memref<250x40xi32, #tpu.memory_space<hbm>>
      %dma_wait3A_94 = arith.constant 0 : i32
      %dma_wait3A_95 = arith.constant 0 : i32
      %dma_wait3A_96 = tpu.memref_slice %arg3[%add3A, %dma_wait3A_94, %dma_wait3A_95] : memref<32x250x40xi32, #tpu.memory_space<hbm>> -> memref<1x250x40xi32, #tpu.memory_space<hbm>>
      %dma_wait3A_97 = tpu.memref_squeeze %dma_wait3A_96 : memref<1x250x40xi32, #tpu.memory_space<hbm>> -> memref<250x40xi32, #tpu.memory_space<hbm>>
      tpu.wait_dma2 semaphore(%run_scoped3A : memref<!tpu.dma_semaphore, #tpu.memory_space<semaphore_mem>>) src(%dma_wait3A_97 : memref<250x40xi32, #tpu.memory_space<hbm>>) dst(%arg7 : memref<250x40xi32, #tpu.memory_space<vmem>>)
      tpu.yield
    }) : () -> ()
    "tpu.region"() ({
      %run_scoped3A = tpu.sem_alloc : memref<!tpu.dma_semaphore, #tpu.memory_space<semaphore_mem>>
      %dma_start3A_83 = arith.constant 0 : i32
      %dma_start3A_84 = tpu.memref_slice %arg48[%mul3A_2, %dma_start3A_83] : memref<10240x80xf32, #tpu.memory_space<vmem_shared>> -> memref<640x80xf32, #tpu.memory_space<vmem_shared>>
      %dma_start3A_85 = arith.constant 0 : i32
      %dma_start3A_86 = tpu.memref_slice %arg5[%mul3A_2, %dma_start3A_85] : memref<10240x80xf32, #tpu.memory_space<hbm>> -> memref<640x80xf32, #tpu.memory_space<hbm>>
      tpu.enqueue_dma source(%dma_start3A_86 : memref<640x80xf32, #tpu.memory_space<hbm>>) target(%dma_start3A_84 : memref<640x80xf32, #tpu.memory_space<vmem_shared>>) target_semaphore(%run_scoped3A : memref<!tpu.dma_semaphore, #tpu.memory_space<semaphore_mem>>)
      %dma_wait3A = arith.constant 0 : i32
      %dma_wait3A_87 = tpu.memref_slice %arg48[%mul3A_2, %dma_wait3A] : memref<10240x80xf32, #tpu.memory_space<vmem_shared>> -> memref<640x80xf32, #tpu.memory_space<vmem_shared>>
      %dma_wait3A_88 = arith.constant 0 : i32
      %dma_wait3A_89 = tpu.memref_slice %arg5[%mul3A_2, %dma_wait3A_88] : memref<10240x80xf32, #tpu.memory_space<hbm>> -> memref<640x80xf32, #tpu.memory_space<hbm>>
      tpu.wait_dma2 semaphore(%run_scoped3A : memref<!tpu.dma_semaphore, #tpu.memory_space<semaphore_mem>>) src(%dma_wait3A_89 : memref<640x80xf32, #tpu.memory_space<hbm>>) dst(%dma_wait3A_87 : memref<640x80xf32, #tpu.memory_space<vmem_shared>>)
      tpu.yield
    }) : () -> ()
    %barrier3A = arith.constant 0 : index
    tpu.barrier barrier_id(%barrier3A)
    %dma_start3A = arith.constant 0 : i32
    %dma_start3A_3 = arith.constant 0 : i32
    %dma_start3A_4 = tpu.memref_slice %arg7[%dma_start3A, %dma_start3A_3] : memref<250x40xi32, #tpu.memory_space<vmem>> -> memref<1x40xi32, #tpu.memory_space<vmem>>
    %dma_start3A_5 = tpu.memref_squeeze %dma_start3A_4 : memref<1x40xi32, #tpu.memory_space<vmem>> -> memref<40xi32, #tpu.memory_space<vmem>>
    %dma_start3A_6 = arith.constant 0 : i32
    %dma_start3A_7 = arith.constant 0 : i32
    %dma_start3A_8 = tpu.memref_slice %arg2[%dma_start3A_6, %dma_start3A_7] : memref<10000x80xf32, #tpu.memory_space<hbm>> -> memref<10000x80xf32, #tpu.memory_space<hbm>>
    tpu.enqueue_indirect_dma source(%dma_start3A_8 : memref<10000x80xf32, #tpu.memory_space<hbm>>) target(%arg8 : memref<40x80xf32, #tpu.memory_space<vmem>>) offsets(%dma_start3A_5 : memref<40xi32, #tpu.memory_space<vmem>>) semaphore(%arg28 : memref<!tpu.dma_semaphore, #tpu.memory_space<semaphore_mem>>)
    %dma_start3A_9 = arith.constant 0 : i32
    %dma_start3A_10 = arith.constant 0 : i32
    %dma_start3A_11 = tpu.memref_slice %arg4[%add3A, %dma_start3A_9, %dma_start3A_10] : memref<32x250x40xi32, #tpu.memory_space<hbm>> -> memref<1x1x40xi32, #tpu.memory_space<hbm>>
    %dma_start3A_12 = tpu.memref_squeeze %dma_start3A_11 : memref<1x1x40xi32, #tpu.memory_space<hbm>> -> memref<40xi32, #tpu.memory_space<hbm>>
    %dma_start3A_13 = arith.constant 0 : i32
    %dma_start3A_14 = tpu.memref_slice %arg4[%add3A, %dma_start3A_9, %dma_start3A_13] : memref<32x250x40xi32, #tpu.memory_space<hbm>> -> memref<1x1x40xi32, #tpu.memory_space<hbm>>
    %dma_start3A_15 = tpu.memref_squeeze %dma_start3A_14 : memref<1x1x40xi32, #tpu.memory_space<hbm>> -> memref<40xi32, #tpu.memory_space<hbm>>
    tpu.enqueue_dma source(%dma_start3A_15 : memref<40xi32, #tpu.memory_space<hbm>>) target(%arg18 : memref<40xi32, #tpu.memory_space<vmem>>) target_semaphore(%arg38 : memref<!tpu.dma_semaphore, #tpu.memory_space<semaphore_mem>>)
    %dma_start3A_16 = arith.constant 1 : i32
    %dma_start3A_17 = arith.constant 0 : i32
    %dma_start3A_18 = tpu.memref_slice %arg7[%dma_start3A_16, %dma_start3A_17] : memref<250x40xi32, #tpu.memory_space<vmem>> -> memref<1x40xi32, #tpu.memory_space<vmem>>
    %dma_start3A_19 = tpu.memref_squeeze %dma_start3A_18 : memref<1x40xi32, #tpu.memory_space<vmem>> -> memref<40xi32, #tpu.memory_space<vmem>>
    %dma_start3A_20 = arith.constant 0 : i32
    %dma_start3A_21 = arith.constant 0 : i32
    %dma_start3A_22 = tpu.memref_slice %arg2[%dma_start3A_20, %dma_start3A_21] : memref<10000x80xf32, #tpu.memory_space<hbm>> -> memref<10000x80xf32, #tpu.memory_space<hbm>>
    tpu.enqueue_indirect_dma source(%dma_start3A_22 : memref<10000x80xf32, #tpu.memory_space<hbm>>) target(%arg9 : memref<40x80xf32, #tpu.memory_space<vmem>>) offsets(%dma_start3A_19 : memref<40xi32, #tpu.memory_space<vmem>>) semaphore(%arg29 : memref<!tpu.dma_semaphore, #tpu.memory_space<semaphore_mem>>)
    %dma_start3A_23 = arith.constant 1 : i32
    %dma_start3A_24 = arith.constant 0 : i32
    %dma_start3A_25 = tpu.memref_slice %arg4[%add3A, %dma_start3A_23, %dma_start3A_24] : memref<32x250x40xi32, #tpu.memory_space<hbm>> -> memref<1x1x40xi32, #tpu.memory_space<hbm>>
    %dma_start3A_26 = tpu.memref_squeeze %dma_start3A_25 : memref<1x1x40xi32, #tpu.memory_space<hbm>> -> memref<40xi32, #tpu.memory_space<hbm>>
    %dma_start3A_27 = arith.constant 0 : i32
    %dma_start3A_28 = tpu.memref_slice %arg4[%add3A, %dma_start3A_23, %dma_start3A_27] : memref<32x250x40xi32, #tpu.memory_space<hbm>> -> memref<1x1x40xi32, #tpu.memory_space<hbm>>
    %dma_start3A_29 = tpu.memref_squeeze %dma_start3A_28 : memref<1x1x40xi32, #tpu.memory_space<hbm>> -> memref<40xi32, #tpu.memory_space<hbm>>
    tpu.enqueue_dma source(%dma_start3A_29 : memref<40xi32, #tpu.memory_space<hbm>>) target(%arg19 : memref<40xi32, #tpu.memory_space<vmem>>) target_semaphore(%arg39 : memref<!tpu.dma_semaphore, #tpu.memory_space<semaphore_mem>>)
    %dma_start3A_30 = arith.constant 2 : i32
    %dma_start3A_31 = arith.constant 0 : i32
    %dma_start3A_32 = tpu.memref_slice %arg7[%dma_start3A_30, %dma_start3A_31] : memref<250x40xi32, #tpu.memory_space<vmem>> -> memref<1x40xi32, #tpu.memory_space<vmem>>
    %dma_start3A_33 = tpu.memref_squeeze %dma_start3A_32 : memref<1x40xi32, #tpu.memory_space<vmem>> -> memref<40xi32, #tpu.memory_space<vmem>>
    %dma_start3A_34 = arith.constant 0 : i32
    %dma_start3A_35 = arith.constant 0 : i32
    %dma_start3A_36 = tpu.memref_slice %arg2[%dma_start3A_34, %dma_start3A_35] : memref<10000x80xf32, #tpu.memory_space<hbm>> -> memref<10000x80xf32, #tpu.memory_space<hbm>>
    tpu.enqueue_indirect_dma source(%dma_start3A_36 : memref<10000x80xf32, #tpu.memory_space<hbm>>) target(%arg10 : memref<40x80xf32, #tpu.memory_space<vmem>>) offsets(%dma_start3A_33 : memref<40xi32, #tpu.memory_space<vmem>>) semaphore(%arg30 : memref<!tpu.dma_semaphore, #tpu.memory_space<semaphore_mem>>)
    %dma_start3A_37 = arith.constant 2 : i32
    %dma_start3A_38 = arith.constant 0 : i32
    %dma_start3A_39 = tpu.memref_slice %arg4[%add3A, %dma_start3A_37, %dma_start3A_38] : memref<32x250x40xi32, #tpu.memory_space<hbm>> -> memref<1x1x40xi32, #tpu.memory_space<hbm>>
    %dma_start3A_40 = tpu.memref_squeeze %dma_start3A_39 : memref<1x1x40xi32, #tpu.memory_space<hbm>> -> memref<40xi32, #tpu.memory_space<hbm>>
    %dma_start3A_41 = arith.constant 0 : i32
    %dma_start3A_42 = tpu.memref_slice %arg4[%add3A, %dma_start3A_37, %dma_start3A_41] : memref<32x250x40xi32, #tpu.memory_space<hbm>> -> memref<1x1x40xi32, #tpu.memory_space<hbm>>
    %dma_start3A_43 = tpu.memref_squeeze %dma_start3A_42 : memref<1x1x40xi32, #tpu.memory_space<hbm>> -> memref<40xi32, #tpu.memory_space<hbm>>
    tpu.enqueue_dma source(%dma_start3A_43 : memref<40xi32, #tpu.memory_space<hbm>>) target(%arg20 : memref<40xi32, #tpu.memory_space<vmem>>) target_semaphore(%arg40 : memref<!tpu.dma_semaphore, #tpu.memory_space<semaphore_mem>>)
    %dma_start3A_44 = arith.constant 3 : i32
    %dma_start3A_45 = arith.constant 0 : i32
    %dma_start3A_46 = tpu.memref_slice %arg7[%dma_start3A_44, %dma_start3A_45] : memref<250x40xi32, #tpu.memory_space<vmem>> -> memref<1x40xi32, #tpu.memory_space<vmem>>
    %dma_start3A_47 = tpu.memref_squeeze %dma_start3A_46 : memref<1x40xi32, #tpu.memory_space<vmem>> -> memref<40xi32, #tpu.memory_space<vmem>>
    %dma_start3A_48 = arith.constant 0 : i32
    %dma_start3A_49 = arith.constant 0 : i32
    %dma_start3A_50 = tpu.memref_slice %arg2[%dma_start3A_48, %dma_start3A_49] : memref<10000x80xf32, #tpu.memory_space<hbm>> -> memref<10000x80xf32, #tpu.memory_space<hbm>>
    tpu.enqueue_indirect_dma source(%dma_start3A_50 : memref<10000x80xf32, #tpu.memory_space<hbm>>) target(%arg11 : memref<40x80xf32, #tpu.memory_space<vmem>>) offsets(%dma_start3A_47 : memref<40xi32, #tpu.memory_space<vmem>>) semaphore(%arg31 : memref<!tpu.dma_semaphore, #tpu.memory_space<semaphore_mem>>)
    %dma_start3A_51 = arith.constant 3 : i32
    %dma_start3A_52 = arith.constant 0 : i32
    %dma_start3A_53 = tpu.memref_slice %arg4[%add3A, %dma_start3A_51, %dma_start3A_52] : memref<32x250x40xi32, #tpu.memory_space<hbm>> -> memref<1x1x40xi32, #tpu.memory_space<hbm>>
    %dma_start3A_54 = tpu.memref_squeeze %dma_start3A_53 : memref<1x1x40xi32, #tpu.memory_space<hbm>> -> memref<40xi32, #tpu.memory_space<hbm>>
    %dma_start3A_55 = arith.constant 0 : i32
    %dma_start3A_56 = tpu.memref_slice %arg4[%add3A, %dma_start3A_51, %dma_start3A_55] : memref<32x250x40xi32, #tpu.memory_space<hbm>> -> memref<1x1x40xi32, #tpu.memory_space<hbm>>
    %dma_start3A_57 = tpu.memref_squeeze %dma_start3A_56 : memref<1x1x40xi32, #tpu.memory_space<hbm>> -> memref<40xi32, #tpu.memory_space<hbm>>
    tpu.enqueue_dma source(%dma_start3A_57 : memref<40xi32, #tpu.memory_space<hbm>>) target(%arg21 : memref<40xi32, #tpu.memory_space<vmem>>) target_semaphore(%arg41 : memref<!tpu.dma_semaphore, #tpu.memory_space<semaphore_mem>>)
    %dma_start3A_58 = arith.constant 4 : i32
    %dma_start3A_59 = arith.constant 0 : i32
    %dma_start3A_60 = tpu.memref_slice %arg7[%dma_start3A_58, %dma_start3A_59] : memref<250x40xi32, #tpu.memory_space<vmem>> -> memref<1x40xi32, #tpu.memory_space<vmem>>
    %dma_start3A_61 = tpu.memref_squeeze %dma_start3A_60 : memref<1x40xi32, #tpu.memory_space<vmem>> -> memref<40xi32, #tpu.memory_space<vmem>>
    %dma_start3A_62 = arith.constant 0 : i32
    %dma_start3A_63 = arith.constant 0 : i32
    %dma_start3A_64 = tpu.memref_slice %arg2[%dma_start3A_62, %dma_start3A_63] : memref<10000x80xf32, #tpu.memory_space<hbm>> -> memref<10000x80xf32, #tpu.memory_space<hbm>>
    tpu.enqueue_indirect_dma source(%dma_start3A_64 : memref<10000x80xf32, #tpu.memory_space<hbm>>) target(%arg12 : memref<40x80xf32, #tpu.memory_space<vmem>>) offsets(%dma_start3A_61 : memref<40xi32, #tpu.memory_space<vmem>>) semaphore(%arg32 : memref<!tpu.dma_semaphore, #tpu.memory_space<semaphore_mem>>)
    %dma_start3A_65 = arith.constant 4 : i32
    %dma_start3A_66 = arith.constant 0 : i32
    %dma_start3A_67 = tpu.memref_slice %arg4[%add3A, %dma_start3A_65, %dma_start3A_66] : memref<32x250x40xi32, #tpu.memory_space<hbm>> -> memref<1x1x40xi32, #tpu.memory_space<hbm>>
    %dma_start3A_68 = tpu.memref_squeeze %dma_start3A_67 : memref<1x1x40xi32, #tpu.memory_space<hbm>> -> memref<40xi32, #tpu.memory_space<hbm>>
    %dma_start3A_69 = arith.constant 0 : i32
    %dma_start3A_70 = tpu.memref_slice %arg4[%add3A, %dma_start3A_65, %dma_start3A_69] : memref<32x250x40xi32, #tpu.memory_space<hbm>> -> memref<1x1x40xi32, #tpu.memory_space<hbm>>
    %dma_start3A_71 = tpu.memref_squeeze %dma_start3A_70 : memref<1x1x40xi32, #tpu.memory_space<hbm>> -> memref<40xi32, #tpu.memory_space<hbm>>
    tpu.enqueue_dma source(%dma_start3A_71 : memref<40xi32, #tpu.memory_space<hbm>>) target(%arg22 : memref<40xi32, #tpu.memory_space<vmem>>) target_semaphore(%arg42 : memref<!tpu.dma_semaphore, #tpu.memory_space<semaphore_mem>>)
    %while3A = arith.constant 0 : i32
    %while3A_72 = arith.constant 0 : i32
    %while3A_73 = arith.constant 25 : i32
    %while3A_74 = arith.subi %while3A_73, %while3A_72 : i32
    %while3A_75 = arith.addi %while3A_72, %while3A_74 : i32
    %while3A_76 = arith.constant 1 : i32
    %while3A_77 = arith.divsi %while3A_74, %while3A_76 : i32
    %while3A_78 = arith.muli %while3A_77, %while3A_76 : i32
    %while3A_79 = arith.addi %while3A_72, %while3A_78 : i32
    %while3A_80 = arith.constant 1 : i32
    scf.for %while3A_83 = %while3A_72 to %while3A_79 step %while3A_80  : i32 {
      %mul3A_84 = arith.constant 10 : i32
      %mul3A_85 = arith.muli %while3A_83, %mul3A_84 : i32
      %add3A_86 = arith.constant 0 : i32
      %add3A_87 = arith.addi %mul3A_85, %add3A_86 : i32
      %add3A_88 = arith.constant 5 : i32
      %add3A_89 = arith.addi %add3A_87, %add3A_88 : i32
      %dma_wait3A = arith.constant 0 : i32
      %dma_wait3A_90 = tpu.memref_slice %arg7[%add3A_87, %dma_wait3A] : memref<250x40xi32, #tpu.memory_space<vmem>> -> memref<1x40xi32, #tpu.memory_space<vmem>>
      %dma_wait3A_91 = tpu.memref_squeeze %dma_wait3A_90 : memref<1x40xi32, #tpu.memory_space<vmem>> -> memref<40xi32, #tpu.memory_space<vmem>>
      %dma_wait3A_92 = arith.constant 0 : i32
      %dma_wait3A_93 = arith.constant 0 : i32
      %dma_wait3A_94 = tpu.memref_slice %arg2[%dma_wait3A_92, %dma_wait3A_93] : memref<10000x80xf32, #tpu.memory_space<hbm>> -> memref<10000x80xf32, #tpu.memory_space<hbm>>
      tpu.wait_indirect_dma semaphore(%arg28 : memref<!tpu.dma_semaphore, #tpu.memory_space<semaphore_mem>>) src(%dma_wait3A_94 : memref<10000x80xf32, #tpu.memory_space<hbm>>) dst(%arg8 : memref<40x80xf32, #tpu.memory_space<vmem>>)
      %dma_wait3A_95 = arith.constant 0 : i32
      %dma_wait3A_96 = tpu.memref_slice %arg4[%add3A, %add3A_87, %dma_wait3A_95] : memref<32x250x40xi32, #tpu.memory_space<hbm>> -> memref<1x1x40xi32, #tpu.memory_space<hbm>>
      %dma_wait3A_97 = tpu.memref_squeeze %dma_wait3A_96 : memref<1x1x40xi32, #tpu.memory_space<hbm>> -> memref<40xi32, #tpu.memory_space<hbm>>
      %dma_wait3A_98 = arith.constant 0 : i32
      %dma_wait3A_99 = tpu.memref_slice %arg4[%add3A, %add3A_87, %dma_wait3A_98] : memref<32x250x40xi32, #tpu.memory_space<hbm>> -> memref<1x1x40xi32, #tpu.memory_space<hbm>>
      %dma_wait3A_100 = tpu.memref_squeeze %dma_wait3A_99 : memref<1x1x40xi32, #tpu.memory_space<hbm>> -> memref<40xi32, #tpu.memory_space<hbm>>
      tpu.wait_dma2 semaphore(%arg38 : memref<!tpu.dma_semaphore, #tpu.memory_space<semaphore_mem>>) src(%dma_wait3A_100 : memref<40xi32, #tpu.memory_space<hbm>>) dst(%arg18 : memref<40xi32, #tpu.memory_space<vmem>>)
      %dma_start3A_101 = arith.constant 0 : i32
      %dma_start3A_102 = tpu.memref_slice %arg7[%add3A_89, %dma_start3A_101] : memref<250x40xi32, #tpu.memory_space<vmem>> -> memref<1x40xi32, #tpu.memory_space<vmem>>
      %dma_start3A_103 = tpu.memref_squeeze %dma_start3A_102 : memref<1x40xi32, #tpu.memory_space<vmem>> -> memref<40xi32, #tpu.memory_space<vmem>>
      %dma_start3A_104 = arith.constant 0 : i32
      %dma_start3A_105 = arith.constant 0 : i32
      %dma_start3A_106 = tpu.memref_slice %arg2[%dma_start3A_104, %dma_start3A_105] : memref<10000x80xf32, #tpu.memory_space<hbm>> -> memref<10000x80xf32, #tpu.memory_space<hbm>>
      tpu.enqueue_indirect_dma source(%dma_start3A_106 : memref<10000x80xf32, #tpu.memory_space<hbm>>) target(%arg13 : memref<40x80xf32, #tpu.memory_space<vmem>>) offsets(%dma_start3A_103 : memref<40xi32, #tpu.memory_space<vmem>>) semaphore(%arg33 : memref<!tpu.dma_semaphore, #tpu.memory_space<semaphore_mem>>)
      %dma_start3A_107 = arith.constant 0 : i32
      %dma_start3A_108 = tpu.memref_slice %arg4[%add3A, %add3A_89, %dma_start3A_107] : memref<32x250x40xi32, #tpu.memory_space<hbm>> -> memref<1x1x40xi32, #tpu.memory_space<hbm>>
      %dma_start3A_109 = tpu.memref_squeeze %dma_start3A_108 : memref<1x1x40xi32, #tpu.memory_space<hbm>> -> memref<40xi32, #tpu.memory_space<hbm>>
      %dma_start3A_110 = arith.constant 0 : i32
      %dma_start3A_111 = tpu.memref_slice %arg4[%add3A, %add3A_89, %dma_start3A_110] : memref<32x250x40xi32, #tpu.memory_space<hbm>> -> memref<1x1x40xi32, #tpu.memory_space<hbm>>
      %dma_start3A_112 = tpu.memref_squeeze %dma_start3A_111 : memref<1x1x40xi32, #tpu.memory_space<hbm>> -> memref<40xi32, #tpu.memory_space<hbm>>
      tpu.enqueue_dma source(%dma_start3A_112 : memref<40xi32, #tpu.memory_space<hbm>>) target(%arg23 : memref<40xi32, #tpu.memory_space<vmem>>) target_semaphore(%arg43 : memref<!tpu.dma_semaphore, #tpu.memory_space<semaphore_mem>>)
      "tpu.region"() ({
        %run_scoped3A = tpu.sem_alloc : memref<!tpu.dma_semaphore, #tpu.memory_space<semaphore_mem>>
        %dma_start3A_345 = arith.constant 0 : i32
        %dma_start3A_346 = arith.constant 0 : i32
        %dma_start3A_347 = tpu.memref_slice %arg48[%dma_start3A_345, %dma_start3A_346] : memref<10240x80xf32, #tpu.memory_space<vmem_shared>> -> memref<10240x80xf32, #tpu.memory_space<vmem_shared>>
        tpu.enqueue_indirect_dma source(%arg8 : memref<40x80xf32, #tpu.memory_space<vmem>>) target(%dma_start3A_347 : memref<10240x80xf32, #tpu.memory_space<vmem_shared>>) offsets(%arg18 : memref<40xi32, #tpu.memory_space<vmem>>) semaphore(%run_scoped3A : memref<!tpu.dma_semaphore, #tpu.memory_space<semaphore_mem>>) {add = true}
        %dma_wait3A_348 = arith.constant 0 : i32
        %dma_wait3A_349 = arith.constant 0 : i32
        %dma_wait3A_350 = tpu.memref_slice %arg48[%dma_wait3A_348, %dma_wait3A_349] : memref<10240x80xf32, #tpu.memory_space<vmem_shared>> -> memref<10240x80xf32, #tpu.memory_space<vmem_shared>>
        tpu.wait_indirect_dma semaphore(%run_scoped3A : memref<!tpu.dma_semaphore, #tpu.memory_space<semaphore_mem>>) src(%arg8 : memref<40x80xf32, #tpu.memory_space<vmem>>) dst(%dma_wait3A_350 : memref<10240x80xf32, #tpu.memory_space<vmem_shared>>)
        tpu.yield
      }) : () -> ()
      %mul3A_113 = arith.constant 10 : i32
      %mul3A_114 = arith.muli %while3A_83, %mul3A_113 : i32
      %add3A_115 = arith.constant 1 : i32
      %add3A_116 = arith.addi %mul3A_114, %add3A_115 : i32
      %add3A_117 = arith.constant 5 : i32
      %add3A_118 = arith.addi %add3A_116, %add3A_117 : i32
      %dma_wait3A_119 = arith.constant 0 : i32
      %dma_wait3A_120 = tpu.memref_slice %arg7[%add3A_116, %dma_wait3A_119] : memref<250x40xi32, #tpu.memory_space<vmem>> -> memref<1x40xi32, #tpu.memory_space<vmem>>
      %dma_wait3A_121 = tpu.memref_squeeze %dma_wait3A_120 : memref<1x40xi32, #tpu.memory_space<vmem>> -> memref<40xi32, #tpu.memory_space<vmem>>
      %dma_wait3A_122 = arith.constant 0 : i32
      %dma_wait3A_123 = arith.constant 0 : i32
      %dma_wait3A_124 = tpu.memref_slice %arg2[%dma_wait3A_122, %dma_wait3A_123] : memref<10000x80xf32, #tpu.memory_space<hbm>> -> memref<10000x80xf32, #tpu.memory_space<hbm>>
      tpu.wait_indirect_dma semaphore(%arg29 : memref<!tpu.dma_semaphore, #tpu.memory_space<semaphore_mem>>) src(%dma_wait3A_124 : memref<10000x80xf32, #tpu.memory_space<hbm>>) dst(%arg9 : memref<40x80xf32, #tpu.memory_space<vmem>>)
      %dma_wait3A_125 = arith.constant 0 : i32
      %dma_wait3A_126 = tpu.memref_slice %arg4[%add3A, %add3A_116, %dma_wait3A_125] : memref<32x250x40xi32, #tpu.memory_space<hbm>> -> memref<1x1x40xi32, #tpu.memory_space<hbm>>
      %dma_wait3A_127 = tpu.memref_squeeze %dma_wait3A_126 : memref<1x1x40xi32, #tpu.memory_space<hbm>> -> memref<40xi32, #tpu.memory_space<hbm>>
      %dma_wait3A_128 = arith.constant 0 : i32
      %dma_wait3A_129 = tpu.memref_slice %arg4[%add3A, %add3A_116, %dma_wait3A_128] : memref<32x250x40xi32, #tpu.memory_space<hbm>> -> memref<1x1x40xi32, #tpu.memory_space<hbm>>
      %dma_wait3A_130 = tpu.memref_squeeze %dma_wait3A_129 : memref<1x1x40xi32, #tpu.memory_space<hbm>> -> memref<40xi32, #tpu.memory_space<hbm>>
      tpu.wait_dma2 semaphore(%arg39 : memref<!tpu.dma_semaphore, #tpu.memory_space<semaphore_mem>>) src(%dma_wait3A_130 : memref<40xi32, #tpu.memory_space<hbm>>) dst(%arg19 : memref<40xi32, #tpu.memory_space<vmem>>)
      %dma_start3A_131 = arith.constant 0 : i32
      %dma_start3A_132 = tpu.memref_slice %arg7[%add3A_118, %dma_start3A_131] : memref<250x40xi32, #tpu.memory_space<vmem>> -> memref<1x40xi32, #tpu.memory_space<vmem>>
      %dma_start3A_133 = tpu.memref_squeeze %dma_start3A_132 : memref<1x40xi32, #tpu.memory_space<vmem>> -> memref<40xi32, #tpu.memory_space<vmem>>
      %dma_start3A_134 = arith.constant 0 : i32
      %dma_start3A_135 = arith.constant 0 : i32
      %dma_start3A_136 = tpu.memref_slice %arg2[%dma_start3A_134, %dma_start3A_135] : memref<10000x80xf32, #tpu.memory_space<hbm>> -> memref<10000x80xf32, #tpu.memory_space<hbm>>
      tpu.enqueue_indirect_dma source(%dma_start3A_136 : memref<10000x80xf32, #tpu.memory_space<hbm>>) target(%arg14 : memref<40x80xf32, #tpu.memory_space<vmem>>) offsets(%dma_start3A_133 : memref<40xi32, #tpu.memory_space<vmem>>) semaphore(%arg34 : memref<!tpu.dma_semaphore, #tpu.memory_space<semaphore_mem>>)
      %dma_start3A_137 = arith.constant 0 : i32
      %dma_start3A_138 = tpu.memref_slice %arg4[%add3A, %add3A_118, %dma_start3A_137] : memref<32x250x40xi32, #tpu.memory_space<hbm>> -> memref<1x1x40xi32, #tpu.memory_space<hbm>>
      %dma_start3A_139 = tpu.memref_squeeze %dma_start3A_138 : memref<1x1x40xi32, #tpu.memory_space<hbm>> -> memref<40xi32, #tpu.memory_space<hbm>>
      %dma_start3A_140 = arith.constant 0 : i32
      %dma_start3A_141 = tpu.memref_slice %arg4[%add3A, %add3A_118, %dma_start3A_140] : memref<32x250x40xi32, #tpu.memory_space<hbm>> -> memref<1x1x40xi32, #tpu.memory_space<hbm>>
      %dma_start3A_142 = tpu.memref_squeeze %dma_start3A_141 : memref<1x1x40xi32, #tpu.memory_space<hbm>> -> memref<40xi32, #tpu.memory_space<hbm>>
      tpu.enqueue_dma source(%dma_start3A_142 : memref<40xi32, #tpu.memory_space<hbm>>) target(%arg24 : memref<40xi32, #tpu.memory_space<vmem>>) target_semaphore(%arg44 : memref<!tpu.dma_semaphore, #tpu.memory_space<semaphore_mem>>)
      "tpu.region"() ({
        %run_scoped3A = tpu.sem_alloc : memref<!tpu.dma_semaphore, #tpu.memory_space<semaphore_mem>>
        %dma_start3A_345 = arith.constant 0 : i32
        %dma_start3A_346 = arith.constant 0 : i32
        %dma_start3A_347 = tpu.memref_slice %arg48[%dma_start3A_345, %dma_start3A_346] : memref<10240x80xf32, #tpu.memory_space<vmem_shared>> -> memref<10240x80xf32, #tpu.memory_space<vmem_shared>>
        tpu.enqueue_indirect_dma source(%arg9 : memref<40x80xf32, #tpu.memory_space<vmem>>) target(%dma_start3A_347 : memref<10240x80xf32, #tpu.memory_space<vmem_shared>>) offsets(%arg19 : memref<40xi32, #tpu.memory_space<vmem>>) semaphore(%run_scoped3A : memref<!tpu.dma_semaphore, #tpu.memory_space<semaphore_mem>>) {add = true}
        %dma_wait3A_348 = arith.constant 0 : i32
        %dma_wait3A_349 = arith.constant 0 : i32
        %dma_wait3A_350 = tpu.memref_slice %arg48[%dma_wait3A_348, %dma_wait3A_349] : memref<10240x80xf32, #tpu.memory_space<vmem_shared>> -> memref<10240x80xf32, #tpu.memory_space<vmem_shared>>
        tpu.wait_indirect_dma semaphore(%run_scoped3A : memref<!tpu.dma_semaphore, #tpu.memory_space<semaphore_mem>>) src(%arg9 : memref<40x80xf32, #tpu.memory_space<vmem>>) dst(%dma_wait3A_350 : memref<10240x80xf32, #tpu.memory_space<vmem_shared>>)
        tpu.yield
      }) : () -> ()
      %mul3A_143 = arith.constant 10 : i32
      %mul3A_144 = arith.muli %while3A_83, %mul3A_143 : i32
      %add3A_145 = arith.constant 2 : i32
      %add3A_146 = arith.addi %mul3A_144, %add3A_145 : i32
      %add3A_147 = arith.constant 5 : i32
      %add3A_148 = arith.addi %add3A_146, %add3A_147 : i32
      %dma_wait3A_149 = arith.constant 0 : i32
      %dma_wait3A_150 = tpu.memref_slice %arg7[%add3A_146, %dma_wait3A_149] : memref<250x40xi32, #tpu.memory_space<vmem>> -> memref<1x40xi32, #tpu.memory_space<vmem>>
      %dma_wait3A_151 = tpu.memref_squeeze %dma_wait3A_150 : memref<1x40xi32, #tpu.memory_space<vmem>> -> memref<40xi32, #tpu.memory_space<vmem>>
      %dma_wait3A_152 = arith.constant 0 : i32
      %dma_wait3A_153 = arith.constant 0 : i32
      %dma_wait3A_154 = tpu.memref_slice %arg2[%dma_wait3A_152, %dma_wait3A_153] : memref<10000x80xf32, #tpu.memory_space<hbm>> -> memref<10000x80xf32, #tpu.memory_space<hbm>>
      tpu.wait_indirect_dma semaphore(%arg30 : memref<!tpu.dma_semaphore, #tpu.memory_space<semaphore_mem>>) src(%dma_wait3A_154 : memref<10000x80xf32, #tpu.memory_space<hbm>>) dst(%arg10 : memref<40x80xf32, #tpu.memory_space<vmem>>)
      %dma_wait3A_155 = arith.constant 0 : i32
      %dma_wait3A_156 = tpu.memref_slice %arg4[%add3A, %add3A_146, %dma_wait3A_155] : memref<32x250x40xi32, #tpu.memory_space<hbm>> -> memref<1x1x40xi32, #tpu.memory_space<hbm>>
      %dma_wait3A_157 = tpu.memref_squeeze %dma_wait3A_156 : memref<1x1x40xi32, #tpu.memory_space<hbm>> -> memref<40xi32, #tpu.memory_space<hbm>>
      %dma_wait3A_158 = arith.constant 0 : i32
      %dma_wait3A_159 = tpu.memref_slice %arg4[%add3A, %add3A_146, %dma_wait3A_158] : memref<32x250x40xi32, #tpu.memory_space<hbm>> -> memref<1x1x40xi32, #tpu.memory_space<hbm>>
      %dma_wait3A_160 = tpu.memref_squeeze %dma_wait3A_159 : memref<1x1x40xi32, #tpu.memory_space<hbm>> -> memref<40xi32, #tpu.memory_space<hbm>>
      tpu.wait_dma2 semaphore(%arg40 : memref<!tpu.dma_semaphore, #tpu.memory_space<semaphore_mem>>) src(%dma_wait3A_160 : memref<40xi32, #tpu.memory_space<hbm>>) dst(%arg20 : memref<40xi32, #tpu.memory_space<vmem>>)
      %dma_start3A_161 = arith.constant 0 : i32
      %dma_start3A_162 = tpu.memref_slice %arg7[%add3A_148, %dma_start3A_161] : memref<250x40xi32, #tpu.memory_space<vmem>> -> memref<1x40xi32, #tpu.memory_space<vmem>>
      %dma_start3A_163 = tpu.memref_squeeze %dma_start3A_162 : memref<1x40xi32, #tpu.memory_space<vmem>> -> memref<40xi32, #tpu.memory_space<vmem>>
      %dma_start3A_164 = arith.constant 0 : i32
      %dma_start3A_165 = arith.constant 0 : i32
      %dma_start3A_166 = tpu.memref_slice %arg2[%dma_start3A_164, %dma_start3A_165] : memref<10000x80xf32, #tpu.memory_space<hbm>> -> memref<10000x80xf32, #tpu.memory_space<hbm>>
      tpu.enqueue_indirect_dma source(%dma_start3A_166 : memref<10000x80xf32, #tpu.memory_space<hbm>>) target(%arg15 : memref<40x80xf32, #tpu.memory_space<vmem>>) offsets(%dma_start3A_163 : memref<40xi32, #tpu.memory_space<vmem>>) semaphore(%arg35 : memref<!tpu.dma_semaphore, #tpu.memory_space<semaphore_mem>>)
      %dma_start3A_167 = arith.constant 0 : i32
      %dma_start3A_168 = tpu.memref_slice %arg4[%add3A, %add3A_148, %dma_start3A_167] : memref<32x250x40xi32, #tpu.memory_space<hbm>> -> memref<1x1x40xi32, #tpu.memory_space<hbm>>
      %dma_start3A_169 = tpu.memref_squeeze %dma_start3A_168 : memref<1x1x40xi32, #tpu.memory_space<hbm>> -> memref<40xi32, #tpu.memory_space<hbm>>
      %dma_start3A_170 = arith.constant 0 : i32
      %dma_start3A_171 = tpu.memref_slice %arg4[%add3A, %add3A_148, %dma_start3A_170] : memref<32x250x40xi32, #tpu.memory_space<hbm>> -> memref<1x1x40xi32, #tpu.memory_space<hbm>>
      %dma_start3A_172 = tpu.memref_squeeze %dma_start3A_171 : memref<1x1x40xi32, #tpu.memory_space<hbm>> -> memref<40xi32, #tpu.memory_space<hbm>>
      tpu.enqueue_dma source(%dma_start3A_172 : memref<40xi32, #tpu.memory_space<hbm>>) target(%arg25 : memref<40xi32, #tpu.memory_space<vmem>>) target_semaphore(%arg45 : memref<!tpu.dma_semaphore, #tpu.memory_space<semaphore_mem>>)
      "tpu.region"() ({
        %run_scoped3A = tpu.sem_alloc : memref<!tpu.dma_semaphore, #tpu.memory_space<semaphore_mem>>
        %dma_start3A_345 = arith.constant 0 : i32
        %dma_start3A_346 = arith.constant 0 : i32
        %dma_start3A_347 = tpu.memref_slice %arg48[%dma_start3A_345, %dma_start3A_346] : memref<10240x80xf32, #tpu.memory_space<vmem_shared>> -> memref<10240x80xf32, #tpu.memory_space<vmem_shared>>
        tpu.enqueue_indirect_dma source(%arg10 : memref<40x80xf32, #tpu.memory_space<vmem>>) target(%dma_start3A_347 : memref<10240x80xf32, #tpu.memory_space<vmem_shared>>) offsets(%arg20 : memref<40xi32, #tpu.memory_space<vmem>>) semaphore(%run_scoped3A : memref<!tpu.dma_semaphore, #tpu.memory_space<semaphore_mem>>) {add = true}
        %dma_wait3A_348 = arith.constant 0 : i32
        %dma_wait3A_349 = arith.constant 0 : i32
        %dma_wait3A_350 = tpu.memref_slice %arg48[%dma_wait3A_348, %dma_wait3A_349] : memref<10240x80xf32, #tpu.memory_space<vmem_shared>> -> memref<10240x80xf32, #tpu.memory_space<vmem_shared>>
        tpu.wait_indirect_dma semaphore(%run_scoped3A : memref<!tpu.dma_semaphore, #tpu.memory_space<semaphore_mem>>) src(%arg10 : memref<40x80xf32, #tpu.memory_space<vmem>>) dst(%dma_wait3A_350 : memref<10240x80xf32, #tpu.memory_space<vmem_shared>>)
        tpu.yield
      }) : () -> ()
      %mul3A_173 = arith.constant 10 : i32
      %mul3A_174 = arith.muli %while3A_83, %mul3A_173 : i32
      %add3A_175 = arith.constant 3 : i32
      %add3A_176 = arith.addi %mul3A_174, %add3A_175 : i32
      %add3A_177 = arith.constant 5 : i32
      %add3A_178 = arith.addi %add3A_176, %add3A_177 : i32
      %dma_wait3A_179 = arith.constant 0 : i32
      %dma_wait3A_180 = tpu.memref_slice %arg7[%add3A_176, %dma_wait3A_179] : memref<250x40xi32, #tpu.memory_space<vmem>> -> memref<1x40xi32, #tpu.memory_space<vmem>>
      %dma_wait3A_181 = tpu.memref_squeeze %dma_wait3A_180 : memref<1x40xi32, #tpu.memory_space<vmem>> -> memref<40xi32, #tpu.memory_space<vmem>>
      %dma_wait3A_182 = arith.constant 0 : i32
      %dma_wait3A_183 = arith.constant 0 : i32
      %dma_wait3A_184 = tpu.memref_slice %arg2[%dma_wait3A_182, %dma_wait3A_183] : memref<10000x80xf32, #tpu.memory_space<hbm>> -> memref<10000x80xf32, #tpu.memory_space<hbm>>
      tpu.wait_indirect_dma semaphore(%arg31 : memref<!tpu.dma_semaphore, #tpu.memory_space<semaphore_mem>>) src(%dma_wait3A_184 : memref<10000x80xf32, #tpu.memory_space<hbm>>) dst(%arg11 : memref<40x80xf32, #tpu.memory_space<vmem>>)
      %dma_wait3A_185 = arith.constant 0 : i32
      %dma_wait3A_186 = tpu.memref_slice %arg4[%add3A, %add3A_176, %dma_wait3A_185] : memref<32x250x40xi32, #tpu.memory_space<hbm>> -> memref<1x1x40xi32, #tpu.memory_space<hbm>>
      %dma_wait3A_187 = tpu.memref_squeeze %dma_wait3A_186 : memref<1x1x40xi32, #tpu.memory_space<hbm>> -> memref<40xi32, #tpu.memory_space<hbm>>
      %dma_wait3A_188 = arith.constant 0 : i32
      %dma_wait3A_189 = tpu.memref_slice %arg4[%add3A, %add3A_176, %dma_wait3A_188] : memref<32x250x40xi32, #tpu.memory_space<hbm>> -> memref<1x1x40xi32, #tpu.memory_space<hbm>>
      %dma_wait3A_190 = tpu.memref_squeeze %dma_wait3A_189 : memref<1x1x40xi32, #tpu.memory_space<hbm>> -> memref<40xi32, #tpu.memory_space<hbm>>
      tpu.wait_dma2 semaphore(%arg41 : memref<!tpu.dma_semaphore, #tpu.memory_space<semaphore_mem>>) src(%dma_wait3A_190 : memref<40xi32, #tpu.memory_space<hbm>>) dst(%arg21 : memref<40xi32, #tpu.memory_space<vmem>>)
      %dma_start3A_191 = arith.constant 0 : i32
      %dma_start3A_192 = tpu.memref_slice %arg7[%add3A_178, %dma_start3A_191] : memref<250x40xi32, #tpu.memory_space<vmem>> -> memref<1x40xi32, #tpu.memory_space<vmem>>
      %dma_start3A_193 = tpu.memref_squeeze %dma_start3A_192 : memref<1x40xi32, #tpu.memory_space<vmem>> -> memref<40xi32, #tpu.memory_space<vmem>>
      %dma_start3A_194 = arith.constant 0 : i32
      %dma_start3A_195 = arith.constant 0 : i32
      %dma_start3A_196 = tpu.memref_slice %arg2[%dma_start3A_194, %dma_start3A_195] : memref<10000x80xf32, #tpu.memory_space<hbm>> -> memref<10000x80xf32, #tpu.memory_space<hbm>>
      tpu.enqueue_indirect_dma source(%dma_start3A_196 : memref<10000x80xf32, #tpu.memory_space<hbm>>) target(%arg16 : memref<40x80xf32, #tpu.memory_space<vmem>>) offsets(%dma_start3A_193 : memref<40xi32, #tpu.memory_space<vmem>>) semaphore(%arg36 : memref<!tpu.dma_semaphore, #tpu.memory_space<semaphore_mem>>)
      %dma_start3A_197 = arith.constant 0 : i32
      %dma_start3A_198 = tpu.memref_slice %arg4[%add3A, %add3A_178, %dma_start3A_197] : memref<32x250x40xi32, #tpu.memory_space<hbm>> -> memref<1x1x40xi32, #tpu.memory_space<hbm>>
      %dma_start3A_199 = tpu.memref_squeeze %dma_start3A_198 : memref<1x1x40xi32, #tpu.memory_space<hbm>> -> memref<40xi32, #tpu.memory_space<hbm>>
      %dma_start3A_200 = arith.constant 0 : i32
      %dma_start3A_201 = tpu.memref_slice %arg4[%add3A, %add3A_178, %dma_start3A_200] : memref<32x250x40xi32, #tpu.memory_space<hbm>> -> memref<1x1x40xi32, #tpu.memory_space<hbm>>
      %dma_start3A_202 = tpu.memref_squeeze %dma_start3A_201 : memref<1x1x40xi32, #tpu.memory_space<hbm>> -> memref<40xi32, #tpu.memory_space<hbm>>
      tpu.enqueue_dma source(%dma_start3A_202 : memref<40xi32, #tpu.memory_space<hbm>>) target(%arg26 : memref<40xi32, #tpu.memory_space<vmem>>) target_semaphore(%arg46 : memref<!tpu.dma_semaphore, #tpu.memory_space<semaphore_mem>>)
      "tpu.region"() ({
        %run_scoped3A = tpu.sem_alloc : memref<!tpu.dma_semaphore, #tpu.memory_space<semaphore_mem>>
        %dma_start3A_345 = arith.constant 0 : i32
        %dma_start3A_346 = arith.constant 0 : i32
        %dma_start3A_347 = tpu.memref_slice %arg48[%dma_start3A_345, %dma_start3A_346] : memref<10240x80xf32, #tpu.memory_space<vmem_shared>> -> memref<10240x80xf32, #tpu.memory_space<vmem_shared>>
        tpu.enqueue_indirect_dma source(%arg11 : memref<40x80xf32, #tpu.memory_space<vmem>>) target(%dma_start3A_347 : memref<10240x80xf32, #tpu.memory_space<vmem_shared>>) offsets(%arg21 : memref<40xi32, #tpu.memory_space<vmem>>) semaphore(%run_scoped3A : memref<!tpu.dma_semaphore, #tpu.memory_space<semaphore_mem>>) {add = true}
        %dma_wait3A_348 = arith.constant 0 : i32
        %dma_wait3A_349 = arith.constant 0 : i32
        %dma_wait3A_350 = tpu.memref_slice %arg48[%dma_wait3A_348, %dma_wait3A_349] : memref<10240x80xf32, #tpu.memory_space<vmem_shared>> -> memref<10240x80xf32, #tpu.memory_space<vmem_shared>>
        tpu.wait_indirect_dma semaphore(%run_scoped3A : memref<!tpu.dma_semaphore, #tpu.memory_space<semaphore_mem>>) src(%arg11 : memref<40x80xf32, #tpu.memory_space<vmem>>) dst(%dma_wait3A_350 : memref<10240x80xf32, #tpu.memory_space<vmem_shared>>)
        tpu.yield
      }) : () -> ()
      %mul3A_203 = arith.constant 10 : i32
      %mul3A_204 = arith.muli %while3A_83, %mul3A_203 : i32
      %add3A_205 = arith.constant 4 : i32
      %add3A_206 = arith.addi %mul3A_204, %add3A_205 : i32
      %add3A_207 = arith.constant 5 : i32
      %add3A_208 = arith.addi %add3A_206, %add3A_207 : i32
      %dma_wait3A_209 = arith.constant 0 : i32
      %dma_wait3A_210 = tpu.memref_slice %arg7[%add3A_206, %dma_wait3A_209] : memref<250x40xi32, #tpu.memory_space<vmem>> -> memref<1x40xi32, #tpu.memory_space<vmem>>
      %dma_wait3A_211 = tpu.memref_squeeze %dma_wait3A_210 : memref<1x40xi32, #tpu.memory_space<vmem>> -> memref<40xi32, #tpu.memory_space<vmem>>
      %dma_wait3A_212 = arith.constant 0 : i32
      %dma_wait3A_213 = arith.constant 0 : i32
      %dma_wait3A_214 = tpu.memref_slice %arg2[%dma_wait3A_212, %dma_wait3A_213] : memref<10000x80xf32, #tpu.memory_space<hbm>> -> memref<10000x80xf32, #tpu.memory_space<hbm>>
      tpu.wait_indirect_dma semaphore(%arg32 : memref<!tpu.dma_semaphore, #tpu.memory_space<semaphore_mem>>) src(%dma_wait3A_214 : memref<10000x80xf32, #tpu.memory_space<hbm>>) dst(%arg12 : memref<40x80xf32, #tpu.memory_space<vmem>>)
      %dma_wait3A_215 = arith.constant 0 : i32
      %dma_wait3A_216 = tpu.memref_slice %arg4[%add3A, %add3A_206, %dma_wait3A_215] : memref<32x250x40xi32, #tpu.memory_space<hbm>> -> memref<1x1x40xi32, #tpu.memory_space<hbm>>
      %dma_wait3A_217 = tpu.memref_squeeze %dma_wait3A_216 : memref<1x1x40xi32, #tpu.memory_space<hbm>> -> memref<40xi32, #tpu.memory_space<hbm>>
      %dma_wait3A_218 = arith.constant 0 : i32
      %dma_wait3A_219 = tpu.memref_slice %arg4[%add3A, %add3A_206, %dma_wait3A_218] : memref<32x250x40xi32, #tpu.memory_space<hbm>> -> memref<1x1x40xi32, #tpu.memory_space<hbm>>
      %dma_wait3A_220 = tpu.memref_squeeze %dma_wait3A_219 : memref<1x1x40xi32, #tpu.memory_space<hbm>> -> memref<40xi32, #tpu.memory_space<hbm>>
      tpu.wait_dma2 semaphore(%arg42 : memref<!tpu.dma_semaphore, #tpu.memory_space<semaphore_mem>>) src(%dma_wait3A_220 : memref<40xi32, #tpu.memory_space<hbm>>) dst(%arg22 : memref<40xi32, #tpu.memory_space<vmem>>)
      %dma_start3A_221 = arith.constant 0 : i32
      %dma_start3A_222 = tpu.memref_slice %arg7[%add3A_208, %dma_start3A_221] : memref<250x40xi32, #tpu.memory_space<vmem>> -> memref<1x40xi32, #tpu.memory_space<vmem>>
      %dma_start3A_223 = tpu.memref_squeeze %dma_start3A_222 : memref<1x40xi32, #tpu.memory_space<vmem>> -> memref<40xi32, #tpu.memory_space<vmem>>
      %dma_start3A_224 = arith.constant 0 : i32
      %dma_start3A_225 = arith.constant 0 : i32
      %dma_start3A_226 = tpu.memref_slice %arg2[%dma_start3A_224, %dma_start3A_225] : memref<10000x80xf32, #tpu.memory_space<hbm>> -> memref<10000x80xf32, #tpu.memory_space<hbm>>
      tpu.enqueue_indirect_dma source(%dma_start3A_226 : memref<10000x80xf32, #tpu.memory_space<hbm>>) target(%arg17 : memref<40x80xf32, #tpu.memory_space<vmem>>) offsets(%dma_start3A_223 : memref<40xi32, #tpu.memory_space<vmem>>) semaphore(%arg37 : memref<!tpu.dma_semaphore, #tpu.memory_space<semaphore_mem>>)
      %dma_start3A_227 = arith.constant 0 : i32
      %dma_start3A_228 = tpu.memref_slice %arg4[%add3A, %add3A_208, %dma_start3A_227] : memref<32x250x40xi32, #tpu.memory_space<hbm>> -> memref<1x1x40xi32, #tpu.memory_space<hbm>>
      %dma_start3A_229 = tpu.memref_squeeze %dma_start3A_228 : memref<1x1x40xi32, #tpu.memory_space<hbm>> -> memref<40xi32, #tpu.memory_space<hbm>>
      %dma_start3A_230 = arith.constant 0 : i32
      %dma_start3A_231 = tpu.memref_slice %arg4[%add3A, %add3A_208, %dma_start3A_230] : memref<32x250x40xi32, #tpu.memory_space<hbm>> -> memref<1x1x40xi32, #tpu.memory_space<hbm>>
      %dma_start3A_232 = tpu.memref_squeeze %dma_start3A_231 : memref<1x1x40xi32, #tpu.memory_space<hbm>> -> memref<40xi32, #tpu.memory_space<hbm>>
      tpu.enqueue_dma source(%dma_start3A_232 : memref<40xi32, #tpu.memory_space<hbm>>) target(%arg27 : memref<40xi32, #tpu.memory_space<vmem>>) target_semaphore(%arg47 : memref<!tpu.dma_semaphore, #tpu.memory_space<semaphore_mem>>)
      "tpu.region"() ({
        %run_scoped3A = tpu.sem_alloc : memref<!tpu.dma_semaphore, #tpu.memory_space<semaphore_mem>>
        %dma_start3A_345 = arith.constant 0 : i32
        %dma_start3A_346 = arith.constant 0 : i32
        %dma_start3A_347 = tpu.memref_slice %arg48[%dma_start3A_345, %dma_start3A_346] : memref<10240x80xf32, #tpu.memory_space<vmem_shared>> -> memref<10240x80xf32, #tpu.memory_space<vmem_shared>>
        tpu.enqueue_indirect_dma source(%arg12 : memref<40x80xf32, #tpu.memory_space<vmem>>) target(%dma_start3A_347 : memref<10240x80xf32, #tpu.memory_space<vmem_shared>>) offsets(%arg22 : memref<40xi32, #tpu.memory_space<vmem>>) semaphore(%run_scoped3A : memref<!tpu.dma_semaphore, #tpu.memory_space<semaphore_mem>>) {add = true}
        %dma_wait3A_348 = arith.constant 0 : i32
        %dma_wait3A_349 = arith.constant 0 : i32
        %dma_wait3A_350 = tpu.memref_slice %arg48[%dma_wait3A_348, %dma_wait3A_349] : memref<10240x80xf32, #tpu.memory_space<vmem_shared>> -> memref<10240x80xf32, #tpu.memory_space<vmem_shared>>
        tpu.wait_indirect_dma semaphore(%run_scoped3A : memref<!tpu.dma_semaphore, #tpu.memory_space<semaphore_mem>>) src(%arg12 : memref<40x80xf32, #tpu.memory_space<vmem>>) dst(%dma_wait3A_350 : memref<10240x80xf32, #tpu.memory_space<vmem_shared>>)
        tpu.yield
      }) : () -> ()
      %mul3A_233 = arith.constant 10 : i32
      %mul3A_234 = arith.muli %while3A_83, %mul3A_233 : i32
      %add3A_235 = arith.constant 5 : i32
      %add3A_236 = arith.addi %mul3A_234, %add3A_235 : i32
      %add3A_237 = arith.constant 5 : i32
      %add3A_238 = arith.addi %add3A_236, %add3A_237 : i32
      %dma_wait3A_239 = arith.constant 0 : i32
      %dma_wait3A_240 = tpu.memref_slice %arg7[%add3A_236, %dma_wait3A_239] : memref<250x40xi32, #tpu.memory_space<vmem>> -> memref<1x40xi32, #tpu.memory_space<vmem>>
      %dma_wait3A_241 = tpu.memref_squeeze %dma_wait3A_240 : memref<1x40xi32, #tpu.memory_space<vmem>> -> memref<40xi32, #tpu.memory_space<vmem>>
      %dma_wait3A_242 = arith.constant 0 : i32
      %dma_wait3A_243 = arith.constant 0 : i32
      %dma_wait3A_244 = tpu.memref_slice %arg2[%dma_wait3A_242, %dma_wait3A_243] : memref<10000x80xf32, #tpu.memory_space<hbm>> -> memref<10000x80xf32, #tpu.memory_space<hbm>>
      tpu.wait_indirect_dma semaphore(%arg33 : memref<!tpu.dma_semaphore, #tpu.memory_space<semaphore_mem>>) src(%dma_wait3A_244 : memref<10000x80xf32, #tpu.memory_space<hbm>>) dst(%arg13 : memref<40x80xf32, #tpu.memory_space<vmem>>)
      %dma_wait3A_245 = arith.constant 0 : i32
      %dma_wait3A_246 = tpu.memref_slice %arg4[%add3A, %add3A_236, %dma_wait3A_245] : memref<32x250x40xi32, #tpu.memory_space<hbm>> -> memref<1x1x40xi32, #tpu.memory_space<hbm>>
      %dma_wait3A_247 = tpu.memref_squeeze %dma_wait3A_246 : memref<1x1x40xi32, #tpu.memory_space<hbm>> -> memref<40xi32, #tpu.memory_space<hbm>>
      %dma_wait3A_248 = arith.constant 0 : i32
      %dma_wait3A_249 = tpu.memref_slice %arg4[%add3A, %add3A_236, %dma_wait3A_248] : memref<32x250x40xi32, #tpu.memory_space<hbm>> -> memref<1x1x40xi32, #tpu.memory_space<hbm>>
      %dma_wait3A_250 = tpu.memref_squeeze %dma_wait3A_249 : memref<1x1x40xi32, #tpu.memory_space<hbm>> -> memref<40xi32, #tpu.memory_space<hbm>>
      tpu.wait_dma2 semaphore(%arg43 : memref<!tpu.dma_semaphore, #tpu.memory_space<semaphore_mem>>) src(%dma_wait3A_250 : memref<40xi32, #tpu.memory_space<hbm>>) dst(%arg23 : memref<40xi32, #tpu.memory_space<vmem>>)
      %lt3A = arith.constant 24 : i32
      %lt3A_251 = arith.cmpi slt, %while3A_83, %lt3A : i32
      %convert_element_type3A = arith.extui %lt3A_251 : i1 to i32
      %cond3A = arith.constant 0 : i32
      %cond3A_252 = arith.cmpi ne, %convert_element_type3A, %cond3A : i32
      scf.if %cond3A_252 {
        %dma_start3A_345 = arith.constant 0 : i32
        %dma_start3A_346 = tpu.memref_slice %arg7[%add3A_238, %dma_start3A_345] : memref<250x40xi32, #tpu.memory_space<vmem>> -> memref<1x40xi32, #tpu.memory_space<vmem>>
        %dma_start3A_347 = tpu.memref_squeeze %dma_start3A_346 : memref<1x40xi32, #tpu.memory_space<vmem>> -> memref<40xi32, #tpu.memory_space<vmem>>
        %dma_start3A_348 = arith.constant 0 : i32
        %dma_start3A_349 = arith.constant 0 : i32
        %dma_start3A_350 = tpu.memref_slice %arg2[%dma_start3A_348, %dma_start3A_349] : memref<10000x80xf32, #tpu.memory_space<hbm>> -> memref<10000x80xf32, #tpu.memory_space<hbm>>
        tpu.enqueue_indirect_dma source(%dma_start3A_350 : memref<10000x80xf32, #tpu.memory_space<hbm>>) target(%arg8 : memref<40x80xf32, #tpu.memory_space<vmem>>) offsets(%dma_start3A_347 : memref<40xi32, #tpu.memory_space<vmem>>) semaphore(%arg28 : memref<!tpu.dma_semaphore, #tpu.memory_space<semaphore_mem>>)
        %dma_start3A_351 = arith.constant 0 : i32
        %dma_start3A_352 = tpu.memref_slice %arg4[%add3A, %add3A_238, %dma_start3A_351] : memref<32x250x40xi32, #tpu.memory_space<hbm>> -> memref<1x1x40xi32, #tpu.memory_space<hbm>>
        %dma_start3A_353 = tpu.memref_squeeze %dma_start3A_352 : memref<1x1x40xi32, #tpu.memory_space<hbm>> -> memref<40xi32, #tpu.memory_space<hbm>>
        %dma_start3A_354 = arith.constant 0 : i32
        %dma_start3A_355 = tpu.memref_slice %arg4[%add3A, %add3A_238, %dma_start3A_354] : memref<32x250x40xi32, #tpu.memory_space<hbm>> -> memref<1x1x40xi32, #tpu.memory_space<hbm>>
        %dma_start3A_356 = tpu.memref_squeeze %dma_start3A_355 : memref<1x1x40xi32, #tpu.memory_space<hbm>> -> memref<40xi32, #tpu.memory_space<hbm>>
        tpu.enqueue_dma source(%dma_start3A_356 : memref<40xi32, #tpu.memory_space<hbm>>) target(%arg18 : memref<40xi32, #tpu.memory_space<vmem>>) target_semaphore(%arg38 : memref<!tpu.dma_semaphore, #tpu.memory_space<semaphore_mem>>)
      } else {
      }
      "tpu.region"() ({
        %run_scoped3A = tpu.sem_alloc : memref<!tpu.dma_semaphore, #tpu.memory_space<semaphore_mem>>
        %dma_start3A_345 = arith.constant 0 : i32
        %dma_start3A_346 = arith.constant 0 : i32
        %dma_start3A_347 = tpu.memref_slice %arg48[%dma_start3A_345, %dma_start3A_346] : memref<10240x80xf32, #tpu.memory_space<vmem_shared>> -> memref<10240x80xf32, #tpu.memory_space<vmem_shared>>
        tpu.enqueue_indirect_dma source(%arg13 : memref<40x80xf32, #tpu.memory_space<vmem>>) target(%dma_start3A_347 : memref<10240x80xf32, #tpu.memory_space<vmem_shared>>) offsets(%arg23 : memref<40xi32, #tpu.memory_space<vmem>>) semaphore(%run_scoped3A : memref<!tpu.dma_semaphore, #tpu.memory_space<semaphore_mem>>) {add = true}
        %dma_wait3A_348 = arith.constant 0 : i32
        %dma_wait3A_349 = arith.constant 0 : i32
        %dma_wait3A_350 = tpu.memref_slice %arg48[%dma_wait3A_348, %dma_wait3A_349] : memref<10240x80xf32, #tpu.memory_space<vmem_shared>> -> memref<10240x80xf32, #tpu.memory_space<vmem_shared>>
        tpu.wait_indirect_dma semaphore(%run_scoped3A : memref<!tpu.dma_semaphore, #tpu.memory_space<semaphore_mem>>) src(%arg13 : memref<40x80xf32, #tpu.memory_space<vmem>>) dst(%dma_wait3A_350 : memref<10240x80xf32, #tpu.memory_space<vmem_shared>>)
        tpu.yield
      }) : () -> ()
      %mul3A_253 = arith.constant 10 : i32
      %mul3A_254 = arith.muli %while3A_83, %mul3A_253 : i32
      %add3A_255 = arith.constant 6 : i32
      %add3A_256 = arith.addi %mul3A_254, %add3A_255 : i32
      %add3A_257 = arith.constant 5 : i32
      %add3A_258 = arith.addi %add3A_256, %add3A_257 : i32
      %dma_wait3A_259 = arith.constant 0 : i32
      %dma_wait3A_260 = tpu.memref_slice %arg7[%add3A_256, %dma_wait3A_259] : memref<250x40xi32, #tpu.memory_space<vmem>> -> memref<1x40xi32, #tpu.memory_space<vmem>>
      %dma_wait3A_261 = tpu.memref_squeeze %dma_wait3A_260 : memref<1x40xi32, #tpu.memory_space<vmem>> -> memref<40xi32, #tpu.memory_space<vmem>>
      %dma_wait3A_262 = arith.constant 0 : i32
      %dma_wait3A_263 = arith.constant 0 : i32
      %dma_wait3A_264 = tpu.memref_slice %arg2[%dma_wait3A_262, %dma_wait3A_263] : memref<10000x80xf32, #tpu.memory_space<hbm>> -> memref<10000x80xf32, #tpu.memory_space<hbm>>
      tpu.wait_indirect_dma semaphore(%arg34 : memref<!tpu.dma_semaphore, #tpu.memory_space<semaphore_mem>>) src(%dma_wait3A_264 : memref<10000x80xf32, #tpu.memory_space<hbm>>) dst(%arg14 : memref<40x80xf32, #tpu.memory_space<vmem>>)
      %dma_wait3A_265 = arith.constant 0 : i32
      %dma_wait3A_266 = tpu.memref_slice %arg4[%add3A, %add3A_256, %dma_wait3A_265] : memref<32x250x40xi32, #tpu.memory_space<hbm>> -> memref<1x1x40xi32, #tpu.memory_space<hbm>>
      %dma_wait3A_267 = tpu.memref_squeeze %dma_wait3A_266 : memref<1x1x40xi32, #tpu.memory_space<hbm>> -> memref<40xi32, #tpu.memory_space<hbm>>
      %dma_wait3A_268 = arith.constant 0 : i32
      %dma_wait3A_269 = tpu.memref_slice %arg4[%add3A, %add3A_256, %dma_wait3A_268] : memref<32x250x40xi32, #tpu.memory_space<hbm>> -> memref<1x1x40xi32, #tpu.memory_space<hbm>>
      %dma_wait3A_270 = tpu.memref_squeeze %dma_wait3A_269 : memref<1x1x40xi32, #tpu.memory_space<hbm>> -> memref<40xi32, #tpu.memory_space<hbm>>
      tpu.wait_dma2 semaphore(%arg44 : memref<!tpu.dma_semaphore, #tpu.memory_space<semaphore_mem>>) src(%dma_wait3A_270 : memref<40xi32, #tpu.memory_space<hbm>>) dst(%arg24 : memref<40xi32, #tpu.memory_space<vmem>>)
      %lt3A_271 = arith.constant 24 : i32
      %lt3A_272 = arith.cmpi slt, %while3A_83, %lt3A_271 : i32
      %convert_element_type3A_273 = arith.extui %lt3A_272 : i1 to i32
      %cond3A_274 = arith.constant 0 : i32
      %cond3A_275 = arith.cmpi ne, %convert_element_type3A_273, %cond3A_274 : i32
      scf.if %cond3A_275 {
        %dma_start3A_345 = arith.constant 0 : i32
        %dma_start3A_346 = tpu.memref_slice %arg7[%add3A_258, %dma_start3A_345] : memref<250x40xi32, #tpu.memory_space<vmem>> -> memref<1x40xi32, #tpu.memory_space<vmem>>
        %dma_start3A_347 = tpu.memref_squeeze %dma_start3A_346 : memref<1x40xi32, #tpu.memory_space<vmem>> -> memref<40xi32, #tpu.memory_space<vmem>>
        %dma_start3A_348 = arith.constant 0 : i32
        %dma_start3A_349 = arith.constant 0 : i32
        %dma_start3A_350 = tpu.memref_slice %arg2[%dma_start3A_348, %dma_start3A_349] : memref<10000x80xf32, #tpu.memory_space<hbm>> -> memref<10000x80xf32, #tpu.memory_space<hbm>>
        tpu.enqueue_indirect_dma source(%dma_start3A_350 : memref<10000x80xf32, #tpu.memory_space<hbm>>) target(%arg9 : memref<40x80xf32, #tpu.memory_space<vmem>>) offsets(%dma_start3A_347 : memref<40xi32, #tpu.memory_space<vmem>>) semaphore(%arg29 : memref<!tpu.dma_semaphore, #tpu.memory_space<semaphore_mem>>)
        %dma_start3A_351 = arith.constant 0 : i32
        %dma_start3A_352 = tpu.memref_slice %arg4[%add3A, %add3A_258, %dma_start3A_351] : memref<32x250x40xi32, #tpu.memory_space<hbm>> -> memref<1x1x40xi32, #tpu.memory_space<hbm>>
        %dma_start3A_353 = tpu.memref_squeeze %dma_start3A_352 : memref<1x1x40xi32, #tpu.memory_space<hbm>> -> memref<40xi32, #tpu.memory_space<hbm>>
        %dma_start3A_354 = arith.constant 0 : i32
        %dma_start3A_355 = tpu.memref_slice %arg4[%add3A, %add3A_258, %dma_start3A_354] : memref<32x250x40xi32, #tpu.memory_space<hbm>> -> memref<1x1x40xi32, #tpu.memory_space<hbm>>
        %dma_start3A_356 = tpu.memref_squeeze %dma_start3A_355 : memref<1x1x40xi32, #tpu.memory_space<hbm>> -> memref<40xi32, #tpu.memory_space<hbm>>
        tpu.enqueue_dma source(%dma_start3A_356 : memref<40xi32, #tpu.memory_space<hbm>>) target(%arg19 : memref<40xi32, #tpu.memory_space<vmem>>) target_semaphore(%arg39 : memref<!tpu.dma_semaphore, #tpu.memory_space<semaphore_mem>>)
      } else {
      }
      "tpu.region"() ({
        %run_scoped3A = tpu.sem_alloc : memref<!tpu.dma_semaphore, #tpu.memory_space<semaphore_mem>>
        %dma_start3A_345 = arith.constant 0 : i32
        %dma_start3A_346 = arith.constant 0 : i32
        %dma_start3A_347 = tpu.memref_slice %arg48[%dma_start3A_345, %dma_start3A_346] : memref<10240x80xf32, #tpu.memory_space<vmem_shared>> -> memref<10240x80xf32, #tpu.memory_space<vmem_shared>>
        tpu.enqueue_indirect_dma source(%arg14 : memref<40x80xf32, #tpu.memory_space<vmem>>) target(%dma_start3A_347 : memref<10240x80xf32, #tpu.memory_space<vmem_shared>>) offsets(%arg24 : memref<40xi32, #tpu.memory_space<vmem>>) semaphore(%run_scoped3A : memref<!tpu.dma_semaphore, #tpu.memory_space<semaphore_mem>>) {add = true}
        %dma_wait3A_348 = arith.constant 0 : i32
        %dma_wait3A_349 = arith.constant 0 : i32
        %dma_wait3A_350 = tpu.memref_slice %arg48[%dma_wait3A_348, %dma_wait3A_349] : memref<10240x80xf32, #tpu.memory_space<vmem_shared>> -> memref<10240x80xf32, #tpu.memory_space<vmem_shared>>
        tpu.wait_indirect_dma semaphore(%run_scoped3A : memref<!tpu.dma_semaphore, #tpu.memory_space<semaphore_mem>>) src(%arg14 : memref<40x80xf32, #tpu.memory_space<vmem>>) dst(%dma_wait3A_350 : memref<10240x80xf32, #tpu.memory_space<vmem_shared>>)
        tpu.yield
      }) : () -> ()
      %mul3A_276 = arith.constant 10 : i32
      %mul3A_277 = arith.muli %while3A_83, %mul3A_276 : i32
      %add3A_278 = arith.constant 7 : i32
      %add3A_279 = arith.addi %mul3A_277, %add3A_278 : i32
      %add3A_280 = arith.constant 5 : i32
      %add3A_281 = arith.addi %add3A_279, %add3A_280 : i32
      %dma_wait3A_282 = arith.constant 0 : i32
      %dma_wait3A_283 = tpu.memref_slice %arg7[%add3A_279, %dma_wait3A_282] : memref<250x40xi32, #tpu.memory_space<vmem>> -> memref<1x40xi32, #tpu.memory_space<vmem>>
      %dma_wait3A_284 = tpu.memref_squeeze %dma_wait3A_283 : memref<1x40xi32, #tpu.memory_space<vmem>> -> memref<40xi32, #tpu.memory_space<vmem>>
      %dma_wait3A_285 = arith.constant 0 : i32
      %dma_wait3A_286 = arith.constant 0 : i32
      %dma_wait3A_287 = tpu.memref_slice %arg2[%dma_wait3A_285, %dma_wait3A_286] : memref<10000x80xf32, #tpu.memory_space<hbm>> -> memref<10000x80xf32, #tpu.memory_space<hbm>>
      tpu.wait_indirect_dma semaphore(%arg35 : memref<!tpu.dma_semaphore, #tpu.memory_space<semaphore_mem>>) src(%dma_wait3A_287 : memref<10000x80xf32, #tpu.memory_space<hbm>>) dst(%arg15 : memref<40x80xf32, #tpu.memory_space<vmem>>)
      %dma_wait3A_288 = arith.constant 0 : i32
      %dma_wait3A_289 = tpu.memref_slice %arg4[%add3A, %add3A_279, %dma_wait3A_288] : memref<32x250x40xi32, #tpu.memory_space<hbm>> -> memref<1x1x40xi32, #tpu.memory_space<hbm>>
      %dma_wait3A_290 = tpu.memref_squeeze %dma_wait3A_289 : memref<1x1x40xi32, #tpu.memory_space<hbm>> -> memref<40xi32, #tpu.memory_space<hbm>>
      %dma_wait3A_291 = arith.constant 0 : i32
      %dma_wait3A_292 = tpu.memref_slice %arg4[%add3A, %add3A_279, %dma_wait3A_291] : memref<32x250x40xi32, #tpu.memory_space<hbm>> -> memref<1x1x40xi32, #tpu.memory_space<hbm>>
      %dma_wait3A_293 = tpu.memref_squeeze %dma_wait3A_292 : memref<1x1x40xi32, #tpu.memory_space<hbm>> -> memref<40xi32, #tpu.memory_space<hbm>>
      tpu.wait_dma2 semaphore(%arg45 : memref<!tpu.dma_semaphore, #tpu.memory_space<semaphore_mem>>) src(%dma_wait3A_293 : memref<40xi32, #tpu.memory_space<hbm>>) dst(%arg25 : memref<40xi32, #tpu.memory_space<vmem>>)
      %lt3A_294 = arith.constant 24 : i32
      %lt3A_295 = arith.cmpi slt, %while3A_83, %lt3A_294 : i32
      %convert_element_type3A_296 = arith.extui %lt3A_295 : i1 to i32
      %cond3A_297 = arith.constant 0 : i32
      %cond3A_298 = arith.cmpi ne, %convert_element_type3A_296, %cond3A_297 : i32
      scf.if %cond3A_298 {
        %dma_start3A_345 = arith.constant 0 : i32
        %dma_start3A_346 = tpu.memref_slice %arg7[%add3A_281, %dma_start3A_345] : memref<250x40xi32, #tpu.memory_space<vmem>> -> memref<1x40xi32, #tpu.memory_space<vmem>>
        %dma_start3A_347 = tpu.memref_squeeze %dma_start3A_346 : memref<1x40xi32, #tpu.memory_space<vmem>> -> memref<40xi32, #tpu.memory_space<vmem>>
        %dma_start3A_348 = arith.constant 0 : i32
        %dma_start3A_349 = arith.constant 0 : i32
        %dma_start3A_350 = tpu.memref_slice %arg2[%dma_start3A_348, %dma_start3A_349] : memref<10000x80xf32, #tpu.memory_space<hbm>> -> memref<10000x80xf32, #tpu.memory_space<hbm>>
        tpu.enqueue_indirect_dma source(%dma_start3A_350 : memref<10000x80xf32, #tpu.memory_space<hbm>>) target(%arg10 : memref<40x80xf32, #tpu.memory_space<vmem>>) offsets(%dma_start3A_347 : memref<40xi32, #tpu.memory_space<vmem>>) semaphore(%arg30 : memref<!tpu.dma_semaphore, #tpu.memory_space<semaphore_mem>>)
        %dma_start3A_351 = arith.constant 0 : i32
        %dma_start3A_352 = tpu.memref_slice %arg4[%add3A, %add3A_281, %dma_start3A_351] : memref<32x250x40xi32, #tpu.memory_space<hbm>> -> memref<1x1x40xi32, #tpu.memory_space<hbm>>
        %dma_start3A_353 = tpu.memref_squeeze %dma_start3A_352 : memref<1x1x40xi32, #tpu.memory_space<hbm>> -> memref<40xi32, #tpu.memory_space<hbm>>
        %dma_start3A_354 = arith.constant 0 : i32
        %dma_start3A_355 = tpu.memref_slice %arg4[%add3A, %add3A_281, %dma_start3A_354] : memref<32x250x40xi32, #tpu.memory_space<hbm>> -> memref<1x1x40xi32, #tpu.memory_space<hbm>>
        %dma_start3A_356 = tpu.memref_squeeze %dma_start3A_355 : memref<1x1x40xi32, #tpu.memory_space<hbm>> -> memref<40xi32, #tpu.memory_space<hbm>>
        tpu.enqueue_dma source(%dma_start3A_356 : memref<40xi32, #tpu.memory_space<hbm>>) target(%arg20 : memref<40xi32, #tpu.memory_space<vmem>>) target_semaphore(%arg40 : memref<!tpu.dma_semaphore, #tpu.memory_space<semaphore_mem>>)
      } else {
      }
      "tpu.region"() ({
        %run_scoped3A = tpu.sem_alloc : memref<!tpu.dma_semaphore, #tpu.memory_space<semaphore_mem>>
        %dma_start3A_345 = arith.constant 0 : i32
        %dma_start3A_346 = arith.constant 0 : i32
        %dma_start3A_347 = tpu.memref_slice %arg48[%dma_start3A_345, %dma_start3A_346] : memref<10240x80xf32, #tpu.memory_space<vmem_shared>> -> memref<10240x80xf32, #tpu.memory_space<vmem_shared>>
        tpu.enqueue_indirect_dma source(%arg15 : memref<40x80xf32, #tpu.memory_space<vmem>>) target(%dma_start3A_347 : memref<10240x80xf32, #tpu.memory_space<vmem_shared>>) offsets(%arg25 : memref<40xi32, #tpu.memory_space<vmem>>) semaphore(%run_scoped3A : memref<!tpu.dma_semaphore, #tpu.memory_space<semaphore_mem>>) {add = true}
        %dma_wait3A_348 = arith.constant 0 : i32
        %dma_wait3A_349 = arith.constant 0 : i32
        %dma_wait3A_350 = tpu.memref_slice %arg48[%dma_wait3A_348, %dma_wait3A_349] : memref<10240x80xf32, #tpu.memory_space<vmem_shared>> -> memref<10240x80xf32, #tpu.memory_space<vmem_shared>>
        tpu.wait_indirect_dma semaphore(%run_scoped3A : memref<!tpu.dma_semaphore, #tpu.memory_space<semaphore_mem>>) src(%arg15 : memref<40x80xf32, #tpu.memory_space<vmem>>) dst(%dma_wait3A_350 : memref<10240x80xf32, #tpu.memory_space<vmem_shared>>)
        tpu.yield
      }) : () -> ()
      %mul3A_299 = arith.constant 10 : i32
      %mul3A_300 = arith.muli %while3A_83, %mul3A_299 : i32
      %add3A_301 = arith.constant 8 : i32
      %add3A_302 = arith.addi %mul3A_300, %add3A_301 : i32
      %add3A_303 = arith.constant 5 : i32
      %add3A_304 = arith.addi %add3A_302, %add3A_303 : i32
      %dma_wait3A_305 = arith.constant 0 : i32
      %dma_wait3A_306 = tpu.memref_slice %arg7[%add3A_302, %dma_wait3A_305] : memref<250x40xi32, #tpu.memory_space<vmem>> -> memref<1x40xi32, #tpu.memory_space<vmem>>
      %dma_wait3A_307 = tpu.memref_squeeze %dma_wait3A_306 : memref<1x40xi32, #tpu.memory_space<vmem>> -> memref<40xi32, #tpu.memory_space<vmem>>
      %dma_wait3A_308 = arith.constant 0 : i32
      %dma_wait3A_309 = arith.constant 0 : i32
      %dma_wait3A_310 = tpu.memref_slice %arg2[%dma_wait3A_308, %dma_wait3A_309] : memref<10000x80xf32, #tpu.memory_space<hbm>> -> memref<10000x80xf32, #tpu.memory_space<hbm>>
      tpu.wait_indirect_dma semaphore(%arg36 : memref<!tpu.dma_semaphore, #tpu.memory_space<semaphore_mem>>) src(%dma_wait3A_310 : memref<10000x80xf32, #tpu.memory_space<hbm>>) dst(%arg16 : memref<40x80xf32, #tpu.memory_space<vmem>>)
      %dma_wait3A_311 = arith.constant 0 : i32
      %dma_wait3A_312 = tpu.memref_slice %arg4[%add3A, %add3A_302, %dma_wait3A_311] : memref<32x250x40xi32, #tpu.memory_space<hbm>> -> memref<1x1x40xi32, #tpu.memory_space<hbm>>
      %dma_wait3A_313 = tpu.memref_squeeze %dma_wait3A_312 : memref<1x1x40xi32, #tpu.memory_space<hbm>> -> memref<40xi32, #tpu.memory_space<hbm>>
      %dma_wait3A_314 = arith.constant 0 : i32
      %dma_wait3A_315 = tpu.memref_slice %arg4[%add3A, %add3A_302, %dma_wait3A_314] : memref<32x250x40xi32, #tpu.memory_space<hbm>> -> memref<1x1x40xi32, #tpu.memory_space<hbm>>
      %dma_wait3A_316 = tpu.memref_squeeze %dma_wait3A_315 : memref<1x1x40xi32, #tpu.memory_space<hbm>> -> memref<40xi32, #tpu.memory_space<hbm>>
      tpu.wait_dma2 semaphore(%arg46 : memref<!tpu.dma_semaphore, #tpu.memory_space<semaphore_mem>>) src(%dma_wait3A_316 : memref<40xi32, #tpu.memory_space<hbm>>) dst(%arg26 : memref<40xi32, #tpu.memory_space<vmem>>)
      %lt3A_317 = arith.constant 24 : i32
      %lt3A_318 = arith.cmpi slt, %while3A_83, %lt3A_317 : i32
      %convert_element_type3A_319 = arith.extui %lt3A_318 : i1 to i32
      %cond3A_320 = arith.constant 0 : i32
      %cond3A_321 = arith.cmpi ne, %convert_element_type3A_319, %cond3A_320 : i32
      scf.if %cond3A_321 {
        %dma_start3A_345 = arith.constant 0 : i32
        %dma_start3A_346 = tpu.memref_slice %arg7[%add3A_304, %dma_start3A_345] : memref<250x40xi32, #tpu.memory_space<vmem>> -> memref<1x40xi32, #tpu.memory_space<vmem>>
        %dma_start3A_347 = tpu.memref_squeeze %dma_start3A_346 : memref<1x40xi32, #tpu.memory_space<vmem>> -> memref<40xi32, #tpu.memory_space<vmem>>
        %dma_start3A_348 = arith.constant 0 : i32
        %dma_start3A_349 = arith.constant 0 : i32
        %dma_start3A_350 = tpu.memref_slice %arg2[%dma_start3A_348, %dma_start3A_349] : memref<10000x80xf32, #tpu.memory_space<hbm>> -> memref<10000x80xf32, #tpu.memory_space<hbm>>
        tpu.enqueue_indirect_dma source(%dma_start3A_350 : memref<10000x80xf32, #tpu.memory_space<hbm>>) target(%arg11 : memref<40x80xf32, #tpu.memory_space<vmem>>) offsets(%dma_start3A_347 : memref<40xi32, #tpu.memory_space<vmem>>) semaphore(%arg31 : memref<!tpu.dma_semaphore, #tpu.memory_space<semaphore_mem>>)
        %dma_start3A_351 = arith.constant 0 : i32
        %dma_start3A_352 = tpu.memref_slice %arg4[%add3A, %add3A_304, %dma_start3A_351] : memref<32x250x40xi32, #tpu.memory_space<hbm>> -> memref<1x1x40xi32, #tpu.memory_space<hbm>>
        %dma_start3A_353 = tpu.memref_squeeze %dma_start3A_352 : memref<1x1x40xi32, #tpu.memory_space<hbm>> -> memref<40xi32, #tpu.memory_space<hbm>>
        %dma_start3A_354 = arith.constant 0 : i32
        %dma_start3A_355 = tpu.memref_slice %arg4[%add3A, %add3A_304, %dma_start3A_354] : memref<32x250x40xi32, #tpu.memory_space<hbm>> -> memref<1x1x40xi32, #tpu.memory_space<hbm>>
        %dma_start3A_356 = tpu.memref_squeeze %dma_start3A_355 : memref<1x1x40xi32, #tpu.memory_space<hbm>> -> memref<40xi32, #tpu.memory_space<hbm>>
        tpu.enqueue_dma source(%dma_start3A_356 : memref<40xi32, #tpu.memory_space<hbm>>) target(%arg21 : memref<40xi32, #tpu.memory_space<vmem>>) target_semaphore(%arg41 : memref<!tpu.dma_semaphore, #tpu.memory_space<semaphore_mem>>)
      } else {
      }
      "tpu.region"() ({
        %run_scoped3A = tpu.sem_alloc : memref<!tpu.dma_semaphore, #tpu.memory_space<semaphore_mem>>
        %dma_start3A_345 = arith.constant 0 : i32
        %dma_start3A_346 = arith.constant 0 : i32
        %dma_start3A_347 = tpu.memref_slice %arg48[%dma_start3A_345, %dma_start3A_346] : memref<10240x80xf32, #tpu.memory_space<vmem_shared>> -> memref<10240x80xf32, #tpu.memory_space<vmem_shared>>
        tpu.enqueue_indirect_dma source(%arg16 : memref<40x80xf32, #tpu.memory_space<vmem>>) target(%dma_start3A_347 : memref<10240x80xf32, #tpu.memory_space<vmem_shared>>) offsets(%arg26 : memref<40xi32, #tpu.memory_space<vmem>>) semaphore(%run_scoped3A : memref<!tpu.dma_semaphore, #tpu.memory_space<semaphore_mem>>) {add = true}
        %dma_wait3A_348 = arith.constant 0 : i32
        %dma_wait3A_349 = arith.constant 0 : i32
        %dma_wait3A_350 = tpu.memref_slice %arg48[%dma_wait3A_348, %dma_wait3A_349] : memref<10240x80xf32, #tpu.memory_space<vmem_shared>> -> memref<10240x80xf32, #tpu.memory_space<vmem_shared>>
        tpu.wait_indirect_dma semaphore(%run_scoped3A : memref<!tpu.dma_semaphore, #tpu.memory_space<semaphore_mem>>) src(%arg16 : memref<40x80xf32, #tpu.memory_space<vmem>>) dst(%dma_wait3A_350 : memref<10240x80xf32, #tpu.memory_space<vmem_shared>>)
        tpu.yield
      }) : () -> ()
      %mul3A_322 = arith.constant 10 : i32
      %mul3A_323 = arith.muli %while3A_83, %mul3A_322 : i32
      %add3A_324 = arith.constant 9 : i32
      %add3A_325 = arith.addi %mul3A_323, %add3A_324 : i32
      %add3A_326 = arith.constant 5 : i32
      %add3A_327 = arith.addi %add3A_325, %add3A_326 : i32
      %dma_wait3A_328 = arith.constant 0 : i32
      %dma_wait3A_329 = tpu.memref_slice %arg7[%add3A_325, %dma_wait3A_328] : memref<250x40xi32, #tpu.memory_space<vmem>> -> memref<1x40xi32, #tpu.memory_space<vmem>>
      %dma_wait3A_330 = tpu.memref_squeeze %dma_wait3A_329 : memref<1x40xi32, #tpu.memory_space<vmem>> -> memref<40xi32, #tpu.memory_space<vmem>>
      %dma_wait3A_331 = arith.constant 0 : i32
      %dma_wait3A_332 = arith.constant 0 : i32
      %dma_wait3A_333 = tpu.memref_slice %arg2[%dma_wait3A_331, %dma_wait3A_332] : memref<10000x80xf32, #tpu.memory_space<hbm>> -> memref<10000x80xf32, #tpu.memory_space<hbm>>
      tpu.wait_indirect_dma semaphore(%arg37 : memref<!tpu.dma_semaphore, #tpu.memory_space<semaphore_mem>>) src(%dma_wait3A_333 : memref<10000x80xf32, #tpu.memory_space<hbm>>) dst(%arg17 : memref<40x80xf32, #tpu.memory_space<vmem>>)
      %dma_wait3A_334 = arith.constant 0 : i32
      %dma_wait3A_335 = tpu.memref_slice %arg4[%add3A, %add3A_325, %dma_wait3A_334] : memref<32x250x40xi32, #tpu.memory_space<hbm>> -> memref<1x1x40xi32, #tpu.memory_space<hbm>>
      %dma_wait3A_336 = tpu.memref_squeeze %dma_wait3A_335 : memref<1x1x40xi32, #tpu.memory_space<hbm>> -> memref<40xi32, #tpu.memory_space<hbm>>
      %dma_wait3A_337 = arith.constant 0 : i32
      %dma_wait3A_338 = tpu.memref_slice %arg4[%add3A, %add3A_325, %dma_wait3A_337] : memref<32x250x40xi32, #tpu.memory_space<hbm>> -> memref<1x1x40xi32, #tpu.memory_space<hbm>>
      %dma_wait3A_339 = tpu.memref_squeeze %dma_wait3A_338 : memref<1x1x40xi32, #tpu.memory_space<hbm>> -> memref<40xi32, #tpu.memory_space<hbm>>
      tpu.wait_dma2 semaphore(%arg47 : memref<!tpu.dma_semaphore, #tpu.memory_space<semaphore_mem>>) src(%dma_wait3A_339 : memref<40xi32, #tpu.memory_space<hbm>>) dst(%arg27 : memref<40xi32, #tpu.memory_space<vmem>>)
      %lt3A_340 = arith.constant 24 : i32
      %lt3A_341 = arith.cmpi slt, %while3A_83, %lt3A_340 : i32
      %convert_element_type3A_342 = arith.extui %lt3A_341 : i1 to i32
      %cond3A_343 = arith.constant 0 : i32
      %cond3A_344 = arith.cmpi ne, %convert_element_type3A_342, %cond3A_343 : i32
      scf.if %cond3A_344 {
        %dma_start3A_345 = arith.constant 0 : i32
        %dma_start3A_346 = tpu.memref_slice %arg7[%add3A_327, %dma_start3A_345] : memref<250x40xi32, #tpu.memory_space<vmem>> -> memref<1x40xi32, #tpu.memory_space<vmem>>
        %dma_start3A_347 = tpu.memref_squeeze %dma_start3A_346 : memref<1x40xi32, #tpu.memory_space<vmem>> -> memref<40xi32, #tpu.memory_space<vmem>>
        %dma_start3A_348 = arith.constant 0 : i32
        %dma_start3A_349 = arith.constant 0 : i32
        %dma_start3A_350 = tpu.memref_slice %arg2[%dma_start3A_348, %dma_start3A_349] : memref<10000x80xf32, #tpu.memory_space<hbm>> -> memref<10000x80xf32, #tpu.memory_space<hbm>>
        tpu.enqueue_indirect_dma source(%dma_start3A_350 : memref<10000x80xf32, #tpu.memory_space<hbm>>) target(%arg12 : memref<40x80xf32, #tpu.memory_space<vmem>>) offsets(%dma_start3A_347 : memref<40xi32, #tpu.memory_space<vmem>>) semaphore(%arg32 : memref<!tpu.dma_semaphore, #tpu.memory_space<semaphore_mem>>)
        %dma_start3A_351 = arith.constant 0 : i32
        %dma_start3A_352 = tpu.memref_slice %arg4[%add3A, %add3A_327, %dma_start3A_351] : memref<32x250x40xi32, #tpu.memory_space<hbm>> -> memref<1x1x40xi32, #tpu.memory_space<hbm>>
        %dma_start3A_353 = tpu.memref_squeeze %dma_start3A_352 : memref<1x1x40xi32, #tpu.memory_space<hbm>> -> memref<40xi32, #tpu.memory_space<hbm>>
        %dma_start3A_354 = arith.constant 0 : i32
        %dma_start3A_355 = tpu.memref_slice %arg4[%add3A, %add3A_327, %dma_start3A_354] : memref<32x250x40xi32, #tpu.memory_space<hbm>> -> memref<1x1x40xi32, #tpu.memory_space<hbm>>
        %dma_start3A_356 = tpu.memref_squeeze %dma_start3A_355 : memref<1x1x40xi32, #tpu.memory_space<hbm>> -> memref<40xi32, #tpu.memory_space<hbm>>
        tpu.enqueue_dma source(%dma_start3A_356 : memref<40xi32, #tpu.memory_space<hbm>>) target(%arg22 : memref<40xi32, #tpu.memory_space<vmem>>) target_semaphore(%arg42 : memref<!tpu.dma_semaphore, #tpu.memory_space<semaphore_mem>>)
      } else {
      }
      "tpu.region"() ({
        %run_scoped3A = tpu.sem_alloc : memref<!tpu.dma_semaphore, #tpu.memory_space<semaphore_mem>>
        %dma_start3A_345 = arith.constant 0 : i32
        %dma_start3A_346 = arith.constant 0 : i32
        %dma_start3A_347 = tpu.memref_slice %arg48[%dma_start3A_345, %dma_start3A_346] : memref<10240x80xf32, #tpu.memory_space<vmem_shared>> -> memref<10240x80xf32, #tpu.memory_space<vmem_shared>>
        tpu.enqueue_indirect_dma source(%arg17 : memref<40x80xf32, #tpu.memory_space<vmem>>) target(%dma_start3A_347 : memref<10240x80xf32, #tpu.memory_space<vmem_shared>>) offsets(%arg27 : memref<40xi32, #tpu.memory_space<vmem>>) semaphore(%run_scoped3A : memref<!tpu.dma_semaphore, #tpu.memory_space<semaphore_mem>>) {add = true}
        %dma_wait3A_348 = arith.constant 0 : i32
        %dma_wait3A_349 = arith.constant 0 : i32
        %dma_wait3A_350 = tpu.memref_slice %arg48[%dma_wait3A_348, %dma_wait3A_349] : memref<10240x80xf32, #tpu.memory_space<vmem_shared>> -> memref<10240x80xf32, #tpu.memory_space<vmem_shared>>
        tpu.wait_indirect_dma semaphore(%run_scoped3A : memref<!tpu.dma_semaphore, #tpu.memory_space<semaphore_mem>>) src(%arg17 : memref<40x80xf32, #tpu.memory_space<vmem>>) dst(%dma_wait3A_350 : memref<10240x80xf32, #tpu.memory_space<vmem_shared>>)
        tpu.yield
      }) : () -> ()
    }
    %while3A_81 = arith.constant 1 : i32
    scf.for %while3A_83 = %while3A_79 to %while3A_75 step %while3A_81  : i32 {
      %mul3A_84 = arith.constant 10 : i32
      %mul3A_85 = arith.muli %while3A_83, %mul3A_84 : i32
      %add3A_86 = arith.constant 0 : i32
      %add3A_87 = arith.addi %mul3A_85, %add3A_86 : i32
      %add3A_88 = arith.constant 5 : i32
      %add3A_89 = arith.addi %add3A_87, %add3A_88 : i32
      %dma_wait3A = arith.constant 0 : i32
      %dma_wait3A_90 = tpu.memref_slice %arg7[%add3A_87, %dma_wait3A] : memref<250x40xi32, #tpu.memory_space<vmem>> -> memref<1x40xi32, #tpu.memory_space<vmem>>
      %dma_wait3A_91 = tpu.memref_squeeze %dma_wait3A_90 : memref<1x40xi32, #tpu.memory_space<vmem>> -> memref<40xi32, #tpu.memory_space<vmem>>
      %dma_wait3A_92 = arith.constant 0 : i32
      %dma_wait3A_93 = arith.constant 0 : i32
      %dma_wait3A_94 = tpu.memref_slice %arg2[%dma_wait3A_92, %dma_wait3A_93] : memref<10000x80xf32, #tpu.memory_space<hbm>> -> memref<10000x80xf32, #tpu.memory_space<hbm>>
      tpu.wait_indirect_dma semaphore(%arg28 : memref<!tpu.dma_semaphore, #tpu.memory_space<semaphore_mem>>) src(%dma_wait3A_94 : memref<10000x80xf32, #tpu.memory_space<hbm>>) dst(%arg8 : memref<40x80xf32, #tpu.memory_space<vmem>>)
      %dma_wait3A_95 = arith.constant 0 : i32
      %dma_wait3A_96 = tpu.memref_slice %arg4[%add3A, %add3A_87, %dma_wait3A_95] : memref<32x250x40xi32, #tpu.memory_space<hbm>> -> memref<1x1x40xi32, #tpu.memory_space<hbm>>
      %dma_wait3A_97 = tpu.memref_squeeze %dma_wait3A_96 : memref<1x1x40xi32, #tpu.memory_space<hbm>> -> memref<40xi32, #tpu.memory_space<hbm>>
      %dma_wait3A_98 = arith.constant 0 : i32
      %dma_wait3A_99 = tpu.memref_slice %arg4[%add3A, %add3A_87, %dma_wait3A_98] : memref<32x250x40xi32, #tpu.memory_space<hbm>> -> memref<1x1x40xi32, #tpu.memory_space<hbm>>
      %dma_wait3A_100 = tpu.memref_squeeze %dma_wait3A_99 : memref<1x1x40xi32, #tpu.memory_space<hbm>> -> memref<40xi32, #tpu.memory_space<hbm>>
      tpu.wait_dma2 semaphore(%arg38 : memref<!tpu.dma_semaphore, #tpu.memory_space<semaphore_mem>>) src(%dma_wait3A_100 : memref<40xi32, #tpu.memory_space<hbm>>) dst(%arg18 : memref<40xi32, #tpu.memory_space<vmem>>)
      %dma_start3A_101 = arith.constant 0 : i32
      %dma_start3A_102 = tpu.memref_slice %arg7[%add3A_89, %dma_start3A_101] : memref<250x40xi32, #tpu.memory_space<vmem>> -> memref<1x40xi32, #tpu.memory_space<vmem>>
      %dma_start3A_103 = tpu.memref_squeeze %dma_start3A_102 : memref<1x40xi32, #tpu.memory_space<vmem>> -> memref<40xi32, #tpu.memory_space<vmem>>
      %dma_start3A_104 = arith.constant 0 : i32
      %dma_start3A_105 = arith.constant 0 : i32
      %dma_start3A_106 = tpu.memref_slice %arg2[%dma_start3A_104, %dma_start3A_105] : memref<10000x80xf32, #tpu.memory_space<hbm>> -> memref<10000x80xf32, #tpu.memory_space<hbm>>
      tpu.enqueue_indirect_dma source(%dma_start3A_106 : memref<10000x80xf32, #tpu.memory_space<hbm>>) target(%arg13 : memref<40x80xf32, #tpu.memory_space<vmem>>) offsets(%dma_start3A_103 : memref<40xi32, #tpu.memory_space<vmem>>) semaphore(%arg33 : memref<!tpu.dma_semaphore, #tpu.memory_space<semaphore_mem>>)
      %dma_start3A_107 = arith.constant 0 : i32
      %dma_start3A_108 = tpu.memref_slice %arg4[%add3A, %add3A_89, %dma_start3A_107] : memref<32x250x40xi32, #tpu.memory_space<hbm>> -> memref<1x1x40xi32, #tpu.memory_space<hbm>>
      %dma_start3A_109 = tpu.memref_squeeze %dma_start3A_108 : memref<1x1x40xi32, #tpu.memory_space<hbm>> -> memref<40xi32, #tpu.memory_space<hbm>>
      %dma_start3A_110 = arith.constant 0 : i32
      %dma_start3A_111 = tpu.memref_slice %arg4[%add3A, %add3A_89, %dma_start3A_110] : memref<32x250x40xi32, #tpu.memory_space<hbm>> -> memref<1x1x40xi32, #tpu.memory_space<hbm>>
      %dma_start3A_112 = tpu.memref_squeeze %dma_start3A_111 : memref<1x1x40xi32, #tpu.memory_space<hbm>> -> memref<40xi32, #tpu.memory_space<hbm>>
      tpu.enqueue_dma source(%dma_start3A_112 : memref<40xi32, #tpu.memory_space<hbm>>) target(%arg23 : memref<40xi32, #tpu.memory_space<vmem>>) target_semaphore(%arg43 : memref<!tpu.dma_semaphore, #tpu.memory_space<semaphore_mem>>)
      "tpu.region"() ({
        %run_scoped3A = tpu.sem_alloc : memref<!tpu.dma_semaphore, #tpu.memory_space<semaphore_mem>>
        %dma_start3A_345 = arith.constant 0 : i32
        %dma_start3A_346 = arith.constant 0 : i32
        %dma_start3A_347 = tpu.memref_slice %arg48[%dma_start3A_345, %dma_start3A_346] : memref<10240x80xf32, #tpu.memory_space<vmem_shared>> -> memref<10240x80xf32, #tpu.memory_space<vmem_shared>>
        tpu.enqueue_indirect_dma source(%arg8 : memref<40x80xf32, #tpu.memory_space<vmem>>) target(%dma_start3A_347 : memref<10240x80xf32, #tpu.memory_space<vmem_shared>>) offsets(%arg18 : memref<40xi32, #tpu.memory_space<vmem>>) semaphore(%run_scoped3A : memref<!tpu.dma_semaphore, #tpu.memory_space<semaphore_mem>>) {add = true}
        %dma_wait3A_348 = arith.constant 0 : i32
        %dma_wait3A_349 = arith.constant 0 : i32
        %dma_wait3A_350 = tpu.memref_slice %arg48[%dma_wait3A_348, %dma_wait3A_349] : memref<10240x80xf32, #tpu.memory_space<vmem_shared>> -> memref<10240x80xf32, #tpu.memory_space<vmem_shared>>
        tpu.wait_indirect_dma semaphore(%run_scoped3A : memref<!tpu.dma_semaphore, #tpu.memory_space<semaphore_mem>>) src(%arg8 : memref<40x80xf32, #tpu.memory_space<vmem>>) dst(%dma_wait3A_350 : memref<10240x80xf32, #tpu.memory_space<vmem_shared>>)
        tpu.yield
      }) : () -> ()
      %mul3A_113 = arith.constant 10 : i32
      %mul3A_114 = arith.muli %while3A_83, %mul3A_113 : i32
      %add3A_115 = arith.constant 1 : i32
      %add3A_116 = arith.addi %mul3A_114, %add3A_115 : i32
      %add3A_117 = arith.constant 5 : i32
      %add3A_118 = arith.addi %add3A_116, %add3A_117 : i32
      %dma_wait3A_119 = arith.constant 0 : i32
      %dma_wait3A_120 = tpu.memref_slice %arg7[%add3A_116, %dma_wait3A_119] : memref<250x40xi32, #tpu.memory_space<vmem>> -> memref<1x40xi32, #tpu.memory_space<vmem>>
      %dma_wait3A_121 = tpu.memref_squeeze %dma_wait3A_120 : memref<1x40xi32, #tpu.memory_space<vmem>> -> memref<40xi32, #tpu.memory_space<vmem>>
      %dma_wait3A_122 = arith.constant 0 : i32
      %dma_wait3A_123 = arith.constant 0 : i32
      %dma_wait3A_124 = tpu.memref_slice %arg2[%dma_wait3A_122, %dma_wait3A_123] : memref<10000x80xf32, #tpu.memory_space<hbm>> -> memref<10000x80xf32, #tpu.memory_space<hbm>>
      tpu.wait_indirect_dma semaphore(%arg29 : memref<!tpu.dma_semaphore, #tpu.memory_space<semaphore_mem>>) src(%dma_wait3A_124 : memref<10000x80xf32, #tpu.memory_space<hbm>>) dst(%arg9 : memref<40x80xf32, #tpu.memory_space<vmem>>)
      %dma_wait3A_125 = arith.constant 0 : i32
      %dma_wait3A_126 = tpu.memref_slice %arg4[%add3A, %add3A_116, %dma_wait3A_125] : memref<32x250x40xi32, #tpu.memory_space<hbm>> -> memref<1x1x40xi32, #tpu.memory_space<hbm>>
      %dma_wait3A_127 = tpu.memref_squeeze %dma_wait3A_126 : memref<1x1x40xi32, #tpu.memory_space<hbm>> -> memref<40xi32, #tpu.memory_space<hbm>>
      %dma_wait3A_128 = arith.constant 0 : i32
      %dma_wait3A_129 = tpu.memref_slice %arg4[%add3A, %add3A_116, %dma_wait3A_128] : memref<32x250x40xi32, #tpu.memory_space<hbm>> -> memref<1x1x40xi32, #tpu.memory_space<hbm>>
      %dma_wait3A_130 = tpu.memref_squeeze %dma_wait3A_129 : memref<1x1x40xi32, #tpu.memory_space<hbm>> -> memref<40xi32, #tpu.memory_space<hbm>>
      tpu.wait_dma2 semaphore(%arg39 : memref<!tpu.dma_semaphore, #tpu.memory_space<semaphore_mem>>) src(%dma_wait3A_130 : memref<40xi32, #tpu.memory_space<hbm>>) dst(%arg19 : memref<40xi32, #tpu.memory_space<vmem>>)
      %dma_start3A_131 = arith.constant 0 : i32
      %dma_start3A_132 = tpu.memref_slice %arg7[%add3A_118, %dma_start3A_131] : memref<250x40xi32, #tpu.memory_space<vmem>> -> memref<1x40xi32, #tpu.memory_space<vmem>>
      %dma_start3A_133 = tpu.memref_squeeze %dma_start3A_132 : memref<1x40xi32, #tpu.memory_space<vmem>> -> memref<40xi32, #tpu.memory_space<vmem>>
      %dma_start3A_134 = arith.constant 0 : i32
      %dma_start3A_135 = arith.constant 0 : i32
      %dma_start3A_136 = tpu.memref_slice %arg2[%dma_start3A_134, %dma_start3A_135] : memref<10000x80xf32, #tpu.memory_space<hbm>> -> memref<10000x80xf32, #tpu.memory_space<hbm>>
      tpu.enqueue_indirect_dma source(%dma_start3A_136 : memref<10000x80xf32, #tpu.memory_space<hbm>>) target(%arg14 : memref<40x80xf32, #tpu.memory_space<vmem>>) offsets(%dma_start3A_133 : memref<40xi32, #tpu.memory_space<vmem>>) semaphore(%arg34 : memref<!tpu.dma_semaphore, #tpu.memory_space<semaphore_mem>>)
      %dma_start3A_137 = arith.constant 0 : i32
      %dma_start3A_138 = tpu.memref_slice %arg4[%add3A, %add3A_118, %dma_start3A_137] : memref<32x250x40xi32, #tpu.memory_space<hbm>> -> memref<1x1x40xi32, #tpu.memory_space<hbm>>
      %dma_start3A_139 = tpu.memref_squeeze %dma_start3A_138 : memref<1x1x40xi32, #tpu.memory_space<hbm>> -> memref<40xi32, #tpu.memory_space<hbm>>
      %dma_start3A_140 = arith.constant 0 : i32
      %dma_start3A_141 = tpu.memref_slice %arg4[%add3A, %add3A_118, %dma_start3A_140] : memref<32x250x40xi32, #tpu.memory_space<hbm>> -> memref<1x1x40xi32, #tpu.memory_space<hbm>>
      %dma_start3A_142 = tpu.memref_squeeze %dma_start3A_141 : memref<1x1x40xi32, #tpu.memory_space<hbm>> -> memref<40xi32, #tpu.memory_space<hbm>>
      tpu.enqueue_dma source(%dma_start3A_142 : memref<40xi32, #tpu.memory_space<hbm>>) target(%arg24 : memref<40xi32, #tpu.memory_space<vmem>>) target_semaphore(%arg44 : memref<!tpu.dma_semaphore, #tpu.memory_space<semaphore_mem>>)
      "tpu.region"() ({
        %run_scoped3A = tpu.sem_alloc : memref<!tpu.dma_semaphore, #tpu.memory_space<semaphore_mem>>
        %dma_start3A_345 = arith.constant 0 : i32
        %dma_start3A_346 = arith.constant 0 : i32
        %dma_start3A_347 = tpu.memref_slice %arg48[%dma_start3A_345, %dma_start3A_346] : memref<10240x80xf32, #tpu.memory_space<vmem_shared>> -> memref<10240x80xf32, #tpu.memory_space<vmem_shared>>
        tpu.enqueue_indirect_dma source(%arg9 : memref<40x80xf32, #tpu.memory_space<vmem>>) target(%dma_start3A_347 : memref<10240x80xf32, #tpu.memory_space<vmem_shared>>) offsets(%arg19 : memref<40xi32, #tpu.memory_space<vmem>>) semaphore(%run_scoped3A : memref<!tpu.dma_semaphore, #tpu.memory_space<semaphore_mem>>) {add = true}
        %dma_wait3A_348 = arith.constant 0 : i32
        %dma_wait3A_349 = arith.constant 0 : i32
        %dma_wait3A_350 = tpu.memref_slice %arg48[%dma_wait3A_348, %dma_wait3A_349] : memref<10240x80xf32, #tpu.memory_space<vmem_shared>> -> memref<10240x80xf32, #tpu.memory_space<vmem_shared>>
        tpu.wait_indirect_dma semaphore(%run_scoped3A : memref<!tpu.dma_semaphore, #tpu.memory_space<semaphore_mem>>) src(%arg9 : memref<40x80xf32, #tpu.memory_space<vmem>>) dst(%dma_wait3A_350 : memref<10240x80xf32, #tpu.memory_space<vmem_shared>>)
        tpu.yield
      }) : () -> ()
      %mul3A_143 = arith.constant 10 : i32
      %mul3A_144 = arith.muli %while3A_83, %mul3A_143 : i32
      %add3A_145 = arith.constant 2 : i32
      %add3A_146 = arith.addi %mul3A_144, %add3A_145 : i32
      %add3A_147 = arith.constant 5 : i32
      %add3A_148 = arith.addi %add3A_146, %add3A_147 : i32
      %dma_wait3A_149 = arith.constant 0 : i32
      %dma_wait3A_150 = tpu.memref_slice %arg7[%add3A_146, %dma_wait3A_149] : memref<250x40xi32, #tpu.memory_space<vmem>> -> memref<1x40xi32, #tpu.memory_space<vmem>>
      %dma_wait3A_151 = tpu.memref_squeeze %dma_wait3A_150 : memref<1x40xi32, #tpu.memory_space<vmem>> -> memref<40xi32, #tpu.memory_space<vmem>>
      %dma_wait3A_152 = arith.constant 0 : i32
      %dma_wait3A_153 = arith.constant 0 : i32
      %dma_wait3A_154 = tpu.memref_slice %arg2[%dma_wait3A_152, %dma_wait3A_153] : memref<10000x80xf32, #tpu.memory_space<hbm>> -> memref<10000x80xf32, #tpu.memory_space<hbm>>
      tpu.wait_indirect_dma semaphore(%arg30 : memref<!tpu.dma_semaphore, #tpu.memory_space<semaphore_mem>>) src(%dma_wait3A_154 : memref<10000x80xf32, #tpu.memory_space<hbm>>) dst(%arg10 : memref<40x80xf32, #tpu.memory_space<vmem>>)
      %dma_wait3A_155 = arith.constant 0 : i32
      %dma_wait3A_156 = tpu.memref_slice %arg4[%add3A, %add3A_146, %dma_wait3A_155] : memref<32x250x40xi32, #tpu.memory_space<hbm>> -> memref<1x1x40xi32, #tpu.memory_space<hbm>>
      %dma_wait3A_157 = tpu.memref_squeeze %dma_wait3A_156 : memref<1x1x40xi32, #tpu.memory_space<hbm>> -> memref<40xi32, #tpu.memory_space<hbm>>
      %dma_wait3A_158 = arith.constant 0 : i32
      %dma_wait3A_159 = tpu.memref_slice %arg4[%add3A, %add3A_146, %dma_wait3A_158] : memref<32x250x40xi32, #tpu.memory_space<hbm>> -> memref<1x1x40xi32, #tpu.memory_space<hbm>>
      %dma_wait3A_160 = tpu.memref_squeeze %dma_wait3A_159 : memref<1x1x40xi32, #tpu.memory_space<hbm>> -> memref<40xi32, #tpu.memory_space<hbm>>
      tpu.wait_dma2 semaphore(%arg40 : memref<!tpu.dma_semaphore, #tpu.memory_space<semaphore_mem>>) src(%dma_wait3A_160 : memref<40xi32, #tpu.memory_space<hbm>>) dst(%arg20 : memref<40xi32, #tpu.memory_space<vmem>>)
      %dma_start3A_161 = arith.constant 0 : i32
      %dma_start3A_162 = tpu.memref_slice %arg7[%add3A_148, %dma_start3A_161] : memref<250x40xi32, #tpu.memory_space<vmem>> -> memref<1x40xi32, #tpu.memory_space<vmem>>
      %dma_start3A_163 = tpu.memref_squeeze %dma_start3A_162 : memref<1x40xi32, #tpu.memory_space<vmem>> -> memref<40xi32, #tpu.memory_space<vmem>>
      %dma_start3A_164 = arith.constant 0 : i32
      %dma_start3A_165 = arith.constant 0 : i32
      %dma_start3A_166 = tpu.memref_slice %arg2[%dma_start3A_164, %dma_start3A_165] : memref<10000x80xf32, #tpu.memory_space<hbm>> -> memref<10000x80xf32, #tpu.memory_space<hbm>>
      tpu.enqueue_indirect_dma source(%dma_start3A_166 : memref<10000x80xf32, #tpu.memory_space<hbm>>) target(%arg15 : memref<40x80xf32, #tpu.memory_space<vmem>>) offsets(%dma_start3A_163 : memref<40xi32, #tpu.memory_space<vmem>>) semaphore(%arg35 : memref<!tpu.dma_semaphore, #tpu.memory_space<semaphore_mem>>)
      %dma_start3A_167 = arith.constant 0 : i32
      %dma_start3A_168 = tpu.memref_slice %arg4[%add3A, %add3A_148, %dma_start3A_167] : memref<32x250x40xi32, #tpu.memory_space<hbm>> -> memref<1x1x40xi32, #tpu.memory_space<hbm>>
      %dma_start3A_169 = tpu.memref_squeeze %dma_start3A_168 : memref<1x1x40xi32, #tpu.memory_space<hbm>> -> memref<40xi32, #tpu.memory_space<hbm>>
      %dma_start3A_170 = arith.constant 0 : i32
      %dma_start3A_171 = tpu.memref_slice %arg4[%add3A, %add3A_148, %dma_start3A_170] : memref<32x250x40xi32, #tpu.memory_space<hbm>> -> memref<1x1x40xi32, #tpu.memory_space<hbm>>
      %dma_start3A_172 = tpu.memref_squeeze %dma_start3A_171 : memref<1x1x40xi32, #tpu.memory_space<hbm>> -> memref<40xi32, #tpu.memory_space<hbm>>
      tpu.enqueue_dma source(%dma_start3A_172 : memref<40xi32, #tpu.memory_space<hbm>>) target(%arg25 : memref<40xi32, #tpu.memory_space<vmem>>) target_semaphore(%arg45 : memref<!tpu.dma_semaphore, #tpu.memory_space<semaphore_mem>>)
      "tpu.region"() ({
        %run_scoped3A = tpu.sem_alloc : memref<!tpu.dma_semaphore, #tpu.memory_space<semaphore_mem>>
        %dma_start3A_345 = arith.constant 0 : i32
        %dma_start3A_346 = arith.constant 0 : i32
        %dma_start3A_347 = tpu.memref_slice %arg48[%dma_start3A_345, %dma_start3A_346] : memref<10240x80xf32, #tpu.memory_space<vmem_shared>> -> memref<10240x80xf32, #tpu.memory_space<vmem_shared>>
        tpu.enqueue_indirect_dma source(%arg10 : memref<40x80xf32, #tpu.memory_space<vmem>>) target(%dma_start3A_347 : memref<10240x80xf32, #tpu.memory_space<vmem_shared>>) offsets(%arg20 : memref<40xi32, #tpu.memory_space<vmem>>) semaphore(%run_scoped3A : memref<!tpu.dma_semaphore, #tpu.memory_space<semaphore_mem>>) {add = true}
        %dma_wait3A_348 = arith.constant 0 : i32
        %dma_wait3A_349 = arith.constant 0 : i32
        %dma_wait3A_350 = tpu.memref_slice %arg48[%dma_wait3A_348, %dma_wait3A_349] : memref<10240x80xf32, #tpu.memory_space<vmem_shared>> -> memref<10240x80xf32, #tpu.memory_space<vmem_shared>>
        tpu.wait_indirect_dma semaphore(%run_scoped3A : memref<!tpu.dma_semaphore, #tpu.memory_space<semaphore_mem>>) src(%arg10 : memref<40x80xf32, #tpu.memory_space<vmem>>) dst(%dma_wait3A_350 : memref<10240x80xf32, #tpu.memory_space<vmem_shared>>)
        tpu.yield
      }) : () -> ()
      %mul3A_173 = arith.constant 10 : i32
      %mul3A_174 = arith.muli %while3A_83, %mul3A_173 : i32
      %add3A_175 = arith.constant 3 : i32
      %add3A_176 = arith.addi %mul3A_174, %add3A_175 : i32
      %add3A_177 = arith.constant 5 : i32
      %add3A_178 = arith.addi %add3A_176, %add3A_177 : i32
      %dma_wait3A_179 = arith.constant 0 : i32
      %dma_wait3A_180 = tpu.memref_slice %arg7[%add3A_176, %dma_wait3A_179] : memref<250x40xi32, #tpu.memory_space<vmem>> -> memref<1x40xi32, #tpu.memory_space<vmem>>
      %dma_wait3A_181 = tpu.memref_squeeze %dma_wait3A_180 : memref<1x40xi32, #tpu.memory_space<vmem>> -> memref<40xi32, #tpu.memory_space<vmem>>
      %dma_wait3A_182 = arith.constant 0 : i32
      %dma_wait3A_183 = arith.constant 0 : i32
      %dma_wait3A_184 = tpu.memref_slice %arg2[%dma_wait3A_182, %dma_wait3A_183] : memref<10000x80xf32, #tpu.memory_space<hbm>> -> memref<10000x80xf32, #tpu.memory_space<hbm>>
      tpu.wait_indirect_dma semaphore(%arg31 : memref<!tpu.dma_semaphore, #tpu.memory_space<semaphore_mem>>) src(%dma_wait3A_184 : memref<10000x80xf32, #tpu.memory_space<hbm>>) dst(%arg11 : memref<40x80xf32, #tpu.memory_space<vmem>>)
      %dma_wait3A_185 = arith.constant 0 : i32
      %dma_wait3A_186 = tpu.memref_slice %arg4[%add3A, %add3A_176, %dma_wait3A_185] : memref<32x250x40xi32, #tpu.memory_space<hbm>> -> memref<1x1x40xi32, #tpu.memory_space<hbm>>
      %dma_wait3A_187 = tpu.memref_squeeze %dma_wait3A_186 : memref<1x1x40xi32, #tpu.memory_space<hbm>> -> memref<40xi32, #tpu.memory_space<hbm>>
      %dma_wait3A_188 = arith.constant 0 : i32
      %dma_wait3A_189 = tpu.memref_slice %arg4[%add3A, %add3A_176, %dma_wait3A_188] : memref<32x250x40xi32, #tpu.memory_space<hbm>> -> memref<1x1x40xi32, #tpu.memory_space<hbm>>
      %dma_wait3A_190 = tpu.memref_squeeze %dma_wait3A_189 : memref<1x1x40xi32, #tpu.memory_space<hbm>> -> memref<40xi32, #tpu.memory_space<hbm>>
      tpu.wait_dma2 semaphore(%arg41 : memref<!tpu.dma_semaphore, #tpu.memory_space<semaphore_mem>>) src(%dma_wait3A_190 : memref<40xi32, #tpu.memory_space<hbm>>) dst(%arg21 : memref<40xi32, #tpu.memory_space<vmem>>)
      %dma_start3A_191 = arith.constant 0 : i32
      %dma_start3A_192 = tpu.memref_slice %arg7[%add3A_178, %dma_start3A_191] : memref<250x40xi32, #tpu.memory_space<vmem>> -> memref<1x40xi32, #tpu.memory_space<vmem>>
      %dma_start3A_193 = tpu.memref_squeeze %dma_start3A_192 : memref<1x40xi32, #tpu.memory_space<vmem>> -> memref<40xi32, #tpu.memory_space<vmem>>
      %dma_start3A_194 = arith.constant 0 : i32
      %dma_start3A_195 = arith.constant 0 : i32
      %dma_start3A_196 = tpu.memref_slice %arg2[%dma_start3A_194, %dma_start3A_195] : memref<10000x80xf32, #tpu.memory_space<hbm>> -> memref<10000x80xf32, #tpu.memory_space<hbm>>
      tpu.enqueue_indirect_dma source(%dma_start3A_196 : memref<10000x80xf32, #tpu.memory_space<hbm>>) target(%arg16 : memref<40x80xf32, #tpu.memory_space<vmem>>) offsets(%dma_start3A_193 : memref<40xi32, #tpu.memory_space<vmem>>) semaphore(%arg36 : memref<!tpu.dma_semaphore, #tpu.memory_space<semaphore_mem>>)
      %dma_start3A_197 = arith.constant 0 : i32
      %dma_start3A_198 = tpu.memref_slice %arg4[%add3A, %add3A_178, %dma_start3A_197] : memref<32x250x40xi32, #tpu.memory_space<hbm>> -> memref<1x1x40xi32, #tpu.memory_space<hbm>>
      %dma_start3A_199 = tpu.memref_squeeze %dma_start3A_198 : memref<1x1x40xi32, #tpu.memory_space<hbm>> -> memref<40xi32, #tpu.memory_space<hbm>>
      %dma_start3A_200 = arith.constant 0 : i32
      %dma_start3A_201 = tpu.memref_slice %arg4[%add3A, %add3A_178, %dma_start3A_200] : memref<32x250x40xi32, #tpu.memory_space<hbm>> -> memref<1x1x40xi32, #tpu.memory_space<hbm>>
      %dma_start3A_202 = tpu.memref_squeeze %dma_start3A_201 : memref<1x1x40xi32, #tpu.memory_space<hbm>> -> memref<40xi32, #tpu.memory_space<hbm>>
      tpu.enqueue_dma source(%dma_start3A_202 : memref<40xi32, #tpu.memory_space<hbm>>) target(%arg26 : memref<40xi32, #tpu.memory_space<vmem>>) target_semaphore(%arg46 : memref<!tpu.dma_semaphore, #tpu.memory_space<semaphore_mem>>)
      "tpu.region"() ({
        %run_scoped3A = tpu.sem_alloc : memref<!tpu.dma_semaphore, #tpu.memory_space<semaphore_mem>>
        %dma_start3A_345 = arith.constant 0 : i32
        %dma_start3A_346 = arith.constant 0 : i32
        %dma_start3A_347 = tpu.memref_slice %arg48[%dma_start3A_345, %dma_start3A_346] : memref<10240x80xf32, #tpu.memory_space<vmem_shared>> -> memref<10240x80xf32, #tpu.memory_space<vmem_shared>>
        tpu.enqueue_indirect_dma source(%arg11 : memref<40x80xf32, #tpu.memory_space<vmem>>) target(%dma_start3A_347 : memref<10240x80xf32, #tpu.memory_space<vmem_shared>>) offsets(%arg21 : memref<40xi32, #tpu.memory_space<vmem>>) semaphore(%run_scoped3A : memref<!tpu.dma_semaphore, #tpu.memory_space<semaphore_mem>>) {add = true}
        %dma_wait3A_348 = arith.constant 0 : i32
        %dma_wait3A_349 = arith.constant 0 : i32
        %dma_wait3A_350 = tpu.memref_slice %arg48[%dma_wait3A_348, %dma_wait3A_349] : memref<10240x80xf32, #tpu.memory_space<vmem_shared>> -> memref<10240x80xf32, #tpu.memory_space<vmem_shared>>
        tpu.wait_indirect_dma semaphore(%run_scoped3A : memref<!tpu.dma_semaphore, #tpu.memory_space<semaphore_mem>>) src(%arg11 : memref<40x80xf32, #tpu.memory_space<vmem>>) dst(%dma_wait3A_350 : memref<10240x80xf32, #tpu.memory_space<vmem_shared>>)
        tpu.yield
      }) : () -> ()
      %mul3A_203 = arith.constant 10 : i32
      %mul3A_204 = arith.muli %while3A_83, %mul3A_203 : i32
      %add3A_205 = arith.constant 4 : i32
      %add3A_206 = arith.addi %mul3A_204, %add3A_205 : i32
      %add3A_207 = arith.constant 5 : i32
      %add3A_208 = arith.addi %add3A_206, %add3A_207 : i32
      %dma_wait3A_209 = arith.constant 0 : i32
      %dma_wait3A_210 = tpu.memref_slice %arg7[%add3A_206, %dma_wait3A_209] : memref<250x40xi32, #tpu.memory_space<vmem>> -> memref<1x40xi32, #tpu.memory_space<vmem>>
      %dma_wait3A_211 = tpu.memref_squeeze %dma_wait3A_210 : memref<1x40xi32, #tpu.memory_space<vmem>> -> memref<40xi32, #tpu.memory_space<vmem>>
      %dma_wait3A_212 = arith.constant 0 : i32
      %dma_wait3A_213 = arith.constant 0 : i32
      %dma_wait3A_214 = tpu.memref_slice %arg2[%dma_wait3A_212, %dma_wait3A_213] : memref<10000x80xf32, #tpu.memory_space<hbm>> -> memref<10000x80xf32, #tpu.memory_space<hbm>>
      tpu.wait_indirect_dma semaphore(%arg32 : memref<!tpu.dma_semaphore, #tpu.memory_space<semaphore_mem>>) src(%dma_wait3A_214 : memref<10000x80xf32, #tpu.memory_space<hbm>>) dst(%arg12 : memref<40x80xf32, #tpu.memory_space<vmem>>)
      %dma_wait3A_215 = arith.constant 0 : i32
      %dma_wait3A_216 = tpu.memref_slice %arg4[%add3A, %add3A_206, %dma_wait3A_215] : memref<32x250x40xi32, #tpu.memory_space<hbm>> -> memref<1x1x40xi32, #tpu.memory_space<hbm>>
      %dma_wait3A_217 = tpu.memref_squeeze %dma_wait3A_216 : memref<1x1x40xi32, #tpu.memory_space<hbm>> -> memref<40xi32, #tpu.memory_space<hbm>>
      %dma_wait3A_218 = arith.constant 0 : i32
      %dma_wait3A_219 = tpu.memref_slice %arg4[%add3A, %add3A_206, %dma_wait3A_218] : memref<32x250x40xi32, #tpu.memory_space<hbm>> -> memref<1x1x40xi32, #tpu.memory_space<hbm>>
      %dma_wait3A_220 = tpu.memref_squeeze %dma_wait3A_219 : memref<1x1x40xi32, #tpu.memory_space<hbm>> -> memref<40xi32, #tpu.memory_space<hbm>>
      tpu.wait_dma2 semaphore(%arg42 : memref<!tpu.dma_semaphore, #tpu.memory_space<semaphore_mem>>) src(%dma_wait3A_220 : memref<40xi32, #tpu.memory_space<hbm>>) dst(%arg22 : memref<40xi32, #tpu.memory_space<vmem>>)
      %dma_start3A_221 = arith.constant 0 : i32
      %dma_start3A_222 = tpu.memref_slice %arg7[%add3A_208, %dma_start3A_221] : memref<250x40xi32, #tpu.memory_space<vmem>> -> memref<1x40xi32, #tpu.memory_space<vmem>>
      %dma_start3A_223 = tpu.memref_squeeze %dma_start3A_222 : memref<1x40xi32, #tpu.memory_space<vmem>> -> memref<40xi32, #tpu.memory_space<vmem>>
      %dma_start3A_224 = arith.constant 0 : i32
      %dma_start3A_225 = arith.constant 0 : i32
      %dma_start3A_226 = tpu.memref_slice %arg2[%dma_start3A_224, %dma_start3A_225] : memref<10000x80xf32, #tpu.memory_space<hbm>> -> memref<10000x80xf32, #tpu.memory_space<hbm>>
      tpu.enqueue_indirect_dma source(%dma_start3A_226 : memref<10000x80xf32, #tpu.memory_space<hbm>>) target(%arg17 : memref<40x80xf32, #tpu.memory_space<vmem>>) offsets(%dma_start3A_223 : memref<40xi32, #tpu.memory_space<vmem>>) semaphore(%arg37 : memref<!tpu.dma_semaphore, #tpu.memory_space<semaphore_mem>>)
      %dma_start3A_227 = arith.constant 0 : i32
      %dma_start3A_228 = tpu.memref_slice %arg4[%add3A, %add3A_208, %dma_start3A_227] : memref<32x250x40xi32, #tpu.memory_space<hbm>> -> memref<1x1x40xi32, #tpu.memory_space<hbm>>
      %dma_start3A_229 = tpu.memref_squeeze %dma_start3A_228 : memref<1x1x40xi32, #tpu.memory_space<hbm>> -> memref<40xi32, #tpu.memory_space<hbm>>
      %dma_start3A_230 = arith.constant 0 : i32
      %dma_start3A_231 = tpu.memref_slice %arg4[%add3A, %add3A_208, %dma_start3A_230] : memref<32x250x40xi32, #tpu.memory_space<hbm>> -> memref<1x1x40xi32, #tpu.memory_space<hbm>>
      %dma_start3A_232 = tpu.memref_squeeze %dma_start3A_231 : memref<1x1x40xi32, #tpu.memory_space<hbm>> -> memref<40xi32, #tpu.memory_space<hbm>>
      tpu.enqueue_dma source(%dma_start3A_232 : memref<40xi32, #tpu.memory_space<hbm>>) target(%arg27 : memref<40xi32, #tpu.memory_space<vmem>>) target_semaphore(%arg47 : memref<!tpu.dma_semaphore, #tpu.memory_space<semaphore_mem>>)
      "tpu.region"() ({
        %run_scoped3A = tpu.sem_alloc : memref<!tpu.dma_semaphore, #tpu.memory_space<semaphore_mem>>
        %dma_start3A_345 = arith.constant 0 : i32
        %dma_start3A_346 = arith.constant 0 : i32
        %dma_start3A_347 = tpu.memref_slice %arg48[%dma_start3A_345, %dma_start3A_346] : memref<10240x80xf32, #tpu.memory_space<vmem_shared>> -> memref<10240x80xf32, #tpu.memory_space<vmem_shared>>
        tpu.enqueue_indirect_dma source(%arg12 : memref<40x80xf32, #tpu.memory_space<vmem>>) target(%dma_start3A_347 : memref<10240x80xf32, #tpu.memory_space<vmem_shared>>) offsets(%arg22 : memref<40xi32, #tpu.memory_space<vmem>>) semaphore(%run_scoped3A : memref<!tpu.dma_semaphore, #tpu.memory_space<semaphore_mem>>) {add = true}
        %dma_wait3A_348 = arith.constant 0 : i32
        %dma_wait3A_349 = arith.constant 0 : i32
        %dma_wait3A_350 = tpu.memref_slice %arg48[%dma_wait3A_348, %dma_wait3A_349] : memref<10240x80xf32, #tpu.memory_space<vmem_shared>> -> memref<10240x80xf32, #tpu.memory_space<vmem_shared>>
        tpu.wait_indirect_dma semaphore(%run_scoped3A : memref<!tpu.dma_semaphore, #tpu.memory_space<semaphore_mem>>) src(%arg12 : memref<40x80xf32, #tpu.memory_space<vmem>>) dst(%dma_wait3A_350 : memref<10240x80xf32, #tpu.memory_space<vmem_shared>>)
        tpu.yield
      }) : () -> ()
      %mul3A_233 = arith.constant 10 : i32
      %mul3A_234 = arith.muli %while3A_83, %mul3A_233 : i32
      %add3A_235 = arith.constant 5 : i32
      %add3A_236 = arith.addi %mul3A_234, %add3A_235 : i32
      %add3A_237 = arith.constant 5 : i32
      %add3A_238 = arith.addi %add3A_236, %add3A_237 : i32
      %dma_wait3A_239 = arith.constant 0 : i32
      %dma_wait3A_240 = tpu.memref_slice %arg7[%add3A_236, %dma_wait3A_239] : memref<250x40xi32, #tpu.memory_space<vmem>> -> memref<1x40xi32, #tpu.memory_space<vmem>>
      %dma_wait3A_241 = tpu.memref_squeeze %dma_wait3A_240 : memref<1x40xi32, #tpu.memory_space<vmem>> -> memref<40xi32, #tpu.memory_space<vmem>>
      %dma_wait3A_242 = arith.constant 0 : i32
      %dma_wait3A_243 = arith.constant 0 : i32
      %dma_wait3A_244 = tpu.memref_slice %arg2[%dma_wait3A_242, %dma_wait3A_243] : memref<10000x80xf32, #tpu.memory_space<hbm>> -> memref<10000x80xf32, #tpu.memory_space<hbm>>
      tpu.wait_indirect_dma semaphore(%arg33 : memref<!tpu.dma_semaphore, #tpu.memory_space<semaphore_mem>>) src(%dma_wait3A_244 : memref<10000x80xf32, #tpu.memory_space<hbm>>) dst(%arg13 : memref<40x80xf32, #tpu.memory_space<vmem>>)
      %dma_wait3A_245 = arith.constant 0 : i32
      %dma_wait3A_246 = tpu.memref_slice %arg4[%add3A, %add3A_236, %dma_wait3A_245] : memref<32x250x40xi32, #tpu.memory_space<hbm>> -> memref<1x1x40xi32, #tpu.memory_space<hbm>>
      %dma_wait3A_247 = tpu.memref_squeeze %dma_wait3A_246 : memref<1x1x40xi32, #tpu.memory_space<hbm>> -> memref<40xi32, #tpu.memory_space<hbm>>
      %dma_wait3A_248 = arith.constant 0 : i32
      %dma_wait3A_249 = tpu.memref_slice %arg4[%add3A, %add3A_236, %dma_wait3A_248] : memref<32x250x40xi32, #tpu.memory_space<hbm>> -> memref<1x1x40xi32, #tpu.memory_space<hbm>>
      %dma_wait3A_250 = tpu.memref_squeeze %dma_wait3A_249 : memref<1x1x40xi32, #tpu.memory_space<hbm>> -> memref<40xi32, #tpu.memory_space<hbm>>
      tpu.wait_dma2 semaphore(%arg43 : memref<!tpu.dma_semaphore, #tpu.memory_space<semaphore_mem>>) src(%dma_wait3A_250 : memref<40xi32, #tpu.memory_space<hbm>>) dst(%arg23 : memref<40xi32, #tpu.memory_space<vmem>>)
      %lt3A = arith.constant 24 : i32
      %lt3A_251 = arith.cmpi slt, %while3A_83, %lt3A : i32
      %convert_element_type3A = arith.extui %lt3A_251 : i1 to i32
      %cond3A = arith.constant 0 : i32
      %cond3A_252 = arith.cmpi ne, %convert_element_type3A, %cond3A : i32
      scf.if %cond3A_252 {
        %dma_start3A_345 = arith.constant 0 : i32
        %dma_start3A_346 = tpu.memref_slice %arg7[%add3A_238, %dma_start3A_345] : memref<250x40xi32, #tpu.memory_space<vmem>> -> memref<1x40xi32, #tpu.memory_space<vmem>>
        %dma_start3A_347 = tpu.memref_squeeze %dma_start3A_346 : memref<1x40xi32, #tpu.memory_space<vmem>> -> memref<40xi32, #tpu.memory_space<vmem>>
        %dma_start3A_348 = arith.constant 0 : i32
        %dma_start3A_349 = arith.constant 0 : i32
        %dma_start3A_350 = tpu.memref_slice %arg2[%dma_start3A_348, %dma_start3A_349] : memref<10000x80xf32, #tpu.memory_space<hbm>> -> memref<10000x80xf32, #tpu.memory_space<hbm>>
        tpu.enqueue_indirect_dma source(%dma_start3A_350 : memref<10000x80xf32, #tpu.memory_space<hbm>>) target(%arg8 : memref<40x80xf32, #tpu.memory_space<vmem>>) offsets(%dma_start3A_347 : memref<40xi32, #tpu.memory_space<vmem>>) semaphore(%arg28 : memref<!tpu.dma_semaphore, #tpu.memory_space<semaphore_mem>>)
        %dma_start3A_351 = arith.constant 0 : i32
        %dma_start3A_352 = tpu.memref_slice %arg4[%add3A, %add3A_238, %dma_start3A_351] : memref<32x250x40xi32, #tpu.memory_space<hbm>> -> memref<1x1x40xi32, #tpu.memory_space<hbm>>
        %dma_start3A_353 = tpu.memref_squeeze %dma_start3A_352 : memref<1x1x40xi32, #tpu.memory_space<hbm>> -> memref<40xi32, #tpu.memory_space<hbm>>
        %dma_start3A_354 = arith.constant 0 : i32
        %dma_start3A_355 = tpu.memref_slice %arg4[%add3A, %add3A_238, %dma_start3A_354] : memref<32x250x40xi32, #tpu.memory_space<hbm>> -> memref<1x1x40xi32, #tpu.memory_space<hbm>>
        %dma_start3A_356 = tpu.memref_squeeze %dma_start3A_355 : memref<1x1x40xi32, #tpu.memory_space<hbm>> -> memref<40xi32, #tpu.memory_space<hbm>>
        tpu.enqueue_dma source(%dma_start3A_356 : memref<40xi32, #tpu.memory_space<hbm>>) target(%arg18 : memref<40xi32, #tpu.memory_space<vmem>>) target_semaphore(%arg38 : memref<!tpu.dma_semaphore, #tpu.memory_space<semaphore_mem>>)
      } else {
      }
      "tpu.region"() ({
        %run_scoped3A = tpu.sem_alloc : memref<!tpu.dma_semaphore, #tpu.memory_space<semaphore_mem>>
        %dma_start3A_345 = arith.constant 0 : i32
        %dma_start3A_346 = arith.constant 0 : i32
        %dma_start3A_347 = tpu.memref_slice %arg48[%dma_start3A_345, %dma_start3A_346] : memref<10240x80xf32, #tpu.memory_space<vmem_shared>> -> memref<10240x80xf32, #tpu.memory_space<vmem_shared>>
        tpu.enqueue_indirect_dma source(%arg13 : memref<40x80xf32, #tpu.memory_space<vmem>>) target(%dma_start3A_347 : memref<10240x80xf32, #tpu.memory_space<vmem_shared>>) offsets(%arg23 : memref<40xi32, #tpu.memory_space<vmem>>) semaphore(%run_scoped3A : memref<!tpu.dma_semaphore, #tpu.memory_space<semaphore_mem>>) {add = true}
        %dma_wait3A_348 = arith.constant 0 : i32
        %dma_wait3A_349 = arith.constant 0 : i32
        %dma_wait3A_350 = tpu.memref_slice %arg48[%dma_wait3A_348, %dma_wait3A_349] : memref<10240x80xf32, #tpu.memory_space<vmem_shared>> -> memref<10240x80xf32, #tpu.memory_space<vmem_shared>>
        tpu.wait_indirect_dma semaphore(%run_scoped3A : memref<!tpu.dma_semaphore, #tpu.memory_space<semaphore_mem>>) src(%arg13 : memref<40x80xf32, #tpu.memory_space<vmem>>) dst(%dma_wait3A_350 : memref<10240x80xf32, #tpu.memory_space<vmem_shared>>)
        tpu.yield
      }) : () -> ()
      %mul3A_253 = arith.constant 10 : i32
      %mul3A_254 = arith.muli %while3A_83, %mul3A_253 : i32
      %add3A_255 = arith.constant 6 : i32
      %add3A_256 = arith.addi %mul3A_254, %add3A_255 : i32
      %add3A_257 = arith.constant 5 : i32
      %add3A_258 = arith.addi %add3A_256, %add3A_257 : i32
      %dma_wait3A_259 = arith.constant 0 : i32
      %dma_wait3A_260 = tpu.memref_slice %arg7[%add3A_256, %dma_wait3A_259] : memref<250x40xi32, #tpu.memory_space<vmem>> -> memref<1x40xi32, #tpu.memory_space<vmem>>
      %dma_wait3A_261 = tpu.memref_squeeze %dma_wait3A_260 : memref<1x40xi32, #tpu.memory_space<vmem>> -> memref<40xi32, #tpu.memory_space<vmem>>
      %dma_wait3A_262 = arith.constant 0 : i32
      %dma_wait3A_263 = arith.constant 0 : i32
      %dma_wait3A_264 = tpu.memref_slice %arg2[%dma_wait3A_262, %dma_wait3A_263] : memref<10000x80xf32, #tpu.memory_space<hbm>> -> memref<10000x80xf32, #tpu.memory_space<hbm>>
      tpu.wait_indirect_dma semaphore(%arg34 : memref<!tpu.dma_semaphore, #tpu.memory_space<semaphore_mem>>) src(%dma_wait3A_264 : memref<10000x80xf32, #tpu.memory_space<hbm>>) dst(%arg14 : memref<40x80xf32, #tpu.memory_space<vmem>>)
      %dma_wait3A_265 = arith.constant 0 : i32
      %dma_wait3A_266 = tpu.memref_slice %arg4[%add3A, %add3A_256, %dma_wait3A_265] : memref<32x250x40xi32, #tpu.memory_space<hbm>> -> memref<1x1x40xi32, #tpu.memory_space<hbm>>
      %dma_wait3A_267 = tpu.memref_squeeze %dma_wait3A_266 : memref<1x1x40xi32, #tpu.memory_space<hbm>> -> memref<40xi32, #tpu.memory_space<hbm>>
      %dma_wait3A_268 = arith.constant 0 : i32
      %dma_wait3A_269 = tpu.memref_slice %arg4[%add3A, %add3A_256, %dma_wait3A_268] : memref<32x250x40xi32, #tpu.memory_space<hbm>> -> memref<1x1x40xi32, #tpu.memory_space<hbm>>
      %dma_wait3A_270 = tpu.memref_squeeze %dma_wait3A_269 : memref<1x1x40xi32, #tpu.memory_space<hbm>> -> memref<40xi32, #tpu.memory_space<hbm>>
      tpu.wait_dma2 semaphore(%arg44 : memref<!tpu.dma_semaphore, #tpu.memory_space<semaphore_mem>>) src(%dma_wait3A_270 : memref<40xi32, #tpu.memory_space<hbm>>) dst(%arg24 : memref<40xi32, #tpu.memory_space<vmem>>)
      %lt3A_271 = arith.constant 24 : i32
      %lt3A_272 = arith.cmpi slt, %while3A_83, %lt3A_271 : i32
      %convert_element_type3A_273 = arith.extui %lt3A_272 : i1 to i32
      %cond3A_274 = arith.constant 0 : i32
      %cond3A_275 = arith.cmpi ne, %convert_element_type3A_273, %cond3A_274 : i32
      scf.if %cond3A_275 {
        %dma_start3A_345 = arith.constant 0 : i32
        %dma_start3A_346 = tpu.memref_slice %arg7[%add3A_258, %dma_start3A_345] : memref<250x40xi32, #tpu.memory_space<vmem>> -> memref<1x40xi32, #tpu.memory_space<vmem>>
        %dma_start3A_347 = tpu.memref_squeeze %dma_start3A_346 : memref<1x40xi32, #tpu.memory_space<vmem>> -> memref<40xi32, #tpu.memory_space<vmem>>
        %dma_start3A_348 = arith.constant 0 : i32
        %dma_start3A_349 = arith.constant 0 : i32
        %dma_start3A_350 = tpu.memref_slice %arg2[%dma_start3A_348, %dma_start3A_349] : memref<10000x80xf32, #tpu.memory_space<hbm>> -> memref<10000x80xf32, #tpu.memory_space<hbm>>
        tpu.enqueue_indirect_dma source(%dma_start3A_350 : memref<10000x80xf32, #tpu.memory_space<hbm>>) target(%arg9 : memref<40x80xf32, #tpu.memory_space<vmem>>) offsets(%dma_start3A_347 : memref<40xi32, #tpu.memory_space<vmem>>) semaphore(%arg29 : memref<!tpu.dma_semaphore, #tpu.memory_space<semaphore_mem>>)
        %dma_start3A_351 = arith.constant 0 : i32
        %dma_start3A_352 = tpu.memref_slice %arg4[%add3A, %add3A_258, %dma_start3A_351] : memref<32x250x40xi32, #tpu.memory_space<hbm>> -> memref<1x1x40xi32, #tpu.memory_space<hbm>>
        %dma_start3A_353 = tpu.memref_squeeze %dma_start3A_352 : memref<1x1x40xi32, #tpu.memory_space<hbm>> -> memref<40xi32, #tpu.memory_space<hbm>>
        %dma_start3A_354 = arith.constant 0 : i32
        %dma_start3A_355 = tpu.memref_slice %arg4[%add3A, %add3A_258, %dma_start3A_354] : memref<32x250x40xi32, #tpu.memory_space<hbm>> -> memref<1x1x40xi32, #tpu.memory_space<hbm>>
        %dma_start3A_356 = tpu.memref_squeeze %dma_start3A_355 : memref<1x1x40xi32, #tpu.memory_space<hbm>> -> memref<40xi32, #tpu.memory_space<hbm>>
        tpu.enqueue_dma source(%dma_start3A_356 : memref<40xi32, #tpu.memory_space<hbm>>) target(%arg19 : memref<40xi32, #tpu.memory_space<vmem>>) target_semaphore(%arg39 : memref<!tpu.dma_semaphore, #tpu.memory_space<semaphore_mem>>)
      } else {
      }
      "tpu.region"() ({
        %run_scoped3A = tpu.sem_alloc : memref<!tpu.dma_semaphore, #tpu.memory_space<semaphore_mem>>
        %dma_start3A_345 = arith.constant 0 : i32
        %dma_start3A_346 = arith.constant 0 : i32
        %dma_start3A_347 = tpu.memref_slice %arg48[%dma_start3A_345, %dma_start3A_346] : memref<10240x80xf32, #tpu.memory_space<vmem_shared>> -> memref<10240x80xf32, #tpu.memory_space<vmem_shared>>
        tpu.enqueue_indirect_dma source(%arg14 : memref<40x80xf32, #tpu.memory_space<vmem>>) target(%dma_start3A_347 : memref<10240x80xf32, #tpu.memory_space<vmem_shared>>) offsets(%arg24 : memref<40xi32, #tpu.memory_space<vmem>>) semaphore(%run_scoped3A : memref<!tpu.dma_semaphore, #tpu.memory_space<semaphore_mem>>) {add = true}
        %dma_wait3A_348 = arith.constant 0 : i32
        %dma_wait3A_349 = arith.constant 0 : i32
        %dma_wait3A_350 = tpu.memref_slice %arg48[%dma_wait3A_348, %dma_wait3A_349] : memref<10240x80xf32, #tpu.memory_space<vmem_shared>> -> memref<10240x80xf32, #tpu.memory_space<vmem_shared>>
        tpu.wait_indirect_dma semaphore(%run_scoped3A : memref<!tpu.dma_semaphore, #tpu.memory_space<semaphore_mem>>) src(%arg14 : memref<40x80xf32, #tpu.memory_space<vmem>>) dst(%dma_wait3A_350 : memref<10240x80xf32, #tpu.memory_space<vmem_shared>>)
        tpu.yield
      }) : () -> ()
      %mul3A_276 = arith.constant 10 : i32
      %mul3A_277 = arith.muli %while3A_83, %mul3A_276 : i32
      %add3A_278 = arith.constant 7 : i32
      %add3A_279 = arith.addi %mul3A_277, %add3A_278 : i32
      %add3A_280 = arith.constant 5 : i32
      %add3A_281 = arith.addi %add3A_279, %add3A_280 : i32
      %dma_wait3A_282 = arith.constant 0 : i32
      %dma_wait3A_283 = tpu.memref_slice %arg7[%add3A_279, %dma_wait3A_282] : memref<250x40xi32, #tpu.memory_space<vmem>> -> memref<1x40xi32, #tpu.memory_space<vmem>>
      %dma_wait3A_284 = tpu.memref_squeeze %dma_wait3A_283 : memref<1x40xi32, #tpu.memory_space<vmem>> -> memref<40xi32, #tpu.memory_space<vmem>>
      %dma_wait3A_285 = arith.constant 0 : i32
      %dma_wait3A_286 = arith.constant 0 : i32
      %dma_wait3A_287 = tpu.memref_slice %arg2[%dma_wait3A_285, %dma_wait3A_286] : memref<10000x80xf32, #tpu.memory_space<hbm>> -> memref<10000x80xf32, #tpu.memory_space<hbm>>
      tpu.wait_indirect_dma semaphore(%arg35 : memref<!tpu.dma_semaphore, #tpu.memory_space<semaphore_mem>>) src(%dma_wait3A_287 : memref<10000x80xf32, #tpu.memory_space<hbm>>) dst(%arg15 : memref<40x80xf32, #tpu.memory_space<vmem>>)
      %dma_wait3A_288 = arith.constant 0 : i32
      %dma_wait3A_289 = tpu.memref_slice %arg4[%add3A, %add3A_279, %dma_wait3A_288] : memref<32x250x40xi32, #tpu.memory_space<hbm>> -> memref<1x1x40xi32, #tpu.memory_space<hbm>>
      %dma_wait3A_290 = tpu.memref_squeeze %dma_wait3A_289 : memref<1x1x40xi32, #tpu.memory_space<hbm>> -> memref<40xi32, #tpu.memory_space<hbm>>
      %dma_wait3A_291 = arith.constant 0 : i32
      %dma_wait3A_292 = tpu.memref_slice %arg4[%add3A, %add3A_279, %dma_wait3A_291] : memref<32x250x40xi32, #tpu.memory_space<hbm>> -> memref<1x1x40xi32, #tpu.memory_space<hbm>>
      %dma_wait3A_293 = tpu.memref_squeeze %dma_wait3A_292 : memref<1x1x40xi32, #tpu.memory_space<hbm>> -> memref<40xi32, #tpu.memory_space<hbm>>
      tpu.wait_dma2 semaphore(%arg45 : memref<!tpu.dma_semaphore, #tpu.memory_space<semaphore_mem>>) src(%dma_wait3A_293 : memref<40xi32, #tpu.memory_space<hbm>>) dst(%arg25 : memref<40xi32, #tpu.memory_space<vmem>>)
      %lt3A_294 = arith.constant 24 : i32
      %lt3A_295 = arith.cmpi slt, %while3A_83, %lt3A_294 : i32
      %convert_element_type3A_296 = arith.extui %lt3A_295 : i1 to i32
      %cond3A_297 = arith.constant 0 : i32
      %cond3A_298 = arith.cmpi ne, %convert_element_type3A_296, %cond3A_297 : i32
      scf.if %cond3A_298 {
        %dma_start3A_345 = arith.constant 0 : i32
        %dma_start3A_346 = tpu.memref_slice %arg7[%add3A_281, %dma_start3A_345] : memref<250x40xi32, #tpu.memory_space<vmem>> -> memref<1x40xi32, #tpu.memory_space<vmem>>
        %dma_start3A_347 = tpu.memref_squeeze %dma_start3A_346 : memref<1x40xi32, #tpu.memory_space<vmem>> -> memref<40xi32, #tpu.memory_space<vmem>>
        %dma_start3A_348 = arith.constant 0 : i32
        %dma_start3A_349 = arith.constant 0 : i32
        %dma_start3A_350 = tpu.memref_slice %arg2[%dma_start3A_348, %dma_start3A_349] : memref<10000x80xf32, #tpu.memory_space<hbm>> -> memref<10000x80xf32, #tpu.memory_space<hbm>>
        tpu.enqueue_indirect_dma source(%dma_start3A_350 : memref<10000x80xf32, #tpu.memory_space<hbm>>) target(%arg10 : memref<40x80xf32, #tpu.memory_space<vmem>>) offsets(%dma_start3A_347 : memref<40xi32, #tpu.memory_space<vmem>>) semaphore(%arg30 : memref<!tpu.dma_semaphore, #tpu.memory_space<semaphore_mem>>)
        %dma_start3A_351 = arith.constant 0 : i32
        %dma_start3A_352 = tpu.memref_slice %arg4[%add3A, %add3A_281, %dma_start3A_351] : memref<32x250x40xi32, #tpu.memory_space<hbm>> -> memref<1x1x40xi32, #tpu.memory_space<hbm>>
        %dma_start3A_353 = tpu.memref_squeeze %dma_start3A_352 : memref<1x1x40xi32, #tpu.memory_space<hbm>> -> memref<40xi32, #tpu.memory_space<hbm>>
        %dma_start3A_354 = arith.constant 0 : i32
        %dma_start3A_355 = tpu.memref_slice %arg4[%add3A, %add3A_281, %dma_start3A_354] : memref<32x250x40xi32, #tpu.memory_space<hbm>> -> memref<1x1x40xi32, #tpu.memory_space<hbm>>
        %dma_start3A_356 = tpu.memref_squeeze %dma_start3A_355 : memref<1x1x40xi32, #tpu.memory_space<hbm>> -> memref<40xi32, #tpu.memory_space<hbm>>
        tpu.enqueue_dma source(%dma_start3A_356 : memref<40xi32, #tpu.memory_space<hbm>>) target(%arg20 : memref<40xi32, #tpu.memory_space<vmem>>) target_semaphore(%arg40 : memref<!tpu.dma_semaphore, #tpu.memory_space<semaphore_mem>>)
      } else {
      }
      "tpu.region"() ({
        %run_scoped3A = tpu.sem_alloc : memref<!tpu.dma_semaphore, #tpu.memory_space<semaphore_mem>>
        %dma_start3A_345 = arith.constant 0 : i32
        %dma_start3A_346 = arith.constant 0 : i32
        %dma_start3A_347 = tpu.memref_slice %arg48[%dma_start3A_345, %dma_start3A_346] : memref<10240x80xf32, #tpu.memory_space<vmem_shared>> -> memref<10240x80xf32, #tpu.memory_space<vmem_shared>>
        tpu.enqueue_indirect_dma source(%arg15 : memref<40x80xf32, #tpu.memory_space<vmem>>) target(%dma_start3A_347 : memref<10240x80xf32, #tpu.memory_space<vmem_shared>>) offsets(%arg25 : memref<40xi32, #tpu.memory_space<vmem>>) semaphore(%run_scoped3A : memref<!tpu.dma_semaphore, #tpu.memory_space<semaphore_mem>>) {add = true}
        %dma_wait3A_348 = arith.constant 0 : i32
        %dma_wait3A_349 = arith.constant 0 : i32
        %dma_wait3A_350 = tpu.memref_slice %arg48[%dma_wait3A_348, %dma_wait3A_349] : memref<10240x80xf32, #tpu.memory_space<vmem_shared>> -> memref<10240x80xf32, #tpu.memory_space<vmem_shared>>
        tpu.wait_indirect_dma semaphore(%run_scoped3A : memref<!tpu.dma_semaphore, #tpu.memory_space<semaphore_mem>>) src(%arg15 : memref<40x80xf32, #tpu.memory_space<vmem>>) dst(%dma_wait3A_350 : memref<10240x80xf32, #tpu.memory_space<vmem_shared>>)
        tpu.yield
      }) : () -> ()
      %mul3A_299 = arith.constant 10 : i32
      %mul3A_300 = arith.muli %while3A_83, %mul3A_299 : i32
      %add3A_301 = arith.constant 8 : i32
      %add3A_302 = arith.addi %mul3A_300, %add3A_301 : i32
      %add3A_303 = arith.constant 5 : i32
      %add3A_304 = arith.addi %add3A_302, %add3A_303 : i32
      %dma_wait3A_305 = arith.constant 0 : i32
      %dma_wait3A_306 = tpu.memref_slice %arg7[%add3A_302, %dma_wait3A_305] : memref<250x40xi32, #tpu.memory_space<vmem>> -> memref<1x40xi32, #tpu.memory_space<vmem>>
      %dma_wait3A_307 = tpu.memref_squeeze %dma_wait3A_306 : memref<1x40xi32, #tpu.memory_space<vmem>> -> memref<40xi32, #tpu.memory_space<vmem>>
      %dma_wait3A_308 = arith.constant 0 : i32
      %dma_wait3A_309 = arith.constant 0 : i32
      %dma_wait3A_310 = tpu.memref_slice %arg2[%dma_wait3A_308, %dma_wait3A_309] : memref<10000x80xf32, #tpu.memory_space<hbm>> -> memref<10000x80xf32, #tpu.memory_space<hbm>>
      tpu.wait_indirect_dma semaphore(%arg36 : memref<!tpu.dma_semaphore, #tpu.memory_space<semaphore_mem>>) src(%dma_wait3A_310 : memref<10000x80xf32, #tpu.memory_space<hbm>>) dst(%arg16 : memref<40x80xf32, #tpu.memory_space<vmem>>)
      %dma_wait3A_311 = arith.constant 0 : i32
      %dma_wait3A_312 = tpu.memref_slice %arg4[%add3A, %add3A_302, %dma_wait3A_311] : memref<32x250x40xi32, #tpu.memory_space<hbm>> -> memref<1x1x40xi32, #tpu.memory_space<hbm>>
      %dma_wait3A_313 = tpu.memref_squeeze %dma_wait3A_312 : memref<1x1x40xi32, #tpu.memory_space<hbm>> -> memref<40xi32, #tpu.memory_space<hbm>>
      %dma_wait3A_314 = arith.constant 0 : i32
      %dma_wait3A_315 = tpu.memref_slice %arg4[%add3A, %add3A_302, %dma_wait3A_314] : memref<32x250x40xi32, #tpu.memory_space<hbm>> -> memref<1x1x40xi32, #tpu.memory_space<hbm>>
      %dma_wait3A_316 = tpu.memref_squeeze %dma_wait3A_315 : memref<1x1x40xi32, #tpu.memory_space<hbm>> -> memref<40xi32, #tpu.memory_space<hbm>>
      tpu.wait_dma2 semaphore(%arg46 : memref<!tpu.dma_semaphore, #tpu.memory_space<semaphore_mem>>) src(%dma_wait3A_316 : memref<40xi32, #tpu.memory_space<hbm>>) dst(%arg26 : memref<40xi32, #tpu.memory_space<vmem>>)
      %lt3A_317 = arith.constant 24 : i32
      %lt3A_318 = arith.cmpi slt, %while3A_83, %lt3A_317 : i32
      %convert_element_type3A_319 = arith.extui %lt3A_318 : i1 to i32
      %cond3A_320 = arith.constant 0 : i32
      %cond3A_321 = arith.cmpi ne, %convert_element_type3A_319, %cond3A_320 : i32
      scf.if %cond3A_321 {
        %dma_start3A_345 = arith.constant 0 : i32
        %dma_start3A_346 = tpu.memref_slice %arg7[%add3A_304, %dma_start3A_345] : memref<250x40xi32, #tpu.memory_space<vmem>> -> memref<1x40xi32, #tpu.memory_space<vmem>>
        %dma_start3A_347 = tpu.memref_squeeze %dma_start3A_346 : memref<1x40xi32, #tpu.memory_space<vmem>> -> memref<40xi32, #tpu.memory_space<vmem>>
        %dma_start3A_348 = arith.constant 0 : i32
        %dma_start3A_349 = arith.constant 0 : i32
        %dma_start3A_350 = tpu.memref_slice %arg2[%dma_start3A_348, %dma_start3A_349] : memref<10000x80xf32, #tpu.memory_space<hbm>> -> memref<10000x80xf32, #tpu.memory_space<hbm>>
        tpu.enqueue_indirect_dma source(%dma_start3A_350 : memref<10000x80xf32, #tpu.memory_space<hbm>>) target(%arg11 : memref<40x80xf32, #tpu.memory_space<vmem>>) offsets(%dma_start3A_347 : memref<40xi32, #tpu.memory_space<vmem>>) semaphore(%arg31 : memref<!tpu.dma_semaphore, #tpu.memory_space<semaphore_mem>>)
        %dma_start3A_351 = arith.constant 0 : i32
        %dma_start3A_352 = tpu.memref_slice %arg4[%add3A, %add3A_304, %dma_start3A_351] : memref<32x250x40xi32, #tpu.memory_space<hbm>> -> memref<1x1x40xi32, #tpu.memory_space<hbm>>
        %dma_start3A_353 = tpu.memref_squeeze %dma_start3A_352 : memref<1x1x40xi32, #tpu.memory_space<hbm>> -> memref<40xi32, #tpu.memory_space<hbm>>
        %dma_start3A_354 = arith.constant 0 : i32
        %dma_start3A_355 = tpu.memref_slice %arg4[%add3A, %add3A_304, %dma_start3A_354] : memref<32x250x40xi32, #tpu.memory_space<hbm>> -> memref<1x1x40xi32, #tpu.memory_space<hbm>>
        %dma_start3A_356 = tpu.memref_squeeze %dma_start3A_355 : memref<1x1x40xi32, #tpu.memory_space<hbm>> -> memref<40xi32, #tpu.memory_space<hbm>>
        tpu.enqueue_dma source(%dma_start3A_356 : memref<40xi32, #tpu.memory_space<hbm>>) target(%arg21 : memref<40xi32, #tpu.memory_space<vmem>>) target_semaphore(%arg41 : memref<!tpu.dma_semaphore, #tpu.memory_space<semaphore_mem>>)
      } else {
      }
      "tpu.region"() ({
        %run_scoped3A = tpu.sem_alloc : memref<!tpu.dma_semaphore, #tpu.memory_space<semaphore_mem>>
        %dma_start3A_345 = arith.constant 0 : i32
        %dma_start3A_346 = arith.constant 0 : i32
        %dma_start3A_347 = tpu.memref_slice %arg48[%dma_start3A_345, %dma_start3A_346] : memref<10240x80xf32, #tpu.memory_space<vmem_shared>> -> memref<10240x80xf32, #tpu.memory_space<vmem_shared>>
        tpu.enqueue_indirect_dma source(%arg16 : memref<40x80xf32, #tpu.memory_space<vmem>>) target(%dma_start3A_347 : memref<10240x80xf32, #tpu.memory_space<vmem_shared>>) offsets(%arg26 : memref<40xi32, #tpu.memory_space<vmem>>) semaphore(%run_scoped3A : memref<!tpu.dma_semaphore, #tpu.memory_space<semaphore_mem>>) {add = true}
        %dma_wait3A_348 = arith.constant 0 : i32
        %dma_wait3A_349 = arith.constant 0 : i32
        %dma_wait3A_350 = tpu.memref_slice %arg48[%dma_wait3A_348, %dma_wait3A_349] : memref<10240x80xf32, #tpu.memory_space<vmem_shared>> -> memref<10240x80xf32, #tpu.memory_space<vmem_shared>>
        tpu.wait_indirect_dma semaphore(%run_scoped3A : memref<!tpu.dma_semaphore, #tpu.memory_space<semaphore_mem>>) src(%arg16 : memref<40x80xf32, #tpu.memory_space<vmem>>) dst(%dma_wait3A_350 : memref<10240x80xf32, #tpu.memory_space<vmem_shared>>)
        tpu.yield
      }) : () -> ()
      %mul3A_322 = arith.constant 10 : i32
      %mul3A_323 = arith.muli %while3A_83, %mul3A_322 : i32
      %add3A_324 = arith.constant 9 : i32
      %add3A_325 = arith.addi %mul3A_323, %add3A_324 : i32
      %add3A_326 = arith.constant 5 : i32
      %add3A_327 = arith.addi %add3A_325, %add3A_326 : i32
      %dma_wait3A_328 = arith.constant 0 : i32
      %dma_wait3A_329 = tpu.memref_slice %arg7[%add3A_325, %dma_wait3A_328] : memref<250x40xi32, #tpu.memory_space<vmem>> -> memref<1x40xi32, #tpu.memory_space<vmem>>
      %dma_wait3A_330 = tpu.memref_squeeze %dma_wait3A_329 : memref<1x40xi32, #tpu.memory_space<vmem>> -> memref<40xi32, #tpu.memory_space<vmem>>
      %dma_wait3A_331 = arith.constant 0 : i32
      %dma_wait3A_332 = arith.constant 0 : i32
      %dma_wait3A_333 = tpu.memref_slice %arg2[%dma_wait3A_331, %dma_wait3A_332] : memref<10000x80xf32, #tpu.memory_space<hbm>> -> memref<10000x80xf32, #tpu.memory_space<hbm>>
      tpu.wait_indirect_dma semaphore(%arg37 : memref<!tpu.dma_semaphore, #tpu.memory_space<semaphore_mem>>) src(%dma_wait3A_333 : memref<10000x80xf32, #tpu.memory_space<hbm>>) dst(%arg17 : memref<40x80xf32, #tpu.memory_space<vmem>>)
      %dma_wait3A_334 = arith.constant 0 : i32
      %dma_wait3A_335 = tpu.memref_slice %arg4[%add3A, %add3A_325, %dma_wait3A_334] : memref<32x250x40xi32, #tpu.memory_space<hbm>> -> memref<1x1x40xi32, #tpu.memory_space<hbm>>
      %dma_wait3A_336 = tpu.memref_squeeze %dma_wait3A_335 : memref<1x1x40xi32, #tpu.memory_space<hbm>> -> memref<40xi32, #tpu.memory_space<hbm>>
      %dma_wait3A_337 = arith.constant 0 : i32
      %dma_wait3A_338 = tpu.memref_slice %arg4[%add3A, %add3A_325, %dma_wait3A_337] : memref<32x250x40xi32, #tpu.memory_space<hbm>> -> memref<1x1x40xi32, #tpu.memory_space<hbm>>
      %dma_wait3A_339 = tpu.memref_squeeze %dma_wait3A_338 : memref<1x1x40xi32, #tpu.memory_space<hbm>> -> memref<40xi32, #tpu.memory_space<hbm>>
      tpu.wait_dma2 semaphore(%arg47 : memref<!tpu.dma_semaphore, #tpu.memory_space<semaphore_mem>>) src(%dma_wait3A_339 : memref<40xi32, #tpu.memory_space<hbm>>) dst(%arg27 : memref<40xi32, #tpu.memory_space<vmem>>)
      %lt3A_340 = arith.constant 24 : i32
      %lt3A_341 = arith.cmpi slt, %while3A_83, %lt3A_340 : i32
      %convert_element_type3A_342 = arith.extui %lt3A_341 : i1 to i32
      %cond3A_343 = arith.constant 0 : i32
      %cond3A_344 = arith.cmpi ne, %convert_element_type3A_342, %cond3A_343 : i32
      scf.if %cond3A_344 {
        %dma_start3A_345 = arith.constant 0 : i32
        %dma_start3A_346 = tpu.memref_slice %arg7[%add3A_327, %dma_start3A_345] : memref<250x40xi32, #tpu.memory_space<vmem>> -> memref<1x40xi32, #tpu.memory_space<vmem>>
        %dma_start3A_347 = tpu.memref_squeeze %dma_start3A_346 : memref<1x40xi32, #tpu.memory_space<vmem>> -> memref<40xi32, #tpu.memory_space<vmem>>
        %dma_start3A_348 = arith.constant 0 : i32
        %dma_start3A_349 = arith.constant 0 : i32
        %dma_start3A_350 = tpu.memref_slice %arg2[%dma_start3A_348, %dma_start3A_349] : memref<10000x80xf32, #tpu.memory_space<hbm>> -> memref<10000x80xf32, #tpu.memory_space<hbm>>
        tpu.enqueue_indirect_dma source(%dma_start3A_350 : memref<10000x80xf32, #tpu.memory_space<hbm>>) target(%arg12 : memref<40x80xf32, #tpu.memory_space<vmem>>) offsets(%dma_start3A_347 : memref<40xi32, #tpu.memory_space<vmem>>) semaphore(%arg32 : memref<!tpu.dma_semaphore, #tpu.memory_space<semaphore_mem>>)
        %dma_start3A_351 = arith.constant 0 : i32
        %dma_start3A_352 = tpu.memref_slice %arg4[%add3A, %add3A_327, %dma_start3A_351] : memref<32x250x40xi32, #tpu.memory_space<hbm>> -> memref<1x1x40xi32, #tpu.memory_space<hbm>>
        %dma_start3A_353 = tpu.memref_squeeze %dma_start3A_352 : memref<1x1x40xi32, #tpu.memory_space<hbm>> -> memref<40xi32, #tpu.memory_space<hbm>>
        %dma_start3A_354 = arith.constant 0 : i32
        %dma_start3A_355 = tpu.memref_slice %arg4[%add3A, %add3A_327, %dma_start3A_354] : memref<32x250x40xi32, #tpu.memory_space<hbm>> -> memref<1x1x40xi32, #tpu.memory_space<hbm>>
        %dma_start3A_356 = tpu.memref_squeeze %dma_start3A_355 : memref<1x1x40xi32, #tpu.memory_space<hbm>> -> memref<40xi32, #tpu.memory_space<hbm>>
        tpu.enqueue_dma source(%dma_start3A_356 : memref<40xi32, #tpu.memory_space<hbm>>) target(%arg22 : memref<40xi32, #tpu.memory_space<vmem>>) target_semaphore(%arg42 : memref<!tpu.dma_semaphore, #tpu.memory_space<semaphore_mem>>)
      } else {
      }
      "tpu.region"() ({
        %run_scoped3A = tpu.sem_alloc : memref<!tpu.dma_semaphore, #tpu.memory_space<semaphore_mem>>
        %dma_start3A_345 = arith.constant 0 : i32
        %dma_start3A_346 = arith.constant 0 : i32
        %dma_start3A_347 = tpu.memref_slice %arg48[%dma_start3A_345, %dma_start3A_346] : memref<10240x80xf32, #tpu.memory_space<vmem_shared>> -> memref<10240x80xf32, #tpu.memory_space<vmem_shared>>
        tpu.enqueue_indirect_dma source(%arg17 : memref<40x80xf32, #tpu.memory_space<vmem>>) target(%dma_start3A_347 : memref<10240x80xf32, #tpu.memory_space<vmem_shared>>) offsets(%arg27 : memref<40xi32, #tpu.memory_space<vmem>>) semaphore(%run_scoped3A : memref<!tpu.dma_semaphore, #tpu.memory_space<semaphore_mem>>) {add = true}
        %dma_wait3A_348 = arith.constant 0 : i32
        %dma_wait3A_349 = arith.constant 0 : i32
        %dma_wait3A_350 = tpu.memref_slice %arg48[%dma_wait3A_348, %dma_wait3A_349] : memref<10240x80xf32, #tpu.memory_space<vmem_shared>> -> memref<10240x80xf32, #tpu.memory_space<vmem_shared>>
        tpu.wait_indirect_dma semaphore(%run_scoped3A : memref<!tpu.dma_semaphore, #tpu.memory_space<semaphore_mem>>) src(%arg17 : memref<40x80xf32, #tpu.memory_space<vmem>>) dst(%dma_wait3A_350 : memref<10240x80xf32, #tpu.memory_space<vmem_shared>>)
        tpu.yield
      }) : () -> ()
    }
    %barrier3A_82 = arith.constant 0 : index
    tpu.barrier barrier_id(%barrier3A_82)
    "tpu.region"() ({
      %run_scoped3A = tpu.sem_alloc : memref<!tpu.dma_semaphore, #tpu.memory_space<semaphore_mem>>
      %dma_start3A_83 = arith.constant 0 : i32
      %dma_start3A_84 = tpu.memref_slice %arg6[%arg0, %mul3A_2, %dma_start3A_83] : memref<2x10240x80xf32, #tpu.memory_space<hbm>> -> memref<1x640x80xf32, #tpu.memory_space<hbm>>
      %dma_start3A_85 = tpu.memref_squeeze %dma_start3A_84 : memref<1x640x80xf32, #tpu.memory_space<hbm>> -> memref<640x80xf32, #tpu.memory_space<hbm>>
      %dma_start3A_86 = arith.constant 0 : i32
      %dma_start3A_87 = tpu.memref_slice %arg48[%mul3A_2, %dma_start3A_86] : memref<10240x80xf32, #tpu.memory_space<vmem_shared>> -> memref<640x80xf32, #tpu.memory_space<vmem_shared>>
      tpu.enqueue_dma source(%dma_start3A_87 : memref<640x80xf32, #tpu.memory_space<vmem_shared>>) target(%dma_start3A_85 : memref<640x80xf32, #tpu.memory_space<hbm>>) target_semaphore(%run_scoped3A : memref<!tpu.dma_semaphore, #tpu.memory_space<semaphore_mem>>)
      %dma_wait3A = arith.constant 0 : i32
      %dma_wait3A_88 = tpu.memref_slice %arg6[%arg0, %mul3A_2, %dma_wait3A] : memref<2x10240x80xf32, #tpu.memory_space<hbm>> -> memref<1x640x80xf32, #tpu.memory_space<hbm>>
      %dma_wait3A_89 = tpu.memref_squeeze %dma_wait3A_88 : memref<1x640x80xf32, #tpu.memory_space<hbm>> -> memref<640x80xf32, #tpu.memory_space<hbm>>
      %dma_wait3A_90 = arith.constant 0 : i32
      %dma_wait3A_91 = tpu.memref_slice %arg48[%mul3A_2, %dma_wait3A_90] : memref<10240x80xf32, #tpu.memory_space<vmem_shared>> -> memref<640x80xf32, #tpu.memory_space<vmem_shared>>
      tpu.wait_dma2 semaphore(%run_scoped3A : memref<!tpu.dma_semaphore, #tpu.memory_space<semaphore_mem>>) src(%dma_wait3A_91 : memref<640x80xf32, #tpu.memory_space<vmem_shared>>) dst(%dma_wait3A_89 : memref<640x80xf32, #tpu.memory_space<hbm>>)
      tpu.yield
    }) : () -> ()
    return
  }
}

module attributes {stable_mosaic.version = 14 : i64} {
  func.func @_tc_mm1_body(%arg0: memref<10000x128xf32, #tpu.memory_space<vmem>>, %arg1: memref<128x80xf32, #tpu.memory_space<vmem>>, %arg2: memref<10000x80xf32, #tpu.memory_space<vmem>>) attributes {dimension_semantics = [], scalar_prefetch = 0 : i64, scratch_operands = 0 : i64, tpu.core_type = #tpu.core_type<tc>} {
    %get3A = arith.constant 0 : index
    %get3A_0 = arith.constant 0 : index
    %get3A_1 = vector.load %arg0[%get3A, %get3A_0] : memref<10000x128xf32, #tpu.memory_space<vmem>>, vector<10000x128xf32>
    %get3A_2 = arith.constant 0 : index
    %get3A_3 = arith.constant 0 : index
    %get3A_4 = vector.load %arg1[%get3A_2, %get3A_3] : memref<128x80xf32, #tpu.memory_space<vmem>>, vector<128x80xf32>
    %dot_general3A = arith.constant dense<0.000000e+00> : vector<10000x80xf32>
    %dot_general3A_5 = tpu.matmul %get3A_1, %get3A_4, %dot_general3A {dimension_numbers = #tpu.dot_dimension_numbers<[1], [0], [0], [1], [0, 0, 1, 1], [], []>, transpose_lhs_hint = false} : vector<10000x128xf32>, vector<128x80xf32>, vector<10000x80xf32> -> vector<10000x80xf32>
    %swap3A = arith.constant 0 : index
    %swap3A_6 = arith.constant 0 : index
    %swap3A_7 = vector.load %arg2[%swap3A, %swap3A_6] : memref<10000x80xf32, #tpu.memory_space<vmem>>, vector<10000x80xf32>
    tpu.vector_store %arg2[%swap3A, %swap3A_6], %dot_general3A_5 {strides = array<i32>} : memref<10000x80xf32, #tpu.memory_space<vmem>>, vector<10000x80xf32>,
    return
  }
}

module attributes {stable_mosaic.version = 14 : i64} {
  func.func @_tc_scale_body(%arg0: memref<2x2x10240xf32, #tpu.memory_space<vmem>>, %arg1: memref<10000x80xf32, #tpu.memory_space<vmem>>, %arg2: memref<10000x80xf32, #tpu.memory_space<vmem>>, %arg3: memref<10000x1xf32, #tpu.memory_space<vmem>>, %arg4: memref<10000x1xf32, #tpu.memory_space<vmem>>) attributes {dimension_semantics = [], scalar_prefetch = 0 : i64, scratch_operands = 0 : i64, tpu.core_type = #tpu.core_type<tc>} {
    %get3A = arith.constant 0 : index
    %get3A_0 = arith.constant 0 : index
    %get3A_1 = arith.constant 0 : index
    %get3A_2 = vector.load %arg0[%get3A, %get3A_0, %get3A_1] : memref<2x2x10240xf32, #tpu.memory_space<vmem>>, vector<2x2x10240xf32>
    %slice3A = vector.extract_strided_slice %get3A_2 {offsets = [0, 0, 0], sizes = [1, 1, 10000], strides = [1, 1, 1]} : vector<2x2x10240xf32> to vector<1x1x10000xf32>
    %squeeze3A = vector.shape_cast %slice3A : vector<1x1x10000xf32> to vector<10000xf32>
    %slice3A_3 = vector.extract_strided_slice %get3A_2 {offsets = [1, 0, 0], sizes = [1, 1, 10000], strides = [1, 1, 1]} : vector<2x2x10240xf32> to vector<1x1x10000xf32>
    %squeeze3A_4 = vector.shape_cast %slice3A_3 : vector<1x1x10000xf32> to vector<10000xf32>
    %add3A = arith.addf %squeeze3A, %squeeze3A_4 : vector<10000xf32>
    %slice3A_5 = vector.extract_strided_slice %get3A_2 {offsets = [0, 1, 0], sizes = [1, 1, 10000], strides = [1, 1, 1]} : vector<2x2x10240xf32> to vector<1x1x10000xf32>
    %squeeze3A_6 = vector.shape_cast %slice3A_5 : vector<1x1x10000xf32> to vector<10000xf32>
    %slice3A_7 = vector.extract_strided_slice %get3A_2 {offsets = [1, 1, 0], sizes = [1, 1, 10000], strides = [1, 1, 1]} : vector<2x2x10240xf32> to vector<1x1x10000xf32>
    %squeeze3A_8 = vector.shape_cast %slice3A_7 : vector<1x1x10000xf32> to vector<10000xf32>
    %add3A_9 = arith.addf %squeeze3A_6, %squeeze3A_8 : vector<10000xf32>
    %max3A = arith.constant 1.000000e+00 : f32
    %max3A_10 = vector.broadcast %max3A : f32 to vector<10000xf32>
    %max3A_11 = arith.maximumf %add3A, %max3A_10 : vector<10000xf32>
    %rsqrt3A = math.rsqrt %max3A_11 : vector<10000xf32>
    %broadcast_in_dim3A = vector.shape_cast %rsqrt3A : vector<10000xf32> to vector<10000x1xf32>
    %max3A_12 = arith.constant 1.000000e+00 : f32
    %max3A_13 = vector.broadcast %max3A_12 : f32 to vector<10000xf32>
    %max3A_14 = arith.maximumf %add3A_9, %max3A_13 : vector<10000xf32>
    %rsqrt3A_15 = math.rsqrt %max3A_14 : vector<10000xf32>
    %broadcast_in_dim3A_16 = vector.shape_cast %rsqrt3A_15 : vector<10000xf32> to vector<10000x1xf32>
    %get3A_17 = arith.constant 0 : index
    %get3A_18 = arith.constant 0 : index
    %get3A_19 = vector.load %arg1[%get3A_17, %get3A_18] : memref<10000x80xf32, #tpu.memory_space<vmem>>, vector<10000x80xf32>
    %mul3A = vector.broadcast %broadcast_in_dim3A : vector<10000x1xf32> to vector<10000x80xf32>
    %mul3A_20 = arith.mulf %get3A_19, %mul3A : vector<10000x80xf32>
    %swap3A = arith.constant 0 : index
    %swap3A_21 = arith.constant 0 : index
    %swap3A_22 = vector.load %arg2[%swap3A, %swap3A_21] : memref<10000x80xf32, #tpu.memory_space<vmem>>, vector<10000x80xf32>
    tpu.vector_store %arg2[%swap3A, %swap3A_21], %mul3A_20 {strides = array<i32>} : memref<10000x80xf32, #tpu.memory_space<vmem>>, vector<10000x80xf32>,
    %swap3A_23 = arith.constant 0 : index
    %swap3A_24 = arith.constant 0 : index
    %swap3A_25 = vector.load %arg3[%swap3A_23, %swap3A_24] : memref<10000x1xf32, #tpu.memory_space<vmem>>, vector<10000x1xf32>
    tpu.vector_store %arg3[%swap3A_23, %swap3A_24], %broadcast_in_dim3A_16 {strides = array<i32>} : memref<10000x1xf32, #tpu.memory_space<vmem>>, vector<10000x1xf32>,
    %swap3A_26 = arith.constant 0 : index
    %swap3A_27 = arith.constant 0 : index
    %swap3A_28 = vector.load %arg4[%swap3A_26, %swap3A_27] : memref<10000x1xf32, #tpu.memory_space<vmem>>, vector<10000x1xf32>
    tpu.vector_store %arg4[%swap3A_26, %swap3A_27], %broadcast_in_dim3A {strides = array<i32>} : memref<10000x1xf32, #tpu.memory_space<vmem>>, vector<10000x1xf32>,
    return
  }
}

module attributes {stable_mosaic.version = 14 : i64} {
  func.func @_tc_layer2_body(%arg0: memref<2x10240x80xf32, #tpu.memory_space<vmem>>, %arg1: memref<10000x1xf32, #tpu.memory_space<vmem>>, %arg2: memref<10000x1xf32, #tpu.memory_space<vmem>>, %arg3: memref<80xf32, #tpu.memory_space<vmem>>, %arg4: memref<80x48xf32, #tpu.memory_space<vmem>>, %arg5: memref<10000x48xf32, #tpu.memory_space<vmem>>) attributes {dimension_semantics = [], scalar_prefetch = 0 : i64, scratch_operands = 0 : i64, tpu.core_type = #tpu.core_type<tc>} {
    %get3A = arith.constant 0 : index
    %get3A_0 = arith.constant 0 : index
    %get3A_1 = arith.constant 0 : index
    %get3A_2 = vector.load %arg0[%get3A, %get3A_0, %get3A_1] : memref<2x10240x80xf32, #tpu.memory_space<vmem>>, vector<1x10000x80xf32>
    %get3A_3 = vector.shape_cast %get3A_2 : vector<1x10000x80xf32> to vector<10000x80xf32>
    %get3A_4 = arith.constant 1 : index
    %get3A_5 = arith.constant 0 : index
    %get3A_6 = arith.constant 0 : index
    %get3A_7 = vector.load %arg0[%get3A_4, %get3A_5, %get3A_6] : memref<2x10240x80xf32, #tpu.memory_space<vmem>>, vector<1x10000x80xf32>
    %get3A_8 = vector.shape_cast %get3A_7 : vector<1x10000x80xf32> to vector<10000x80xf32>
    %add3A = arith.addf %get3A_3, %get3A_8 : vector<10000x80xf32>
    %get3A_9 = arith.constant 0 : index
    %get3A_10 = arith.constant 0 : index
    %get3A_11 = vector.load %arg1[%get3A_9, %get3A_10] : memref<10000x1xf32, #tpu.memory_space<vmem>>, vector<10000x1xf32>
    %mul3A = vector.broadcast %get3A_11 : vector<10000x1xf32> to vector<10000x80xf32>
    %mul3A_12 = arith.mulf %add3A, %mul3A : vector<10000x80xf32>
    %get3A_13 = arith.constant 0 : index
    %get3A_14 = vector.load %arg3[%get3A_13] : memref<80xf32, #tpu.memory_space<vmem>>, vector<80xf32>
    %broadcast_in_dim3A = vector.shape_cast %get3A_14 : vector<80xf32> to vector<1x80xf32>
    %add3A_15 = vector.broadcast %broadcast_in_dim3A : vector<1x80xf32> to vector<10000x80xf32>
    %add3A_16 = arith.addf %mul3A_12, %add3A_15 : vector<10000x80xf32>
    %max3A = arith.constant 0.000000e+00 : f32
    %max3A_17 = vector.broadcast %max3A : f32 to vector<10000x80xf32>
    %max3A_18 = arith.maximumf %add3A_16, %max3A_17 : vector<10000x80xf32>
    %get3A_19 = arith.constant 0 : index
    %get3A_20 = arith.constant 0 : index
    %get3A_21 = vector.load %arg2[%get3A_19, %get3A_20] : memref<10000x1xf32, #tpu.memory_space<vmem>>, vector<10000x1xf32>
    %mul3A_22 = vector.broadcast %get3A_21 : vector<10000x1xf32> to vector<10000x80xf32>
    %mul3A_23 = arith.mulf %max3A_18, %mul3A_22 : vector<10000x80xf32>
    %get3A_24 = arith.constant 0 : index
    %get3A_25 = arith.constant 0 : index
    %get3A_26 = vector.load %arg4[%get3A_24, %get3A_25] : memref<80x48xf32, #tpu.memory_space<vmem>>, vector<80x48xf32>
    %dot_general3A = arith.constant dense<0.000000e+00> : vector<10000x48xf32>
    %dot_general3A_27 = tpu.matmul %mul3A_23, %get3A_26, %dot_general3A {dimension_numbers = #tpu.dot_dimension_numbers<[1], [0], [0], [1], [0, 0, 1, 1], [], []>, transpose_lhs_hint = false} : vector<10000x80xf32>, vector<80x48xf32>, vector<10000x48xf32> -> vector<10000x48xf32>
    %swap3A = arith.constant 0 : index
    %swap3A_28 = arith.constant 0 : index
    %swap3A_29 = vector.load %arg5[%swap3A, %swap3A_28] : memref<10000x48xf32, #tpu.memory_space<vmem>>, vector<10000x48xf32>
    tpu.vector_store %arg5[%swap3A, %swap3A_28], %dot_general3A_27 {strides = array<i32>} : memref<10000x48xf32, #tpu.memory_space<vmem>>, vector<10000x48xf32>,
    return
  }
}

module attributes {stable_mosaic.version = 14 : i64} {
  func.func @_tc_head_body(%arg0: memref<2x10240x48xf32, #tpu.memory_space<vmem>>, %arg1: memref<10000x1xf32, #tpu.memory_space<vmem>>, %arg2: memref<40xf32, #tpu.memory_space<vmem>>, %arg3: memref<40x40xf32, #tpu.memory_space<vmem>>, %arg4: memref<40x30xf32, #tpu.memory_space<vmem>>, %arg5: memref<30xf32, #tpu.memory_space<vmem>>, %arg6: memref<30x10xf32, #tpu.memory_space<vmem>>, %arg7: memref<10xf32, #tpu.memory_space<vmem>>, %arg8: memref<10x1xf32, #tpu.memory_space<vmem>>, %arg9: memref<1xf32, #tpu.memory_space<vmem>>, %arg10: memref<1x1xf32, #tpu.memory_space<vmem>>) attributes {dimension_semantics = [], scalar_prefetch = 0 : i64, scratch_operands = 0 : i64, tpu.core_type = #tpu.core_type<tc>} {
    %get3A = arith.constant 0 : index
    %get3A_0 = arith.constant 0 : index
    %get3A_1 = arith.constant 0 : index
    %get3A_2 = vector.load %arg0[%get3A, %get3A_0, %get3A_1] : memref<2x10240x48xf32, #tpu.memory_space<vmem>>, vector<1x10000x40xf32>
    %get3A_3 = vector.shape_cast %get3A_2 : vector<1x10000x40xf32> to vector<10000x40xf32>
    %get3A_4 = arith.constant 1 : index
    %get3A_5 = arith.constant 0 : index
    %get3A_6 = arith.constant 0 : index
    %get3A_7 = vector.load %arg0[%get3A_4, %get3A_5, %get3A_6] : memref<2x10240x48xf32, #tpu.memory_space<vmem>>, vector<1x10000x40xf32>
    %get3A_8 = vector.shape_cast %get3A_7 : vector<1x10000x40xf32> to vector<10000x40xf32>
    %add3A = arith.addf %get3A_3, %get3A_8 : vector<10000x40xf32>
    %get3A_9 = arith.constant 0 : index
    %get3A_10 = arith.constant 0 : index
    %get3A_11 = vector.load %arg1[%get3A_9, %get3A_10] : memref<10000x1xf32, #tpu.memory_space<vmem>>, vector<10000x1xf32>
    %mul3A = vector.broadcast %get3A_11 : vector<10000x1xf32> to vector<10000x40xf32>
    %mul3A_12 = arith.mulf %add3A, %mul3A : vector<10000x40xf32>
    %get3A_13 = arith.constant 0 : index
    %get3A_14 = vector.load %arg2[%get3A_13] : memref<40xf32, #tpu.memory_space<vmem>>, vector<40xf32>
    %broadcast_in_dim3A = vector.shape_cast %get3A_14 : vector<40xf32> to vector<1x40xf32>
    %add3A_15 = vector.broadcast %broadcast_in_dim3A : vector<1x40xf32> to vector<10000x40xf32>
    %add3A_16 = arith.addf %mul3A_12, %add3A_15 : vector<10000x40xf32>
    %max3A = arith.constant 0.000000e+00 : f32
    %max3A_17 = vector.broadcast %max3A : f32 to vector<10000x40xf32>
    %max3A_18 = arith.maximumf %add3A_16, %max3A_17 : vector<10000x40xf32>
    %reduce_sum3A = arith.constant dense<0.000000e+00> : vector<40xf32>
    %reduce_sum3A_19 = vector.multi_reduction <add>, %max3A_18, %reduce_sum3A [0] : vector<10000x40xf32> to vector<40xf32>
    %broadcast_in_dim3A_20 = vector.shape_cast %reduce_sum3A_19 : vector<40xf32> to vector<1x40xf32>
    %div3A = arith.constant 1.000000e+04 : f32
    %div3A_21 = vector.broadcast %div3A : f32 to vector<1x40xf32>
    %div3A_22 = arith.divf %broadcast_in_dim3A_20, %div3A_21 : vector<1x40xf32>
    %get3A_23 = arith.constant 0 : index
    %get3A_24 = arith.constant 0 : index
    %get3A_25 = vector.load %arg3[%get3A_23, %get3A_24] : memref<40x40xf32, #tpu.memory_space<vmem>>, vector<40x40xf32>
    %dot_general3A = arith.constant dense<0.000000e+00> : vector<1x40xf32>
    %dot_general3A_26 = tpu.matmul %div3A_22, %get3A_25, %dot_general3A {dimension_numbers = #tpu.dot_dimension_numbers<[1], [0], [0], [1], [0, 0, 1, 1], [], []>, transpose_lhs_hint = false} : vector<1x40xf32>, vector<40x40xf32>, vector<1x40xf32> -> vector<1x40xf32>
    %tanh3A = math.tanh %dot_general3A_26 : vector<1x40xf32>
    %mul3A_27 = vector.broadcast %tanh3A : vector<1x40xf32> to vector<10000x40xf32>
    %mul3A_28 = arith.mulf %max3A_18, %mul3A_27 : vector<10000x40xf32>
    %reduce_sum3A_29 = arith.constant dense<0.000000e+00> : vector<10000xf32>
    %reduce_sum3A_30 = vector.multi_reduction <add>, %mul3A_28, %reduce_sum3A_29 [1] : vector<10000x40xf32> to vector<10000xf32>
    %broadcast_in_dim3A_31 = vector.shape_cast %reduce_sum3A_30 : vector<10000xf32> to vector<10000x1xf32>
    %logistic3A = arith.negf %broadcast_in_dim3A_31 : vector<10000x1xf32>
    %logistic3A_32 = math.exp %logistic3A : vector<10000x1xf32>
    %logistic3A_33 = arith.constant 1.000000e+00 : f32
    %logistic3A_34 = vector.broadcast %logistic3A_33 : f32 to vector<10000x1xf32>
    %logistic3A_35 = arith.addf %logistic3A_34, %logistic3A_32 : vector<10000x1xf32>
    %logistic3A_36 = arith.divf %logistic3A_34, %logistic3A_35 : vector<10000x1xf32>
    %mul3A_37 = vector.broadcast %logistic3A_36 : vector<10000x1xf32> to vector<10000x40xf32>
    %mul3A_38 = arith.mulf %max3A_18, %mul3A_37 : vector<10000x40xf32>
    %reduce_sum3A_39 = arith.constant dense<0.000000e+00> : vector<40xf32>
    %reduce_sum3A_40 = vector.multi_reduction <add>, %mul3A_38, %reduce_sum3A_39 [0] : vector<10000x40xf32> to vector<40xf32>
    %broadcast_in_dim3A_41 = vector.shape_cast %reduce_sum3A_40 : vector<40xf32> to vector<1x40xf32>
    %get3A_42 = arith.constant 0 : index
    %get3A_43 = arith.constant 0 : index
    %get3A_44 = vector.load %arg4[%get3A_42, %get3A_43] : memref<40x30xf32, #tpu.memory_space<vmem>>, vector<40x30xf32>
    %dot_general3A_45 = arith.constant dense<0.000000e+00> : vector<1x30xf32>
    %dot_general3A_46 = tpu.matmul %broadcast_in_dim3A_41, %get3A_44, %dot_general3A_45 {dimension_numbers = #tpu.dot_dimension_numbers<[1], [0], [0], [1], [0, 0, 1, 1], [], []>, transpose_lhs_hint = false} : vector<1x40xf32>, vector<40x30xf32>, vector<1x30xf32> -> vector<1x30xf32>
    %get3A_47 = arith.constant 0 : index
    %get3A_48 = vector.load %arg5[%get3A_47] : memref<30xf32, #tpu.memory_space<vmem>>, vector<30xf32>
    %broadcast_in_dim3A_49 = vector.shape_cast %get3A_48 : vector<30xf32> to vector<1x30xf32>
    %add3A_50 = arith.addf %dot_general3A_46, %broadcast_in_dim3A_49 : vector<1x30xf32>
    %max3A_51 = arith.constant 0.000000e+00 : f32
    %max3A_52 = vector.broadcast %max3A_51 : f32 to vector<1x30xf32>
    %max3A_53 = arith.maximumf %add3A_50, %max3A_52 : vector<1x30xf32>
    %get3A_54 = arith.constant 0 : index
    %get3A_55 = arith.constant 0 : index
    %get3A_56 = vector.load %arg6[%get3A_54, %get3A_55] : memref<30x10xf32, #tpu.memory_space<vmem>>, vector<30x10xf32>
    %dot_general3A_57 = arith.constant dense<0.000000e+00> : vector<1x10xf32>
    %dot_general3A_58 = tpu.matmul %max3A_53, %get3A_56, %dot_general3A_57 {dimension_numbers = #tpu.dot_dimension_numbers<[1], [0], [0], [1], [0, 0, 1, 1], [], []>, transpose_lhs_hint = false} : vector<1x30xf32>, vector<30x10xf32>, vector<1x10xf32> -> vector<1x10xf32>
    %get3A_59 = arith.constant 0 : index
    %get3A_60 = vector.load %arg7[%get3A_59] : memref<10xf32, #tpu.memory_space<vmem>>, vector<10xf32>
    %broadcast_in_dim3A_61 = vector.shape_cast %get3A_60 : vector<10xf32> to vector<1x10xf32>
    %add3A_62 = arith.addf %dot_general3A_58, %broadcast_in_dim3A_61 : vector<1x10xf32>
    %max3A_63 = arith.constant 0.000000e+00 : f32
    %max3A_64 = vector.broadcast %max3A_63 : f32 to vector<1x10xf32>
    %max3A_65 = arith.maximumf %add3A_62, %max3A_64 : vector<1x10xf32>
    %get3A_66 = arith.constant 0 : index
    %get3A_67 = arith.constant 0 : index
    %get3A_68 = vector.load %arg8[%get3A_66, %get3A_67] : memref<10x1xf32, #tpu.memory_space<vmem>>, vector<10x1xf32>
    %dot_general3A_69 = arith.constant dense<0.000000e+00> : vector<1x1xf32>
    %dot_general3A_70 = tpu.matmul %max3A_65, %get3A_68, %dot_general3A_69 {dimension_numbers = #tpu.dot_dimension_numbers<[1], [0], [0], [1], [0, 0, 1, 1], [], []>, transpose_lhs_hint = false} : vector<1x10xf32>, vector<10x1xf32>, vector<1x1xf32> -> vector<1x1xf32>
    %get3A_71 = arith.constant 0 : index
    %get3A_72 = vector.load %arg9[%get3A_71] : memref<1xf32, #tpu.memory_space<vmem>>, vector<1xf32>
    %broadcast_in_dim3A_73 = vector.shape_cast %get3A_72 : vector<1xf32> to vector<1x1xf32>
    %add3A_74 = arith.addf %dot_general3A_70, %broadcast_in_dim3A_73 : vector<1x1xf32>
    %swap3A = arith.constant 0 : index
    %swap3A_75 = arith.constant 0 : index
    %swap3A_76 = vector.load %arg10[%swap3A, %swap3A_75] : memref<1x1xf32, #tpu.memory_space<vmem>>, vector<1x1xf32>
    tpu.vector_store %arg10[%swap3A, %swap3A_75], %add3A_74 {strides = array<i32>} : memref<1x1xf32, #tpu.memory_space<vmem>>, vector<1x1xf32>,
    return
  }
}

</mosaic_0001>

<sc_bundles>
// kernel: kernel.12.cloned.1.call-start
scs
__scs_entry_jumppad:
0x0: {  	(pc) =	sbr.rel $0x88, $3  }
0x1: {  	(tag) =	ssettag $0x0;
	lr =	simm.s32 $0x1  }
0x2: {  	[smem:$0x3F94] =	sst lr;
	_ =	strace $0xD0000000  }
0x3: {  	_ = 	snop  }
0x4: {  	_ = 	snop  }
0x5: {  	_ = 	snop  }
0x6: {  	_ = 	snop  }
0x7: {  	_ = 	snop  }
__scs_overlays_trampoline_lowered:
0x8: {  	[smem:$0x3FA3] =	sst s0  }
0x9: {  	[smem:$0x3FA4] =	sst s1  }
0xa: {  	[smem:$0x3FA5] =	sst s2  }
0xb: {  	[smem:$0x3FA6] =	sst s3  }
0xc: {  	[smem:$0x3FA7] =	sst s4  }
0xd: {  	[smem:$0x3FA8] =	sst s5  }
0xe: {  	[smem:$0x3FA9] =	sst s6  }
0xf: {  	[smem:$0x3FAA] =	sst s7  }
0x10: {  	[smem:$0x3FAB] =	sst s8  }
0x11: {  	[smem:$0x3FAC] =	sst s9;
	s0 =	simm.s32 @!p0 $0x0  }
0x12: {  	s1 =	sld [smem:$0x3F92];
	s0 =	simm.s32 @p0 $0x1  }
0x13: {  	[smem:$0x3FAD] =	sst s0;
	s0 =	simm.s32 @!p1 $0x0  }
0x14: {  	s2 =	sld [smem:$0x3F91];
	s0 =	simm.s32 @p1 $0x1  }
0x15: {  	[smem:$0x3FAE] =	sst s0;
	s0 =	simm.s32 @!p2 $0x0  }
0x16: {  	s3 =	sld [smem:$0x3FDB];
	s0 =	simm.s32 @p2 $0x1  }
0x17: {  	s4 =	simm.s32 $0x1BF5;
	[smem:$0x3FB0] =	sst s0  }
0x18: {  	s0 =	sld [smem:$0x3F93];
	_ =	swait.ge [sflag:s4], $0x0  }
0x19: {  	s7 =	sld [smem:$0x3F94]  }
0x1a: {  	s8 =	sadd.s32 $0xFFFFE003, lr  }
0x1b: {  	s9 =	sadd.s32 $0xFFFFFEF7, lr;
	s5 =	simm.s32 $0xFFFFFFFF;
	p2 =	slt.u32 s8, $0xFFFFF086  }
0x1c: {  	p1 =	slt.u32 s9, $0xF7A;
	s5 =	simm.s32 @!p2 $0x0  }
0x1d: {  	s5 =	simm.s32 @p1 $0x1;
	p0 =	seq.s32 s7, s2  }
0x1e: {  	s7 =	smul.u32 @!p0 $0xF7A, s2;
	p2 =	seq.s32 @!p0 s5, $0x0  }
0x1f: {  	s9 =	smul.u32 $0xF7A, s1;
	s8 =	simm.s32 @!p0 $0x1BF5;
	p2 =	por !p2, p0  }
0x20: {  	[sflag:s8] =	ssyncset.s32 @!p0 $0xFFFFF086;
	s6 =	sadd.s32 @!p0 s3, s7;
	s7 =	simm.s32 @!p0 $0x108  }
0x21: {  	s3 =	sadd.s32 s3, s9;
	s6 =	sadd.s32 @!p0 $0x88, s6;
	s7 =	simm.s32 @p2 $0x1082  }
0x22: {  	[simem:s7], [sflag:s8] =	dma.local @!p0 [hbm:s6], $0xF7A  }
0x23: {  	s9 =	sor.u32 $0xD0000000, s2;
	s6 =	simm.s32 $0x108;
	_ =	swait.ge @!p0 [sflag:s8], $0x0  }
0x24: {  	s3 =	sadd.s32 $0x88, s3;
	s6 =	simm.s32 @!p1 $0x1082;
	[sflag:s4] =	ssyncset.s32 $0xFFFFF086  }
0x25: {  	[simem:s6], [sflag:s4] =	dma.local [hbm:s3], $0xF7A  }
0x26: {  	[smem:$0x3F94] =	sst s1;
	(tag) =	ssettag s2;
	_ =	strace s9  }
0x27: {  	s1 =	sld [smem:$0x3FA4]  }
0x28: {  	s2 =	sld [smem:$0x3FA5]  }
0x29: {  	s4 =	sld [smem:$0x3FA7]  }
0x2a: {  	p0 =	seq.s32 s5, $0x0;
	s5 =	sld [smem:$0x3FA8]  }
0x2b: {  	s6 =	sld [smem:$0x3FA9]  }
0x2c: {  	s7 =	sld [smem:$0x3FAA]  }
0x2d: {  	s3 =	simm.s32 $0x108;
	s8 =	sld [smem:$0x3FAB]  }
0x2e: {  	s3 =	simm.s32 @!p0 $0x1082;
	s9 =	sld [smem:$0x3FAC]  }
0x2f: {  	lr =	sadd.s32 s0, s3;
	s0 =	sld [smem:$0x3FA3]  }
0x30: {  	s3 =	sld [smem:$0x3FA6]  }
0x31: {  	[smem:$0x3FAF] =	sst s10  }
0x32: {  	s10 =	sld [smem:$0x3FAD];
	_ =	sdelay $0x3  }
0x33: {  	p0 =	seq.s32 s10, $0x1;
	s10 =	sld [smem:$0x3FAF];
	_ =	sdelay $0x3  }
0x34: {  	[smem:$0x3FAF] =	sst s10  }
0x35: {  	s10 =	sld [smem:$0x3FAE];
	_ =	sdelay $0x3  }
0x36: {  	p1 =	seq.s32 s10, $0x1;
	s10 =	sld [smem:$0x3FAF];
	_ =	sdelay $0x3  }
0x37: {  	[smem:$0x3FAF] =	sst s10  }
0x38: {  	s10 =	sld [smem:$0x3FB0]  }
0x39: {  	_ = 	snop;
	(pc) =	sbr.ind lr, $3  }
0x3a: {  	_ = 	snop  }
0x3b: {  	_ = 	snop  }
0x3c: {  	p2 =	seq.s32 s10, $0x1;
	s10 =	sld [smem:$0x3FAF]  }
0x3d: {  	_ =	shalt  }
0x3e: {  	_ =	shalt  }
0x3f: {  	_ =	shalt  }
0x40: {  	_ =	shalt  }
0x41: {  	_ =	shalt  }
0x42: {  	_ =	shalt  }
0x43: {  	_ =	shalt  }
0x44: {  	_ =	shalt  }
0x45: {  	_ =	shalt  }
0x46: {  	_ =	shalt  }
0x47: {  	_ =	shalt  }
0x48: {  	_ =	shalt  }
0x49: {  	_ =	shalt  }
0x4a: {  	_ =	shalt  }
0x4b: {  	_ =	shalt  }
0x4c: {  	_ =	shalt  }
0x4d: {  	_ =	shalt  }
0x4e: {  	_ =	shalt  }
0x4f: {  	_ =	shalt  }
0x50: {  	_ =	shalt  }
0x51: {  	_ =	shalt  }
0x52: {  	_ =	shalt  }
0x53: {  	_ =	shalt  }
0x54: {  	_ =	shalt  }
0x55: {  	_ =	shalt  }
0x56: {  	_ =	shalt  }
0x57: {  	_ =	shalt  }
0x58: {  	_ =	shalt  }
0x59: {  	_ =	shalt  }
0x5a: {  	_ =	shalt  }
0x5b: {  	_ =	shalt  }
0x5c: {  	_ =	shalt  }
0x5d: {  	_ =	shalt  }
0x5e: {  	_ =	shalt  }
0x5f: {  	_ =	shalt  }
0x60: {  	_ =	shalt  }
0x61: {  	_ =	shalt  }
0x62: {  	_ =	shalt  }
0x63: {  	_ =	shalt  }
0x64: {  	_ =	shalt  }
0x65: {  	_ =	shalt  }
0x66: {  	_ =	shalt  }
0x67: {  	_ =	shalt  }
0x68: {  	_ =	shalt  }
0x69: {  	_ =	shalt  }
0x6a: {  	_ =	shalt  }
0x6b: {  	_ =	shalt  }
0x6c: {  	_ =	shalt  }
0x6d: {  	_ =	shalt  }
0x6e: {  	_ =	shalt  }
0x6f: {  	_ =	shalt  }
0x70: {  	_ =	shalt  }
0x71: {  	_ =	shalt  }
0x72: {  	_ =	shalt  }
0x73: {  	_ =	shalt  }
0x74: {  	_ =	shalt  }
0x75: {  	_ =	shalt  }
0x76: {  	_ =	shalt  }
0x77: {  	_ =	shalt  }
0x78: {  	_ =	shalt  }
0x79: {  	_ =	shalt  }
0x7a: {  	_ =	shalt  }
0x7b: {  	_ =	shalt  }
0x7c: {  	_ =	shalt  }
0x7d: {  	_ =	shalt  }
0x7e: {  	_ =	shalt  }
0x7f: {  	_ =	shalt  }
0x80: {  	_ =	shalt  }
0x81: {  	_ =	shalt  }
0x82: {  	_ =	shalt  }
0x83: {  	_ =	shalt  }
0x84: {  	_ =	shalt  }
0x85: {  	_ =	shalt  }
0x86: {  	_ =	shalt  }
0x87: {  	_ =	shalt  }
.Lfunc_end0:
.L_simem_size_0:
called_computation.1_lowered:
.L_overlay_start_0:
0x88: {  	s2 =	sld [smem:$0x3FD9]  }
0x89: {  	s3 =	sld [smem:$0x3FFE];
	_ =	sdelay $0x1  }
0x8a: {  	s1 =	srdreg.scid  }
0x8b: {  	s0 =	sand.u32 $0x1, s1  }
0x8c: {  	s16 =	sshll.u32 s0, $0xA;
	s2 =	sadd.s32 s3, s2  }
0x8d: {  	s2 =	sadd.s32 s2, s16  }
0x8e: {  	[smem:$0x3FBB] =	sst s2  }
0x8f: {  	_ = 	snop  }
0x90: {  	(tm) =	ssettm $0x1  }
0x91: {  	s17 =	sld [smem:$0x3FFB];
	_ =	sdelay $0x3  }
0x92: {  	_ =	strace s17  }
0x93: {  	s2 =	sld [smem:$0x3FFC];
	_ =	sdelay $0x3  }
0x94: {  	_ =	strace s2  }
0x95: {  	s2 =	sld [smem:$0x3FFD];
	_ =	sdelay $0x3  }
0x96: {  	_ =	strace s2  }
0x97: {  	_ =	strace $0x8FFFFFFF  }
0x98: {  	s18 =	sld [smem:$0x3FDB];
	_ =	sdelay $0x1  }
0x99: {  	s19 =	simm.s32 $_scs_section_size  }
0x9a: {  	s4 =	simm.s32 $_size__tile_overlayer_lowered;
	s5 =	simm.s32 $_tile_overlayer_lowered  }
0x9b: {  	s22 =	simm.s32 $0x1BFF;
	s21 =	sshll.u32 s5, $0x1;
	s2 =	sadd.s32 s19, s18  }
0x9c: {  	s6 =	simm.s32 $0x0;
	s20 =	sshll.u32 s4, $0x1;
	s4 =	sadd.s32 s21, s2  }
0x9d: {  	[timem:s6], [sflag:s22] =	dma.local [hbm:s4], s20  }
0x9e: {  	_ =	swait.ge [sflag:s22], s20  }
0x9f: {  	s3 =	ssub.s32 $0x0, s20;
	[sflag:s22] =	ssyncset.done $0x0  }
0xa0: {  	[sflag:s22] =	ssyncadd.s32 s3;
	_ =	sdelay $0x1  }
0xa1: {  	s23 =	simm.s32 $0x1B8B  }
0xa2: {  	_ =	swait.ge [sflag:s23], $0x1  }
0xa3: {  	[sflag:s23] =	ssyncset.done $0x0  }
0xa4: {  	s25 =	simm.s32 $0x1B8E;
	s24 =	sld [smem:$0x3FFE];
	[sflag:s23] =	ssyncadd.s32 $0xFFFFFFFF  }
0xa5: {  	s26 =	simm.s32 $execute0_lowered;
	[smem:$0x3FD2] =	sst s25  }
0xa6: {  	s4 =	sshll.u32 s26, $0x1;
	_ =	strace $0x80000049;
	[dreg:$0x1] =	wrdreg $0xFFFFFFFF  }
0xa7: {  	s28 =	simm.s32 $_size_execute0_lowered;
	s2 =	sadd.s32 s2, s4;
	[dreg:$0x0] =	wrdreg $0x0  }
0xa8: {  	s4 =	sshll.u32 s28, $0x1;
	[dreg:$0x2] =	wrdreg s2  }
0xa9: {  	[dreg:$0x3] =	wrdreg s4  }
0xaa: {  	[dreg:$0x4] =	wrdreg $0xC0  }
0xab: {  	_ =	task [dreg:s6], $0x5FFFF  }
0xac: {  	[dreg:$0x1] =	wrdreg $0xFFFFFFFF  }
0xad: {  	[dreg:$0x0] =	wrdreg $0x60  }
0xae: {  	[dreg:$0x2] =	wrdreg s24  }
0xaf: {  	[dreg:$0x3] =	wrdreg $0xA5A00  }
0xb0: {  	[dreg:$0x4] =	wrdreg $0x9  }
0xb1: {  	_ =	task.clear_ibuf [dreg:s6], $0x5FFFF;
	_ =	strace $0x90000049  }
0xb2: {  	s29 =	simm.s32 $0x9;
	_ =	strace $0x8000004B  }
0xb3: {  	_ =	swait.ge [sflag:s29], $0x1  }
0xb4: {  	[sflag:s29] =	ssyncadd.s32 $0xFFFFFFFF  }
0xb5: {  	_ =	strace $0x9000004B  }
0xb6: {  	_ =	sfence  }
0xb7: {  	s30 =	sld [smem:$0x0];
	_ =	sdelay $0x2  }
0xb8: {  	s31 =	sshll.u32 s1, $0xD;
	s1 =	sshrl.u32 s1, $0x2  }
0xb9: {  	s3 =	sand.u32 $0x4000, s31;
	s1 =	sadd.s32 s1, s30  }
0xba: {  	s0 =	sor.u32 s3, s0;
	s1 =	sshll.u32 s1, $0x11  }
0xbb: {  	s0 =	sor.u32 s1, s0  }
0xbc: {  	s0 =	sadd.s32 $0x8F2B, s0  }
0xbd: {  	[sflag:s0] =	ssyncadd.remote.s32 $0x1  }
0xbe: {  	_ =	sfence.sel $0xFFFF  }
0xbf: {  	[dreg:$0x0] =	wrdreg $0xFFFFFFFF;
	(pc) =	sbr.abs _section_cstart, $3  }
0xc0: {  	[dreg:$0x1] =	wrdreg $0xFFFFFFFF  }
0xc1: {  	_ =	task.clear_ibuf [dreg:s6], $0x2FFFF;
	_ =	strace $0x9FFFFFFF  }
0xc2: {  	(tm) =	ssettm $0x7FFFFFFF  }
0xc3: {  	_ =	shalt  }
tec
execute0_lowered:
.L_overlay_start_1:
0x0: {  	(tag) =	ssettag $0x1  }
0x1: {  	s0 =	srdreg.scid  }
0x2: {  	s1 =	rddreg [dreg:$0x0];
	s13 =	stileid.u32  }
0x3: {  	s2 =	rddreg [dreg:$0x1];
	s30 =	simm.s32 $0x4010;
	s31 =	simm.s32 $0xA500  }
0x4: {  	s28 =	simm.s32 $0x4;
	s29 =	simm.s32 $0xE;
	s6 =	smul.u32 $0xC800, s13  }
0x5: {  	s0 =	sand.u32 $0x1, s0;
	s23 =	sadd.s32 $0x2400, s1;
	s18 =	smul.u32 $0x2710, s13  }
0x6: {  	s3 =	sshll.u32 s0, $0x4;
	s8 =	smul.u32 $0xC8000, s0;
	s11 =	ssub.s32 $0x2, s0  }
0x7: {  	s0 =	smul.u32 $0x27100, s0;
	s4 =	sor.u32 s13, s3;
	s3 =	simm.s32 $0x0  }
0x8: {  	s10 =	sshrl.u32 s6, $0x3;
	s12 =	sshrl.u32 s11, $0x1;
	s5 =	smul.u32 $0x2710, s4  }
0x9: {  	[smem:$0x7FF] =	sst s3;
	s4 =	sadd.s32 $0x16000, s1;
	s8 =	sadd.s32 s6, s8  }
0xa: {  	s10 =	sadd.s32 s10, s1;
	s6 =	sadd.s32 s6, s2;
	s0 =	sadd.s32 s18, s0  }
0xb: {  	_ =	strace $0x8000004A;
	s8 =	sshrl.u32 s8, $0x3;
	[dreg:$0x11] =	wrdreg s6  }
0xc: {  	s17 =	sadd.s32 $0x2E800, s10;
	s21 =	sadd.s32 $0x1B8, s0;
	s24 =	sadd.s32 $0x208, s0  }
0xd: {  	s26 =	sadd.s32 $0x1E0, s0;
	s10 =	sadd.s32 $0x168, s0;
	s14 =	sadd.s32 $0x118, s0  }
0xe: {  	s18 =	sadd.s32 $0xC8, s0;
	s7 =	sshrl.u32 s5, $0x3;
	s16 =	sadd.s32 $0x28, s5  }
0xf: {  	[dreg:$0x12] =	wrdreg s17;
	s5 =	sadd.s32 $0x78, s5;
	s22 =	sshrl.u32 s21, $0x3  }
0x10: {  	s25 =	sshrl.u32 s24, $0x3;
	s15 =	sshrl.u32 s14, $0x3;
	s21 =	simm.s32 $0x6590  }
0x11: {  	s24 =	simm.s32 $0x7E90;
	s14 =	simm.s32 $0x5910;
	[dreg:$0x3] =	wrdreg s22  }
0x12: {  	s9 =	sadd.s32 s7, s1;
	s1 =	sadd.s32 s8, s1;
	[dreg:$0x4] =	wrdreg s25  }
0x13: {  	s8 =	ssub.s32 s11, s12;
	s6 =	sshrl.u32 s16, $0x3;
	[dreg:$0x9] =	wrdreg s15  }
0x14: {  	s7 =	sadd.s32 s23, s7;
	s5 =	sshrl.u32 s5, $0x3;
	[dreg:$0xc] =	wrdreg s21  }
0x15: {  	s11 =	sshrl.u32 s10, $0x3;
	s12 =	sadd.s32 $0x140, s0;
	[dreg:$0xe] =	wrdreg s24  }
0x16: {  	s16 =	sadd.s32 $0xF0, s0;
	s10 =	simm.s32 $0x2710;
	[dreg:$0x13] =	wrdreg s7  }
0x17: {  	s22 =	simm.s32 $0xA4D8;
	s25 =	simm.s32 $0xA528;
	[dreg:$0x7] =	wrdreg s11  }
0x18: {  	s21 =	simm.s32 $0x7210;
	s24 =	simm.s32 $0x3;
	[dreg:$0xd] =	wrdreg s22  }
0x19: {  	s15 =	simm.s32 $0xA578;
	s9 =	sadd.s32 $0xC200, s9;
	[dreg:$0xf] =	wrdreg s25  }
0x1a: {  	s6 =	sadd.s32 s23, s6;
	s19 =	sadd.s32 $0xA, s7;
	[dreg:$0x10] =	wrdreg s9  }
0x1b: {  	s5 =	sadd.s32 s23, s5;
	s20 =	sadd.s32 $0x14, s7;
	[dreg:$0x14] =	wrdreg s6  }
0x1c: {  	s1 =	sadd.s32 $0x47800, s1;
	s7 =	sadd.s32 $0x230, s0;
	[dreg:$0x15] =	wrdreg s19  }
0x1d: {  	s13 =	sshrl.u32 s12, $0x3;
	s17 =	sshrl.u32 s16, $0x3;
	[dreg:$0x16] =	wrdreg s5  }
0x1e: {  	s0 =	sadd.s32 $0x190, s0;
	s11 =	simm.s32 $0xA410;
	[dreg:$0x17] =	wrdreg s20  }
0x1f: {  	s16 =	simm.s32 $0xA4B0;
	s25 =	simm.s32 $0xD;
	[dreg:$0x18] =	wrdreg s1  }
0x20: {  	s22 =	simm.s32 $0xA550;
	s6 =	sshrl.u32 s26, $0x3;
	[dreg:$0x8] =	wrdreg s13  }
0x21: {  	s9 =	sshrl.u32 s7, $0x3;
	s19 =	smax.u32 s8, $0x1;
	[dreg:$0xa] =	wrdreg s17  }
0x22: {  	s20 =	sshrl.u32 s18, $0x3;
	[dreg:$0x1a] =	wrdreg s0;
	s17 =	simm.s32 $0x15  }
0x23: {  	s18 =	simm.s32 $0x28;
	s26 =	simm.s32 $0xA438;
	[dreg:$0x5] =	wrdreg s6  }
0x24: {  	s7 =	simm.s32 $0xA460;
	s8 =	simm.s32 $0x4C90;
	[dreg:$0x6] =	wrdreg s9  }
0x25: {  	s13 =	simm.s32 $0xA488;
	s1 =	simm.s32 $0x1;
	[dreg:$0x19] =	wrdreg s19  }
0x26: {  	s5 =	simm.s32 $0xB;
	[dreg:$0xb] =	wrdreg s20;
	s19 =	simm.s32 $0x3390  }
0x27: {  	s9 =	simm.s32 $0x2;
	s20 =	simm.s32 $0xC;
	s6 =	simm.s32 $0x0  }
.LBB2_1:
0x28: {  	[dreg:$0x1b] =	wrdreg s6  }
0x29: {  	s0 =	rddreg [dreg:$0x10]  }
0x2a: {  	[tilespmem:s3], [sflag:$0x15] =	stream.linear.gather [hbm4b:s0+s3], $0x2710, $0x38;
	[tilespmem:$0x16DA0] =	vst v63  }
0x2b: {  	s6 =	stileid.u32;
	_ =	swait.ge [sflag:s17], $0x2710  }
0x2c: {  	s0 =	sshll.u32 s6, $0x6;
	s12 =	rddreg [dreg:$0x11]  }
0x2d: {  	s6 =	sor.u32 $0x1C15, s0;
	s0 =	rddreg [dreg:$0x12]  }
0x2e: {  	[sflag:s17] =	ssyncset.done $0x0;
	[dreg:$0x1c] =	wrdreg s6;
	s12 =	sshrl.u32 s12, $0x3  }
0x2f: {  	[sflag:s17] =	ssyncadd.s32 $0xFFFFD8F0;
	[dreg:$0x1d] =	wrdreg s12  }
0x30: {  	[spmem:s12], [sflag:s6] =	dma.local [hbm:s0], $0x1900  }
0x31: {  	_ =	swait.ge [sflag:s17], $0x1900  }
0x32: {  	[sflag:s17] =	ssyncset.done $0x0  }
0x33: {  	[sflag:s17] =	ssyncadd.s32 $0xFFFFE700  }
0x34: {  	[bflag:$0x0] =	sbarrier.arrive $0xFFFF  }
0x35: {  	[tilespmem:s10], [sflag:$0x1] =	stream.indirect.gather [hbm4b:s4+s18], $0x50, s3, s18, $0xb8;
	[tilespmem:$0x16DA0] =	vst v63  }
0x36: {  	s6 =	rddreg [dreg:$0x13]  }
0x37: {  	[tilespmem:s11], [sflag:$0xB] =	stream.linear.gather [hbm4b:s6+s3], $0x28, $0x38;
	[tilespmem:$0x16DA0] =	vst v63  }
0x38: {  	_ = 	snop  }
0x39: {  	[tilespmem:s19], [sflag:$0x2] =	stream.indirect.gather [hbm4b:s4+s18], $0x50, s18, s18, $0xb8;
	[tilespmem:$0x16DA0] =	vst v63  }
0x3a: {  	s12 =	rddreg [dreg:$0x14]  }
0x3b: {  	[tilespmem:s26], [sflag:$0xC] =	stream.linear.gather [hbm4b:s12+s3], $0x28, $0x38;
	[tilespmem:$0x16DA0] =	vst v63  }
0x3c: {  	s6 =	simm.s32 $0x50  }
0x3d: {  	[tilespmem:s30], [sflag:$0x3] =	stream.indirect.gather [hbm4b:s4+s18], $0x50, s6, s18, $0xb8;
	[tilespmem:$0x16DA0] =	vst v63  }
0x3e: {  	s12 =	rddreg [dreg:$0x15]  }
0x3f: {  	[tilespmem:s7], [sflag:$0xD] =	stream.linear.gather [hbm4b:s12+s3], $0x28, $0x38;
	[tilespmem:$0x16DA0] =	vst v63  }
0x40: {  	s6 =	simm.s32 $0x78  }
0x41: {  	[tilespmem:s8], [sflag:$0x4] =	stream.indirect.gather [hbm4b:s4+s18], $0x50, s6, s18, $0xb8;
	[tilespmem:$0x16DA0] =	vst v63  }
0x42: {  	s12 =	rddreg [dreg:$0x16]  }
0x43: {  	[tilespmem:s13], [sflag:$0xE] =	stream.linear.gather [hbm4b:s12+s3], $0x28, $0x38;
	[tilespmem:$0x16DA0] =	vst v63  }
0x44: {  	s6 =	simm.s32 $0xA0  }
0x45: {  	[tilespmem:s14], [sflag:$0x5] =	stream.indirect.gather [hbm4b:s4+s18], $0x50, s6, s18, $0xb8;
	[tilespmem:$0x16DA0] =	vst v63  }
0x46: {  	s12 =	rddreg [dreg:$0x17]  }
0x47: {  	[tilespmem:s16], [sflag:$0xF] =	stream.linear.gather [hbm4b:s12+s3], $0x28, $0x38;
	[tilespmem:$0x16DA0] =	vst v63  }
0x48: {  	_ =	swait.ge [sflag:s1], $0xC80  }
0x49: {  	[sflag:s1] =	ssyncset.done $0x0  }
0x4a: {  	[sflag:s1] =	ssyncadd.s32 $0xFFFFF380  }
0x4b: {  	_ =	swait.ge [sflag:s5], $0x28  }
0x4c: {  	s0 =	rddreg [dreg:$0xc];
	[sflag:s5] =	ssyncset.done $0x0  }
0x4d: {  	s6 =	simm.s32 $0xC8;
	s1 =	rddreg [dreg:$0xb];
	[sflag:s5] =	ssyncadd.s32 $0xFFFFFFD8  }
0x4e: {  	[tilespmem:s0], [sflag:$0x6] =	stream.indirect.gather [hbm4b:s4+s18], $0x50, s6, s18, $0xb8;
	[tilespmem:$0x16DA0] =	vst v63  }
0x4f: {  	s12 =	rddreg [dreg:$0xd];
	s5 =	sadd.s32 s23, s1  }
0x50: {  	[tilespmem:s12], [sflag:$0x10] =	stream.linear.gather [hbm4b:s5+s3], $0x28, $0x38;
	[tilespmem:$0x16DA0] =	vst v63  }
0x51: {  	_ = 	snop  }
0x52: {  	[spmem:s2] =	stream.indirect.scatter.add.f32 [tilespmem:s10], [sflag:$0x15], $0x50, s11, s18, $0xb8;
	[tilespmem:$0x16DA0] =	vst v63  }
0x53: {  	_ =	swait.ge [sflag:s17], $0xC80  }
0x54: {  	[sflag:s17] =	ssyncset.done $0x0  }
0x55: {  	[sflag:s17] =	ssyncadd.s32 $0xFFFFF380  }
0x56: {  	_ =	swait.ge [sflag:s9], $0xC80  }
0x57: {  	[sflag:s9] =	ssyncset.done $0x0  }
0x58: {  	[sflag:s9] =	ssyncadd.s32 $0xFFFFF380  }
0x59: {  	_ =	swait.ge [sflag:s20], $0x28  }
0x5a: {  	[sflag:s20] =	ssyncset.done $0x0  }
0x5b: {  	s9 =	simm.s32 $0xF0;
	s6 =	rddreg [dreg:$0xa];
	[sflag:s20] =	ssyncadd.s32 $0xFFFFFFD8  }
0x5c: {  	[tilespmem:s21], [sflag:$0x7] =	stream.indirect.gather [hbm4b:s4+s18], $0x50, s9, s18, $0xb8;
	[tilespmem:$0x16DA0] =	vst v63  }
0x5d: {  	s0 =	sadd.s32 s23, s6  }
0x5e: {  	[tilespmem:s31], [sflag:$0x11] =	stream.linear.gather [hbm4b:s0+s3], $0x28, $0x38;
	[tilespmem:$0x16DA0] =	vst v63  }
0x5f: {  	_ = 	snop  }
0x60: {  	[spmem:s2] =	stream.indirect.scatter.add.f32 [tilespmem:s19], [sflag:$0x15], $0x50, s26, s18, $0xb8;
	[tilespmem:$0x16DA0] =	vst v63  }
0x61: {  	_ =	swait.ge [sflag:s17], $0xC80  }
0x62: {  	[sflag:s17] =	ssyncset.done $0x0  }
0x63: {  	[sflag:s17] =	ssyncadd.s32 $0xFFFFF380  }
0x64: {  	_ =	swait.ge [sflag:s24], $0xC80  }
0x65: {  	[sflag:s24] =	ssyncset.done $0x0  }
0x66: {  	[sflag:s24] =	ssyncadd.s32 $0xFFFFF380  }
0x67: {  	_ =	swait.ge [sflag:s25], $0x28  }
0x68: {  	s12 =	rddreg [dreg:$0xe];
	[sflag:s25] =	ssyncset.done $0x0  }
0x69: {  	s24 =	simm.s32 $0x118;
	s20 =	rddreg [dreg:$0x9];
	[sflag:s25] =	ssyncadd.s32 $0xFFFFFFD8  }
0x6a: {  	[tilespmem:s12], [sflag:$0x8] =	stream.indirect.gather [hbm4b:s4+s18], $0x50, s24, s18, $0xb8;
	[tilespmem:$0x16DA0] =	vst v63  }
0x6b: {  	s25 =	rddreg [dreg:$0xf];
	s9 =	sadd.s32 s23, s20  }
0x6c: {  	[tilespmem:s25], [sflag:$0x12] =	stream.linear.gather [hbm4b:s9+s3], $0x28, $0x38;
	[tilespmem:$0x16DA0] =	vst v63  }
0x6d: {  	_ = 	snop  }
0x6e: {  	[spmem:s2] =	stream.indirect.scatter.add.f32 [tilespmem:s30], [sflag:$0x15], $0x50, s7, s18, $0xb8;
	[tilespmem:$0x16DA0] =	vst v63  }
0x6f: {  	_ =	swait.ge [sflag:s17], $0xC80  }
0x70: {  	[sflag:s17] =	ssyncset.done $0x0  }
0x71: {  	[sflag:s17] =	ssyncadd.s32 $0xFFFFF380  }
0x72: {  	_ =	swait.ge [sflag:s28], $0xC80  }
0x73: {  	[sflag:s28] =	ssyncset.done $0x0  }
0x74: {  	[sflag:s28] =	ssyncadd.s32 $0xFFFFF380  }
0x75: {  	_ =	swait.ge [sflag:s29], $0x28  }
0x76: {  	s20 =	simm.s32 $0x140;
	[sflag:s29] =	ssyncset.done $0x0  }
0x77: {  	s24 =	simm.s32 $0x8B10;
	s12 =	rddreg [dreg:$0x8];
	[sflag:s29] =	ssyncadd.s32 $0xFFFFFFD8  }
0x78: {  	[tilespmem:s24], [sflag:$0x9] =	stream.indirect.gather [hbm4b:s4+s18], $0x50, s20, s18, $0xb8;
	[tilespmem:$0x16DA0] =	vst v63  }
0x79: {  	s0 =	sadd.s32 s23, s12  }
0x7a: {  	[tilespmem:s22], [sflag:$0x13] =	stream.linear.gather [hbm4b:s0+s3], $0x28, $0x38;
	[tilespmem:$0x16DA0] =	vst v63  }
0x7b: {  	_ = 	snop  }
0x7c: {  	[spmem:s2] =	stream.indirect.scatter.add.f32 [tilespmem:s8], [sflag:$0x15], $0x50, s13, s18, $0xb8;
	[tilespmem:$0x16DA0] =	vst v63  }
0x7d: {  	_ =	swait.ge [sflag:s17], $0xC80  }
0x7e: {  	[sflag:s17] =	ssyncset.done $0x0  }
0x7f: {  	s5 =	simm.s32 $0x5;
	[sflag:s17] =	ssyncadd.s32 $0xFFFFF380  }
0x80: {  	_ =	swait.ge [sflag:s5], $0xC80  }
0x81: {  	[sflag:s5] =	ssyncset.done $0x0  }
0x82: {  	s6 =	simm.s32 $0xF;
	[sflag:s5] =	ssyncadd.s32 $0xFFFFF380  }
0x83: {  	_ =	swait.ge [sflag:s6], $0x28  }
0x84: {  	s12 =	simm.s32 $0x9790;
	[sflag:s6] =	ssyncset.done $0x0  }
0x85: {  	s8 =	simm.s32 $0x168;
	s7 =	rddreg [dreg:$0x7];
	[sflag:s6] =	ssyncadd.s32 $0xFFFFFFD8  }
0x86: {  	[tilespmem:s12], [sflag:$0xA] =	stream.indirect.gather [hbm4b:s4+s18], $0x50, s8, s18, $0xb8;
	[tilespmem:$0x16DA0] =	vst v63  }
0x87: {  	s0 =	sadd.s32 s23, s7  }
0x88: {  	[tilespmem:s15], [sflag:$0x14] =	stream.linear.gather [hbm4b:s0+s3], $0x28, $0x38;
	[tilespmem:$0x16DA0] =	vst v63  }
0x89: {  	_ = 	snop  }
0x8a: {  	[spmem:s2] =	stream.indirect.scatter.add.f32 [tilespmem:s14], [sflag:$0x15], $0x50, s16, s18, $0xb8;
	[tilespmem:$0x16DA0] =	vst v63  }
0x8b: {  	_ =	swait.ge [sflag:s17], $0xC80  }
0x8c: {  	[sflag:s17] =	ssyncset.done $0x0  }
0x8d: {  	s13 =	simm.s32 $0x6;
	[sflag:s17] =	ssyncadd.s32 $0xFFFFF380  }
0x8e: {  	_ =	swait.ge [sflag:s13], $0xC80  }
0x8f: {  	[sflag:s13] =	ssyncset.done $0x0  }
0x90: {  	s14 =	simm.s32 $0x10;
	[sflag:s13] =	ssyncadd.s32 $0xFFFFF380  }
0x91: {  	p0 =	por $0x0, $0x0;
	_ =	swait.ge [sflag:s14], $0x28  }
0x92: {  	s1 =	simm.s32 @p0 $0x6590;
	s5 =	simm.s32 @p0 $0x28;
	[sflag:s14] =	ssyncset.done $0x0  }
0x93: {  	s6 =	simm.s32 @p0 $0x15;
	s0 =	simm.s32 @p0 $0xA4D8;
	[sflag:s14] =	ssyncadd.s32 $0xFFFFFFD8  }
0x94: {  	[spmem:s2] =	stream.indirect.scatter.add.f32 @p0 [tilespmem:s1], [sflag:$0x15], $0x50, s0, s5, $0xb8;
	[tilespmem:$0x16DA0] =	vst v63  }
0x95: {  	_ =	swait.ge @p0 [sflag:s6], $0xC80  }
0x96: {  	[sflag:s6] =	ssyncset.done @p0 $0x0  }
0x97: {  	s0 =	simm.s32 @p0 $0x7;
	[sflag:s6] =	ssyncadd.s32 @p0 $0xFFFFF380  }
0x98: {  	_ =	swait.ge @p0 [sflag:s0], $0xC80  }
0x99: {  	[sflag:s0] =	ssyncset.done @p0 $0x0  }
0x9a: {  	s1 =	simm.s32 @p0 $0x11;
	[sflag:s0] =	ssyncadd.s32 @p0 $0xFFFFF380  }
0x9b: {  	s7 =	simm.s32 @!p0 $0x190;
	_ =	swait.ge @p0 [sflag:s1], $0x28  }
0x9c: {  	s14 =	simm.s32 @!p0 $0x2710;
	s8 =	rddreg [dreg:$0x1a];
	[sflag:s1] =	ssyncset.done @p0 $0x0  }
0x9d: {  	s0 =	simm.s32 @!p0 $0x28;
	s13 =	sshrl.u32 @!p0 s8, $0x3;
	[sflag:s1] =	ssyncadd.s32 @p0 $0xFFFFFFD8  }
0x9e: {  	[tilespmem:s14], [sflag:$0x1] =	stream.indirect.gather @!p0 [hbm4b:s4+s0], $0x50, s7, s0, $0xb8;
	[tilespmem:$0x16DA0] =	vst v63  }
0x9f: {  	s1 =	simm.s32 @!p0 $0x0;
	s7 =	sadd.s32 @!p0 s23, s13;
	s13 =	simm.s32 @!p0 $0xA410  }
0xa0: {  	[tilespmem:s13], [sflag:$0xB] =	stream.linear.gather @!p0 [hbm4b:s7+s1], $0x28, $0x38;
	[tilespmem:$0x16DA0] =	vst v63  }
0xa1: {  	s14 =	simm.s32 @!p0 $0x15;
	s7 =	simm.s32 @!p0 $0xA4D8;
	s13 =	simm.s32 @!p0 $0x6590  }
0xa2: {  	[spmem:s2] =	stream.indirect.scatter.add.f32 @!p0 [tilespmem:s13], [sflag:$0x15], $0x50, s7, s0, $0xb8;
	[tilespmem:$0x16DA0] =	vst v63  }
0xa3: {  	_ =	swait.ge @!p0 [sflag:s14], $0xC80  }
0xa4: {  	[sflag:s14] =	ssyncset.done @!p0 $0x0  }
0xa5: {  	s7 =	simm.s32 @!p0 $0x7;
	[sflag:s14] =	ssyncadd.s32 @!p0 $0xFFFFF380  }
0xa6: {  	_ =	swait.ge @!p0 [sflag:s7], $0xC80  }
0xa7: {  	[sflag:s7] =	ssyncset.done @!p0 $0x0  }
0xa8: {  	s13 =	simm.s32 @!p0 $0x11;
	[sflag:s7] =	ssyncadd.s32 @!p0 $0xFFFFF380  }
0xa9: {  	_ =	swait.ge @!p0 [sflag:s13], $0x28  }
0xaa: {  	s16 =	simm.s32 @!p0 $0x1B8;
	[sflag:s13] =	ssyncset.done @!p0 $0x0  }
0xab: {  	s7 =	rddreg [dreg:$0x3];
	[sflag:s13] =	ssyncadd.s32 @!p0 $0xFFFFFFD8;
	s13 =	simm.s32 @!p0 $0x3390  }
0xac: {  	[tilespmem:s13], [sflag:$0x2] =	stream.indirect.gather @!p0 [hbm4b:s4+s0], $0x50, s16, s0, $0xb8;
	[tilespmem:$0x16DA0] =	vst v63  }
0xad: {  	s7 =	sadd.s32 @!p0 s23, s7;
	s13 =	simm.s32 @!p0 $0xA438  }
0xae: {  	[tilespmem:s13], [sflag:$0xC] =	stream.linear.gather @!p0 [hbm4b:s7+s1], $0x28, $0x38;
	[tilespmem:$0x16DA0] =	vst v63  }
0xaf: {  	_ = 	snop  }
0xb0: {  	[spmem:s2] =	stream.indirect.scatter.add.f32 [tilespmem:s21], [sflag:$0x15], $0x50, s31, s18, $0xb8;
	[tilespmem:$0x16DA0] =	vst v63  }
0xb1: {  	_ =	swait.ge [sflag:s17], $0xC80  }
0xb2: {  	[sflag:s17] =	ssyncset.done $0x0  }
0xb3: {  	s15 =	simm.s32 $0x8;
	[sflag:s17] =	ssyncadd.s32 $0xFFFFF380  }
0xb4: {  	_ =	swait.ge [sflag:s15], $0xC80  }
0xb5: {  	[sflag:s15] =	ssyncset.done $0x0  }
0xb6: {  	s21 =	simm.s32 $0x12;
	[sflag:s15] =	ssyncadd.s32 $0xFFFFF380  }
0xb7: {  	_ =	swait.ge [sflag:s21], $0x28  }
0xb8: {  	[sflag:s21] =	ssyncset.done $0x0  }
0xb9: {  	s7 =	simm.s32 @p0 $0xA528;
	s13 =	simm.s32 @p0 $0x7E90;
	[sflag:s21] =	ssyncadd.s32 $0xFFFFFFD8  }
0xba: {  	[spmem:s2] =	stream.indirect.scatter.add.f32 @p0 [tilespmem:s13], [sflag:$0x15], $0x50, s7, s5, $0xb8;
	[tilespmem:$0x16DA0] =	vst v63  }
0xbb: {  	_ =	swait.ge @p0 [sflag:s6], $0xC80  }
0xbc: {  	[sflag:s6] =	ssyncset.done @p0 $0x0  }
0xbd: {  	s5 =	simm.s32 @p0 $0x9;
	[sflag:s6] =	ssyncadd.s32 @p0 $0xFFFFF380  }
0xbe: {  	_ =	swait.ge @p0 [sflag:s5], $0xC80  }
0xbf: {  	[sflag:s5] =	ssyncset.done @p0 $0x0  }
0xc0: {  	s6 =	simm.s32 @p0 $0x13;
	[sflag:s5] =	ssyncadd.s32 @p0 $0xFFFFF380  }
0xc1: {  	_ =	swait.ge @p0 [sflag:s6], $0x28  }
0xc2: {  	s7 =	simm.s32 @!p0 $0x1E0;
	[sflag:s6] =	ssyncset.done @p0 $0x0  }
0xc3: {  	s5 =	rddreg [dreg:$0x5];
	[sflag:s6] =	ssyncadd.s32 @p0 $0xFFFFFFD8;
	s6 =	simm.s32 @!p0 $0x4010  }
0xc4: {  	[tilespmem:s6], [sflag:$0x3] =	stream.indirect.gather @!p0 [hbm4b:s4+s0], $0x50, s7, s0, $0xb8;
	[tilespmem:$0x16DA0] =	vst v63  }
0xc5: {  	s5 =	sadd.s32 @!p0 s23, s5;
	s6 =	simm.s32 @!p0 $0xA460  }
0xc6: {  	[tilespmem:s6], [sflag:$0xD] =	stream.linear.gather @!p0 [hbm4b:s5+s1], $0x28, $0x38;
	[tilespmem:$0x16DA0] =	vst v63  }
0xc7: {  	s5 =	simm.s32 @!p0 $0xA528;
	s6 =	simm.s32 @!p0 $0x7E90  }
0xc8: {  	[spmem:s2] =	stream.indirect.scatter.add.f32 @!p0 [tilespmem:s6], [sflag:$0x15], $0x50, s5, s0, $0xb8;
	[tilespmem:$0x16DA0] =	vst v63  }
0xc9: {  	_ =	swait.ge @!p0 [sflag:s14], $0xC80  }
0xca: {  	[sflag:s14] =	ssyncset.done @!p0 $0x0  }
0xcb: {  	s5 =	simm.s32 @!p0 $0x9;
	[sflag:s14] =	ssyncadd.s32 @!p0 $0xFFFFF380  }
0xcc: {  	_ =	swait.ge @!p0 [sflag:s5], $0xC80  }
0xcd: {  	[sflag:s5] =	ssyncset.done @!p0 $0x0  }
0xce: {  	s6 =	simm.s32 @!p0 $0x13;
	[sflag:s5] =	ssyncadd.s32 @!p0 $0xFFFFF380  }
0xcf: {  	_ =	swait.ge @!p0 [sflag:s6], $0x28  }
0xd0: {  	s7 =	simm.s32 @!p0 $0x208;
	[sflag:s6] =	ssyncset.done @!p0 $0x0  }
0xd1: {  	s5 =	rddreg [dreg:$0x4];
	[sflag:s6] =	ssyncadd.s32 @!p0 $0xFFFFFFD8;
	s6 =	simm.s32 @!p0 $0x4C90  }
0xd2: {  	[tilespmem:s6], [sflag:$0x4] =	stream.indirect.gather @!p0 [hbm4b:s4+s0], $0x50, s7, s0, $0xb8;
	[tilespmem:$0x16DA0] =	vst v63  }
0xd3: {  	s5 =	sadd.s32 @!p0 s23, s5;
	s6 =	simm.s32 @!p0 $0xA488  }
0xd4: {  	[tilespmem:s6], [sflag:$0xE] =	stream.linear.gather @!p0 [hbm4b:s5+s1], $0x28, $0x38;
	[tilespmem:$0x16DA0] =	vst v63  }
0xd5: {  	s25 =	simm.s32 $0xA550  }
0xd6: {  	[spmem:s2] =	stream.indirect.scatter.add.f32 [tilespmem:s24], [sflag:$0x15], $0x50, s25, s18, $0xb8;
	[tilespmem:$0x16DA0] =	vst v63  }
0xd7: {  	_ =	swait.ge [sflag:s17], $0xC80  }
0xd8: {  	[sflag:s17] =	ssyncset.done $0x0  }
0xd9: {  	s24 =	simm.s32 $0xA;
	[sflag:s17] =	ssyncadd.s32 $0xFFFFF380  }
0xda: {  	_ =	swait.ge [sflag:s24], $0xC80  }
0xdb: {  	[sflag:s24] =	ssyncset.done $0x0  }
0xdc: {  	s28 =	simm.s32 $0x4;
	s25 =	simm.s32 $0x14;
	[sflag:s24] =	ssyncadd.s32 $0xFFFFF380  }
0xdd: {  	s29 =	simm.s32 $0x640;
	s22 =	simm.s32 $0x0;
	_ =	swait.ge [sflag:s25], $0x28  }
0xde: {  	s3 =	simm.s32 $0xA578;
	s7 =	simm.s32 @!p0 $0x5910;
	[sflag:s25] =	ssyncset.done $0x0  }
0xdf: {  	s6 =	simm.s32 @!p0 $0x230;
	s5 =	rddreg [dreg:$0x6];
	[sflag:s25] =	ssyncadd.s32 $0xFFFFFFD8  }
0xe0: {  	[tilespmem:s7], [sflag:$0x5] =	stream.indirect.gather @!p0 [hbm4b:s4+s0], $0x50, s6, s0, $0xb8;
	[tilespmem:$0x16DA0] =	vst v63  }
0xe1: {  	s16 =	simm.s32 $0x9790;
	s5 =	sadd.s32 @!p0 s23, s5;
	s0 =	simm.s32 @!p0 $0xA4B0  }
0xe2: {  	[tilespmem:s0], [sflag:$0xF] =	stream.linear.gather @!p0 [hbm4b:s5+s1], $0x28, $0x38;
	[tilespmem:$0x16DA0] =	vst v63  }
0xe3: {  	s31 =	sadd.s32 $0x190, s8;
	s21 =	simm.s32 $0xE;
	s24 =	simm.s32 $0x3  }
0xe4: {  	[spmem:s2] =	stream.indirect.scatter.add.f32 [tilespmem:s16], [sflag:$0x15], $0x50, s3, s18, $0xb8;
	[tilespmem:$0x16DA0] =	vst v63  }
0xe5: {  	s25 =	simm.s32 $0xD;
	s5 =	smov.u32 s23;
	_ =	swait.ge [sflag:s17], $0xC80  }
.LBB2_2:
0xe6: {  	[sflag:s17] =	ssyncset.done $0x0  }
0xe7: {  	s0 =	simm.s32 $0x1;
	[sflag:s17] =	ssyncadd.s32 $0xFFFFF380  }
0xe8: {  	_ =	swait.ge [sflag:s0], $0xC80  }
0xe9: {  	[sflag:s0] =	ssyncset.done $0x0  }
0xea: {  	s8 =	simm.s32 $0xB;
	[sflag:s0] =	ssyncadd.s32 $0xFFFFF380  }
0xeb: {  	s5 =	sadd.s32 $0x32, s5;
	s1 =	smov.u32 s29;
	_ =	swait.ge [sflag:s8], $0x28  }
0xec: {  	s6 =	sshra.s32 s1, $0x2;
	s9 =	rddreg [dreg:$0xc];
	[sflag:s8] =	ssyncset.done $0x0  }
0xed: {  	s13 =	sadd.s32 $0xC8, s6;
	s7 =	rddreg [dreg:$0xb];
	[sflag:s8] =	ssyncadd.s32 $0xFFFFFFD8  }
0xee: {  	[tilespmem:s9], [sflag:$0x6] =	stream.indirect.gather [hbm4b:s4+s18], $0x50, s13, s18, $0xb8;
	[tilespmem:$0x16DA0] =	vst v63  }
0xef: {  	s14 =	rddreg [dreg:$0xd];
	s12 =	sadd.s32 s5, s7  }
0xf0: {  	[tilespmem:s14], [sflag:$0x10] =	stream.linear.gather [hbm4b:s12+s22], $0x28, $0x38;
	[tilespmem:$0x16DA0] =	vst v63  }
0xf1: {  	_ = 	snop  }
0xf2: {  	[spmem:s2] =	stream.indirect.scatter.add.f32 [tilespmem:s10], [sflag:$0x15], $0x50, s11, s18, $0xb8;
	[tilespmem:$0x16DA0] =	vst v63  }
0xf3: {  	_ =	swait.ge [sflag:s17], $0xC80  }
0xf4: {  	[sflag:s17] =	ssyncset.done $0x0  }
0xf5: {  	s13 =	simm.s32 $0x2;
	[sflag:s17] =	ssyncadd.s32 $0xFFFFF380  }
0xf6: {  	_ =	swait.ge [sflag:s13], $0xC80  }
0xf7: {  	[sflag:s13] =	ssyncset.done $0x0  }
0xf8: {  	s3 =	simm.s32 $0xC;
	[sflag:s13] =	ssyncadd.s32 $0xFFFFF380  }
0xf9: {  	_ =	swait.ge [sflag:s3], $0x28  }
0xfa: {  	s15 =	sadd.s32 $0xF0, s6;
	[sflag:s3] =	ssyncset.done $0x0  }
0xfb: {  	s12 =	simm.s32 $0x7210;
	s14 =	rddreg [dreg:$0xa];
	[sflag:s3] =	ssyncadd.s32 $0xFFFFFFD8  }
0xfc: {  	[tilespmem:s12], [sflag:$0x7] =	stream.indirect.gather [hbm4b:s4+s18], $0x50, s15, s18, $0xb8;
	[tilespmem:$0x16DA0] =	vst v63  }
0xfd: {  	s9 =	simm.s32 $0xA500;
	s0 =	sadd.s32 s5, s14  }
0xfe: {  	[tilespmem:s9], [sflag:$0x11] =	stream.linear.gather [hbm4b:s0+s22], $0x28, $0x38;
	[tilespmem:$0x16DA0] =	vst v63  }
0xff: {  	_ = 	snop  }
0x100: {  	[spmem:s2] =	stream.indirect.scatter.add.f32 [tilespmem:s19], [sflag:$0x15], $0x50, s26, s18, $0xb8;
	[tilespmem:$0x16DA0] =	vst v63  }
0x101: {  	_ =	swait.ge [sflag:s17], $0xC80  }
0x102: {  	[sflag:s17] =	ssyncset.done $0x0  }
0x103: {  	[sflag:s17] =	ssyncadd.s32 $0xFFFFF380  }
0x104: {  	_ =	swait.ge [sflag:s24], $0xC80  }
0x105: {  	[sflag:s24] =	ssyncset.done $0x0  }
0x106: {  	[sflag:s24] =	ssyncadd.s32 $0xFFFFF380  }
0x107: {  	_ =	swait.ge [sflag:s25], $0x28  }
0x108: {  	s19 =	rddreg [dreg:$0xe];
	[sflag:s25] =	ssyncset.done $0x0  }
0x109: {  	s26 =	sadd.s32 $0x118, s6;
	s20 =	rddreg [dreg:$0x9];
	[sflag:s25] =	ssyncadd.s32 $0xFFFFFFD8  }
0x10a: {  	[tilespmem:s19], [sflag:$0x8] =	stream.indirect.gather [hbm4b:s4+s18], $0x50, s26, s18, $0xb8;
	[tilespmem:$0x16DA0] =	vst v63  }
0x10b: {  	s3 =	rddreg [dreg:$0xf];
	s8 =	sadd.s32 s5, s20  }
0x10c: {  	[tilespmem:s3], [sflag:$0x12] =	stream.linear.gather [hbm4b:s8+s22], $0x28, $0x38;
	[tilespmem:$0x16DA0] =	vst v63  }
0x10d: {  	s10 =	simm.s32 $0xA460  }
0x10e: {  	[spmem:s2] =	stream.indirect.scatter.add.f32 [tilespmem:s30], [sflag:$0x15], $0x50, s10, s18, $0xb8;
	[tilespmem:$0x16DA0] =	vst v63  }
0x10f: {  	_ =	swait.ge [sflag:s17], $0xC80  }
0x110: {  	[sflag:s17] =	ssyncset.done $0x0  }
0x111: {  	[sflag:s17] =	ssyncadd.s32 $0xFFFFF380  }
0x112: {  	_ =	swait.ge [sflag:s28], $0xC80  }
0x113: {  	[sflag:s28] =	ssyncset.done $0x0  }
0x114: {  	[sflag:s28] =	ssyncadd.s32 $0xFFFFF380  }
0x115: {  	_ =	swait.ge [sflag:s21], $0x28  }
0x116: {  	s13 =	sadd.s32 $0x140, s6;
	[sflag:s21] =	ssyncset.done $0x0  }
0x117: {  	s20 =	simm.s32 $0x8B10;
	s11 =	rddreg [dreg:$0x8];
	[sflag:s21] =	ssyncadd.s32 $0xFFFFFFD8  }
0x118: {  	[tilespmem:s20], [sflag:$0x9] =	stream.indirect.gather [hbm4b:s4+s18], $0x50, s13, s18, $0xb8;
	[tilespmem:$0x16DA0] =	vst v63  }
0x119: {  	s15 =	simm.s32 $0xA550;
	s0 =	sadd.s32 s5, s11  }
0x11a: {  	[tilespmem:s15], [sflag:$0x13] =	stream.linear.gather [hbm4b:s0+s22], $0x28, $0x38;
	[tilespmem:$0x16DA0] =	vst v63  }
0x11b: {  	s14 =	simm.s32 $0x4C90;
	s19 =	simm.s32 $0xA488  }
0x11c: {  	[spmem:s2] =	stream.indirect.scatter.add.f32 [tilespmem:s14], [sflag:$0x15], $0x50, s19, s18, $0xb8;
	[tilespmem:$0x16DA0] =	vst v63  }
0x11d: {  	_ =	swait.ge [sflag:s17], $0xC80  }
0x11e: {  	[sflag:s17] =	ssyncset.done $0x0  }
0x11f: {  	s26 =	simm.s32 $0x5;
	[sflag:s17] =	ssyncadd.s32 $0xFFFFF380  }
0x120: {  	_ =	swait.ge [sflag:s26], $0xC80  }
0x121: {  	[sflag:s26] =	ssyncset.done $0x0  }
0x122: {  	s0 =	simm.s32 $0xF;
	[sflag:s26] =	ssyncadd.s32 $0xFFFFF380  }
0x123: {  	_ =	swait.ge [sflag:s0], $0x28  }
0x124: {  	[sflag:s0] =	ssyncset.done $0x0  }
0x125: {  	s6 =	sadd.s32 $0x168, s6;
	s3 =	rddreg [dreg:$0x7];
	[sflag:s0] =	ssyncadd.s32 $0xFFFFFFD8  }
0x126: {  	[tilespmem:s16], [sflag:$0xA] =	stream.indirect.gather [hbm4b:s4+s18], $0x50, s6, s18, $0xb8;
	[tilespmem:$0x16DA0] =	vst v63  }
0x127: {  	s0 =	sadd.s32 s5, s3;
	s3 =	simm.s32 $0xA578  }
0x128: {  	[tilespmem:s3], [sflag:$0x14] =	stream.linear.gather [hbm4b:s0+s22], $0x28, $0x38;
	[tilespmem:$0x16DA0] =	vst v63  }
0x129: {  	s7 =	simm.s32 $0x5910;
	s8 =	simm.s32 $0xA4B0  }
0x12a: {  	[spmem:s2] =	stream.indirect.scatter.add.f32 [tilespmem:s7], [sflag:$0x15], $0x50, s8, s18, $0xb8;
	[tilespmem:$0x16DA0] =	vst v63  }
0x12b: {  	_ =	swait.ge [sflag:s17], $0xC80  }
0x12c: {  	[sflag:s17] =	ssyncset.done $0x0  }
0x12d: {  	s10 =	simm.s32 $0x6;
	[sflag:s17] =	ssyncadd.s32 $0xFFFFF380  }
0x12e: {  	_ =	swait.ge [sflag:s10], $0xC80  }
0x12f: {  	[sflag:s10] =	ssyncset.done $0x0  }
0x130: {  	s11 =	simm.s32 $0x10;
	[sflag:s10] =	ssyncadd.s32 $0xFFFFF380  }
0x131: {  	p1 =	seq.s32 s1, $0x9600;
	_ =	swait.ge [sflag:s11], $0x28  }
0x132: {  	s19 =	simm.s32 @p1 $0x28;
	s6 =	simm.s32 @p1 $0x6590;
	[sflag:s11] =	ssyncset.done $0x0  }
0x133: {  	s16 =	simm.s32 @p1 $0x15;
	s0 =	simm.s32 @p1 $0xA4D8;
	[sflag:s11] =	ssyncadd.s32 $0xFFFFFFD8  }
0x134: {  	[spmem:s2] =	stream.indirect.scatter.add.f32 @p1 [tilespmem:s6], [sflag:$0x15], $0x50, s0, s19, $0xb8;
	[tilespmem:$0x16DA0] =	vst v63  }
0x135: {  	_ =	swait.ge @p1 [sflag:s16], $0xC80  }
0x136: {  	[sflag:s16] =	ssyncset.done @p1 $0x0  }
0x137: {  	s7 =	simm.s32 @p1 $0x7;
	[sflag:s16] =	ssyncadd.s32 @p1 $0xFFFFF380  }
0x138: {  	_ =	swait.ge @p1 [sflag:s7], $0xC80  }
0x139: {  	[sflag:s7] =	ssyncset.done @p1 $0x0  }
0x13a: {  	s1 =	sshra.s32 @!p1 s1, $0x2;
	s30 =	simm.s32 @p1 $0x11;
	[sflag:s7] =	ssyncadd.s32 @p1 $0xFFFFF380  }
0x13b: {  	s8 =	simm.s32 @!p1 $0x2710;
	s11 =	smov.u32 s23;
	_ =	swait.ge @p1 [sflag:s30], $0x28  }
0x13c: {  	s0 =	sadd.s32 @!p1 $0x190, s1;
	s6 =	sshrl.u32 @!p1 s31, $0x3;
	[sflag:s30] =	ssyncset.done @p1 $0x0  }
0x13d: {  	s23 =	sadd.s32 @!p1 s23, s6;
	s6 =	simm.s32 @!p1 $0x28;
	[sflag:s30] =	ssyncadd.s32 @p1 $0xFFFFFFD8  }
0x13e: {  	[tilespmem:s8], [sflag:$0x1] =	stream.indirect.gather @!p1 [hbm4b:s4+s6], $0x50, s0, s6, $0xb8;
	[tilespmem:$0x16DA0] =	vst v63  }
0x13f: {  	s7 =	simm.s32 @!p1 $0x0;
	s30 =	simm.s32 @!p1 $0xA410  }
0x140: {  	[tilespmem:s30], [sflag:$0xB] =	stream.linear.gather @!p1 [hbm4b:s23+s7], $0x28, $0x38;
	[tilespmem:$0x16DA0] =	vst v63  }
0x141: {  	s10 =	simm.s32 @!p1 $0x6590;
	s8 =	simm.s32 @!p1 $0xA4D8;
	s0 =	simm.s32 @!p1 $0x15  }
0x142: {  	[spmem:s2] =	stream.indirect.scatter.add.f32 @!p1 [tilespmem:s10], [sflag:$0x15], $0x50, s8, s6, $0xb8;
	[tilespmem:$0x16DA0] =	vst v63  }
0x143: {  	_ =	swait.ge @!p1 [sflag:s0], $0xC80  }
0x144: {  	[sflag:s0] =	ssyncset.done @!p1 $0x0  }
0x145: {  	s8 =	simm.s32 @!p1 $0x7;
	[sflag:s0] =	ssyncadd.s32 @!p1 $0xFFFFF380  }
0x146: {  	_ =	swait.ge @!p1 [sflag:s8], $0xC80  }
0x147: {  	[sflag:s8] =	ssyncset.done @!p1 $0x0  }
0x148: {  	s10 =	simm.s32 @!p1 $0x11;
	[sflag:s8] =	ssyncadd.s32 @!p1 $0xFFFFF380  }
0x149: {  	_ =	swait.ge @!p1 [sflag:s10], $0x28  }
0x14a: {  	s26 =	sadd.s32 @!p1 $0x1B8, s1;
	[sflag:s10] =	ssyncset.done @!p1 $0x0  }
0x14b: {  	s8 =	simm.s32 @!p1 $0x3390;
	s23 =	rddreg [dreg:$0x3];
	[sflag:s10] =	ssyncadd.s32 @!p1 $0xFFFFFFD8  }
0x14c: {  	[tilespmem:s8], [sflag:$0x2] =	stream.indirect.gather @!p1 [hbm4b:s4+s6], $0x50, s26, s6, $0xb8;
	[tilespmem:$0x16DA0] =	vst v63  }
0x14d: {  	s10 =	simm.s32 @!p1 $0xA438;
	s8 =	sadd.s32 @!p1 s5, s23  }
0x14e: {  	[tilespmem:s10], [sflag:$0xC] =	stream.linear.gather @!p1 [hbm4b:s8+s7], $0x28, $0x38;
	[tilespmem:$0x16DA0] =	vst v63  }
0x14f: {  	_ = 	snop  }
0x150: {  	[spmem:s2] =	stream.indirect.scatter.add.f32 [tilespmem:s12], [sflag:$0x15], $0x50, s9, s18, $0xb8;
	[tilespmem:$0x16DA0] =	vst v63  }
0x151: {  	_ =	swait.ge [sflag:s17], $0xC80  }
0x152: {  	[sflag:s17] =	ssyncset.done $0x0  }
0x153: {  	s12 =	simm.s32 $0x8;
	[sflag:s17] =	ssyncadd.s32 $0xFFFFF380  }
0x154: {  	_ =	swait.ge [sflag:s12], $0xC80  }
0x155: {  	[sflag:s12] =	ssyncset.done $0x0  }
0x156: {  	s9 =	simm.s32 $0x12;
	[sflag:s12] =	ssyncadd.s32 $0xFFFFF380  }
0x157: {  	_ =	swait.ge [sflag:s9], $0x28  }
0x158: {  	[sflag:s9] =	ssyncset.done $0x0  }
0x159: {  	s8 =	simm.s32 @p1 $0xA528;
	s10 =	simm.s32 @p1 $0x7E90;
	[sflag:s9] =	ssyncadd.s32 $0xFFFFFFD8  }
0x15a: {  	[spmem:s2] =	stream.indirect.scatter.add.f32 @p1 [tilespmem:s10], [sflag:$0x15], $0x50, s8, s19, $0xb8;
	[tilespmem:$0x16DA0] =	vst v63  }
0x15b: {  	_ =	swait.ge @p1 [sflag:s16], $0xC80  }
0x15c: {  	[sflag:s16] =	ssyncset.done @p1 $0x0  }
0x15d: {  	s8 =	simm.s32 @p1 $0x9;
	[sflag:s16] =	ssyncadd.s32 @p1 $0xFFFFF380  }
0x15e: {  	_ =	swait.ge @p1 [sflag:s8], $0xC80  }
0x15f: {  	[sflag:s8] =	ssyncset.done @p1 $0x0  }
0x160: {  	s10 =	simm.s32 @p1 $0x13;
	[sflag:s8] =	ssyncadd.s32 @p1 $0xFFFFF380  }
0x161: {  	_ =	swait.ge @p1 [sflag:s10], $0x28  }
0x162: {  	s14 =	sadd.s32 @!p1 $0x1E0, s1;
	[sflag:s10] =	ssyncset.done @p1 $0x0  }
0x163: {  	s8 =	simm.s32 @!p1 $0x4010;
	s16 =	rddreg [dreg:$0x5];
	[sflag:s10] =	ssyncadd.s32 @p1 $0xFFFFFFD8  }
0x164: {  	[tilespmem:s8], [sflag:$0x3] =	stream.indirect.gather @!p1 [hbm4b:s4+s6], $0x50, s14, s6, $0xb8;
	[tilespmem:$0x16DA0] =	vst v63  }
0x165: {  	s10 =	simm.s32 @!p1 $0xA460;
	s8 =	sadd.s32 @!p1 s5, s16  }
0x166: {  	[tilespmem:s10], [sflag:$0xD] =	stream.linear.gather @!p1 [hbm4b:s8+s7], $0x28, $0x38;
	[tilespmem:$0x16DA0] =	vst v63  }
0x167: {  	s14 =	simm.s32 @!p1 $0xA528;
	s16 =	simm.s32 @!p1 $0x7E90  }
0x168: {  	[spmem:s2] =	stream.indirect.scatter.add.f32 @!p1 [tilespmem:s16], [sflag:$0x15], $0x50, s14, s6, $0xb8;
	[tilespmem:$0x16DA0] =	vst v63  }
0x169: {  	_ =	swait.ge @!p1 [sflag:s0], $0xC80  }
0x16a: {  	[sflag:s0] =	ssyncset.done @!p1 $0x0  }
0x16b: {  	s8 =	simm.s32 @!p1 $0x9;
	[sflag:s0] =	ssyncadd.s32 @!p1 $0xFFFFF380  }
0x16c: {  	_ =	swait.ge @!p1 [sflag:s8], $0xC80  }
0x16d: {  	[sflag:s8] =	ssyncset.done @!p1 $0x0  }
0x16e: {  	s0 =	simm.s32 @!p1 $0x13;
	[sflag:s8] =	ssyncadd.s32 @!p1 $0xFFFFF380  }
0x16f: {  	_ =	swait.ge @!p1 [sflag:s0], $0x28  }
0x170: {  	s13 =	sadd.s32 @!p1 $0x208, s1;
	[sflag:s0] =	ssyncset.done @!p1 $0x0  }
0x171: {  	s8 =	simm.s32 @!p1 $0x4C90;
	s10 =	rddreg [dreg:$0x4];
	[sflag:s0] =	ssyncadd.s32 @!p1 $0xFFFFFFD8  }
0x172: {  	[tilespmem:s8], [sflag:$0x4] =	stream.indirect.gather @!p1 [hbm4b:s4+s6], $0x50, s13, s6, $0xb8;
	[tilespmem:$0x16DA0] =	vst v63  }
0x173: {  	s0 =	simm.s32 @!p1 $0xA488;
	s8 =	sadd.s32 @!p1 s5, s10  }
0x174: {  	[tilespmem:s0], [sflag:$0xE] =	stream.linear.gather @!p1 [hbm4b:s8+s7], $0x28, $0x38;
	[tilespmem:$0x16DA0] =	vst v63  }
0x175: {  	_ = 	snop  }
0x176: {  	[spmem:s2] =	stream.indirect.scatter.add.f32 [tilespmem:s20], [sflag:$0x15], $0x50, s15, s18, $0xb8;
	[tilespmem:$0x16DA0] =	vst v63  }
0x177: {  	_ =	swait.ge [sflag:s17], $0xC80  }
0x178: {  	[sflag:s17] =	ssyncset.done $0x0  }
0x179: {  	s15 =	simm.s32 $0xA;
	[sflag:s17] =	ssyncadd.s32 $0xFFFFF380  }
0x17a: {  	_ =	swait.ge [sflag:s15], $0xC80  }
0x17b: {  	s29 =	sadd.s32 $0x640, s29;
	[sflag:s15] =	ssyncset.done $0x0  }
0x17c: {  	p0 =	sne.s32 s29, $0x9C40;
	s20 =	simm.s32 $0x14;
	[sflag:s15] =	ssyncadd.s32 $0xFFFFF380  }
0x17d: {  	s1 =	sadd.s32 @!p1 $0x230, s1;
	s31 =	sadd.s32 $0x190, s31;
	_ =	swait.ge [sflag:s20], $0x28  }
0x17e: {  	s30 =	simm.s32 $0x4010;
	s26 =	simm.s32 $0xA438;
	[sflag:s20] =	ssyncset.done $0x0  }
0x17f: {  	s0 =	simm.s32 @!p1 $0x5910;
	s8 =	rddreg [dreg:$0x6];
	[sflag:s20] =	ssyncadd.s32 $0xFFFFFFD8  }
0x180: {  	[tilespmem:s0], [sflag:$0x5] =	stream.indirect.gather @!p1 [hbm4b:s4+s6], $0x50, s1, s6, $0xb8;
	[tilespmem:$0x16DA0] =	vst v63  }
.Ltmp0:
0x181: {  	s10 =	simm.s32 @!p1 $0xA4B0;
	s0 =	sadd.s32 @!p1 s5, s8;
	(pc) =	sbr.rel @p0 .LBB2_2-.Ltmp0, $4  }
0x182: {  	[tilespmem:s10], [sflag:$0xF] =	stream.linear.gather @!p1 [hbm4b:s0+s7], $0x28, $0x38;
	[tilespmem:$0x16DA0] =	vst v63  }
0x183: {  	s23 =	smov.u32 s11;
	s11 =	simm.s32 $0xA410;
	s16 =	simm.s32 $0x9790  }
0x184: {  	[spmem:s2] =	stream.indirect.scatter.add.f32 [tilespmem:s16], [sflag:$0x15], $0x50, s3, s18, $0xb8;
	[tilespmem:$0x16DA0] =	vst v63  }
0x185: {  	s19 =	simm.s32 $0x3390;
	s10 =	simm.s32 $0x2710;
	_ =	swait.ge [sflag:s17], $0xC80  }
0x186: {  	[sflag:s17] =	ssyncset.done $0x0  }
0x187: {  	[sflag:s17] =	ssyncadd.s32 $0xFFFFF380  }
0x188: {  	[bflag:$0x0] =	sbarrier.arrive $0xFFFF  }
0x189: {  	s0 =	rddreg [dreg:$0x18]  }
0x18a: {  	s1 =	rddreg [dreg:$0x1c]  }
0x18b: {  	s5 =	rddreg [dreg:$0x1d]  }
0x18c: {  	[hbm:s0], [sflag:s1] =	dma.local [spmem:s5], $0x1900  }
0x18d: {  	s7 =	simm.s32 $0xA460;
	_ =	swait.ge [sflag:s17], $0x1900  }
0x18e: {  	s8 =	simm.s32 $0x4C90;
	s13 =	simm.s32 $0xA488;
	s6 =	rddreg [dreg:$0x1b]  }
0x18f: {  	s14 =	simm.s32 $0x5910;
	s25 =	rddreg [dreg:$0x19];
	s6 =	sadd.s32 $0x1, s6  }
0x190: {  	s16 =	simm.s32 $0xA4B0;
	s9 =	simm.s32 $0x2;
	p0 =	sne.s32 s6, s25  }
.Ltmp1:
0x191: {  	s20 =	simm.s32 $0xC;
	s21 =	simm.s32 $0x7210;
	(pc) =	sbr.rel @p0 .LBB2_1-.Ltmp1, $4  }
0x192: {  	s31 =	simm.s32 $0xA500;
	s24 =	simm.s32 $0x3;
	s28 =	simm.s32 $0x4  }
0x193: {  	s29 =	simm.s32 $0xE;
	s22 =	simm.s32 $0xA550;
	s15 =	simm.s32 $0xA578  }
0x194: {  	s3 =	simm.s32 $0x0;
	s1 =	simm.s32 $0x1;
	[sflag:s17] =	ssyncset.done $0x0  }
0x195: {  	s5 =	simm.s32 $0xB;
	[sflag:s17] =	ssyncadd.s32 $0xFFFFE700;
	s25 =	simm.s32 $0xD  }
0x196: {  	_ =	sfence.sel $0x180000  }
0x197: {  	[bflag:$0x0] =	sbarrier.arrive $0xFFFF  }
0x198: {  	_ =	strace $0x9000004A  }
0x199: {  	s0 =	stileid.u32;
	[bflag:$0x2] =	sbarrier.arrive $0xFFFF  }
0x19a: {  	p0 =	sne.s32 s0, $0x0;
	s0 =	rddreg [dreg:$0x2]  }
0x19b: {  	s0 =	sadd.s32 @!p0 $0x100000, s0  }
0x19c: {  	[sflag:s0] =	ssyncadd.tile.s32 @!p0 $0x1;
	_ =	shalt  }
.Lfunc_end2:
_tile_overlayer_lowered:
.L_overlay_start_2:
0x19d: {  	(tag) =	ssettag $0x2  }
0x19e: {  	s0 =	rddreg [dreg:$0x0];
	s2 =	stileid.u32  }
0x19f: {  	s1 =	rddreg [dreg:$0x1];
	p0 =	sne.s32 s2, $0x0  }
0x1a0: {  	s3 =	rddreg [dreg:$0x2];
	[bflag:$0x3] =	sbarrier.arrive $0xFFFF;
	s2 =	simm.s32 @!p0 $0x1C15  }
0x1a1: {  	[timem:s3], [sflag:s2] =	dma.local @!p0 [hbm:s0], s1  }
0x1a2: {  	s0 =	simm.s32 @!p0 $0x15  }
0x1a3: {  	_ =	swait.ge @!p0 [sflag:s0], s1  }
0x1a4: {  	s1 =	ssub.s32 @!p0 $0x0, s1;
	[sflag:s0] =	ssyncset.done @!p0 $0x0  }
0x1a5: {  	[sflag:s0] =	ssyncadd.s32 @!p0 s1  }
0x1a6: {  	[bflag:$0x3] =	sbarrier.arrive $0xFFFF  }
0x1a7: {  	_ =	shalt  }

// kernel: kernel.15.cloned.1.call-start
scs
__scs_entry_jumppad:
0x0: {  	(pc) =	sbr.rel $0x88, $3  }
0x1: {  	(tag) =	ssettag $0x0;
	lr =	simm.s32 $0x1  }
0x2: {  	[smem:$0x3F94] =	sst lr;
	_ =	strace $0xD0000000  }
0x3: {  	_ = 	snop  }
0x4: {  	_ = 	snop  }
0x5: {  	_ = 	snop  }
0x6: {  	_ = 	snop  }
0x7: {  	_ = 	snop  }
__scs_overlays_trampoline_lowered:
0x8: {  	[smem:$0x3FA3] =	sst s0  }
0x9: {  	[smem:$0x3FA4] =	sst s1  }
0xa: {  	[smem:$0x3FA5] =	sst s2  }
0xb: {  	[smem:$0x3FA6] =	sst s3  }
0xc: {  	[smem:$0x3FA7] =	sst s4  }
0xd: {  	[smem:$0x3FA8] =	sst s5  }
0xe: {  	[smem:$0x3FA9] =	sst s6  }
0xf: {  	[smem:$0x3FAA] =	sst s7  }
0x10: {  	[smem:$0x3FAB] =	sst s8  }
0x11: {  	[smem:$0x3FAC] =	sst s9;
	s0 =	simm.s32 @!p0 $0x0  }
0x12: {  	s1 =	sld [smem:$0x3F92];
	s0 =	simm.s32 @p0 $0x1  }
0x13: {  	[smem:$0x3FAD] =	sst s0;
	s0 =	simm.s32 @!p1 $0x0  }
0x14: {  	s2 =	sld [smem:$0x3F91];
	s0 =	simm.s32 @p1 $0x1  }
0x15: {  	[smem:$0x3FAE] =	sst s0;
	s0 =	simm.s32 @!p2 $0x0  }
0x16: {  	s3 =	sld [smem:$0x3FDB];
	s0 =	simm.s32 @p2 $0x1  }
0x17: {  	s4 =	simm.s32 $0x1BF5;
	[smem:$0x3FB0] =	sst s0  }
0x18: {  	s0 =	sld [smem:$0x3F93];
	_ =	swait.ge [sflag:s4], $0x0  }
0x19: {  	s7 =	sld [smem:$0x3F94]  }
0x1a: {  	s8 =	sadd.s32 $0xFFFFE003, lr  }
0x1b: {  	s9 =	sadd.s32 $0xFFFFFEF7, lr;
	s5 =	simm.s32 $0xFFFFFFFF;
	p2 =	slt.u32 s8, $0xFFFFF086  }
0x1c: {  	p1 =	slt.u32 s9, $0xF7A;
	s5 =	simm.s32 @!p2 $0x0  }
0x1d: {  	s5 =	simm.s32 @p1 $0x1;
	p0 =	seq.s32 s7, s2  }
0x1e: {  	s7 =	smul.u32 @!p0 $0xF7A, s2;
	p2 =	seq.s32 @!p0 s5, $0x0  }
0x1f: {  	s9 =	smul.u32 $0xF7A, s1;
	s8 =	simm.s32 @!p0 $0x1BF5;
	p2 =	por !p2, p0  }
0x20: {  	[sflag:s8] =	ssyncset.s32 @!p0 $0xFFFFF086;
	s6 =	sadd.s32 @!p0 s3, s7;
	s7 =	simm.s32 @!p0 $0x108  }
0x21: {  	s3 =	sadd.s32 s3, s9;
	s6 =	sadd.s32 @!p0 $0x88, s6;
	s7 =	simm.s32 @p2 $0x1082  }
0x22: {  	[simem:s7], [sflag:s8] =	dma.local @!p0 [hbm:s6], $0xF7A  }
0x23: {  	s9 =	sor.u32 $0xD0000000, s2;
	s6 =	simm.s32 $0x108;
	_ =	swait.ge @!p0 [sflag:s8], $0x0  }
0x24: {  	s3 =	sadd.s32 $0x88, s3;
	s6 =	simm.s32 @!p1 $0x1082;
	[sflag:s4] =	ssyncset.s32 $0xFFFFF086  }
0x25: {  	[simem:s6], [sflag:s4] =	dma.local [hbm:s3], $0xF7A  }
0x26: {  	[smem:$0x3F94] =	sst s1;
	(tag) =	ssettag s2;
	_ =	strace s9  }
0x27: {  	s1 =	sld [smem:$0x3FA4]  }
0x28: {  	s2 =	sld [smem:$0x3FA5]  }
0x29: {  	s4 =	sld [smem:$0x3FA7]  }
0x2a: {  	p0 =	seq.s32 s5, $0x0;
	s5 =	sld [smem:$0x3FA8]  }
0x2b: {  	s6 =	sld [smem:$0x3FA9]  }
0x2c: {  	s7 =	sld [smem:$0x3FAA]  }
0x2d: {  	s3 =	simm.s32 $0x108;
	s8 =	sld [smem:$0x3FAB]  }
0x2e: {  	s3 =	simm.s32 @!p0 $0x1082;
	s9 =	sld [smem:$0x3FAC]  }
0x2f: {  	lr =	sadd.s32 s0, s3;
	s0 =	sld [smem:$0x3FA3]  }
0x30: {  	s3 =	sld [smem:$0x3FA6]  }
0x31: {  	[smem:$0x3FAF] =	sst s10  }
0x32: {  	s10 =	sld [smem:$0x3FAD];
	_ =	sdelay $0x3  }
0x33: {  	p0 =	seq.s32 s10, $0x1;
	s10 =	sld [smem:$0x3FAF];
	_ =	sdelay $0x3  }
0x34: {  	[smem:$0x3FAF] =	sst s10  }
0x35: {  	s10 =	sld [smem:$0x3FAE];
	_ =	sdelay $0x3  }
0x36: {  	p1 =	seq.s32 s10, $0x1;
	s10 =	sld [smem:$0x3FAF];
	_ =	sdelay $0x3  }
0x37: {  	[smem:$0x3FAF] =	sst s10  }
0x38: {  	s10 =	sld [smem:$0x3FB0]  }
0x39: {  	_ = 	snop;
	(pc) =	sbr.ind lr, $3  }
0x3a: {  	_ = 	snop  }
0x3b: {  	_ = 	snop  }
0x3c: {  	p2 =	seq.s32 s10, $0x1;
	s10 =	sld [smem:$0x3FAF]  }
0x3d: {  	_ =	shalt  }
0x3e: {  	_ =	shalt  }
0x3f: {  	_ =	shalt  }
0x40: {  	_ =	shalt  }
0x41: {  	_ =	shalt  }
0x42: {  	_ =	shalt  }
0x43: {  	_ =	shalt  }
0x44: {  	_ =	shalt  }
0x45: {  	_ =	shalt  }
0x46: {  	_ =	shalt  }
0x47: {  	_ =	shalt  }
0x48: {  	_ =	shalt  }
0x49: {  	_ =	shalt  }
0x4a: {  	_ =	shalt  }
0x4b: {  	_ =	shalt  }
0x4c: {  	_ =	shalt  }
0x4d: {  	_ =	shalt  }
0x4e: {  	_ =	shalt  }
0x4f: {  	_ =	shalt  }
0x50: {  	_ =	shalt  }
0x51: {  	_ =	shalt  }
0x52: {  	_ =	shalt  }
0x53: {  	_ =	shalt  }
0x54: {  	_ =	shalt  }
0x55: {  	_ =	shalt  }
0x56: {  	_ =	shalt  }
0x57: {  	_ =	shalt  }
0x58: {  	_ =	shalt  }
0x59: {  	_ =	shalt  }
0x5a: {  	_ =	shalt  }
0x5b: {  	_ =	shalt  }
0x5c: {  	_ =	shalt  }
0x5d: {  	_ =	shalt  }
0x5e: {  	_ =	shalt  }
0x5f: {  	_ =	shalt  }
0x60: {  	_ =	shalt  }
0x61: {  	_ =	shalt  }
0x62: {  	_ =	shalt  }
0x63: {  	_ =	shalt  }
0x64: {  	_ =	shalt  }
0x65: {  	_ =	shalt  }
0x66: {  	_ =	shalt  }
0x67: {  	_ =	shalt  }
0x68: {  	_ =	shalt  }
0x69: {  	_ =	shalt  }
0x6a: {  	_ =	shalt  }
0x6b: {  	_ =	shalt  }
0x6c: {  	_ =	shalt  }
0x6d: {  	_ =	shalt  }
0x6e: {  	_ =	shalt  }
0x6f: {  	_ =	shalt  }
0x70: {  	_ =	shalt  }
0x71: {  	_ =	shalt  }
0x72: {  	_ =	shalt  }
0x73: {  	_ =	shalt  }
0x74: {  	_ =	shalt  }
0x75: {  	_ =	shalt  }
0x76: {  	_ =	shalt  }
0x77: {  	_ =	shalt  }
0x78: {  	_ =	shalt  }
0x79: {  	_ =	shalt  }
0x7a: {  	_ =	shalt  }
0x7b: {  	_ =	shalt  }
0x7c: {  	_ =	shalt  }
0x7d: {  	_ =	shalt  }
0x7e: {  	_ =	shalt  }
0x7f: {  	_ =	shalt  }
0x80: {  	_ =	shalt  }
0x81: {  	_ =	shalt  }
0x82: {  	_ =	shalt  }
0x83: {  	_ =	shalt  }
0x84: {  	_ =	shalt  }
0x85: {  	_ =	shalt  }
0x86: {  	_ =	shalt  }
0x87: {  	_ =	shalt  }
.Lfunc_end0:
.L_simem_size_0:
called_computation.2_lowered:
.L_overlay_start_0:
0x88: {  	s2 =	sld [smem:$0x3FD9]  }
0x89: {  	s3 =	sld [smem:$0x3FFE];
	_ =	sdelay $0x1  }
0x8a: {  	s1 =	srdreg.scid  }
0x8b: {  	s0 =	sand.u32 $0x1, s1  }
0x8c: {  	s16 =	sshll.u32 s0, $0xA;
	s2 =	sadd.s32 s3, s2  }
0x8d: {  	s2 =	sadd.s32 s2, s16  }
0x8e: {  	[smem:$0x3FBB] =	sst s2  }
0x8f: {  	_ = 	snop  }
0x90: {  	(tm) =	ssettm $0x1  }
0x91: {  	s17 =	sld [smem:$0x3FFB];
	_ =	sdelay $0x3  }
0x92: {  	_ =	strace s17  }
0x93: {  	s2 =	sld [smem:$0x3FFC];
	_ =	sdelay $0x3  }
0x94: {  	_ =	strace s2  }
0x95: {  	s2 =	sld [smem:$0x3FFD];
	_ =	sdelay $0x3  }
0x96: {  	_ =	strace s2  }
0x97: {  	_ =	strace $0x8FFFFFFF  }
0x98: {  	s18 =	sld [smem:$0x3FDB];
	_ =	sdelay $0x1  }
0x99: {  	s19 =	simm.s32 $_scs_section_size  }
0x9a: {  	s4 =	simm.s32 $_size__tile_overlayer_lowered;
	s5 =	simm.s32 $_tile_overlayer_lowered  }
0x9b: {  	s22 =	simm.s32 $0x1BFF;
	s21 =	sshll.u32 s5, $0x1;
	s2 =	sadd.s32 s19, s18  }
0x9c: {  	s6 =	simm.s32 $0x0;
	s20 =	sshll.u32 s4, $0x1;
	s4 =	sadd.s32 s21, s2  }
0x9d: {  	[timem:s6], [sflag:s22] =	dma.local [hbm:s4], s20  }
0x9e: {  	_ =	swait.ge [sflag:s22], s20  }
0x9f: {  	s3 =	ssub.s32 $0x0, s20;
	[sflag:s22] =	ssyncset.done $0x0  }
0xa0: {  	[sflag:s22] =	ssyncadd.s32 s3;
	_ =	sdelay $0x1  }
0xa1: {  	s23 =	simm.s32 $0x1B8B  }
0xa2: {  	_ =	swait.ge [sflag:s23], $0x1  }
0xa3: {  	[sflag:s23] =	ssyncset.done $0x0  }
0xa4: {  	s25 =	simm.s32 $0x1B8E;
	s24 =	sld [smem:$0x3FFE];
	[sflag:s23] =	ssyncadd.s32 $0xFFFFFFFF  }
0xa5: {  	s26 =	simm.s32 $execute0_lowered;
	[smem:$0x3FD2] =	sst s25  }
0xa6: {  	s4 =	sshll.u32 s26, $0x1;
	_ =	strace $0x8000004C;
	[dreg:$0x1] =	wrdreg $0xFFFFFFFF  }
0xa7: {  	s28 =	simm.s32 $_size_execute0_lowered;
	s2 =	sadd.s32 s2, s4;
	[dreg:$0x0] =	wrdreg $0x0  }
0xa8: {  	s4 =	sshll.u32 s28, $0x1;
	[dreg:$0x2] =	wrdreg s2  }
0xa9: {  	[dreg:$0x3] =	wrdreg s4  }
0xaa: {  	[dreg:$0x4] =	wrdreg $0xC0  }
0xab: {  	_ =	task [dreg:s6], $0x5FFFF  }
0xac: {  	[dreg:$0x1] =	wrdreg $0xFFFFFFFF  }
0xad: {  	[dreg:$0x0] =	wrdreg $0x60  }
0xae: {  	[dreg:$0x2] =	wrdreg s24  }
0xaf: {  	[dreg:$0x3] =	wrdreg $0x73A00  }
0xb0: {  	[dreg:$0x4] =	wrdreg $0x9  }
0xb1: {  	_ =	task.clear_ibuf [dreg:s6], $0x5FFFF;
	_ =	strace $0x9000004C  }
0xb2: {  	s29 =	simm.s32 $0x9;
	_ =	strace $0x8000004E  }
0xb3: {  	_ =	swait.ge [sflag:s29], $0x1  }
0xb4: {  	[sflag:s29] =	ssyncadd.s32 $0xFFFFFFFF  }
0xb5: {  	_ =	strace $0x9000004E  }
0xb6: {  	_ =	sfence  }
0xb7: {  	s30 =	sld [smem:$0x0];
	_ =	sdelay $0x2  }
0xb8: {  	s31 =	sshll.u32 s1, $0xD;
	s1 =	sshrl.u32 s1, $0x2  }
0xb9: {  	s3 =	sand.u32 $0x4000, s31;
	s1 =	sadd.s32 s1, s30  }
0xba: {  	s0 =	sor.u32 s3, s0;
	s1 =	sshll.u32 s1, $0x11  }
0xbb: {  	s0 =	sor.u32 s1, s0  }
0xbc: {  	s0 =	sadd.s32 $0x8F2B, s0  }
0xbd: {  	[sflag:s0] =	ssyncadd.remote.s32 $0x1  }
0xbe: {  	_ =	sfence.sel $0xFFFF  }
0xbf: {  	[dreg:$0x0] =	wrdreg $0xFFFFFFFF;
	(pc) =	sbr.abs _section_cstart, $3  }
0xc0: {  	[dreg:$0x1] =	wrdreg $0xFFFFFFFF  }
0xc1: {  	_ =	task.clear_ibuf [dreg:s6], $0x2FFFF;
	_ =	strace $0x9FFFFFFF  }
0xc2: {  	(tm) =	ssettm $0x7FFFFFFF  }
0xc3: {  	_ =	shalt  }
tec
execute0_lowered:
.L_overlay_start_1:
0x0: {  	(tag) =	ssettag $0x1  }
0x1: {  	s0 =	srdreg.scid  }
0x2: {  	s1 =	rddreg [dreg:$0x0];
	s13 =	stileid.u32  }
0x3: {  	s2 =	rddreg [dreg:$0x1];
	s30 =	simm.s32 $0x3610;
	s31 =	simm.s32 $0x7300  }
0x4: {  	s28 =	simm.s32 $0x4;
	s29 =	simm.s32 $0xE;
	s6 =	smul.u32 $0x7800, s13  }
0x5: {  	s0 =	sand.u32 $0x1, s0;
	s23 =	sadd.s32 $0x2400, s1;
	s18 =	smul.u32 $0x2710, s13  }
0x6: {  	s3 =	sshll.u32 s0, $0x4;
	s8 =	smul.u32 $0x78000, s0;
	s11 =	ssub.s32 $0x2, s0  }
0x7: {  	s0 =	smul.u32 $0x27100, s0;
	s4 =	sor.u32 s13, s3;
	s3 =	simm.s32 $0x0  }
0x8: {  	s10 =	sshrl.u32 s6, $0x3;
	s12 =	sshrl.u32 s11, $0x1;
	s5 =	smul.u32 $0x2710, s4  }
0x9: {  	[smem:$0x7FF] =	sst s3;
	s4 =	sadd.s32 $0x16000, s1;
	s8 =	sadd.s32 s6, s8  }
0xa: {  	s10 =	sadd.s32 s10, s1;
	s6 =	sadd.s32 s6, s2;
	s0 =	sadd.s32 s18, s0  }
0xb: {  	_ =	strace $0x8000004D;
	s8 =	sshrl.u32 s8, $0x3;
	[dreg:$0x11] =	wrdreg s6  }
0xc: {  	s17 =	sadd.s32 $0x24C00, s10;
	s21 =	sadd.s32 $0x1B8, s0;
	s24 =	sadd.s32 $0x208, s0  }
0xd: {  	s26 =	sadd.s32 $0x1E0, s0;
	s10 =	sadd.s32 $0x168, s0;
	s14 =	sadd.s32 $0x118, s0  }
0xe: {  	s18 =	sadd.s32 $0xC8, s0;
	s7 =	sshrl.u32 s5, $0x3;
	s16 =	sadd.s32 $0x28, s5  }
0xf: {  	[dreg:$0x12] =	wrdreg s17;
	s5 =	sadd.s32 $0x78, s5;
	s22 =	sshrl.u32 s21, $0x3  }
0x10: {  	s25 =	sshrl.u32 s24, $0x3;
	s15 =	sshrl.u32 s14, $0x3;
	s21 =	simm.s32 $0x4C90  }
0x11: {  	s24 =	simm.s32 $0x5B90;
	s14 =	simm.s32 $0x4510;
	[dreg:$0x3] =	wrdreg s22  }
0x12: {  	s9 =	sadd.s32 s7, s1;
	s1 =	sadd.s32 s8, s1;
	[dreg:$0x4] =	wrdreg s25  }
0x13: {  	s8 =	ssub.s32 s11, s12;
	s6 =	sshrl.u32 s16, $0x3;
	[dreg:$0x9] =	wrdreg s15  }
0x14: {  	s7 =	sadd.s32 s23, s7;
	s5 =	sshrl.u32 s5, $0x3;
	[dreg:$0xc] =	wrdreg s21  }
0x15: {  	s11 =	sshrl.u32 s10, $0x3;
	s12 =	sadd.s32 $0x140, s0;
	[dreg:$0xe] =	wrdreg s24  }
0x16: {  	s16 =	sadd.s32 $0xF0, s0;
	s10 =	simm.s32 $0x2710;
	[dreg:$0x13] =	wrdreg s7  }
0x17: {  	s22 =	simm.s32 $0x72D8;
	s25 =	simm.s32 $0x7328;
	[dreg:$0x7] =	wrdreg s11  }
0x18: {  	s21 =	simm.s32 $0x5410;
	s24 =	simm.s32 $0x3;
	[dreg:$0xd] =	wrdreg s22  }
0x19: {  	s15 =	simm.s32 $0x7378;
	s9 =	sadd.s32 $0xC200, s9;
	[dreg:$0xf] =	wrdreg s25  }
0x1a: {  	s6 =	sadd.s32 s23, s6;
	s19 =	sadd.s32 $0xA, s7;
	[dreg:$0x10] =	wrdreg s9  }
0x1b: {  	s5 =	sadd.s32 s23, s5;
	s20 =	sadd.s32 $0x14, s7;
	[dreg:$0x14] =	wrdreg s6  }
0x1c: {  	s1 =	sadd.s32 $0x33C00, s1;
	s7 =	sadd.s32 $0x230, s0;
	[dreg:$0x15] =	wrdreg s19  }
0x1d: {  	s13 =	sshrl.u32 s12, $0x3;
	s17 =	sshrl.u32 s16, $0x3;
	[dreg:$0x16] =	wrdreg s5  }
0x1e: {  	s0 =	sadd.s32 $0x190, s0;
	s11 =	simm.s32 $0x7210;
	[dreg:$0x17] =	wrdreg s20  }
0x1f: {  	s16 =	simm.s32 $0x72B0;
	s25 =	simm.s32 $0xD;
	[dreg:$0x18] =	wrdreg s1  }
0x20: {  	s22 =	simm.s32 $0x7350;
	s6 =	sshrl.u32 s26, $0x3;
	[dreg:$0x8] =	wrdreg s13  }
0x21: {  	s9 =	sshrl.u32 s7, $0x3;
	s19 =	smax.u32 s8, $0x1;
	[dreg:$0xa] =	wrdreg s17  }
0x22: {  	s20 =	sshrl.u32 s18, $0x3;
	[dreg:$0x1a] =	wrdreg s0;
	s17 =	simm.s32 $0x15  }
0x23: {  	s18 =	simm.s32 $0x28;
	s26 =	simm.s32 $0x7238;
	[dreg:$0x5] =	wrdreg s6  }
0x24: {  	s7 =	simm.s32 $0x7260;
	s8 =	simm.s32 $0x3D90;
	[dreg:$0x6] =	wrdreg s9  }
0x25: {  	s13 =	simm.s32 $0x7288;
	s1 =	simm.s32 $0x1;
	[dreg:$0x19] =	wrdreg s19  }
0x26: {  	s5 =	simm.s32 $0xB;
	[dreg:$0xb] =	wrdreg s20;
	s19 =	simm.s32 $0x2E90  }
0x27: {  	s9 =	simm.s32 $0x2;
	s20 =	simm.s32 $0xC;
	s6 =	simm.s32 $0x0  }
.LBB2_1:
0x28: {  	[dreg:$0x1b] =	wrdreg s6  }
0x29: {  	s0 =	rddreg [dreg:$0x10]  }
0x2a: {  	[tilespmem:s3], [sflag:$0x15] =	stream.linear.gather [hbm4b:s0+s3], $0x2710, $0x38;
	[tilespmem:$0xEBA0] =	vst v63  }
0x2b: {  	s6 =	stileid.u32;
	_ =	swait.ge [sflag:s17], $0x2710  }
0x2c: {  	s0 =	sshll.u32 s6, $0x6;
	s12 =	rddreg [dreg:$0x11]  }
0x2d: {  	s6 =	sor.u32 $0x1C15, s0;
	s0 =	rddreg [dreg:$0x12]  }
0x2e: {  	[sflag:s17] =	ssyncset.done $0x0;
	[dreg:$0x1c] =	wrdreg s6;
	s12 =	sshrl.u32 s12, $0x3  }
0x2f: {  	[sflag:s17] =	ssyncadd.s32 $0xFFFFD8F0;
	[dreg:$0x1d] =	wrdreg s12  }
0x30: {  	[spmem:s12], [sflag:s6] =	dma.local [hbm:s0], $0xF00  }
0x31: {  	_ =	swait.ge [sflag:s17], $0xF00  }
0x32: {  	[sflag:s17] =	ssyncset.done $0x0  }
0x33: {  	[sflag:s17] =	ssyncadd.s32 $0xFFFFF100  }
0x34: {  	[bflag:$0x0] =	sbarrier.arrive $0xFFFF  }
0x35: {  	[tilespmem:s10], [sflag:$0x1] =	stream.indirect.gather [hbm4b:s4+s18], $0x30, s3, s18, $0xb8;
	[tilespmem:$0xEBA0] =	vst v63  }
0x36: {  	s6 =	rddreg [dreg:$0x13]  }
0x37: {  	[tilespmem:s11], [sflag:$0xB] =	stream.linear.gather [hbm4b:s6+s3], $0x28, $0x38;
	[tilespmem:$0xEBA0] =	vst v63  }
0x38: {  	_ = 	snop  }
0x39: {  	[tilespmem:s19], [sflag:$0x2] =	stream.indirect.gather [hbm4b:s4+s18], $0x30, s18, s18, $0xb8;
	[tilespmem:$0xEBA0] =	vst v63  }
0x3a: {  	s12 =	rddreg [dreg:$0x14]  }
0x3b: {  	[tilespmem:s26], [sflag:$0xC] =	stream.linear.gather [hbm4b:s12+s3], $0x28, $0x38;
	[tilespmem:$0xEBA0] =	vst v63  }
0x3c: {  	s6 =	simm.s32 $0x50  }
0x3d: {  	[tilespmem:s30], [sflag:$0x3] =	stream.indirect.gather [hbm4b:s4+s18], $0x30, s6, s18, $0xb8;
	[tilespmem:$0xEBA0] =	vst v63  }
0x3e: {  	s12 =	rddreg [dreg:$0x15]  }
0x3f: {  	[tilespmem:s7], [sflag:$0xD] =	stream.linear.gather [hbm4b:s12+s3], $0x28, $0x38;
	[tilespmem:$0xEBA0] =	vst v63  }
0x40: {  	s6 =	simm.s32 $0x78  }
0x41: {  	[tilespmem:s8], [sflag:$0x4] =	stream.indirect.gather [hbm4b:s4+s18], $0x30, s6, s18, $0xb8;
	[tilespmem:$0xEBA0] =	vst v63  }
0x42: {  	s12 =	rddreg [dreg:$0x16]  }
0x43: {  	[tilespmem:s13], [sflag:$0xE] =	stream.linear.gather [hbm4b:s12+s3], $0x28, $0x38;
	[tilespmem:$0xEBA0] =	vst v63  }
0x44: {  	s6 =	simm.s32 $0xA0  }
0x45: {  	[tilespmem:s14], [sflag:$0x5] =	stream.indirect.gather [hbm4b:s4+s18], $0x30, s6, s18, $0xb8;
	[tilespmem:$0xEBA0] =	vst v63  }
0x46: {  	s12 =	rddreg [dreg:$0x17]  }
0x47: {  	[tilespmem:s16], [sflag:$0xF] =	stream.linear.gather [hbm4b:s12+s3], $0x28, $0x38;
	[tilespmem:$0xEBA0] =	vst v63  }
0x48: {  	_ =	swait.ge [sflag:s1], $0x780  }
0x49: {  	[sflag:s1] =	ssyncset.done $0x0  }
0x4a: {  	[sflag:s1] =	ssyncadd.s32 $0xFFFFF880  }
0x4b: {  	_ =	swait.ge [sflag:s5], $0x28  }
0x4c: {  	s0 =	rddreg [dreg:$0xc];
	[sflag:s5] =	ssyncset.done $0x0  }
0x4d: {  	s6 =	simm.s32 $0xC8;
	s1 =	rddreg [dreg:$0xb];
	[sflag:s5] =	ssyncadd.s32 $0xFFFFFFD8  }
0x4e: {  	[tilespmem:s0], [sflag:$0x6] =	stream.indirect.gather [hbm4b:s4+s18], $0x30, s6, s18, $0xb8;
	[tilespmem:$0xEBA0] =	vst v63  }
0x4f: {  	s12 =	rddreg [dreg:$0xd];
	s5 =	sadd.s32 s23, s1  }
0x50: {  	[tilespmem:s12], [sflag:$0x10] =	stream.linear.gather [hbm4b:s5+s3], $0x28, $0x38;
	[tilespmem:$0xEBA0] =	vst v63  }
0x51: {  	_ = 	snop  }
0x52: {  	[spmem:s2] =	stream.indirect.scatter.add.f32 [tilespmem:s10], [sflag:$0x15], $0x30, s11, s18, $0xb8;
	[tilespmem:$0xEBA0] =	vst v63  }
0x53: {  	_ =	swait.ge [sflag:s17], $0x780  }
0x54: {  	[sflag:s17] =	ssyncset.done $0x0  }
0x55: {  	[sflag:s17] =	ssyncadd.s32 $0xFFFFF880  }
0x56: {  	_ =	swait.ge [sflag:s9], $0x780  }
0x57: {  	[sflag:s9] =	ssyncset.done $0x0  }
0x58: {  	[sflag:s9] =	ssyncadd.s32 $0xFFFFF880  }
0x59: {  	_ =	swait.ge [sflag:s20], $0x28  }
0x5a: {  	[sflag:s20] =	ssyncset.done $0x0  }
0x5b: {  	s9 =	simm.s32 $0xF0;
	s6 =	rddreg [dreg:$0xa];
	[sflag:s20] =	ssyncadd.s32 $0xFFFFFFD8  }
0x5c: {  	[tilespmem:s21], [sflag:$0x7] =	stream.indirect.gather [hbm4b:s4+s18], $0x30, s9, s18, $0xb8;
	[tilespmem:$0xEBA0] =	vst v63  }
0x5d: {  	s0 =	sadd.s32 s23, s6  }
0x5e: {  	[tilespmem:s31], [sflag:$0x11] =	stream.linear.gather [hbm4b:s0+s3], $0x28, $0x38;
	[tilespmem:$0xEBA0] =	vst v63  }
0x5f: {  	_ = 	snop  }
0x60: {  	[spmem:s2] =	stream.indirect.scatter.add.f32 [tilespmem:s19], [sflag:$0x15], $0x30, s26, s18, $0xb8;
	[tilespmem:$0xEBA0] =	vst v63  }
0x61: {  	_ =	swait.ge [sflag:s17], $0x780  }
0x62: {  	[sflag:s17] =	ssyncset.done $0x0  }
0x63: {  	[sflag:s17] =	ssyncadd.s32 $0xFFFFF880  }
0x64: {  	_ =	swait.ge [sflag:s24], $0x780  }
0x65: {  	[sflag:s24] =	ssyncset.done $0x0  }
0x66: {  	[sflag:s24] =	ssyncadd.s32 $0xFFFFF880  }
0x67: {  	_ =	swait.ge [sflag:s25], $0x28  }
0x68: {  	s12 =	rddreg [dreg:$0xe];
	[sflag:s25] =	ssyncset.done $0x0  }
0x69: {  	s24 =	simm.s32 $0x118;
	s20 =	rddreg [dreg:$0x9];
	[sflag:s25] =	ssyncadd.s32 $0xFFFFFFD8  }
0x6a: {  	[tilespmem:s12], [sflag:$0x8] =	stream.indirect.gather [hbm4b:s4+s18], $0x30, s24, s18, $0xb8;
	[tilespmem:$0xEBA0] =	vst v63  }
0x6b: {  	s25 =	rddreg [dreg:$0xf];
	s9 =	sadd.s32 s23, s20  }
0x6c: {  	[tilespmem:s25], [sflag:$0x12] =	stream.linear.gather [hbm4b:s9+s3], $0x28, $0x38;
	[tilespmem:$0xEBA0] =	vst v63  }
0x6d: {  	_ = 	snop  }
0x6e: {  	[spmem:s2] =	stream.indirect.scatter.add.f32 [tilespmem:s30], [sflag:$0x15], $0x30, s7, s18, $0xb8;
	[tilespmem:$0xEBA0] =	vst v63  }
0x6f: {  	_ =	swait.ge [sflag:s17], $0x780  }
0x70: {  	[sflag:s17] =	ssyncset.done $0x0  }
0x71: {  	[sflag:s17] =	ssyncadd.s32 $0xFFFFF880  }
0x72: {  	_ =	swait.ge [sflag:s28], $0x780  }
0x73: {  	[sflag:s28] =	ssyncset.done $0x0  }
0x74: {  	[sflag:s28] =	ssyncadd.s32 $0xFFFFF880  }
0x75: {  	_ =	swait.ge [sflag:s29], $0x28  }
0x76: {  	s20 =	simm.s32 $0x140;
	[sflag:s29] =	ssyncset.done $0x0  }
0x77: {  	s24 =	simm.s32 $0x6310;
	s12 =	rddreg [dreg:$0x8];
	[sflag:s29] =	ssyncadd.s32 $0xFFFFFFD8  }
0x78: {  	[tilespmem:s24], [sflag:$0x9] =	stream.indirect.gather [hbm4b:s4+s18], $0x30, s20, s18, $0xb8;
	[tilespmem:$0xEBA0] =	vst v63  }
0x79: {  	s0 =	sadd.s32 s23, s12  }
0x7a: {  	[tilespmem:s22], [sflag:$0x13] =	stream.linear.gather [hbm4b:s0+s3], $0x28, $0x38;
	[tilespmem:$0xEBA0] =	vst v63  }
0x7b: {  	_ = 	snop  }
0x7c: {  	[spmem:s2] =	stream.indirect.scatter.add.f32 [tilespmem:s8], [sflag:$0x15], $0x30, s13, s18, $0xb8;
	[tilespmem:$0xEBA0] =	vst v63  }
0x7d: {  	_ =	swait.ge [sflag:s17], $0x780  }
0x7e: {  	[sflag:s17] =	ssyncset.done $0x0  }
0x7f: {  	s5 =	simm.s32 $0x5;
	[sflag:s17] =	ssyncadd.s32 $0xFFFFF880  }
0x80: {  	_ =	swait.ge [sflag:s5], $0x780  }
0x81: {  	[sflag:s5] =	ssyncset.done $0x0  }
0x82: {  	s6 =	simm.s32 $0xF;
	[sflag:s5] =	ssyncadd.s32 $0xFFFFF880  }
0x83: {  	_ =	swait.ge [sflag:s6], $0x28  }
0x84: {  	s12 =	simm.s32 $0x6A90;
	[sflag:s6] =	ssyncset.done $0x0  }
0x85: {  	s8 =	simm.s32 $0x168;
	s7 =	rddreg [dreg:$0x7];
	[sflag:s6] =	ssyncadd.s32 $0xFFFFFFD8  }
0x86: {  	[tilespmem:s12], [sflag:$0xA] =	stream.indirect.gather [hbm4b:s4+s18], $0x30, s8, s18, $0xb8;
	[tilespmem:$0xEBA0] =	vst v63  }
0x87: {  	s0 =	sadd.s32 s23, s7  }
0x88: {  	[tilespmem:s15], [sflag:$0x14] =	stream.linear.gather [hbm4b:s0+s3], $0x28, $0x38;
	[tilespmem:$0xEBA0] =	vst v63  }
0x89: {  	_ = 	snop  }
0x8a: {  	[spmem:s2] =	stream.indirect.scatter.add.f32 [tilespmem:s14], [sflag:$0x15], $0x30, s16, s18, $0xb8;
	[tilespmem:$0xEBA0] =	vst v63  }
0x8b: {  	_ =	swait.ge [sflag:s17], $0x780  }
0x8c: {  	[sflag:s17] =	ssyncset.done $0x0  }
0x8d: {  	s13 =	simm.s32 $0x6;
	[sflag:s17] =	ssyncadd.s32 $0xFFFFF880  }
0x8e: {  	_ =	swait.ge [sflag:s13], $0x780  }
0x8f: {  	[sflag:s13] =	ssyncset.done $0x0  }
0x90: {  	s14 =	simm.s32 $0x10;
	[sflag:s13] =	ssyncadd.s32 $0xFFFFF880  }
0x91: {  	p0 =	por $0x0, $0x0;
	_ =	swait.ge [sflag:s14], $0x28  }
0x92: {  	s1 =	simm.s32 @p0 $0x4C90;
	s5 =	simm.s32 @p0 $0x28;
	[sflag:s14] =	ssyncset.done $0x0  }
0x93: {  	s6 =	simm.s32 @p0 $0x15;
	s0 =	simm.s32 @p0 $0x72D8;
	[sflag:s14] =	ssyncadd.s32 $0xFFFFFFD8  }
0x94: {  	[spmem:s2] =	stream.indirect.scatter.add.f32 @p0 [tilespmem:s1], [sflag:$0x15], $0x30, s0, s5, $0xb8;
	[tilespmem:$0xEBA0] =	vst v63  }
0x95: {  	_ =	swait.ge @p0 [sflag:s6], $0x780  }
0x96: {  	[sflag:s6] =	ssyncset.done @p0 $0x0  }
0x97: {  	s0 =	simm.s32 @p0 $0x7;
	[sflag:s6] =	ssyncadd.s32 @p0 $0xFFFFF880  }
0x98: {  	_ =	swait.ge @p0 [sflag:s0], $0x780  }
0x99: {  	[sflag:s0] =	ssyncset.done @p0 $0x0  }
0x9a: {  	s1 =	simm.s32 @p0 $0x11;
	[sflag:s0] =	ssyncadd.s32 @p0 $0xFFFFF880  }
0x9b: {  	s7 =	simm.s32 @!p0 $0x190;
	_ =	swait.ge @p0 [sflag:s1], $0x28  }
0x9c: {  	s14 =	simm.s32 @!p0 $0x2710;
	s8 =	rddreg [dreg:$0x1a];
	[sflag:s1] =	ssyncset.done @p0 $0x0  }
0x9d: {  	s0 =	simm.s32 @!p0 $0x28;
	s13 =	sshrl.u32 @!p0 s8, $0x3;
	[sflag:s1] =	ssyncadd.s32 @p0 $0xFFFFFFD8  }
0x9e: {  	[tilespmem:s14], [sflag:$0x1] =	stream.indirect.gather @!p0 [hbm4b:s4+s0], $0x30, s7, s0, $0xb8;
	[tilespmem:$0xEBA0] =	vst v63  }
0x9f: {  	s1 =	simm.s32 @!p0 $0x0;
	s7 =	sadd.s32 @!p0 s23, s13;
	s13 =	simm.s32 @!p0 $0x7210  }
0xa0: {  	[tilespmem:s13], [sflag:$0xB] =	stream.linear.gather @!p0 [hbm4b:s7+s1], $0x28, $0x38;
	[tilespmem:$0xEBA0] =	vst v63  }
0xa1: {  	s14 =	simm.s32 @!p0 $0x15;
	s7 =	simm.s32 @!p0 $0x72D8;
	s13 =	simm.s32 @!p0 $0x4C90  }
0xa2: {  	[spmem:s2] =	stream.indirect.scatter.add.f32 @!p0 [tilespmem:s13], [sflag:$0x15], $0x30, s7, s0, $0xb8;
	[tilespmem:$0xEBA0] =	vst v63  }
0xa3: {  	_ =	swait.ge @!p0 [sflag:s14], $0x780  }
0xa4: {  	[sflag:s14] =	ssyncset.done @!p0 $0x0  }
0xa5: {  	s7 =	simm.s32 @!p0 $0x7;
	[sflag:s14] =	ssyncadd.s32 @!p0 $0xFFFFF880  }
0xa6: {  	_ =	swait.ge @!p0 [sflag:s7], $0x780  }
0xa7: {  	[sflag:s7] =	ssyncset.done @!p0 $0x0  }
0xa8: {  	s13 =	simm.s32 @!p0 $0x11;
	[sflag:s7] =	ssyncadd.s32 @!p0 $0xFFFFF880  }
0xa9: {  	_ =	swait.ge @!p0 [sflag:s13], $0x28  }
0xaa: {  	s16 =	simm.s32 @!p0 $0x1B8;
	[sflag:s13] =	ssyncset.done @!p0 $0x0  }
0xab: {  	s7 =	rddreg [dreg:$0x3];
	[sflag:s13] =	ssyncadd.s32 @!p0 $0xFFFFFFD8;
	s13 =	simm.s32 @!p0 $0x2E90  }
0xac: {  	[tilespmem:s13], [sflag:$0x2] =	stream.indirect.gather @!p0 [hbm4b:s4+s0], $0x30, s16, s0, $0xb8;
	[tilespmem:$0xEBA0] =	vst v63  }
0xad: {  	s7 =	sadd.s32 @!p0 s23, s7;
	s13 =	simm.s32 @!p0 $0x7238  }
0xae: {  	[tilespmem:s13], [sflag:$0xC] =	stream.linear.gather @!p0 [hbm4b:s7+s1], $0x28, $0x38;
	[tilespmem:$0xEBA0] =	vst v63  }
0xaf: {  	_ = 	snop  }
0xb0: {  	[spmem:s2] =	stream.indirect.scatter.add.f32 [tilespmem:s21], [sflag:$0x15], $0x30, s31, s18, $0xb8;
	[tilespmem:$0xEBA0] =	vst v63  }
0xb1: {  	_ =	swait.ge [sflag:s17], $0x780  }
0xb2: {  	[sflag:s17] =	ssyncset.done $0x0  }
0xb3: {  	s15 =	simm.s32 $0x8;
	[sflag:s17] =	ssyncadd.s32 $0xFFFFF880  }
0xb4: {  	_ =	swait.ge [sflag:s15], $0x780  }
0xb5: {  	[sflag:s15] =	ssyncset.done $0x0  }
0xb6: {  	s21 =	simm.s32 $0x12;
	[sflag:s15] =	ssyncadd.s32 $0xFFFFF880  }
0xb7: {  	_ =	swait.ge [sflag:s21], $0x28  }
0xb8: {  	[sflag:s21] =	ssyncset.done $0x0  }
0xb9: {  	s7 =	simm.s32 @p0 $0x7328;
	s13 =	simm.s32 @p0 $0x5B90;
	[sflag:s21] =	ssyncadd.s32 $0xFFFFFFD8  }
0xba: {  	[spmem:s2] =	stream.indirect.scatter.add.f32 @p0 [tilespmem:s13], [sflag:$0x15], $0x30, s7, s5, $0xb8;
	[tilespmem:$0xEBA0] =	vst v63  }
0xbb: {  	_ =	swait.ge @p0 [sflag:s6], $0x780  }
0xbc: {  	[sflag:s6] =	ssyncset.done @p0 $0x0  }
0xbd: {  	s5 =	simm.s32 @p0 $0x9;
	[sflag:s6] =	ssyncadd.s32 @p0 $0xFFFFF880  }
0xbe: {  	_ =	swait.ge @p0 [sflag:s5], $0x780  }
0xbf: {  	[sflag:s5] =	ssyncset.done @p0 $0x0  }
0xc0: {  	s6 =	simm.s32 @p0 $0x13;
	[sflag:s5] =	ssyncadd.s32 @p0 $0xFFFFF880  }
0xc1: {  	_ =	swait.ge @p0 [sflag:s6], $0x28  }
0xc2: {  	s7 =	simm.s32 @!p0 $0x1E0;
	[sflag:s6] =	ssyncset.done @p0 $0x0  }
0xc3: {  	s5 =	rddreg [dreg:$0x5];
	[sflag:s6] =	ssyncadd.s32 @p0 $0xFFFFFFD8;
	s6 =	simm.s32 @!p0 $0x3610  }
0xc4: {  	[tilespmem:s6], [sflag:$0x3] =	stream.indirect.gather @!p0 [hbm4b:s4+s0], $0x30, s7, s0, $0xb8;
	[tilespmem:$0xEBA0] =	vst v63  }
0xc5: {  	s5 =	sadd.s32 @!p0 s23, s5;
	s6 =	simm.s32 @!p0 $0x7260  }
0xc6: {  	[tilespmem:s6], [sflag:$0xD] =	stream.linear.gather @!p0 [hbm4b:s5+s1], $0x28, $0x38;
	[tilespmem:$0xEBA0] =	vst v63  }
0xc7: {  	s5 =	simm.s32 @!p0 $0x7328;
	s6 =	simm.s32 @!p0 $0x5B90  }
0xc8: {  	[spmem:s2] =	stream.indirect.scatter.add.f32 @!p0 [tilespmem:s6], [sflag:$0x15], $0x30, s5, s0, $0xb8;
	[tilespmem:$0xEBA0] =	vst v63  }
0xc9: {  	_ =	swait.ge @!p0 [sflag:s14], $0x780  }
0xca: {  	[sflag:s14] =	ssyncset.done @!p0 $0x0  }
0xcb: {  	s5 =	simm.s32 @!p0 $0x9;
	[sflag:s14] =	ssyncadd.s32 @!p0 $0xFFFFF880  }
0xcc: {  	_ =	swait.ge @!p0 [sflag:s5], $0x780  }
0xcd: {  	[sflag:s5] =	ssyncset.done @!p0 $0x0  }
0xce: {  	s6 =	simm.s32 @!p0 $0x13;
	[sflag:s5] =	ssyncadd.s32 @!p0 $0xFFFFF880  }
0xcf: {  	_ =	swait.ge @!p0 [sflag:s6], $0x28  }
0xd0: {  	s7 =	simm.s32 @!p0 $0x208;
	[sflag:s6] =	ssyncset.done @!p0 $0x0  }
0xd1: {  	s5 =	rddreg [dreg:$0x4];
	[sflag:s6] =	ssyncadd.s32 @!p0 $0xFFFFFFD8;
	s6 =	simm.s32 @!p0 $0x3D90  }
0xd2: {  	[tilespmem:s6], [sflag:$0x4] =	stream.indirect.gather @!p0 [hbm4b:s4+s0], $0x30, s7, s0, $0xb8;
	[tilespmem:$0xEBA0] =	vst v63  }
0xd3: {  	s5 =	sadd.s32 @!p0 s23, s5;
	s6 =	simm.s32 @!p0 $0x7288  }
0xd4: {  	[tilespmem:s6], [sflag:$0xE] =	stream.linear.gather @!p0 [hbm4b:s5+s1], $0x28, $0x38;
	[tilespmem:$0xEBA0] =	vst v63  }
0xd5: {  	s25 =	simm.s32 $0x7350  }
0xd6: {  	[spmem:s2] =	stream.indirect.scatter.add.f32 [tilespmem:s24], [sflag:$0x15], $0x30, s25, s18, $0xb8;
	[tilespmem:$0xEBA0] =	vst v63  }
0xd7: {  	_ =	swait.ge [sflag:s17], $0x780  }
0xd8: {  	[sflag:s17] =	ssyncset.done $0x0  }
0xd9: {  	s24 =	simm.s32 $0xA;
	[sflag:s17] =	ssyncadd.s32 $0xFFFFF880  }
0xda: {  	_ =	swait.ge [sflag:s24], $0x780  }
0xdb: {  	[sflag:s24] =	ssyncset.done $0x0  }
0xdc: {  	s28 =	simm.s32 $0x4;
	s25 =	simm.s32 $0x14;
	[sflag:s24] =	ssyncadd.s32 $0xFFFFF880  }
0xdd: {  	s29 =	simm.s32 $0x640;
	s22 =	simm.s32 $0x0;
	_ =	swait.ge [sflag:s25], $0x28  }
0xde: {  	s3 =	simm.s32 $0x7378;
	s7 =	simm.s32 @!p0 $0x4510;
	[sflag:s25] =	ssyncset.done $0x0  }
0xdf: {  	s6 =	simm.s32 @!p0 $0x230;
	s5 =	rddreg [dreg:$0x6];
	[sflag:s25] =	ssyncadd.s32 $0xFFFFFFD8  }
0xe0: {  	[tilespmem:s7], [sflag:$0x5] =	stream.indirect.gather @!p0 [hbm4b:s4+s0], $0x30, s6, s0, $0xb8;
	[tilespmem:$0xEBA0] =	vst v63  }
0xe1: {  	s16 =	simm.s32 $0x6A90;
	s5 =	sadd.s32 @!p0 s23, s5;
	s0 =	simm.s32 @!p0 $0x72B0  }
0xe2: {  	[tilespmem:s0], [sflag:$0xF] =	stream.linear.gather @!p0 [hbm4b:s5+s1], $0x28, $0x38;
	[tilespmem:$0xEBA0] =	vst v63  }
0xe3: {  	s31 =	sadd.s32 $0x190, s8;
	s21 =	simm.s32 $0xE;
	s24 =	simm.s32 $0x3  }
0xe4: {  	[spmem:s2] =	stream.indirect.scatter.add.f32 [tilespmem:s16], [sflag:$0x15], $0x30, s3, s18, $0xb8;
	[tilespmem:$0xEBA0] =	vst v63  }
0xe5: {  	s25 =	simm.s32 $0xD;
	s5 =	smov.u32 s23;
	_ =	swait.ge [sflag:s17], $0x780  }
.LBB2_2:
0xe6: {  	[sflag:s17] =	ssyncset.done $0x0  }
0xe7: {  	s0 =	simm.s32 $0x1;
	[sflag:s17] =	ssyncadd.s32 $0xFFFFF880  }
0xe8: {  	_ =	swait.ge [sflag:s0], $0x780  }
0xe9: {  	[sflag:s0] =	ssyncset.done $0x0  }
0xea: {  	s8 =	simm.s32 $0xB;
	[sflag:s0] =	ssyncadd.s32 $0xFFFFF880  }
0xeb: {  	s5 =	sadd.s32 $0x32, s5;
	s1 =	smov.u32 s29;
	_ =	swait.ge [sflag:s8], $0x28  }
0xec: {  	s6 =	sshra.s32 s1, $0x2;
	s9 =	rddreg [dreg:$0xc];
	[sflag:s8] =	ssyncset.done $0x0  }
0xed: {  	s13 =	sadd.s32 $0xC8, s6;
	s7 =	rddreg [dreg:$0xb];
	[sflag:s8] =	ssyncadd.s32 $0xFFFFFFD8  }
0xee: {  	[tilespmem:s9], [sflag:$0x6] =	stream.indirect.gather [hbm4b:s4+s18], $0x30, s13, s18, $0xb8;
	[tilespmem:$0xEBA0] =	vst v63  }
0xef: {  	s14 =	rddreg [dreg:$0xd];
	s12 =	sadd.s32 s5, s7  }
0xf0: {  	[tilespmem:s14], [sflag:$0x10] =	stream.linear.gather [hbm4b:s12+s22], $0x28, $0x38;
	[tilespmem:$0xEBA0] =	vst v63  }
0xf1: {  	_ = 	snop  }
0xf2: {  	[spmem:s2] =	stream.indirect.scatter.add.f32 [tilespmem:s10], [sflag:$0x15], $0x30, s11, s18, $0xb8;
	[tilespmem:$0xEBA0] =	vst v63  }
0xf3: {  	_ =	swait.ge [sflag:s17], $0x780  }
0xf4: {  	[sflag:s17] =	ssyncset.done $0x0  }
0xf5: {  	s13 =	simm.s32 $0x2;
	[sflag:s17] =	ssyncadd.s32 $0xFFFFF880  }
0xf6: {  	_ =	swait.ge [sflag:s13], $0x780  }
0xf7: {  	[sflag:s13] =	ssyncset.done $0x0  }
0xf8: {  	s3 =	simm.s32 $0xC;
	[sflag:s13] =	ssyncadd.s32 $0xFFFFF880  }
0xf9: {  	_ =	swait.ge [sflag:s3], $0x28  }
0xfa: {  	s15 =	sadd.s32 $0xF0, s6;
	[sflag:s3] =	ssyncset.done $0x0  }
0xfb: {  	s12 =	simm.s32 $0x5410;
	s14 =	rddreg [dreg:$0xa];
	[sflag:s3] =	ssyncadd.s32 $0xFFFFFFD8  }
0xfc: {  	[tilespmem:s12], [sflag:$0x7] =	stream.indirect.gather [hbm4b:s4+s18], $0x30, s15, s18, $0xb8;
	[tilespmem:$0xEBA0] =	vst v63  }
0xfd: {  	s9 =	simm.s32 $0x7300;
	s0 =	sadd.s32 s5, s14  }
0xfe: {  	[tilespmem:s9], [sflag:$0x11] =	stream.linear.gather [hbm4b:s0+s22], $0x28, $0x38;
	[tilespmem:$0xEBA0] =	vst v63  }
0xff: {  	_ = 	snop  }
0x100: {  	[spmem:s2] =	stream.indirect.scatter.add.f32 [tilespmem:s19], [sflag:$0x15], $0x30, s26, s18, $0xb8;
	[tilespmem:$0xEBA0] =	vst v63  }
0x101: {  	_ =	swait.ge [sflag:s17], $0x780  }
0x102: {  	[sflag:s17] =	ssyncset.done $0x0  }
0x103: {  	[sflag:s17] =	ssyncadd.s32 $0xFFFFF880  }
0x104: {  	_ =	swait.ge [sflag:s24], $0x780  }
0x105: {  	[sflag:s24] =	ssyncset.done $0x0  }
0x106: {  	[sflag:s24] =	ssyncadd.s32 $0xFFFFF880  }
0x107: {  	_ =	swait.ge [sflag:s25], $0x28  }
0x108: {  	s19 =	rddreg [dreg:$0xe];
	[sflag:s25] =	ssyncset.done $0x0  }
0x109: {  	s26 =	sadd.s32 $0x118, s6;
	s20 =	rddreg [dreg:$0x9];
	[sflag:s25] =	ssyncadd.s32 $0xFFFFFFD8  }
0x10a: {  	[tilespmem:s19], [sflag:$0x8] =	stream.indirect.gather [hbm4b:s4+s18], $0x30, s26, s18, $0xb8;
	[tilespmem:$0xEBA0] =	vst v63  }
0x10b: {  	s3 =	rddreg [dreg:$0xf];
	s8 =	sadd.s32 s5, s20  }
0x10c: {  	[tilespmem:s3], [sflag:$0x12] =	stream.linear.gather [hbm4b:s8+s22], $0x28, $0x38;
	[tilespmem:$0xEBA0] =	vst v63  }
0x10d: {  	s10 =	simm.s32 $0x7260  }
0x10e: {  	[spmem:s2] =	stream.indirect.scatter.add.f32 [tilespmem:s30], [sflag:$0x15], $0x30, s10, s18, $0xb8;
	[tilespmem:$0xEBA0] =	vst v63  }
0x10f: {  	_ =	swait.ge [sflag:s17], $0x780  }
0x110: {  	[sflag:s17] =	ssyncset.done $0x0  }
0x111: {  	[sflag:s17] =	ssyncadd.s32 $0xFFFFF880  }
0x112: {  	_ =	swait.ge [sflag:s28], $0x780  }
0x113: {  	[sflag:s28] =	ssyncset.done $0x0  }
0x114: {  	[sflag:s28] =	ssyncadd.s32 $0xFFFFF880  }
0x115: {  	_ =	swait.ge [sflag:s21], $0x28  }
0x116: {  	s13 =	sadd.s32 $0x140, s6;
	[sflag:s21] =	ssyncset.done $0x0  }
0x117: {  	s20 =	simm.s32 $0x6310;
	s11 =	rddreg [dreg:$0x8];
	[sflag:s21] =	ssyncadd.s32 $0xFFFFFFD8  }
0x118: {  	[tilespmem:s20], [sflag:$0x9] =	stream.indirect.gather [hbm4b:s4+s18], $0x30, s13, s18, $0xb8;
	[tilespmem:$0xEBA0] =	vst v63  }
0x119: {  	s15 =	simm.s32 $0x7350;
	s0 =	sadd.s32 s5, s11  }
0x11a: {  	[tilespmem:s15], [sflag:$0x13] =	stream.linear.gather [hbm4b:s0+s22], $0x28, $0x38;
	[tilespmem:$0xEBA0] =	vst v63  }
0x11b: {  	s14 =	simm.s32 $0x3D90;
	s19 =	simm.s32 $0x7288  }
0x11c: {  	[spmem:s2] =	stream.indirect.scatter.add.f32 [tilespmem:s14], [sflag:$0x15], $0x30, s19, s18, $0xb8;
	[tilespmem:$0xEBA0] =	vst v63  }
0x11d: {  	_ =	swait.ge [sflag:s17], $0x780  }
0x11e: {  	[sflag:s17] =	ssyncset.done $0x0  }
0x11f: {  	s26 =	simm.s32 $0x5;
	[sflag:s17] =	ssyncadd.s32 $0xFFFFF880  }
0x120: {  	_ =	swait.ge [sflag:s26], $0x780  }
0x121: {  	[sflag:s26] =	ssyncset.done $0x0  }
0x122: {  	s0 =	simm.s32 $0xF;
	[sflag:s26] =	ssyncadd.s32 $0xFFFFF880  }
0x123: {  	_ =	swait.ge [sflag:s0], $0x28  }
0x124: {  	[sflag:s0] =	ssyncset.done $0x0  }
0x125: {  	s6 =	sadd.s32 $0x168, s6;
	s3 =	rddreg [dreg:$0x7];
	[sflag:s0] =	ssyncadd.s32 $0xFFFFFFD8  }
0x126: {  	[tilespmem:s16], [sflag:$0xA] =	stream.indirect.gather [hbm4b:s4+s18], $0x30, s6, s18, $0xb8;
	[tilespmem:$0xEBA0] =	vst v63  }
0x127: {  	s0 =	sadd.s32 s5, s3;
	s3 =	simm.s32 $0x7378  }
0x128: {  	[tilespmem:s3], [sflag:$0x14] =	stream.linear.gather [hbm4b:s0+s22], $0x28, $0x38;
	[tilespmem:$0xEBA0] =	vst v63  }
0x129: {  	s7 =	simm.s32 $0x4510;
	s8 =	simm.s32 $0x72B0  }
0x12a: {  	[spmem:s2] =	stream.indirect.scatter.add.f32 [tilespmem:s7], [sflag:$0x15], $0x30, s8, s18, $0xb8;
	[tilespmem:$0xEBA0] =	vst v63  }
0x12b: {  	_ =	swait.ge [sflag:s17], $0x780  }
0x12c: {  	[sflag:s17] =	ssyncset.done $0x0  }
0x12d: {  	s10 =	simm.s32 $0x6;
	[sflag:s17] =	ssyncadd.s32 $0xFFFFF880  }
0x12e: {  	_ =	swait.ge [sflag:s10], $0x780  }
0x12f: {  	[sflag:s10] =	ssyncset.done $0x0  }
0x130: {  	s11 =	simm.s32 $0x10;
	[sflag:s10] =	ssyncadd.s32 $0xFFFFF880  }
0x131: {  	p1 =	seq.s32 s1, $0x9600;
	_ =	swait.ge [sflag:s11], $0x28  }
0x132: {  	s19 =	simm.s32 @p1 $0x28;
	s6 =	simm.s32 @p1 $0x4C90;
	[sflag:s11] =	ssyncset.done $0x0  }
0x133: {  	s16 =	simm.s32 @p1 $0x15;
	s0 =	simm.s32 @p1 $0x72D8;
	[sflag:s11] =	ssyncadd.s32 $0xFFFFFFD8  }
0x134: {  	[spmem:s2] =	stream.indirect.scatter.add.f32 @p1 [tilespmem:s6], [sflag:$0x15], $0x30, s0, s19, $0xb8;
	[tilespmem:$0xEBA0] =	vst v63  }
0x135: {  	_ =	swait.ge @p1 [sflag:s16], $0x780  }
0x136: {  	[sflag:s16] =	ssyncset.done @p1 $0x0  }
0x137: {  	s7 =	simm.s32 @p1 $0x7;
	[sflag:s16] =	ssyncadd.s32 @p1 $0xFFFFF880  }
0x138: {  	_ =	swait.ge @p1 [sflag:s7], $0x780  }
0x139: {  	[sflag:s7] =	ssyncset.done @p1 $0x0  }
0x13a: {  	s1 =	sshra.s32 @!p1 s1, $0x2;
	s30 =	simm.s32 @p1 $0x11;
	[sflag:s7] =	ssyncadd.s32 @p1 $0xFFFFF880  }
0x13b: {  	s8 =	simm.s32 @!p1 $0x2710;
	s11 =	smov.u32 s23;
	_ =	swait.ge @p1 [sflag:s30], $0x28  }
0x13c: {  	s0 =	sadd.s32 @!p1 $0x190, s1;
	s6 =	sshrl.u32 @!p1 s31, $0x3;
	[sflag:s30] =	ssyncset.done @p1 $0x0  }
0x13d: {  	s23 =	sadd.s32 @!p1 s23, s6;
	s6 =	simm.s32 @!p1 $0x28;
	[sflag:s30] =	ssyncadd.s32 @p1 $0xFFFFFFD8  }
0x13e: {  	[tilespmem:s8], [sflag:$0x1] =	stream.indirect.gather @!p1 [hbm4b:s4+s6], $0x30, s0, s6, $0xb8;
	[tilespmem:$0xEBA0] =	vst v63  }
0x13f: {  	s7 =	simm.s32 @!p1 $0x0;
	s30 =	simm.s32 @!p1 $0x7210  }
0x140: {  	[tilespmem:s30], [sflag:$0xB] =	stream.linear.gather @!p1 [hbm4b:s23+s7], $0x28, $0x38;
	[tilespmem:$0xEBA0] =	vst v63  }
0x141: {  	s10 =	simm.s32 @!p1 $0x4C90;
	s8 =	simm.s32 @!p1 $0x72D8;
	s0 =	simm.s32 @!p1 $0x15  }
0x142: {  	[spmem:s2] =	stream.indirect.scatter.add.f32 @!p1 [tilespmem:s10], [sflag:$0x15], $0x30, s8, s6, $0xb8;
	[tilespmem:$0xEBA0] =	vst v63  }
0x143: {  	_ =	swait.ge @!p1 [sflag:s0], $0x780  }
0x144: {  	[sflag:s0] =	ssyncset.done @!p1 $0x0  }
0x145: {  	s8 =	simm.s32 @!p1 $0x7;
	[sflag:s0] =	ssyncadd.s32 @!p1 $0xFFFFF880  }
0x146: {  	_ =	swait.ge @!p1 [sflag:s8], $0x780  }
0x147: {  	[sflag:s8] =	ssyncset.done @!p1 $0x0  }
0x148: {  	s10 =	simm.s32 @!p1 $0x11;
	[sflag:s8] =	ssyncadd.s32 @!p1 $0xFFFFF880  }
0x149: {  	_ =	swait.ge @!p1 [sflag:s10], $0x28  }
0x14a: {  	s26 =	sadd.s32 @!p1 $0x1B8, s1;
	[sflag:s10] =	ssyncset.done @!p1 $0x0  }
0x14b: {  	s8 =	simm.s32 @!p1 $0x2E90;
	s23 =	rddreg [dreg:$0x3];
	[sflag:s10] =	ssyncadd.s32 @!p1 $0xFFFFFFD8  }
0x14c: {  	[tilespmem:s8], [sflag:$0x2] =	stream.indirect.gather @!p1 [hbm4b:s4+s6], $0x30, s26, s6, $0xb8;
	[tilespmem:$0xEBA0] =	vst v63  }
0x14d: {  	s10 =	simm.s32 @!p1 $0x7238;
	s8 =	sadd.s32 @!p1 s5, s23  }
0x14e: {  	[tilespmem:s10], [sflag:$0xC] =	stream.linear.gather @!p1 [hbm4b:s8+s7], $0x28, $0x38;
	[tilespmem:$0xEBA0] =	vst v63  }
0x14f: {  	_ = 	snop  }
0x150: {  	[spmem:s2] =	stream.indirect.scatter.add.f32 [tilespmem:s12], [sflag:$0x15], $0x30, s9, s18, $0xb8;
	[tilespmem:$0xEBA0] =	vst v63  }
0x151: {  	_ =	swait.ge [sflag:s17], $0x780  }
0x152: {  	[sflag:s17] =	ssyncset.done $0x0  }
0x153: {  	s12 =	simm.s32 $0x8;
	[sflag:s17] =	ssyncadd.s32 $0xFFFFF880  }
0x154: {  	_ =	swait.ge [sflag:s12], $0x780  }
0x155: {  	[sflag:s12] =	ssyncset.done $0x0  }
0x156: {  	s9 =	simm.s32 $0x12;
	[sflag:s12] =	ssyncadd.s32 $0xFFFFF880  }
0x157: {  	_ =	swait.ge [sflag:s9], $0x28  }
0x158: {  	[sflag:s9] =	ssyncset.done $0x0  }
0x159: {  	s8 =	simm.s32 @p1 $0x7328;
	s10 =	simm.s32 @p1 $0x5B90;
	[sflag:s9] =	ssyncadd.s32 $0xFFFFFFD8  }
0x15a: {  	[spmem:s2] =	stream.indirect.scatter.add.f32 @p1 [tilespmem:s10], [sflag:$0x15], $0x30, s8, s19, $0xb8;
	[tilespmem:$0xEBA0] =	vst v63  }
0x15b: {  	_ =	swait.ge @p1 [sflag:s16], $0x780  }
0x15c: {  	[sflag:s16] =	ssyncset.done @p1 $0x0  }
0x15d: {  	s8 =	simm.s32 @p1 $0x9;
	[sflag:s16] =	ssyncadd.s32 @p1 $0xFFFFF880  }
0x15e: {  	_ =	swait.ge @p1 [sflag:s8], $0x780  }
0x15f: {  	[sflag:s8] =	ssyncset.done @p1 $0x0  }
0x160: {  	s10 =	simm.s32 @p1 $0x13;
	[sflag:s8] =	ssyncadd.s32 @p1 $0xFFFFF880  }
0x161: {  	_ =	swait.ge @p1 [sflag:s10], $0x28  }
0x162: {  	s14 =	sadd.s32 @!p1 $0x1E0, s1;
	[sflag:s10] =	ssyncset.done @p1 $0x0  }
0x163: {  	s8 =	simm.s32 @!p1 $0x3610;
	s16 =	rddreg [dreg:$0x5];
	[sflag:s10] =	ssyncadd.s32 @p1 $0xFFFFFFD8  }
0x164: {  	[tilespmem:s8], [sflag:$0x3] =	stream.indirect.gather @!p1 [hbm4b:s4+s6], $0x30, s14, s6, $0xb8;
	[tilespmem:$0xEBA0] =	vst v63  }
0x165: {  	s10 =	simm.s32 @!p1 $0x7260;
	s8 =	sadd.s32 @!p1 s5, s16  }
0x166: {  	[tilespmem:s10], [sflag:$0xD] =	stream.linear.gather @!p1 [hbm4b:s8+s7], $0x28, $0x38;
	[tilespmem:$0xEBA0] =	vst v63  }
0x167: {  	s14 =	simm.s32 @!p1 $0x7328;
	s16 =	simm.s32 @!p1 $0x5B90  }
0x168: {  	[spmem:s2] =	stream.indirect.scatter.add.f32 @!p1 [tilespmem:s16], [sflag:$0x15], $0x30, s14, s6, $0xb8;
	[tilespmem:$0xEBA0] =	vst v63  }
0x169: {  	_ =	swait.ge @!p1 [sflag:s0], $0x780  }
0x16a: {  	[sflag:s0] =	ssyncset.done @!p1 $0x0  }
0x16b: {  	s8 =	simm.s32 @!p1 $0x9;
	[sflag:s0] =	ssyncadd.s32 @!p1 $0xFFFFF880  }
0x16c: {  	_ =	swait.ge @!p1 [sflag:s8], $0x780  }
0x16d: {  	[sflag:s8] =	ssyncset.done @!p1 $0x0  }
0x16e: {  	s0 =	simm.s32 @!p1 $0x13;
	[sflag:s8] =	ssyncadd.s32 @!p1 $0xFFFFF880  }
0x16f: {  	_ =	swait.ge @!p1 [sflag:s0], $0x28  }
0x170: {  	s13 =	sadd.s32 @!p1 $0x208, s1;
	[sflag:s0] =	ssyncset.done @!p1 $0x0  }
0x171: {  	s8 =	simm.s32 @!p1 $0x3D90;
	s10 =	rddreg [dreg:$0x4];
	[sflag:s0] =	ssyncadd.s32 @!p1 $0xFFFFFFD8  }
0x172: {  	[tilespmem:s8], [sflag:$0x4] =	stream.indirect.gather @!p1 [hbm4b:s4+s6], $0x30, s13, s6, $0xb8;
	[tilespmem:$0xEBA0] =	vst v63  }
0x173: {  	s0 =	simm.s32 @!p1 $0x7288;
	s8 =	sadd.s32 @!p1 s5, s10  }
0x174: {  	[tilespmem:s0], [sflag:$0xE] =	stream.linear.gather @!p1 [hbm4b:s8+s7], $0x28, $0x38;
	[tilespmem:$0xEBA0] =	vst v63  }
0x175: {  	_ = 	snop  }
0x176: {  	[spmem:s2] =	stream.indirect.scatter.add.f32 [tilespmem:s20], [sflag:$0x15], $0x30, s15, s18, $0xb8;
	[tilespmem:$0xEBA0] =	vst v63  }
0x177: {  	_ =	swait.ge [sflag:s17], $0x780  }
0x178: {  	[sflag:s17] =	ssyncset.done $0x0  }
0x179: {  	s15 =	simm.s32 $0xA;
	[sflag:s17] =	ssyncadd.s32 $0xFFFFF880  }
0x17a: {  	_ =	swait.ge [sflag:s15], $0x780  }
0x17b: {  	s29 =	sadd.s32 $0x640, s29;
	[sflag:s15] =	ssyncset.done $0x0  }
0x17c: {  	p0 =	sne.s32 s29, $0x9C40;
	s20 =	simm.s32 $0x14;
	[sflag:s15] =	ssyncadd.s32 $0xFFFFF880  }
0x17d: {  	s1 =	sadd.s32 @!p1 $0x230, s1;
	s31 =	sadd.s32 $0x190, s31;
	_ =	swait.ge [sflag:s20], $0x28  }
0x17e: {  	s30 =	simm.s32 $0x3610;
	s26 =	simm.s32 $0x7238;
	[sflag:s20] =	ssyncset.done $0x0  }
0x17f: {  	s0 =	simm.s32 @!p1 $0x4510;
	s8 =	rddreg [dreg:$0x6];
	[sflag:s20] =	ssyncadd.s32 $0xFFFFFFD8  }
0x180: {  	[tilespmem:s0], [sflag:$0x5] =	stream.indirect.gather @!p1 [hbm4b:s4+s6], $0x30, s1, s6, $0xb8;
	[tilespmem:$0xEBA0] =	vst v63  }
.Ltmp0:
0x181: {  	s10 =	simm.s32 @!p1 $0x72B0;
	s0 =	sadd.s32 @!p1 s5, s8;
	(pc) =	sbr.rel @p0 .LBB2_2-.Ltmp0, $4  }
0x182: {  	[tilespmem:s10], [sflag:$0xF] =	stream.linear.gather @!p1 [hbm4b:s0+s7], $0x28, $0x38;
	[tilespmem:$0xEBA0] =	vst v63  }
0x183: {  	s23 =	smov.u32 s11;
	s11 =	simm.s32 $0x7210;
	s16 =	simm.s32 $0x6A90  }
0x184: {  	[spmem:s2] =	stream.indirect.scatter.add.f32 [tilespmem:s16], [sflag:$0x15], $0x30, s3, s18, $0xb8;
	[tilespmem:$0xEBA0] =	vst v63  }
0x185: {  	s19 =	simm.s32 $0x2E90;
	s10 =	simm.s32 $0x2710;
	_ =	swait.ge [sflag:s17], $0x780  }
0x186: {  	[sflag:s17] =	ssyncset.done $0x0  }
0x187: {  	[sflag:s17] =	ssyncadd.s32 $0xFFFFF880  }
0x188: {  	[bflag:$0x0] =	sbarrier.arrive $0xFFFF  }
0x189: {  	s0 =	rddreg [dreg:$0x18]  }
0x18a: {  	s1 =	rddreg [dreg:$0x1c]  }
0x18b: {  	s5 =	rddreg [dreg:$0x1d]  }
0x18c: {  	[hbm:s0], [sflag:s1] =	dma.local [spmem:s5], $0xF00  }
0x18d: {  	s7 =	simm.s32 $0x7260;
	_ =	swait.ge [sflag:s17], $0xF00  }
0x18e: {  	s8 =	simm.s32 $0x3D90;
	s13 =	simm.s32 $0x7288;
	s6 =	rddreg [dreg:$0x1b]  }
0x18f: {  	s14 =	simm.s32 $0x4510;
	s25 =	rddreg [dreg:$0x19];
	s6 =	sadd.s32 $0x1, s6  }
0x190: {  	s16 =	simm.s32 $0x72B0;
	s9 =	simm.s32 $0x2;
	p0 =	sne.s32 s6, s25  }
.Ltmp1:
0x191: {  	s20 =	simm.s32 $0xC;
	s21 =	simm.s32 $0x5410;
	(pc) =	sbr.rel @p0 .LBB2_1-.Ltmp1, $4  }
0x192: {  	s31 =	simm.s32 $0x7300;
	s24 =	simm.s32 $0x3;
	s28 =	simm.s32 $0x4  }
0x193: {  	s29 =	simm.s32 $0xE;
	s22 =	simm.s32 $0x7350;
	s15 =	simm.s32 $0x7378  }
0x194: {  	s3 =	simm.s32 $0x0;
	s1 =	simm.s32 $0x1;
	[sflag:s17] =	ssyncset.done $0x0  }
0x195: {  	s5 =	simm.s32 $0xB;
	[sflag:s17] =	ssyncadd.s32 $0xFFFFF100;
	s25 =	simm.s32 $0xD  }
0x196: {  	_ =	sfence.sel $0x180000  }
0x197: {  	[bflag:$0x0] =	sbarrier.arrive $0xFFFF  }
0x198: {  	_ =	strace $0x9000004D  }
0x199: {  	s0 =	stileid.u32;
	[bflag:$0x2] =	sbarrier.arrive $0xFFFF  }
0x19a: {  	p0 =	sne.s32 s0, $0x0;
	s0 =	rddreg [dreg:$0x2]  }
0x19b: {  	s0 =	sadd.s32 @!p0 $0x100000, s0  }
0x19c: {  	[sflag:s0] =	ssyncadd.tile.s32 @!p0 $0x1;
	_ =	shalt  }
.Lfunc_end2:
_tile_overlayer_lowered:
.L_overlay_start_2:
0x19d: {  	(tag) =	ssettag $0x2  }
0x19e: {  	s0 =	rddreg [dreg:$0x0];
	s2 =	stileid.u32  }
0x19f: {  	s1 =	rddreg [dreg:$0x1];
	p0 =	sne.s32 s2, $0x0  }
0x1a0: {  	s3 =	rddreg [dreg:$0x2];
	[bflag:$0x3] =	sbarrier.arrive $0xFFFF;
	s2 =	simm.s32 @!p0 $0x1C15  }
0x1a1: {  	[timem:s3], [sflag:s2] =	dma.local @!p0 [hbm:s0], s1  }
0x1a2: {  	s0 =	simm.s32 @!p0 $0x15  }
0x1a3: {  	_ =	swait.ge @!p0 [sflag:s0], s1  }
0x1a4: {  	s1 =	ssub.s32 @!p0 $0x0, s1;
	[sflag:s0] =	ssyncset.done @!p0 $0x0  }
0x1a5: {  	[sflag:s0] =	ssyncadd.s32 @!p0 s1  }
0x1a6: {  	[bflag:$0x3] =	sbarrier.arrive $0xFFFF  }
0x1a7: {  	_ =	shalt  }

// kernel: kernel.9.cloned.1.call-start
scs
__scs_entry_jumppad:
0x0: {  	(pc) =	sbr.rel $0x88, $3  }
0x1: {  	(tag) =	ssettag $0x0;
	lr =	simm.s32 $0x1  }
0x2: {  	[smem:$0x3F94] =	sst lr;
	_ =	strace $0xD0000000  }
0x3: {  	_ = 	snop  }
0x4: {  	_ = 	snop  }
0x5: {  	_ = 	snop  }
0x6: {  	_ = 	snop  }
0x7: {  	_ = 	snop  }
__scs_overlays_trampoline_lowered:
0x8: {  	[smem:$0x3FA3] =	sst s0  }
0x9: {  	[smem:$0x3FA4] =	sst s1  }
0xa: {  	[smem:$0x3FA5] =	sst s2  }
0xb: {  	[smem:$0x3FA6] =	sst s3  }
0xc: {  	[smem:$0x3FA7] =	sst s4  }
0xd: {  	[smem:$0x3FA8] =	sst s5  }
0xe: {  	[smem:$0x3FA9] =	sst s6  }
0xf: {  	[smem:$0x3FAA] =	sst s7  }
0x10: {  	[smem:$0x3FAB] =	sst s8  }
0x11: {  	[smem:$0x3FAC] =	sst s9;
	s0 =	simm.s32 @!p0 $0x0  }
0x12: {  	s1 =	sld [smem:$0x3F92];
	s0 =	simm.s32 @p0 $0x1  }
0x13: {  	[smem:$0x3FAD] =	sst s0;
	s0 =	simm.s32 @!p1 $0x0  }
0x14: {  	s2 =	sld [smem:$0x3F91];
	s0 =	simm.s32 @p1 $0x1  }
0x15: {  	[smem:$0x3FAE] =	sst s0;
	s0 =	simm.s32 @!p2 $0x0  }
0x16: {  	s3 =	sld [smem:$0x3FDB];
	s0 =	simm.s32 @p2 $0x1  }
0x17: {  	s4 =	simm.s32 $0x1BF5;
	[smem:$0x3FB0] =	sst s0  }
0x18: {  	s0 =	sld [smem:$0x3F93];
	_ =	swait.ge [sflag:s4], $0x0  }
0x19: {  	s7 =	sld [smem:$0x3F94]  }
0x1a: {  	s8 =	sadd.s32 $0xFFFFE003, lr  }
0x1b: {  	s9 =	sadd.s32 $0xFFFFFEF7, lr;
	s5 =	simm.s32 $0xFFFFFFFF;
	p2 =	slt.u32 s8, $0xFFFFF086  }
0x1c: {  	p1 =	slt.u32 s9, $0xF7A;
	s5 =	simm.s32 @!p2 $0x0  }
0x1d: {  	s5 =	simm.s32 @p1 $0x1;
	p0 =	seq.s32 s7, s2  }
0x1e: {  	s7 =	smul.u32 @!p0 $0xF7A, s2;
	p2 =	seq.s32 @!p0 s5, $0x0  }
0x1f: {  	s9 =	smul.u32 $0xF7A, s1;
	s8 =	simm.s32 @!p0 $0x1BF5;
	p2 =	por !p2, p0  }
0x20: {  	[sflag:s8] =	ssyncset.s32 @!p0 $0xFFFFF086;
	s6 =	sadd.s32 @!p0 s3, s7;
	s7 =	simm.s32 @!p0 $0x108  }
0x21: {  	s3 =	sadd.s32 s3, s9;
	s6 =	sadd.s32 @!p0 $0x88, s6;
	s7 =	simm.s32 @p2 $0x1082  }
0x22: {  	[simem:s7], [sflag:s8] =	dma.local @!p0 [hbm:s6], $0xF7A  }
0x23: {  	s9 =	sor.u32 $0xD0000000, s2;
	s6 =	simm.s32 $0x108;
	_ =	swait.ge @!p0 [sflag:s8], $0x0  }
0x24: {  	s3 =	sadd.s32 $0x88, s3;
	s6 =	simm.s32 @!p1 $0x1082;
	[sflag:s4] =	ssyncset.s32 $0xFFFFF086  }
0x25: {  	[simem:s6], [sflag:s4] =	dma.local [hbm:s3], $0xF7A  }
0x26: {  	[smem:$0x3F94] =	sst s1;
	(tag) =	ssettag s2;
	_ =	strace s9  }
0x27: {  	s1 =	sld [smem:$0x3FA4]  }
0x28: {  	s2 =	sld [smem:$0x3FA5]  }
0x29: {  	s4 =	sld [smem:$0x3FA7]  }
0x2a: {  	p0 =	seq.s32 s5, $0x0;
	s5 =	sld [smem:$0x3FA8]  }
0x2b: {  	s6 =	sld [smem:$0x3FA9]  }
0x2c: {  	s7 =	sld [smem:$0x3FAA]  }
0x2d: {  	s3 =	simm.s32 $0x108;
	s8 =	sld [smem:$0x3FAB]  }
0x2e: {  	s3 =	simm.s32 @!p0 $0x1082;
	s9 =	sld [smem:$0x3FAC]  }
0x2f: {  	lr =	sadd.s32 s0, s3;
	s0 =	sld [smem:$0x3FA3]  }
0x30: {  	s3 =	sld [smem:$0x3FA6]  }
0x31: {  	[smem:$0x3FAF] =	sst s10  }
0x32: {  	s10 =	sld [smem:$0x3FAD];
	_ =	sdelay $0x3  }
0x33: {  	p0 =	seq.s32 s10, $0x1;
	s10 =	sld [smem:$0x3FAF];
	_ =	sdelay $0x3  }
0x34: {  	[smem:$0x3FAF] =	sst s10  }
0x35: {  	s10 =	sld [smem:$0x3FAE];
	_ =	sdelay $0x3  }
0x36: {  	p1 =	seq.s32 s10, $0x1;
	s10 =	sld [smem:$0x3FAF];
	_ =	sdelay $0x3  }
0x37: {  	[smem:$0x3FAF] =	sst s10  }
0x38: {  	s10 =	sld [smem:$0x3FB0]  }
0x39: {  	_ = 	snop;
	(pc) =	sbr.ind lr, $3  }
0x3a: {  	_ = 	snop  }
0x3b: {  	_ = 	snop  }
0x3c: {  	p2 =	seq.s32 s10, $0x1;
	s10 =	sld [smem:$0x3FAF]  }
0x3d: {  	_ =	shalt  }
0x3e: {  	_ =	shalt  }
0x3f: {  	_ =	shalt  }
0x40: {  	_ =	shalt  }
0x41: {  	_ =	shalt  }
0x42: {  	_ =	shalt  }
0x43: {  	_ =	shalt  }
0x44: {  	_ =	shalt  }
0x45: {  	_ =	shalt  }
0x46: {  	_ =	shalt  }
0x47: {  	_ =	shalt  }
0x48: {  	_ =	shalt  }
0x49: {  	_ =	shalt  }
0x4a: {  	_ =	shalt  }
0x4b: {  	_ =	shalt  }
0x4c: {  	_ =	shalt  }
0x4d: {  	_ =	shalt  }
0x4e: {  	_ =	shalt  }
0x4f: {  	_ =	shalt  }
0x50: {  	_ =	shalt  }
0x51: {  	_ =	shalt  }
0x52: {  	_ =	shalt  }
0x53: {  	_ =	shalt  }
0x54: {  	_ =	shalt  }
0x55: {  	_ =	shalt  }
0x56: {  	_ =	shalt  }
0x57: {  	_ =	shalt  }
0x58: {  	_ =	shalt  }
0x59: {  	_ =	shalt  }
0x5a: {  	_ =	shalt  }
0x5b: {  	_ =	shalt  }
0x5c: {  	_ =	shalt  }
0x5d: {  	_ =	shalt  }
0x5e: {  	_ =	shalt  }
0x5f: {  	_ =	shalt  }
0x60: {  	_ =	shalt  }
0x61: {  	_ =	shalt  }
0x62: {  	_ =	shalt  }
0x63: {  	_ =	shalt  }
0x64: {  	_ =	shalt  }
0x65: {  	_ =	shalt  }
0x66: {  	_ =	shalt  }
0x67: {  	_ =	shalt  }
0x68: {  	_ =	shalt  }
0x69: {  	_ =	shalt  }
0x6a: {  	_ =	shalt  }
0x6b: {  	_ =	shalt  }
0x6c: {  	_ =	shalt  }
0x6d: {  	_ =	shalt  }
0x6e: {  	_ =	shalt  }
0x6f: {  	_ =	shalt  }
0x70: {  	_ =	shalt  }
0x71: {  	_ =	shalt  }
0x72: {  	_ =	shalt  }
0x73: {  	_ =	shalt  }
0x74: {  	_ =	shalt  }
0x75: {  	_ =	shalt  }
0x76: {  	_ =	shalt  }
0x77: {  	_ =	shalt  }
0x78: {  	_ =	shalt  }
0x79: {  	_ =	shalt  }
0x7a: {  	_ =	shalt  }
0x7b: {  	_ =	shalt  }
0x7c: {  	_ =	shalt  }
0x7d: {  	_ =	shalt  }
0x7e: {  	_ =	shalt  }
0x7f: {  	_ =	shalt  }
0x80: {  	_ =	shalt  }
0x81: {  	_ =	shalt  }
0x82: {  	_ =	shalt  }
0x83: {  	_ =	shalt  }
0x84: {  	_ =	shalt  }
0x85: {  	_ =	shalt  }
0x86: {  	_ =	shalt  }
0x87: {  	_ =	shalt  }
.Lfunc_end0:
.L_simem_size_0:
called_computation_lowered:
.L_overlay_start_0:
0x88: {  	s2 =	sld [smem:$0x3FD9]  }
0x89: {  	s3 =	sld [smem:$0x3FFE];
	_ =	sdelay $0x1  }
0x8a: {  	s1 =	srdreg.scid  }
0x8b: {  	s0 =	sand.u32 $0x1, s1  }
0x8c: {  	s16 =	sshll.u32 s0, $0xA;
	s2 =	sadd.s32 s3, s2  }
0x8d: {  	s2 =	sadd.s32 s2, s16  }
0x8e: {  	[smem:$0x3FBB] =	sst s2  }
0x8f: {  	_ = 	snop  }
0x90: {  	(tm) =	ssettm $0x1  }
0x91: {  	s17 =	sld [smem:$0x3FFB];
	_ =	sdelay $0x3  }
0x92: {  	_ =	strace s17  }
0x93: {  	s2 =	sld [smem:$0x3FFC];
	_ =	sdelay $0x3  }
0x94: {  	_ =	strace s2  }
0x95: {  	s2 =	sld [smem:$0x3FFD];
	_ =	sdelay $0x3  }
0x96: {  	_ =	strace s2  }
0x97: {  	_ =	strace $0x8FFFFFFF  }
0x98: {  	s18 =	sld [smem:$0x3FDB];
	_ =	sdelay $0x1  }
0x99: {  	s19 =	simm.s32 $_scs_section_size  }
0x9a: {  	s4 =	simm.s32 $_size__tile_overlayer_lowered;
	s5 =	simm.s32 $_tile_overlayer_lowered  }
0x9b: {  	s22 =	simm.s32 $0x1BFF;
	s21 =	sshll.u32 s5, $0x1;
	s2 =	sadd.s32 s19, s18  }
0x9c: {  	s6 =	simm.s32 $0x0;
	s20 =	sshll.u32 s4, $0x1;
	s4 =	sadd.s32 s21, s2  }
0x9d: {  	[timem:s6], [sflag:s22] =	dma.local [hbm:s4], s20  }
0x9e: {  	_ =	swait.ge [sflag:s22], s20  }
0x9f: {  	s3 =	ssub.s32 $0x0, s20;
	[sflag:s22] =	ssyncset.done $0x0  }
0xa0: {  	[sflag:s22] =	ssyncadd.s32 s3;
	_ =	sdelay $0x1  }
0xa1: {  	s23 =	simm.s32 $0x1B8B  }
0xa2: {  	_ =	swait.ge [sflag:s23], $0x1  }
0xa3: {  	[sflag:s23] =	ssyncset.done $0x0  }
0xa4: {  	s25 =	simm.s32 $0x1B8E;
	s24 =	sld [smem:$0x3FFE];
	[sflag:s23] =	ssyncadd.s32 $0xFFFFFFFF  }
0xa5: {  	s26 =	simm.s32 $execute0_lowered;
	[smem:$0x3FD2] =	sst s25  }
0xa6: {  	s4 =	sshll.u32 s26, $0x1;
	_ =	strace $0x80000046;
	[dreg:$0x1] =	wrdreg $0xFFFFFFFF  }
0xa7: {  	s28 =	simm.s32 $_size_execute0_lowered;
	s2 =	sadd.s32 s2, s4;
	[dreg:$0x0] =	wrdreg $0x0  }
0xa8: {  	s4 =	sshll.u32 s28, $0x1;
	[dreg:$0x2] =	wrdreg s2  }
0xa9: {  	[dreg:$0x3] =	wrdreg s4  }
0xaa: {  	[dreg:$0x4] =	wrdreg $0xC0  }
0xab: {  	_ =	task [dreg:s6], $0x5FFFF  }
0xac: {  	[dreg:$0x1] =	wrdreg $0xFFFFFFFF  }
0xad: {  	[dreg:$0x0] =	wrdreg $0x60  }
0xae: {  	[dreg:$0x2] =	wrdreg s24  }
0xaf: {  	[dreg:$0x3] =	wrdreg $0x5800  }
0xb0: {  	[dreg:$0x4] =	wrdreg $0x8000  }
0xb1: {  	[dreg:$0x5] =	wrdreg $0x9  }
0xb2: {  	_ =	task.clear_ibuf [dreg:s6], $0x6FFFF;
	_ =	strace $0x90000046  }
0xb3: {  	s29 =	simm.s32 $0x9;
	_ =	strace $0x80000048  }
0xb4: {  	_ =	swait.ge [sflag:s29], $0x1  }
0xb5: {  	[sflag:s29] =	ssyncadd.s32 $0xFFFFFFFF  }
0xb6: {  	_ =	strace $0x90000048  }
0xb7: {  	_ =	sfence  }
0xb8: {  	s30 =	sld [smem:$0x0];
	_ =	sdelay $0x2  }
0xb9: {  	s31 =	sshll.u32 s1, $0xD;
	s1 =	sshrl.u32 s1, $0x2  }
0xba: {  	s3 =	sand.u32 $0x4000, s31;
	s1 =	sadd.s32 s1, s30  }
0xbb: {  	s0 =	sor.u32 s3, s0;
	s1 =	sshll.u32 s1, $0x11  }
0xbc: {  	s0 =	sor.u32 s1, s0  }
0xbd: {  	s0 =	sadd.s32 $0x8F2B, s0  }
0xbe: {  	[sflag:s0] =	ssyncadd.remote.s32 $0x1  }
0xbf: {  	_ =	sfence.sel $0xFFFF  }
0xc0: {  	[dreg:$0x0] =	wrdreg $0xFFFFFFFF;
	(pc) =	sbr.abs _section_cstart, $3  }
0xc1: {  	[dreg:$0x1] =	wrdreg $0xFFFFFFFF  }
0xc2: {  	_ =	task.clear_ibuf [dreg:s6], $0x2FFFF;
	_ =	strace $0x9FFFFFFF  }
0xc3: {  	(tm) =	ssettm $0x7FFFFFFF  }
tec
execute0_lowered:
.L_overlay_start_1:
0x0: {  	(tag) =	ssettag $0x1  }
0x1: {  	s0 =	rddreg [dreg:$0x0]  }
0x2: {  	s2 =	rddreg [dreg:$0x1]  }
0x3: {  	s3 =	rddreg [dreg:$0x2];
	s5 =	stileid.u32  }
0x4: {  	s1 =	srdreg.scid;
	s4 =	simm.s32 $0x0;
	s7 =	smul.u32 $0x280, s5  }
0x5: {  	s1 =	sand.u32 $0x1, s1;
	[smem:$0x7FF] =	sst s4;
	s9 =	smul.u32 $0x500, s5  }
0x6: {  	s6 =	sadd.s32 $0xC200, s0;
	s12 =	sadd.s32 $0x2400, s0;
	s23 =	smul.u32 $0x2710, s5  }
0x7: {  	s14 =	sshll.u32 s5, $0x6;
	s8 =	smul.u32 $0x5000, s1;
	_ =	strace $0x80000047  }
0x8: {  	s25 =	sshll.u32 s1, $0x4;
	s14 =	sor.u32 $0x1C0B, s14;
	s10 =	sshrl.u32 s7, $0x3  }
0x9: {  	s13 =	sadd.s32 s7, s2;
	s7 =	sadd.s32 s7, s3;
	[dreg:$0x6] =	wrdreg s14  }
0xa: {  	s10 =	sadd.s32 s10, s0;
	s8 =	sadd.s32 s9, s8;
	[dreg:$0x4] =	wrdreg s13  }
0xb: {  	s9 =	sor.u32 s5, s25;
	[dreg:$0x7] =	wrdreg s7;
	s8 =	sshrl.u32 s8, $0x3  }
0xc: {  	s9 =	smul.u32 $0x2710, s9;
	s10 =	sadd.s32 $0x16000, s10;
	s0 =	sadd.s32 s8, s0  }
0xd: {  	s11 =	ssub.s32 $0x2, s1;
	[dreg:$0x5] =	wrdreg s10;
	s13 =	sadd.s32 $0x16600, s0  }
0xe: {  	s9 =	sshrl.u32 s9, $0x3;
	s0 =	sadd.s32 $0x16610, s0;
	[dreg:$0x12] =	wrdreg s13  }
0xf: {  	s1 =	smul.u32 $0x27100, s1;
	s15 =	sadd.s32 s6, s9;
	[dreg:$0x13] =	wrdreg s0  }
0x10: {  	s16 =	sadd.s32 $0xA, s9;
	s17 =	sadd.s32 s12, s9;
	[dreg:$0x8] =	wrdreg s15  }
0x11: {  	s26 =	sshrl.u32 s11, $0x1;
	[dreg:$0x9] =	wrdreg s17;
	s18 =	sadd.s32 s6, s16  }
0x12: {  	s19 =	sadd.s32 $0x14, s9;
	s7 =	sadd.s32 s12, s16;
	[dreg:$0xa] =	wrdreg s18  }
0x13: {  	s1 =	sadd.s32 s23, s1;
	s20 =	sadd.s32 s6, s19;
	[dreg:$0xb] =	wrdreg s7  }
0x14: {  	s22 =	sadd.s32 $0x1E, s9;
	s21 =	sadd.s32 s12, s19;
	[dreg:$0xc] =	wrdreg s20  }
0x15: {  	s8 =	ssub.s32 s11, s26;
	s24 =	sadd.s32 s6, s22;
	[dreg:$0xd] =	wrdreg s21  }
0x16: {  	s26 =	sadd.s32 $0x28, s9;
	s25 =	sadd.s32 s12, s22;
	[dreg:$0xe] =	wrdreg s24  }
0x17: {  	s10 =	simm.s32 $0x4;
	s9 =	sadd.s32 s6, s26;
	[dreg:$0xf] =	wrdreg s25  }
0x18: {  	s13 =	simm.s32 $0xA;
	s11 =	sadd.s32 s12, s26;
	[dreg:$0x10] =	wrdreg s9  }
0x19: {  	s15 =	sadd.s32 $0x2D0, s1;
	s16 =	smax.u32 s8, $0x1;
	[dreg:$0x11] =	wrdreg s11  }
0x1a: {  	s17 =	sadd.s32 $0x280, s1;
	s8 =	simm.s32 $0x3;
	[dreg:$0x14] =	wrdreg s16  }
0x1b: {  	s0 =	sshrl.u32 s15, $0x3;
	s19 =	sshrl.u32 s17, $0x3;
	s20 =	sadd.s32 $0x230, s1  }
0x1c: {  	s21 =	sadd.s32 $0x1E0, s1;
	s25 =	smov.u32 s12;
	s24 =	smov.u32 s6  }
0x1d: {  	s1 =	sadd.s32 $0x190, s1;
	s7 =	simm.s32 $0xB;
	s9 =	simm.s32 $0x8  }
0x1e: {  	s11 =	simm.s32 $0x9;
	s18 =	sadd.s32 s0, s12;
	s0 =	sadd.s32 s0, s6  }
0x1f: {  	s26 =	sadd.s32 s19, s12;
	s28 =	sadd.s32 s19, s6;
	s22 =	sshrl.u32 s20, $0x3  }
0x20: {  	s23 =	sshrl.u32 s21, $0x3;
	[dreg:$0x17] =	wrdreg s1;
	s19 =	simm.s32 $0x500  }
.Ltmp0:
0x21: {  	s20 =	simm.s32 $0x1;
	[dreg:$0x15] =	wrdreg s18;
	(pc) =	sbr.rel .LBB2_1-.Ltmp0, $4  }
0x22: {  	s21 =	simm.s32 $0x6;
	s1 =	simm.s32 $0x7;
	[dreg:$0x16] =	wrdreg s0  }
0x23: {  	s29 =	sadd.s32 s22, s12;
	s30 =	sadd.s32 s22, s6;
	s31 =	sadd.s32 s23, s12  }
0x24: {  	s0 =	sadd.s32 s23, s6;
	s18 =	simm.s32 $0x280;
	s22 =	simm.s32 $0x50  }
0x25: {  	v0 =	vimm.f32 $1.000000000e+00;
	s23 =	simm.s32 $0x2;
	s12 =	simm.s32 $0x5;
	s6 =	simm.s32 $0x0  }
.LBB2_4:
0x26: {  	[bflag:$0x0] =	sbarrier.arrive $0xFFFF  }
0x27: {  	s14 =	rddreg [dreg:$0x6]  }
0x28: {  	s5 =	rddreg [dreg:$0x12]  }
0x29: {  	s6 =	simm.s32 $0x20;
	s15 =	simm.s32 $0x10;
	s16 =	rddreg [dreg:$0x19]  }
0x2a: {  	[hbm:s5@s6], [sflag:s14] =	dma.strided [spmem:s16@s15], $0x50, s20, $0x10   }
0x2b: {  	_ =	swait.ge [sflag:s7], $0x50  }
0x2c: {  	[sflag:s7] =	ssyncset.done $0x0;
	s16 =	rddreg [dreg:$0x13]  }
0x2d: {  	s17 =	rddreg [dreg:$0x1a];
	[sflag:s7] =	ssyncadd.s32 $0xFFFFFFB0  }
0x2e: {  	[hbm:s16@s6], [sflag:s14] =	dma.strided [spmem:s17@s15], $0x50, s20, $0x10   }
0x2f: {  	_ =	swait.ge [sflag:s7], $0x50  }
0x30: {  	s16 =	rddreg [dreg:$0x18]  }
0x31: {  	s17 =	rddreg [dreg:$0x14];
	s6 =	sadd.s32 $0x1, s16  }
0x32: {  	p0 =	sne.s32 s6, s17  }
.Ltmp1:
0x33: {  	_ = 	snop;
	(pc) =	sbr.rel @!p0 .LBB2_5-.Ltmp1, $3  }
0x34: {  	_ =	sdelay $0x1  }
0x35: {  	[sflag:s7] =	ssyncset.done $0x0  }
0x36: {  	[sflag:s7] =	ssyncadd.s32 $0xFFFFFFB0  }
.LBB2_1:
0x37: {  	[tilespmem:$0x0] =	vst v0  }
0x38: {  	[dreg:$0x18] =	wrdreg s6;
	[tilespmem:$0x10] =	vst v0  }
0x39: {  	[tilespmem:$0x20] =	vst v0;
	s5 =	rddreg [dreg:$0x4]  }
0x3a: {  	[tilespmem:$0x30] =	vst v0;
	s17 =	rddreg [dreg:$0x5];
	s16 =	sshrl.u32 s5, $0x3  }
0x3b: {  	[tilespmem:$0x40] =	vst v0;
	[dreg:$0x19] =	wrdreg s16  }
0x3c: {  	[spmem:s16], [sflag:s14] =	dma.local [hbm:s17], $0x50  }
0x3d: {  	_ =	swait.ge [sflag:s7], $0x50  }
0x3e: {  	s15 =	rddreg [dreg:$0x7]  }
0x3f: {  	[sflag:s7] =	ssyncset.done $0x0;
	s6 =	sshrl.u32 s15, $0x3  }
0x40: {  	[sflag:s7] =	ssyncadd.s32 $0xFFFFFFB0;
	[dreg:$0x1a] =	wrdreg s6  }
0x41: {  	[spmem:s6], [sflag:s14] =	dma.local [hbm:s17], $0x50  }
0x42: {  	_ =	swait.ge [sflag:s7], $0x50  }
0x43: {  	[sflag:s7] =	ssyncset.done $0x0  }
0x44: {  	[sflag:s7] =	ssyncadd.s32 $0xFFFFFFB0  }
0x45: {  	[bflag:$0x0] =	sbarrier.arrive $0xFFFF  }
0x46: {  	s16 =	rddreg [dreg:$0x8]  }
0x47: {  	s17 =	simm.s32 $0x80;
	s14 =	rddreg [dreg:$0x9]  }
0x48: {  	[tilespmem:s17], [sflag:$0x1] =	stream.linear.gather [hbm4b:s16+s4], $0x50, $0x38;
	[tilespmem:$0xA80] =	vst v63  }
0x49: {  	s15 =	simm.s32 $0x300;
	s16 =	rddreg [dreg:$0xa]  }
0x4a: {  	[tilespmem:s15], [sflag:$0x6] =	stream.linear.gather [hbm4b:s14+s4], $0x50, $0x38;
	[tilespmem:$0xA80] =	vst v63  }
0x4b: {  	s17 =	simm.s32 $0x100;
	s14 =	rddreg [dreg:$0xb]  }
0x4c: {  	[tilespmem:s17], [sflag:$0x2] =	stream.linear.gather [hbm4b:s16+s4], $0x50, $0x38;
	[tilespmem:$0xA80] =	vst v63  }
0x4d: {  	s15 =	simm.s32 $0x380;
	s16 =	rddreg [dreg:$0xc]  }
0x4e: {  	[tilespmem:s15], [sflag:$0x7] =	stream.linear.gather [hbm4b:s14+s4], $0x50, $0x38;
	[tilespmem:$0xA80] =	vst v63  }
0x4f: {  	s17 =	simm.s32 $0x180;
	s14 =	rddreg [dreg:$0xd]  }
0x50: {  	[tilespmem:s17], [sflag:$0x3] =	stream.linear.gather [hbm4b:s16+s4], $0x50, $0x38;
	[tilespmem:$0xA80] =	vst v63  }
0x51: {  	s15 =	simm.s32 $0x400;
	s16 =	rddreg [dreg:$0xe]  }
0x52: {  	[tilespmem:s15], [sflag:$0x8] =	stream.linear.gather [hbm4b:s14+s4], $0x50, $0x38;
	[tilespmem:$0xA80] =	vst v63  }
0x53: {  	s17 =	simm.s32 $0x200;
	s14 =	rddreg [dreg:$0xf]  }
0x54: {  	[tilespmem:s17], [sflag:$0x4] =	stream.linear.gather [hbm4b:s16+s4], $0x50, $0x38;
	[tilespmem:$0xA80] =	vst v63  }
0x55: {  	s15 =	simm.s32 $0x480;
	s16 =	rddreg [dreg:$0x10]  }
0x56: {  	[tilespmem:s15], [sflag:$0x9] =	stream.linear.gather [hbm4b:s14+s4], $0x50, $0x38;
	[tilespmem:$0xA80] =	vst v63  }
0x57: {  	s17 =	rddreg [dreg:$0x11]  }
0x58: {  	[tilespmem:s18], [sflag:$0x5] =	stream.linear.gather [hbm4b:s16+s4], $0x50, $0x38;
	[tilespmem:$0xA80] =	vst v63  }
0x59: {  	s14 =	rddreg [dreg:$0x17];
	s15 =	simm.s32 $0x0  }
0x5a: {  	[tilespmem:s19], [sflag:$0xA] =	stream.linear.gather [hbm4b:s17+s4], $0x50, $0x38;
	[tilespmem:$0xA80] =	vst v63  }
.LBB2_2:
0x5b: {  	_ =	swait.ge [sflag:s20], $0x50  }
0x5c: {  	[sflag:s20] =	ssyncset.done $0x0  }
0x5d: {  	[sflag:s20] =	ssyncadd.s32 $0xFFFFFFB0  }
0x5e: {  	_ =	swait.ge [sflag:s21], $0x50  }
0x5f: {  	[sflag:s21] =	ssyncset.done $0x0  }
0x60: {  	s5 =	simm.s32 $0x80;
	[sflag:s21] =	ssyncadd.s32 $0xFFFFFFB0  }
0x61: {  	[spmem:s2] =	stream.indirect.scatter.add.f32 [tilespmem:s4], [sflag:$0xB], $0x1, s5, s22, $0xb8;
	[tilespmem:$0xA80] =	vst v63  }
0x62: {  	_ =	swait.ge [sflag:s7], $0x50  }
0x63: {  	[sflag:s7] =	ssyncset.done $0x0  }
0x64: {  	s17 =	simm.s32 $0x300;
	[sflag:s7] =	ssyncadd.s32 $0xFFFFFFB0  }
0x65: {  	[spmem:s3] =	stream.indirect.scatter.add.f32 [tilespmem:s4], [sflag:$0xB], $0x1, s17, s22, $0xb8;
	[tilespmem:$0xA80] =	vst v63  }
0x66: {  	p0 =	seq.s32 s15, $0x4B0;
	_ =	swait.ge [sflag:s7], $0x50  }
0x67: {  	s16 =	simm.s32 @!p0 $0x0;
	s17 =	sshrl.u32 @!p0 s14, $0x3;
	[sflag:s7] =	ssyncset.done $0x0  }
0x68: {  	s6 =	simm.s32 @!p0 $0x80;
	s5 =	sadd.s32 @!p0 s24, s17;
	[sflag:s7] =	ssyncadd.s32 $0xFFFFFFB0  }
0x69: {  	[tilespmem:s6], [sflag:$0x1] =	stream.linear.gather @!p0 [hbm4b:s5+s16], $0x50, $0x38;
	[tilespmem:$0xA80] =	vst v63  }
0x6a: {  	s5 =	sadd.s32 @!p0 s25, s17;
	s6 =	simm.s32 @!p0 $0x300  }
0x6b: {  	[tilespmem:s6], [sflag:$0x6] =	stream.linear.gather @!p0 [hbm4b:s5+s16], $0x50, $0x38;
	[tilespmem:$0xA80] =	vst v63  }
0x6c: {  	_ =	swait.ge [sflag:s23], $0x50  }
0x6d: {  	[sflag:s23] =	ssyncset.done $0x0  }
0x6e: {  	[sflag:s23] =	ssyncadd.s32 $0xFFFFFFB0  }
0x6f: {  	_ =	swait.ge [sflag:s1], $0x50  }
0x70: {  	[sflag:s1] =	ssyncset.done $0x0  }
0x71: {  	s6 =	simm.s32 $0x100;
	[sflag:s1] =	ssyncadd.s32 $0xFFFFFFB0  }
0x72: {  	[spmem:s2] =	stream.indirect.scatter.add.f32 [tilespmem:s4], [sflag:$0xB], $0x1, s6, s22, $0xb8;
	[tilespmem:$0xA80] =	vst v63  }
0x73: {  	_ =	swait.ge [sflag:s7], $0x50  }
0x74: {  	[sflag:s7] =	ssyncset.done $0x0  }
0x75: {  	s17 =	simm.s32 $0x380;
	[sflag:s7] =	ssyncadd.s32 $0xFFFFFFB0  }
0x76: {  	[spmem:s3] =	stream.indirect.scatter.add.f32 [tilespmem:s4], [sflag:$0xB], $0x1, s17, s22, $0xb8;
	[tilespmem:$0xA80] =	vst v63  }
0x77: {  	_ =	swait.ge [sflag:s7], $0x50  }
0x78: {  	[sflag:s7] =	ssyncset.done $0x0  }
0x79: {  	s5 =	sadd.s32 @!p0 s15, s0;
	s6 =	simm.s32 @!p0 $0x100;
	[sflag:s7] =	ssyncadd.s32 $0xFFFFFFB0  }
0x7a: {  	[tilespmem:s6], [sflag:$0x2] =	stream.linear.gather @!p0 [hbm4b:s5+s16], $0x50, $0x38;
	[tilespmem:$0xA80] =	vst v63  }
0x7b: {  	s5 =	sadd.s32 @!p0 s15, s31;
	s6 =	simm.s32 @!p0 $0x380  }
0x7c: {  	[tilespmem:s6], [sflag:$0x7] =	stream.linear.gather @!p0 [hbm4b:s5+s16], $0x50, $0x38;
	[tilespmem:$0xA80] =	vst v63  }
0x7d: {  	_ =	swait.ge [sflag:s8], $0x50  }
0x7e: {  	[sflag:s8] =	ssyncset.done $0x0  }
0x7f: {  	[sflag:s8] =	ssyncadd.s32 $0xFFFFFFB0  }
0x80: {  	_ =	swait.ge [sflag:s9], $0x50  }
0x81: {  	[sflag:s9] =	ssyncset.done $0x0  }
0x82: {  	s6 =	simm.s32 $0x180;
	[sflag:s9] =	ssyncadd.s32 $0xFFFFFFB0  }
0x83: {  	[spmem:s2] =	stream.indirect.scatter.add.f32 [tilespmem:s4], [sflag:$0xB], $0x1, s6, s22, $0xb8;
	[tilespmem:$0xA80] =	vst v63  }
0x84: {  	_ =	swait.ge [sflag:s7], $0x50  }
0x85: {  	[sflag:s7] =	ssyncset.done $0x0  }
0x86: {  	s17 =	simm.s32 $0x400;
	[sflag:s7] =	ssyncadd.s32 $0xFFFFFFB0  }
0x87: {  	[spmem:s3] =	stream.indirect.scatter.add.f32 [tilespmem:s4], [sflag:$0xB], $0x1, s17, s22, $0xb8;
	[tilespmem:$0xA80] =	vst v63  }
0x88: {  	_ =	swait.ge [sflag:s7], $0x50  }
0x89: {  	[sflag:s7] =	ssyncset.done $0x0  }
0x8a: {  	s5 =	sadd.s32 @!p0 s15, s30;
	s6 =	simm.s32 @!p0 $0x180;
	[sflag:s7] =	ssyncadd.s32 $0xFFFFFFB0  }
0x8b: {  	[tilespmem:s6], [sflag:$0x3] =	stream.linear.gather @!p0 [hbm4b:s5+s16], $0x50, $0x38;
	[tilespmem:$0xA80] =	vst v63  }
0x8c: {  	s5 =	sadd.s32 @!p0 s15, s29;
	s6 =	simm.s32 @!p0 $0x400  }
0x8d: {  	[tilespmem:s6], [sflag:$0x8] =	stream.linear.gather @!p0 [hbm4b:s5+s16], $0x50, $0x38;
	[tilespmem:$0xA80] =	vst v63  }
0x8e: {  	_ =	swait.ge [sflag:s10], $0x50  }
0x8f: {  	[sflag:s10] =	ssyncset.done $0x0  }
0x90: {  	[sflag:s10] =	ssyncadd.s32 $0xFFFFFFB0  }
0x91: {  	_ =	swait.ge [sflag:s11], $0x50  }
0x92: {  	[sflag:s11] =	ssyncset.done $0x0  }
0x93: {  	s6 =	simm.s32 $0x200;
	[sflag:s11] =	ssyncadd.s32 $0xFFFFFFB0  }
0x94: {  	[spmem:s2] =	stream.indirect.scatter.add.f32 [tilespmem:s4], [sflag:$0xB], $0x1, s6, s22, $0xb8;
	[tilespmem:$0xA80] =	vst v63  }
0x95: {  	_ =	swait.ge [sflag:s7], $0x50  }
0x96: {  	[sflag:s7] =	ssyncset.done $0x0  }
0x97: {  	s17 =	simm.s32 $0x480;
	[sflag:s7] =	ssyncadd.s32 $0xFFFFFFB0  }
0x98: {  	[spmem:s3] =	stream.indirect.scatter.add.f32 [tilespmem:s4], [sflag:$0xB], $0x1, s17, s22, $0xb8;
	[tilespmem:$0xA80] =	vst v63  }
0x99: {  	_ =	swait.ge [sflag:s7], $0x50  }
0x9a: {  	[sflag:s7] =	ssyncset.done $0x0  }
0x9b: {  	s5 =	sadd.s32 @!p0 s15, s28;
	s6 =	simm.s32 @!p0 $0x200;
	[sflag:s7] =	ssyncadd.s32 $0xFFFFFFB0  }
0x9c: {  	[tilespmem:s6], [sflag:$0x4] =	stream.linear.gather @!p0 [hbm4b:s5+s16], $0x50, $0x38;
	[tilespmem:$0xA80] =	vst v63  }
0x9d: {  	s5 =	sadd.s32 @!p0 s15, s26;
	s6 =	simm.s32 @!p0 $0x480  }
0x9e: {  	[tilespmem:s6], [sflag:$0x9] =	stream.linear.gather @!p0 [hbm4b:s5+s16], $0x50, $0x38;
	[tilespmem:$0xA80] =	vst v63  }
0x9f: {  	_ =	swait.ge [sflag:s12], $0x50  }
0xa0: {  	[sflag:s12] =	ssyncset.done $0x0  }
0xa1: {  	[sflag:s12] =	ssyncadd.s32 $0xFFFFFFB0  }
0xa2: {  	_ =	swait.ge [sflag:s13], $0x50  }
0xa3: {  	[sflag:s13] =	ssyncset.done $0x0  }
0xa4: {  	[sflag:s13] =	ssyncadd.s32 $0xFFFFFFB0  }
0xa5: {  	[spmem:s2] =	stream.indirect.scatter.add.f32 [tilespmem:s4], [sflag:$0xB], $0x1, s18, s22, $0xb8;
	[tilespmem:$0xA80] =	vst v63  }
0xa6: {  	_ =	swait.ge [sflag:s7], $0x50  }
0xa7: {  	[sflag:s7] =	ssyncset.done $0x0  }
.Ltmp2:
0xa8: {  	[sflag:s7] =	ssyncadd.s32 $0xFFFFFFB0;
	(pc) =	sbr.rel @p0 .LBB2_4-.Ltmp2, $4  }
0xa9: {  	[spmem:s3] =	stream.indirect.scatter.add.f32 [tilespmem:s4], [sflag:$0xB], $0x1, s19, s22, $0xb8;
	[tilespmem:$0xA80] =	vst v63  }
0xaa: {  	_ =	swait.ge [sflag:s7], $0x50  }
0xab: {  	[sflag:s7] =	ssyncset.done $0x0  }
0xac: {  	[sflag:s7] =	ssyncadd.s32 $0xFFFFFFB0  }
.Ltmp3:
0xad: {  	s5 =	rddreg [dreg:$0x16];
	(pc) =	sbr.rel .LBB2_2-.Ltmp3, $4  }
0xae: {  	s17 =	rddreg [dreg:$0x15];
	s5 =	sadd.s32 s15, s5  }
0xaf: {  	[tilespmem:s18], [sflag:$0x5] =	stream.linear.gather [hbm4b:s5+s4], $0x50, $0x38;
	[tilespmem:$0xA80] =	vst v63  }
0xb0: {  	s14 =	sadd.s32 $0x190, s14;
	s5 =	sadd.s32 s15, s17;
	s15 =	sadd.s32 $0x32, s15  }
0xb1: {  	[tilespmem:s19], [sflag:$0xA] =	stream.linear.gather [hbm4b:s5+s4], $0x50, $0x38;
	[tilespmem:$0xA80] =	vst v63  }
.LBB2_5:
0xb2: {  	_ =	sfence.sel $0x180000  }
0xb3: {  	[bflag:$0x0] =	sbarrier.arrive $0xFFFF  }
0xb4: {  	_ =	strace $0x90000047  }
0xb5: {  	s0 =	stileid.u32;
	[bflag:$0x2] =	sbarrier.arrive $0xFFFF  }
0xb6: {  	p0 =	sne.s32 s0, $0x0;
	s0 =	rddreg [dreg:$0x3]  }
0xb7: {  	s0 =	sadd.s32 @!p0 $0x100000, s0  }
0xb8: {  	[sflag:s0] =	ssyncadd.tile.s32 @!p0 $0x1;
	_ =	shalt  }
.Lfunc_end2:
_tile_overlayer_lowered:
.L_overlay_start_2:
0xb9: {  	(tag) =	ssettag $0x2  }
0xba: {  	s0 =	rddreg [dreg:$0x0];
	s2 =	stileid.u32  }
0xbb: {  	s1 =	rddreg [dreg:$0x1];
	p0 =	sne.s32 s2, $0x0  }
0xbc: {  	s3 =	rddreg [dreg:$0x2];
	[bflag:$0x3] =	sbarrier.arrive $0xFFFF;
	s2 =	simm.s32 @!p0 $0x1C0B  }
0xbd: {  	[timem:s3], [sflag:s2] =	dma.local @!p0 [hbm:s0], s1  }
0xbe: {  	s0 =	simm.s32 @!p0 $0xB  }
0xbf: {  	_ =	swait.ge @!p0 [sflag:s0], s1  }
0xc0: {  	s1 =	ssub.s32 @!p0 $0x0, s1;
	[sflag:s0] =	ssyncset.done @!p0 $0x0  }
0xc1: {  	[sflag:s0] =	ssyncadd.s32 @!p0 s1  }
0xc2: {  	[bflag:$0x3] =	sbarrier.arrive $0xFFFF  }
0xc3: {  	_ =	shalt  }

</sc_bundles>
